<compile_context>
chip_gen: v7x
topology: tpu7x:2x2x1
jax: 0.10.2.dev20260603
libtpu: 0.0.44.dev20260713+nightly
codegen_flags: <defaults>
</compile_context>

<pallas_src>
import functools

import jax
import jax.numpy as jnp
from jax import lax
from jax.experimental import pallas as pl
from jax.experimental.pallas import tpu as pltpu
from jax.experimental.pallas import tpu_sc as plsc

NC = 2
NS = 16
CH = 128
NBUF = 2
DGRP = 16
EPT0 = 144
EPT1 = 16
SLAB = 48


def _ceil_to(a, m):
    return (a + m - 1) // m * m




def _prep_body(nrows_x, erows_per_tile, erows_per_core,
               x2d, dst2d, emb, zeros, ones,
               embx_out, deg_out,
               idx_v, idxs, gbuf, o_v, gsem, dsem, deg_sh):
    c = lax.axis_index("c")
    s = lax.axis_index("s")
    wid = s * NC + c
    nw = NC * NS
    npad = deg_sh.shape[0]
    rows_per_tile = npad // NS
    base = s * rows_per_tile

    pltpu.sync_copy(zeros, gbuf)
    for k in range(rows_per_tile // CH):
        pltpu.sync_copy(gbuf, deg_sh.at[pl.ds(base + k * CH, CH)])
    pltpu.sync_copy(ones, o_v)

    def gather_row(row):
        pltpu.sync_copy(x2d.at[row], idx_v)
        pltpu.async_copy(emb.at[idx_v], gbuf, gsem).wait()
        pltpu.sync_copy(gbuf, embx_out.at[pl.ds(row * CH, CH)])

    lo = nrows_x // nw
    rem = nrows_x % nw
    for r in range(lo):
        gather_row(wid * lo + r)
    if rem:
        @pl.when(wid < rem)
        def _():
            gather_row(nw * lo + wid)

    plsc.subcore_barrier()

    erow0 = c * erows_per_core + s * erows_per_tile

    @pl.loop(0, erows_per_tile, step=DGRP)
    def _(i):
        for b in range(DGRP):
            pltpu.sync_copy(dst2d.at[erow0 + i + b], idxs.at[b])
            pltpu.async_copy(o_v, deg_sh.at[idxs.at[b]], dsem, add=True)
        for b in range(DGRP):
            pltpu.make_async_copy(zeros, o_v, dsem).wait()

    plsc.subcore_barrier()
    for k in range(rows_per_tile // CH):
        pltpu.sync_copy(deg_sh.at[pl.ds(base + k * CH, CH)], gbuf)
        pltpu.sync_copy(gbuf, deg_out.at[c, pl.ds(base + k * CH, CH)])


def _edge_body(src2d, dst2d, hv, zeros,
               acc_out,
               sslab, dslab, r0, r1,
               gs0, gs1, ss0, ss1, acc_sh):
    rows = (r0, r1)
    gsems = (gs0, gs1)
    ssems = (ss0, ss1)
    c = lax.axis_index("c")
    s = lax.axis_index("s")
    npad = acc_sh.shape[0]
    rows_per_tile = npad // NS
    base = s * rows_per_tile

    pltpu.sync_copy(zeros, rows[0])
    for k in range(rows_per_tile // CH):
        pltpu.sync_copy(rows[0], acc_sh.at[pl.ds(base + k * CH, CH)])
    plsc.subcore_barrier()

    def ring(erow0, nseg, seg):
        @pl.loop(0, nseg)
        def _(t):
            row0 = erow0 + t * seg
            sdst = sslab if seg == SLAB else sslab.at[pl.ds(0, seg)]
            ddst = dslab if seg == SLAB else dslab.at[pl.ds(0, seg)]
            pltpu.sync_copy(src2d.at[pl.ds(row0, seg)], sdst)
            pltpu.sync_copy(dst2d.at[pl.ds(row0, seg)], ddst)
            for b in range(NBUF):
                pltpu.async_copy(hv.at[sslab.at[b]], rows[b], gsems[b])

            @pl.loop(0, seg, step=NBUF)
            def _(i):
                for b in range(NBUF):
                    j = i + b
                    pltpu.make_async_copy(zeros, rows[b], gsems[b]).wait()
                    pltpu.async_copy(rows[b], acc_sh.at[dslab.at[j]],
                                     ssems[b], add=True)
                    pltpu.make_async_copy(zeros, rows[b], ssems[b]).wait()

                    @pl.when(j + NBUF < seg)
                    def _():
                        pltpu.async_copy(hv.at[sslab.at[j + NBUF]], rows[b],
                                         gsems[b])

    @pl.when(c == 0)
    def _():
        ring(s * EPT0, EPT0 // SLAB, SLAB)

    @pl.when(c == 1)
    def _():
        ring(NS * EPT0 + s * EPT1, 1, EPT1)

    plsc.subcore_barrier()
    for k in range(rows_per_tile // CH):
        pltpu.sync_copy(acc_sh.at[pl.ds(base + k * CH, CH)], rows[k % NBUF])
        pltpu.sync_copy(rows[k % NBUF], acc_out.at[c, pl.ds(base + k * CH, CH)])




def _dinv_from(degp_ref):
    deg = degp_ref[0, :, 0:1] + degp_ref[1, :, 0:1] + 1.0
    return lax.rsqrt(deg)


def _tc1_body(embx_ref, w0_ref, degp_ref, hv0_ref):
    dinv = _dinv_from(degp_ref)
    hw = jnp.dot(embx_ref[...], w0_ref[...], preferred_element_type=jnp.float32)
    hv0_ref[...] = dinv * hw


def _ln_relu(t, g_ref, be_ref):
    mu = jnp.mean(t, axis=-1, keepdims=True)
    ctr = t - mu
    var = jnp.mean(ctr * ctr, axis=-1, keepdims=True)
    return jnp.maximum(ctr * lax.rsqrt(var + 1e-5) * g_ref[...] + be_ref[...], 0.0)


def _tc2_body(acc_ref, hv0_ref, degp_ref, embx_ref, wskip_ref, bskip_ref,
              w1_ref, b0_ref, g0_ref, be0_ref, hv1_ref):
    dinv = _dinv_from(degp_ref)
    t = dinv * (acc_ref[0] + acc_ref[1] + hv0_ref[...]) + b0_ref[...]
    h = _ln_relu(t, g0_ref, be0_ref)
    u = jnp.dot(embx_ref[...], wskip_ref[...],
                preferred_element_type=jnp.float32) + bskip_ref[...] + h
    hv1_ref[...] = dinv * jnp.dot(u, w1_ref[...],
                                  preferred_element_type=jnp.float32)


def _tc3_body(acc_ref, hv1_ref, degp_ref, b1_ref, g1_ref, be1_ref,
              lo_ref, hi_ref, ci_ref, h2_ref, g_ref):
    i = pl.program_id(0)
    rb = hv1_ref.shape[0]
    nb = lo_ref.shape[0]
    dinv = _dinv_from(degp_ref)
    t = dinv * (acc_ref[0] + acc_ref[1] + hv1_ref[...]) + b1_ref[...]
    h2 = _ln_relu(t, g1_ref, be1_ref)
    h2_ref[...] = h2
    gi = (lax.broadcasted_iota(jnp.int32, (nb, rb), 1) + i * rb).astype(jnp.float32)
    seg = jnp.where((gi >= lo_ref[...]) & (gi < hi_ref[...]), 1.0, 0.0)

    @pl.when(i == 0)
    def _():
        g_ref[...] = jnp.zeros_like(g_ref)

    g_ref[...] += jnp.dot(seg, h2, preferred_element_type=jnp.float32)

    @pl.when(i == pl.num_programs(0) - 1)
    def _():
        g_ref[...] = g_ref[...] * ci_ref[...]




def kernel(x, edge_index_x, ptr_x, y, edge_index_y, ptr_y, emb, w_skip,
           b_skip, w0, b0, w1, b1, g0, be0, g1, be1):
    n = x.shape[0]
    e = edge_index_x.shape[1]
    d = emb.shape[1]
    nb = ptr_x.shape[0] - 1
    f32 = jnp.float32

    npad = _ceil_to(n, NS * CH)
    nrows_x = npad // CH
    erows = NS * (EPT0 + EPT1)
    erows_per_tile = erows // (NC * NS)
    erows_per_core = erows // NC
    epad = erows * CH
    assert epad >= e and EPT0 % SLAB == 0 and EPT1 % NBUF == 0

    x_pad = jnp.concatenate(
        [x.astype(jnp.int32), jnp.zeros((npad - n,), jnp.int32)]).reshape(nrows_x, CH)
    src = edge_index_x[0].astype(jnp.int32)
    dst = edge_index_x[1].astype(jnp.int32)
    src2d = jnp.concatenate(
        [src, jnp.zeros((epad - e,), jnp.int32)]).reshape(erows, CH)
    dst2d = jnp.concatenate(
        [dst, jnp.full((epad - e,), n, jnp.int32)]).reshape(erows, CH)
    zeros = jnp.zeros((CH, d), f32)
    ones = jnp.ones((CH, d), f32)

    mesh = plsc.VectorSubcoreMesh(core_axis_name="c", subcore_axis_name="s")

    prep = pl.kernel(
        functools.partial(_prep_body, nrows_x, erows_per_tile, erows_per_core),
        out_type=(
            jax.ShapeDtypeStruct((npad, d), f32),
            jax.ShapeDtypeStruct((NC, npad, d), f32),
        ),
        mesh=mesh,
        scratch_types=[
            pltpu.VMEM((CH,), jnp.int32),
            pltpu.VMEM((DGRP, CH), jnp.int32),
            pltpu.VMEM((CH, d), f32),
            pltpu.VMEM((CH, d), f32),
            pltpu.SemaphoreType.DMA,
            pltpu.SemaphoreType.DMA,
            pltpu.VMEM_SHARED((npad, d), f32),
        ],
    )

    edge_pass = pl.kernel(
        _edge_body,
        out_type=jax.ShapeDtypeStruct((NC, npad, d), f32),
        mesh=mesh,
        scratch_types=(
            [pltpu.VMEM((SLAB, CH), jnp.int32)] * 2
            + [pltpu.VMEM((CH, d), f32)] * NBUF
            + [pltpu.SemaphoreType.DMA] * (2 * NBUF)
            + [pltpu.VMEM_SHARED((npad, d), f32)]
        ),
    )

    embx, degp = prep(x_pad, dst2d, emb, zeros, ones)

    rb = 1024
    grid = npad // rb
    row_spec = pl.BlockSpec((rb, d), lambda i: (i, 0))
    acc_spec = pl.BlockSpec((NC, rb, d), lambda i: (0, i, 0))
    mat_spec = pl.BlockSpec((d, d), lambda i: (0, 0))
    vec_spec = pl.BlockSpec((1, d), lambda i: (0, 0))

    hv0 = pl.pallas_call(
        _tc1_body,
        grid=(grid,),
        in_specs=[row_spec, mat_spec, acc_spec],
        out_specs=row_spec,
        out_shape=jax.ShapeDtypeStruct((npad, d), f32),
    )(embx, w0, degp)

    acc0 = edge_pass(src2d, dst2d, hv0, zeros)

    b0r = b0.reshape(1, d)
    g0r = g0.reshape(1, d)
    be0r = be0.reshape(1, d)
    bskipr = b_skip.reshape(1, d)
    hv1 = pl.pallas_call(
        _tc2_body,
        grid=(grid,),
        in_specs=[acc_spec, row_spec, acc_spec, row_spec, mat_spec, vec_spec,
                  mat_spec, vec_spec, vec_spec, vec_spec],
        out_specs=row_spec,
        out_shape=jax.ShapeDtypeStruct((npad, d), f32),
    )(acc0, hv0, degp, embx, w_skip, bskipr, w1, b0r, g0r, be0r)

    acc1 = edge_pass(src2d, dst2d, hv1, zeros)

    lo = ptr_x[:-1].astype(f32).reshape(nb, 1)
    hi = ptr_x[1:].astype(f32).reshape(nb, 1)
    ci = 1.0 / jnp.maximum(hi - lo, 1.0)
    b1r = b1.reshape(1, d)
    g1r = g1.reshape(1, d)
    be1r = be1.reshape(1, d)
    seg_spec = pl.BlockSpec((nb, 1), lambda i: (0, 0))
    h2_pad, g_x = pl.pallas_call(
        _tc3_body,
        grid=(grid,),
        in_specs=[acc_spec, row_spec, acc_spec, vec_spec, vec_spec, vec_spec,
                  seg_spec, seg_spec, seg_spec],
        out_specs=[row_spec, pl.BlockSpec((nb, d), lambda i: (0, 0))],
        out_shape=[jax.ShapeDtypeStruct((npad, d), f32),
                   jax.ShapeDtypeStruct((nb, d), f32)],
    )(acc1, hv1, degp, b1r, g1r, be1r, lo, hi, ci)

    return (h2_pad[:n], g_x)

# --- scband reference (transcript-rebuilt; emitter-appended) ---
"""Pipeline reference for scband-pair-wise-learning-barlow-twins-65532611002848 (READ-ONLY COPY).

The authoritative reference and input builder live on the scoring server;
editing this copy changes nothing except your own understanding.
"""

import jax, jax.numpy as jnp
import numpy as np

N = 10000
E = 320000
D = 128
V = 10000
B = 64


def setup_inputs(seed: int = 0) -> dict:
    key = jax.random.key(seed)
    ks = jax.random.split(key, 16)
    x = jax.random.randint(ks[0], (N,), 0, V)
    edge_index_x = jax.random.randint(ks[1], (2, E), 0, N)
    inner_x = jnp.sort(jax.random.randint(ks[2], (B - 1,), 1, N))
    ptr_x = jnp.concatenate([jnp.array([0], dtype=inner_x.dtype), inner_x, jnp.array([N], dtype=inner_x.dtype)])
    y = jax.random.randint(ks[3], (N,), 0, V)
    edge_index_y = jax.random.randint(ks[4], (2, E), 0, N)
    inner_y = jnp.sort(jax.random.randint(ks[5], (B - 1,), 1, N))
    ptr_y = jnp.concatenate([jnp.array([0], dtype=inner_y.dtype), inner_y, jnp.array([N], dtype=inner_y.dtype)])
    s = 1.0 / np.sqrt(D)
    emb = jax.random.normal(ks[6], (V, D), jnp.float32)
    w_skip = jax.random.normal(ks[7], (D, D), jnp.float32) * s
    b_skip = jnp.zeros((D,), jnp.float32)
    w0 = jax.random.normal(ks[8], (D, D), jnp.float32) * s
    b0 = jnp.zeros((D,), jnp.float32)
    w1 = jax.random.normal(ks[9], (D, D), jnp.float32) * s
    b1 = jnp.zeros((D,), jnp.float32)
    g0 = jnp.ones((D,), jnp.float32)
    be0 = jnp.zeros((D,), jnp.float32)
    g1 = jnp.ones((D,), jnp.float32)
    be1 = jnp.zeros((D,), jnp.float32)
    return {"x": x, "edge_index_x": edge_index_x, "ptr_x": ptr_x, "y": y, "edge_index_y": edge_index_y, "ptr_y": ptr_y,
            "emb": emb, "w_skip": w_skip, "b_skip": b_skip, "w0": w0, "b0": b0, "w1": w1, "b1": b1,
            "g0": g0, "be0": be0, "g1": g1, "be1": be1}


def _gcn_conv(h, edge_index, W, b):
    n = h.shape[0]
    loop = jnp.arange(n, dtype=edge_index.dtype)
    src = jnp.concatenate([edge_index[0], loop])
    dst = jnp.concatenate([edge_index[1], loop])
    deg = jnp.zeros((n,), h.dtype).at[dst].add(1.0)
    dinv = jax.lax.rsqrt(jnp.maximum(deg, 1e-12))
    norm = dinv[src] * dinv[dst]
    hw = h @ W
    msg = hw[src] * norm[:, None]
    out = jnp.zeros((n, W.shape[1]), h.dtype).at[dst].add(msg)
    return out + b


def _layernorm(h, g, b):
    mu = jnp.mean(h, axis=-1, keepdims=True)
    var = jnp.var(h, axis=-1, keepdims=True)
    return (h - mu) / jnp.sqrt(var + 1e-5) * g + b


def _avg_pool(h, ptr):
    n = h.shape[0]
    nb = ptr.shape[0] - 1
    seg = jnp.searchsorted(ptr, jnp.arange(n), side='right') - 1
    seg = jnp.clip(seg, 0, nb - 1)
    sums = jax.ops.segment_sum(h, seg, num_segments=nb)
    cnts = jax.ops.segment_sum(jnp.ones((n,), h.dtype), seg, num_segments=nb)
    return sums / jnp.maximum(cnts, 1.0)[:, None]


def reference(x, edge_index_x, ptr_x, y, edge_index_y, ptr_y, emb, w_skip, b_skip, w0, b0, w1, b1, g0, be0, g1, be1):
    # forward(): only the x-branch is used; dropout p=0 (identity in eval)
    emb_x = emb[x]
    h = jax.nn.relu(_layernorm(_gcn_conv(emb_x, edge_index_x, w0, b0), g0, be0))
    h_skip = emb_x @ w_skip + b_skip
    u = h_skip + h
    h2 = jax.nn.relu(_layernorm(_gcn_conv(u, edge_index_x, w1, b1), g1, be1))
    g_x = _avg_pool(h2, ptr_x)
    return (h2, g_x)

if __name__ == "__main__":
    import jax
    _d = setup_inputs()
    print(jax.jit(kernel)(*tuple(_d.values())))

</pallas_src>

<mosaic_0001>
#map = affine_map<(d0, d1) -> (0, 0)>
#map1 = affine_map<(d0, d1) -> (0, 0, 0)>
module attributes {stable_mosaic.version = 14 : i64} {
  func.func @_edge_body(%arg0: i32, %arg1: i32, %arg2: memref<2560x128xi32, #tpu.memory_space<hbm>>, %arg3: memref<2560x128xi32, #tpu.memory_space<hbm>>, %arg4: memref<10240x128xf32, #tpu.memory_space<hbm>>, %arg5: memref<128x128xf32, #tpu.memory_space<hbm>>, %arg6: memref<2x10240x128xf32, #tpu.memory_space<hbm>>, %arg7: memref<48x128xi32, #tpu.memory_space<vmem>>, %arg8: memref<48x128xi32, #tpu.memory_space<vmem>>, %arg9: memref<128x128xf32, #tpu.memory_space<vmem>>, %arg10: memref<128x128xf32, #tpu.memory_space<vmem>>, %arg11: memref<!tpu.dma_semaphore, #tpu.memory_space<semaphore_mem>>, %arg12: memref<!tpu.dma_semaphore, #tpu.memory_space<semaphore_mem>>, %arg13: memref<!tpu.dma_semaphore, #tpu.memory_space<semaphore_mem>>, %arg14: memref<!tpu.dma_semaphore, #tpu.memory_space<semaphore_mem>>, %arg15: memref<10240x128xf32, #tpu.memory_space<vmem_shared>>) attributes {dimension_semantics = [#tpu.dimension_semantics<core_parallel>, #tpu.dimension_semantics<subcore_parallel>], iteration_bounds = array<i64: 2, 16>, scalar_prefetch = 0 : i64, scratch_operands = 9 : i64, tpu.core_type = #tpu.core_type<sc_vector_subcore>, window_params = [{transform_indices = #map}, {transform_indices = #map}, {transform_indices = #map}, {transform_indices = #map}, {transform_indices = #map1}]} {
    %mul3A = arith.constant 640 : i32
    %mul3A_0 = arith.muli %arg1, %mul3A : i32
    "tpu.region"() ({
      %run_scoped3A = tpu.sem_alloc : memref<!tpu.dma_semaphore, #tpu.memory_space<semaphore_mem>>
      tpu.enqueue_dma source(%arg5 : memref<128x128xf32, #tpu.memory_space<hbm>>) target(%arg9 : memref<128x128xf32, #tpu.memory_space<vmem>>) target_semaphore(%run_scoped3A : memref<!tpu.dma_semaphore, #tpu.memory_space<semaphore_mem>>)
      tpu.wait_dma2 semaphore(%run_scoped3A : memref<!tpu.dma_semaphore, #tpu.memory_space<semaphore_mem>>) src(%arg5 : memref<128x128xf32, #tpu.memory_space<hbm>>) dst(%arg9 : memref<128x128xf32, #tpu.memory_space<vmem>>)
      tpu.yield
    }) : () -> ()
    %add3A = arith.constant 0 : i32
    %add3A_1 = arith.addi %mul3A_0, %add3A : i32
    "tpu.region"() ({
      %run_scoped3A = tpu.sem_alloc : memref<!tpu.dma_semaphore, #tpu.memory_space<semaphore_mem>>
      %dma_start3A = arith.constant 0 : i32
      %dma_start3A_38 = tpu.memref_slice %arg15[%add3A_1, %dma_start3A] : memref<10240x128xf32, #tpu.memory_space<vmem_shared>> -> memref<128x128xf32, #tpu.memory_space<vmem_shared>>
      %dma_start3A_39 = arith.constant 0 : i32
      %dma_start3A_40 = tpu.memref_slice %arg15[%add3A_1, %dma_start3A_39] : memref<10240x128xf32, #tpu.memory_space<vmem_shared>> -> memref<128x128xf32, #tpu.memory_space<vmem_shared>>
      tpu.enqueue_dma source(%arg9 : memref<128x128xf32, #tpu.memory_space<vmem>>) target(%dma_start3A_40 : memref<128x128xf32, #tpu.memory_space<vmem_shared>>) target_semaphore(%run_scoped3A : memref<!tpu.dma_semaphore, #tpu.memory_space<semaphore_mem>>)
      %dma_wait3A = arith.constant 0 : i32
      %dma_wait3A_41 = tpu.memref_slice %arg15[%add3A_1, %dma_wait3A] : memref<10240x128xf32, #tpu.memory_space<vmem_shared>> -> memref<128x128xf32, #tpu.memory_space<vmem_shared>>
      %dma_wait3A_42 = arith.constant 0 : i32
      %dma_wait3A_43 = tpu.memref_slice %arg15[%add3A_1, %dma_wait3A_42] : memref<10240x128xf32, #tpu.memory_space<vmem_shared>> -> memref<128x128xf32, #tpu.memory_space<vmem_shared>>
      tpu.wait_dma2 semaphore(%run_scoped3A : memref<!tpu.dma_semaphore, #tpu.memory_space<semaphore_mem>>) src(%arg9 : memref<128x128xf32, #tpu.memory_space<vmem>>) dst(%dma_wait3A_43 : memref<128x128xf32, #tpu.memory_space<vmem_shared>>)
      tpu.yield
    }) : () -> ()
    %add3A_2 = arith.constant 128 : i32
    %add3A_3 = arith.addi %mul3A_0, %add3A_2 : i32
    "tpu.region"() ({
      %run_scoped3A = tpu.sem_alloc : memref<!tpu.dma_semaphore, #tpu.memory_space<semaphore_mem>>
      %dma_start3A = arith.constant 0 : i32
      %dma_start3A_38 = tpu.memref_slice %arg15[%add3A_3, %dma_start3A] : memref<10240x128xf32, #tpu.memory_space<vmem_shared>> -> memref<128x128xf32, #tpu.memory_space<vmem_shared>>
      %dma_start3A_39 = arith.constant 0 : i32
      %dma_start3A_40 = tpu.memref_slice %arg15[%add3A_3, %dma_start3A_39] : memref<10240x128xf32, #tpu.memory_space<vmem_shared>> -> memref<128x128xf32, #tpu.memory_space<vmem_shared>>
      tpu.enqueue_dma source(%arg9 : memref<128x128xf32, #tpu.memory_space<vmem>>) target(%dma_start3A_40 : memref<128x128xf32, #tpu.memory_space<vmem_shared>>) target_semaphore(%run_scoped3A : memref<!tpu.dma_semaphore, #tpu.memory_space<semaphore_mem>>)
      %dma_wait3A = arith.constant 0 : i32
      %dma_wait3A_41 = tpu.memref_slice %arg15[%add3A_3, %dma_wait3A] : memref<10240x128xf32, #tpu.memory_space<vmem_shared>> -> memref<128x128xf32, #tpu.memory_space<vmem_shared>>
      %dma_wait3A_42 = arith.constant 0 : i32
      %dma_wait3A_43 = tpu.memref_slice %arg15[%add3A_3, %dma_wait3A_42] : memref<10240x128xf32, #tpu.memory_space<vmem_shared>> -> memref<128x128xf32, #tpu.memory_space<vmem_shared>>
      tpu.wait_dma2 semaphore(%run_scoped3A : memref<!tpu.dma_semaphore, #tpu.memory_space<semaphore_mem>>) src(%arg9 : memref<128x128xf32, #tpu.memory_space<vmem>>) dst(%dma_wait3A_43 : memref<128x128xf32, #tpu.memory_space<vmem_shared>>)
      tpu.yield
    }) : () -> ()
    %add3A_4 = arith.constant 256 : i32
    %add3A_5 = arith.addi %mul3A_0, %add3A_4 : i32
    "tpu.region"() ({
      %run_scoped3A = tpu.sem_alloc : memref<!tpu.dma_semaphore, #tpu.memory_space<semaphore_mem>>
      %dma_start3A = arith.constant 0 : i32
      %dma_start3A_38 = tpu.memref_slice %arg15[%add3A_5, %dma_start3A] : memref<10240x128xf32, #tpu.memory_space<vmem_shared>> -> memref<128x128xf32, #tpu.memory_space<vmem_shared>>
      %dma_start3A_39 = arith.constant 0 : i32
      %dma_start3A_40 = tpu.memref_slice %arg15[%add3A_5, %dma_start3A_39] : memref<10240x128xf32, #tpu.memory_space<vmem_shared>> -> memref<128x128xf32, #tpu.memory_space<vmem_shared>>
      tpu.enqueue_dma source(%arg9 : memref<128x128xf32, #tpu.memory_space<vmem>>) target(%dma_start3A_40 : memref<128x128xf32, #tpu.memory_space<vmem_shared>>) target_semaphore(%run_scoped3A : memref<!tpu.dma_semaphore, #tpu.memory_space<semaphore_mem>>)
      %dma_wait3A = arith.constant 0 : i32
      %dma_wait3A_41 = tpu.memref_slice %arg15[%add3A_5, %dma_wait3A] : memref<10240x128xf32, #tpu.memory_space<vmem_shared>> -> memref<128x128xf32, #tpu.memory_space<vmem_shared>>
      %dma_wait3A_42 = arith.constant 0 : i32
      %dma_wait3A_43 = tpu.memref_slice %arg15[%add3A_5, %dma_wait3A_42] : memref<10240x128xf32, #tpu.memory_space<vmem_shared>> -> memref<128x128xf32, #tpu.memory_space<vmem_shared>>
      tpu.wait_dma2 semaphore(%run_scoped3A : memref<!tpu.dma_semaphore, #tpu.memory_space<semaphore_mem>>) src(%arg9 : memref<128x128xf32, #tpu.memory_space<vmem>>) dst(%dma_wait3A_43 : memref<128x128xf32, #tpu.memory_space<vmem_shared>>)
      tpu.yield
    }) : () -> ()
    %add3A_6 = arith.constant 384 : i32
    %add3A_7 = arith.addi %mul3A_0, %add3A_6 : i32
    "tpu.region"() ({
      %run_scoped3A = tpu.sem_alloc : memref<!tpu.dma_semaphore, #tpu.memory_space<semaphore_mem>>
      %dma_start3A = arith.constant 0 : i32
      %dma_start3A_38 = tpu.memref_slice %arg15[%add3A_7, %dma_start3A] : memref<10240x128xf32, #tpu.memory_space<vmem_shared>> -> memref<128x128xf32, #tpu.memory_space<vmem_shared>>
      %dma_start3A_39 = arith.constant 0 : i32
      %dma_start3A_40 = tpu.memref_slice %arg15[%add3A_7, %dma_start3A_39] : memref<10240x128xf32, #tpu.memory_space<vmem_shared>> -> memref<128x128xf32, #tpu.memory_space<vmem_shared>>
      tpu.enqueue_dma source(%arg9 : memref<128x128xf32, #tpu.memory_space<vmem>>) target(%dma_start3A_40 : memref<128x128xf32, #tpu.memory_space<vmem_shared>>) target_semaphore(%run_scoped3A : memref<!tpu.dma_semaphore, #tpu.memory_space<semaphore_mem>>)
      %dma_wait3A = arith.constant 0 : i32
      %dma_wait3A_41 = tpu.memref_slice %arg15[%add3A_7, %dma_wait3A] : memref<10240x128xf32, #tpu.memory_space<vmem_shared>> -> memref<128x128xf32, #tpu.memory_space<vmem_shared>>
      %dma_wait3A_42 = arith.constant 0 : i32
      %dma_wait3A_43 = tpu.memref_slice %arg15[%add3A_7, %dma_wait3A_42] : memref<10240x128xf32, #tpu.memory_space<vmem_shared>> -> memref<128x128xf32, #tpu.memory_space<vmem_shared>>
      tpu.wait_dma2 semaphore(%run_scoped3A : memref<!tpu.dma_semaphore, #tpu.memory_space<semaphore_mem>>) src(%arg9 : memref<128x128xf32, #tpu.memory_space<vmem>>) dst(%dma_wait3A_43 : memref<128x128xf32, #tpu.memory_space<vmem_shared>>)
      tpu.yield
    }) : () -> ()
    %add3A_8 = arith.constant 512 : i32
    %add3A_9 = arith.addi %mul3A_0, %add3A_8 : i32
    "tpu.region"() ({
      %run_scoped3A = tpu.sem_alloc : memref<!tpu.dma_semaphore, #tpu.memory_space<semaphore_mem>>
      %dma_start3A = arith.constant 0 : i32
      %dma_start3A_38 = tpu.memref_slice %arg15[%add3A_9, %dma_start3A] : memref<10240x128xf32, #tpu.memory_space<vmem_shared>> -> memref<128x128xf32, #tpu.memory_space<vmem_shared>>
      %dma_start3A_39 = arith.constant 0 : i32
      %dma_start3A_40 = tpu.memref_slice %arg15[%add3A_9, %dma_start3A_39] : memref<10240x128xf32, #tpu.memory_space<vmem_shared>> -> memref<128x128xf32, #tpu.memory_space<vmem_shared>>
      tpu.enqueue_dma source(%arg9 : memref<128x128xf32, #tpu.memory_space<vmem>>) target(%dma_start3A_40 : memref<128x128xf32, #tpu.memory_space<vmem_shared>>) target_semaphore(%run_scoped3A : memref<!tpu.dma_semaphore, #tpu.memory_space<semaphore_mem>>)
      %dma_wait3A = arith.constant 0 : i32
      %dma_wait3A_41 = tpu.memref_slice %arg15[%add3A_9, %dma_wait3A] : memref<10240x128xf32, #tpu.memory_space<vmem_shared>> -> memref<128x128xf32, #tpu.memory_space<vmem_shared>>
      %dma_wait3A_42 = arith.constant 0 : i32
      %dma_wait3A_43 = tpu.memref_slice %arg15[%add3A_9, %dma_wait3A_42] : memref<10240x128xf32, #tpu.memory_space<vmem_shared>> -> memref<128x128xf32, #tpu.memory_space<vmem_shared>>
      tpu.wait_dma2 semaphore(%run_scoped3A : memref<!tpu.dma_semaphore, #tpu.memory_space<semaphore_mem>>) src(%arg9 : memref<128x128xf32, #tpu.memory_space<vmem>>) dst(%dma_wait3A_43 : memref<128x128xf32, #tpu.memory_space<vmem_shared>>)
      tpu.yield
    }) : () -> ()
    %barrier3A = arith.constant 0 : index
    tpu.barrier barrier_id(%barrier3A)
    %eq3A = arith.constant 0 : i32
    %eq3A_10 = arith.cmpi eq, %arg0, %eq3A : i32
    %convert_element_type3A = arith.extui %eq3A_10 : i1 to i32
    %cond3A = arith.constant 0 : i32
    %cond3A_11 = arith.cmpi ne, %convert_element_type3A, %cond3A : i32
    scf.if %cond3A_11 {
      %mul3A_38 = arith.constant 144 : i32
      %mul3A_39 = arith.muli %arg1, %mul3A_38 : i32
      %scan3A = arith.constant 0 : i32
      %scan3A_40 = arith.constant 3 : i32
      %scan3A_41 = arith.addi %scan3A, %scan3A_40 : i32
      %scan3A_42 = arith.constant 1 : i32
      scf.for %scan3A_44 = %scan3A to %scan3A_41 step %scan3A_42  : i32 {
        %mul3A_45 = arith.constant 1 : i32
        %mul3A_46 = arith.muli %scan3A_44, %mul3A_45 : i32
        %add3A_47 = arith.constant 0 : i32
        %add3A_48 = arith.addi %add3A_47, %mul3A_46 : i32
        %mul3A_49 = arith.constant 48 : i32
        %mul3A_50 = arith.muli %add3A_48, %mul3A_49 : i32
        %add3A_51 = arith.addi %mul3A_39, %mul3A_50 : i32
        "tpu.region"() ({
          %run_scoped3A = tpu.sem_alloc : memref<!tpu.dma_semaphore, #tpu.memory_space<semaphore_mem>>
          %dma_start3A_70 = arith.constant 0 : i32
          %dma_start3A_71 = tpu.memref_slice %arg2[%add3A_51, %dma_start3A_70] : memref<2560x128xi32, #tpu.memory_space<hbm>> -> memref<48x128xi32, #tpu.memory_space<hbm>>
          %dma_start3A_72 = arith.constant 0 : i32
          %dma_start3A_73 = tpu.memref_slice %arg2[%add3A_51, %dma_start3A_72] : memref<2560x128xi32, #tpu.memory_space<hbm>> -> memref<48x128xi32, #tpu.memory_space<hbm>>
          tpu.enqueue_dma source(%dma_start3A_73 : memref<48x128xi32, #tpu.memory_space<hbm>>) target(%arg7 : memref<48x128xi32, #tpu.memory_space<vmem>>) target_semaphore(%run_scoped3A : memref<!tpu.dma_semaphore, #tpu.memory_space<semaphore_mem>>)
          %dma_wait3A = arith.constant 0 : i32
          %dma_wait3A_74 = tpu.memref_slice %arg2[%add3A_51, %dma_wait3A] : memref<2560x128xi32, #tpu.memory_space<hbm>> -> memref<48x128xi32, #tpu.memory_space<hbm>>
          %dma_wait3A_75 = arith.constant 0 : i32
          %dma_wait3A_76 = tpu.memref_slice %arg2[%add3A_51, %dma_wait3A_75] : memref<2560x128xi32, #tpu.memory_space<hbm>> -> memref<48x128xi32, #tpu.memory_space<hbm>>
          tpu.wait_dma2 semaphore(%run_scoped3A : memref<!tpu.dma_semaphore, #tpu.memory_space<semaphore_mem>>) src(%dma_wait3A_76 : memref<48x128xi32, #tpu.memory_space<hbm>>) dst(%arg7 : memref<48x128xi32, #tpu.memory_space<vmem>>)
          tpu.yield
        }) : () -> ()
        "tpu.region"() ({
          %run_scoped3A = tpu.sem_alloc : memref<!tpu.dma_semaphore, #tpu.memory_space<semaphore_mem>>
          %dma_start3A_70 = arith.constant 0 : i32
          %dma_start3A_71 = tpu.memref_slice %arg3[%add3A_51, %dma_start3A_70] : memref<2560x128xi32, #tpu.memory_space<hbm>> -> memref<48x128xi32, #tpu.memory_space<hbm>>
          %dma_start3A_72 = arith.constant 0 : i32
          %dma_start3A_73 = tpu.memref_slice %arg3[%add3A_51, %dma_start3A_72] : memref<2560x128xi32, #tpu.memory_space<hbm>> -> memref<48x128xi32, #tpu.memory_space<hbm>>
          tpu.enqueue_dma source(%dma_start3A_73 : memref<48x128xi32, #tpu.memory_space<hbm>>) target(%arg8 : memref<48x128xi32, #tpu.memory_space<vmem>>) target_semaphore(%run_scoped3A : memref<!tpu.dma_semaphore, #tpu.memory_space<semaphore_mem>>)
          %dma_wait3A = arith.constant 0 : i32
          %dma_wait3A_74 = tpu.memref_slice %arg3[%add3A_51, %dma_wait3A] : memref<2560x128xi32, #tpu.memory_space<hbm>> -> memref<48x128xi32, #tpu.memory_space<hbm>>
          %dma_wait3A_75 = arith.constant 0 : i32
          %dma_wait3A_76 = tpu.memref_slice %arg3[%add3A_51, %dma_wait3A_75] : memref<2560x128xi32, #tpu.memory_space<hbm>> -> memref<48x128xi32, #tpu.memory_space<hbm>>
          tpu.wait_dma2 semaphore(%run_scoped3A : memref<!tpu.dma_semaphore, #tpu.memory_space<semaphore_mem>>) src(%dma_wait3A_76 : memref<48x128xi32, #tpu.memory_space<hbm>>) dst(%arg8 : memref<48x128xi32, #tpu.memory_space<vmem>>)
          tpu.yield
        }) : () -> ()
        %dma_start3A = arith.constant 0 : i32
        %dma_start3A_52 = arith.constant 0 : i32
        %dma_start3A_53 = tpu.memref_slice %arg7[%dma_start3A, %dma_start3A_52] : memref<48x128xi32, #tpu.memory_space<vmem>> -> memref<1x128xi32, #tpu.memory_space<vmem>>
        %dma_start3A_54 = tpu.memref_squeeze %dma_start3A_53 : memref<1x128xi32, #tpu.memory_space<vmem>> -> memref<128xi32, #tpu.memory_space<vmem>>
        %dma_start3A_55 = arith.constant 0 : i32
        %dma_start3A_56 = arith.constant 0 : i32
        %dma_start3A_57 = tpu.memref_slice %arg4[%dma_start3A_55, %dma_start3A_56] : memref<10240x128xf32, #tpu.memory_space<hbm>> -> memref<10240x128xf32, #tpu.memory_space<hbm>>
        tpu.enqueue_indirect_dma source(%dma_start3A_57 : memref<10240x128xf32, #tpu.memory_space<hbm>>) target(%arg9 : memref<128x128xf32, #tpu.memory_space<vmem>>) offsets(%dma_start3A_54 : memref<128xi32, #tpu.memory_space<vmem>>) semaphore(%arg11 : memref<!tpu.dma_semaphore, #tpu.memory_space<semaphore_mem>>)
        %dma_start3A_58 = arith.constant 1 : i32
        %dma_start3A_59 = arith.constant 0 : i32
        %dma_start3A_60 = tpu.memref_slice %arg7[%dma_start3A_58, %dma_start3A_59] : memref<48x128xi32, #tpu.memory_space<vmem>> -> memref<1x128xi32, #tpu.memory_space<vmem>>
        %dma_start3A_61 = tpu.memref_squeeze %dma_start3A_60 : memref<1x128xi32, #tpu.memory_space<vmem>> -> memref<128xi32, #tpu.memory_space<vmem>>
        %dma_start3A_62 = arith.constant 0 : i32
        %dma_start3A_63 = arith.constant 0 : i32
        %dma_start3A_64 = tpu.memref_slice %arg4[%dma_start3A_62, %dma_start3A_63] : memref<10240x128xf32, #tpu.memory_space<hbm>> -> memref<10240x128xf32, #tpu.memory_space<hbm>>
        tpu.enqueue_indirect_dma source(%dma_start3A_64 : memref<10240x128xf32, #tpu.memory_space<hbm>>) target(%arg10 : memref<128x128xf32, #tpu.memory_space<vmem>>) offsets(%dma_start3A_61 : memref<128xi32, #tpu.memory_space<vmem>>) semaphore(%arg12 : memref<!tpu.dma_semaphore, #tpu.memory_space<semaphore_mem>>)
        %scan3A_65 = arith.constant 0 : i32
        %scan3A_66 = arith.constant 24 : i32
        %scan3A_67 = arith.addi %scan3A_65, %scan3A_66 : i32
        %scan3A_68 = arith.constant 1 : i32
        scf.for %scan3A_70 = %scan3A_65 to %scan3A_67 step %scan3A_68  : i32 {
          %mul3A_71 = arith.constant 2 : i32
          %mul3A_72 = arith.muli %scan3A_70, %mul3A_71 : i32
          %add3A_73 = arith.constant 0 : i32
          %add3A_74 = arith.addi %add3A_73, %mul3A_72 : i32
          %add3A_75 = arith.constant 0 : i32
          %add3A_76 = arith.addi %add3A_74, %add3A_75 : i32
          tpu.wait_dma2 semaphore(%arg11 : memref<!tpu.dma_semaphore, #tpu.memory_space<semaphore_mem>>) src(%arg5 : memref<128x128xf32, #tpu.memory_space<hbm>>) dst(%arg9 : memref<128x128xf32, #tpu.memory_space<vmem>>)
          %dma_start3A_77 = arith.constant 0 : i32
          %dma_start3A_78 = tpu.memref_slice %arg8[%add3A_76, %dma_start3A_77] : memref<48x128xi32, #tpu.memory_space<vmem>> -> memref<1x128xi32, #tpu.memory_space<vmem>>
          %dma_start3A_79 = tpu.memref_squeeze %dma_start3A_78 : memref<1x128xi32, #tpu.memory_space<vmem>> -> memref<128xi32, #tpu.memory_space<vmem>>
          %dma_start3A_80 = arith.constant 0 : i32
          %dma_start3A_81 = arith.constant 0 : i32
          %dma_start3A_82 = tpu.memref_slice %arg15[%dma_start3A_80, %dma_start3A_81] : memref<10240x128xf32, #tpu.memory_space<vmem_shared>> -> memref<10240x128xf32, #tpu.memory_space<vmem_shared>>
          tpu.enqueue_indirect_dma source(%arg9 : memref<128x128xf32, #tpu.memory_space<vmem>>) target(%dma_start3A_82 : memref<10240x128xf32, #tpu.memory_space<vmem_shared>>) offsets(%dma_start3A_79 : memref<128xi32, #tpu.memory_space<vmem>>) semaphore(%arg13 : memref<!tpu.dma_semaphore, #tpu.memory_space<semaphore_mem>>) {add = true}
          tpu.wait_dma2 semaphore(%arg13 : memref<!tpu.dma_semaphore, #tpu.memory_space<semaphore_mem>>) src(%arg5 : memref<128x128xf32, #tpu.memory_space<hbm>>) dst(%arg9 : memref<128x128xf32, #tpu.memory_space<vmem>>)
          %add3A_83 = arith.constant 2 : i32
          %add3A_84 = arith.addi %add3A_76, %add3A_83 : i32
          %lt3A = arith.constant 48 : i32
          %lt3A_85 = arith.cmpi slt, %add3A_84, %lt3A : i32
          %convert_element_type3A_86 = arith.extui %lt3A_85 : i1 to i32
          %cond3A_87 = arith.constant 0 : i32
          %cond3A_88 = arith.cmpi ne, %convert_element_type3A_86, %cond3A_87 : i32
          scf.if %cond3A_88 {
            %add3A_104 = arith.constant 2 : i32
            %add3A_105 = arith.addi %add3A_76, %add3A_104 : i32
            %dma_start3A_106 = arith.constant 0 : i32
            %dma_start3A_107 = tpu.memref_slice %arg7[%add3A_105, %dma_start3A_106] : memref<48x128xi32, #tpu.memory_space<vmem>> -> memref<1x128xi32, #tpu.memory_space<vmem>>
            %dma_start3A_108 = tpu.memref_squeeze %dma_start3A_107 : memref<1x128xi32, #tpu.memory_space<vmem>> -> memref<128xi32, #tpu.memory_space<vmem>>
            %dma_start3A_109 = arith.constant 0 : i32
            %dma_start3A_110 = arith.constant 0 : i32
            %dma_start3A_111 = tpu.memref_slice %arg4[%dma_start3A_109, %dma_start3A_110] : memref<10240x128xf32, #tpu.memory_space<hbm>> -> memref<10240x128xf32, #tpu.memory_space<hbm>>
            tpu.enqueue_indirect_dma source(%dma_start3A_111 : memref<10240x128xf32, #tpu.memory_space<hbm>>) target(%arg9 : memref<128x128xf32, #tpu.memory_space<vmem>>) offsets(%dma_start3A_108 : memref<128xi32, #tpu.memory_space<vmem>>) semaphore(%arg11 : memref<!tpu.dma_semaphore, #tpu.memory_space<semaphore_mem>>)
          } else {
          }
          %add3A_89 = arith.constant 1 : i32
          %add3A_90 = arith.addi %add3A_74, %add3A_89 : i32
          tpu.wait_dma2 semaphore(%arg12 : memref<!tpu.dma_semaphore, #tpu.memory_space<semaphore_mem>>) src(%arg5 : memref<128x128xf32, #tpu.memory_space<hbm>>) dst(%arg10 : memref<128x128xf32, #tpu.memory_space<vmem>>)
          %dma_start3A_91 = arith.constant 0 : i32
          %dma_start3A_92 = tpu.memref_slice %arg8[%add3A_90, %dma_start3A_91] : memref<48x128xi32, #tpu.memory_space<vmem>> -> memref<1x128xi32, #tpu.memory_space<vmem>>
          %dma_start3A_93 = tpu.memref_squeeze %dma_start3A_92 : memref<1x128xi32, #tpu.memory_space<vmem>> -> memref<128xi32, #tpu.memory_space<vmem>>
          %dma_start3A_94 = arith.constant 0 : i32
          %dma_start3A_95 = arith.constant 0 : i32
          %dma_start3A_96 = tpu.memref_slice %arg15[%dma_start3A_94, %dma_start3A_95] : memref<10240x128xf32, #tpu.memory_space<vmem_shared>> -> memref<10240x128xf32, #tpu.memory_space<vmem_shared>>
          tpu.enqueue_indirect_dma source(%arg10 : memref<128x128xf32, #tpu.memory_space<vmem>>) target(%dma_start3A_96 : memref<10240x128xf32, #tpu.memory_space<vmem_shared>>) offsets(%dma_start3A_93 : memref<128xi32, #tpu.memory_space<vmem>>) semaphore(%arg14 : memref<!tpu.dma_semaphore, #tpu.memory_space<semaphore_mem>>) {add = true}
          tpu.wait_dma2 semaphore(%arg14 : memref<!tpu.dma_semaphore, #tpu.memory_space<semaphore_mem>>) src(%arg5 : memref<128x128xf32, #tpu.memory_space<hbm>>) dst(%arg10 : memref<128x128xf32, #tpu.memory_space<vmem>>)
          %add3A_97 = arith.constant 2 : i32
          %add3A_98 = arith.addi %add3A_90, %add3A_97 : i32
          %lt3A_99 = arith.constant 48 : i32
          %lt3A_100 = arith.cmpi slt, %add3A_98, %lt3A_99 : i32
          %convert_element_type3A_101 = arith.extui %lt3A_100 : i1 to i32
          %cond3A_102 = arith.constant 0 : i32
          %cond3A_103 = arith.cmpi ne, %convert_element_type3A_101, %cond3A_102 : i32
          scf.if %cond3A_103 {
            %add3A_104 = arith.constant 2 : i32
            %add3A_105 = arith.addi %add3A_90, %add3A_104 : i32
            %dma_start3A_106 = arith.constant 0 : i32
            %dma_start3A_107 = tpu.memref_slice %arg7[%add3A_105, %dma_start3A_106] : memref<48x128xi32, #tpu.memory_space<vmem>> -> memref<1x128xi32, #tpu.memory_space<vmem>>
            %dma_start3A_108 = tpu.memref_squeeze %dma_start3A_107 : memref<1x128xi32, #tpu.memory_space<vmem>> -> memref<128xi32, #tpu.memory_space<vmem>>
            %dma_start3A_109 = arith.constant 0 : i32
            %dma_start3A_110 = arith.constant 0 : i32
            %dma_start3A_111 = tpu.memref_slice %arg4[%dma_start3A_109, %dma_start3A_110] : memref<10240x128xf32, #tpu.memory_space<hbm>> -> memref<10240x128xf32, #tpu.memory_space<hbm>>
            tpu.enqueue_indirect_dma source(%dma_start3A_111 : memref<10240x128xf32, #tpu.memory_space<hbm>>) target(%arg10 : memref<128x128xf32, #tpu.memory_space<vmem>>) offsets(%dma_start3A_108 : memref<128xi32, #tpu.memory_space<vmem>>) semaphore(%arg12 : memref<!tpu.dma_semaphore, #tpu.memory_space<semaphore_mem>>)
          } else {
          }
        }
        %scan3A_69 = arith.constant 24 : i32
      }
      %scan3A_43 = arith.constant 3 : i32
    } else {
    }
    %eq3A_12 = arith.constant 1 : i32
    %eq3A_13 = arith.cmpi eq, %arg0, %eq3A_12 : i32
    %convert_element_type3A_14 = arith.extui %eq3A_13 : i1 to i32
    %cond3A_15 = arith.constant 0 : i32
    %cond3A_16 = arith.cmpi ne, %convert_element_type3A_14, %cond3A_15 : i32
    scf.if %cond3A_16 {
      %mul3A_38 = arith.constant 16 : i32
      %mul3A_39 = arith.muli %arg1, %mul3A_38 : i32
      %add3A_40 = arith.constant 2304 : i32
      %add3A_41 = arith.addi %add3A_40, %mul3A_39 : i32
      %scan3A = arith.constant 0 : i32
      %mul3A_42 = arith.constant 1 : i32
      %mul3A_43 = arith.muli %scan3A, %mul3A_42 : i32
      %add3A_44 = arith.constant 0 : i32
      %add3A_45 = arith.addi %add3A_44, %mul3A_43 : i32
      %mul3A_46 = arith.constant 16 : i32
      %mul3A_47 = arith.muli %add3A_45, %mul3A_46 : i32
      %add3A_48 = arith.addi %add3A_41, %mul3A_47 : i32
      "tpu.region"() ({
        %run_scoped3A = tpu.sem_alloc : memref<!tpu.dma_semaphore, #tpu.memory_space<semaphore_mem>>
        %dma_start3A_68 = arith.constant 0 : i32
        %dma_start3A_69 = arith.constant 0 : i32
        %dma_start3A_70 = tpu.memref_slice %arg7[%dma_start3A_68, %dma_start3A_69] : memref<48x128xi32, #tpu.memory_space<vmem>> -> memref<16x128xi32, #tpu.memory_space<vmem>>
        %dma_start3A_71 = arith.constant 0 : i32
        %dma_start3A_72 = tpu.memref_slice %arg2[%add3A_48, %dma_start3A_71] : memref<2560x128xi32, #tpu.memory_space<hbm>> -> memref<16x128xi32, #tpu.memory_space<hbm>>
        %dma_start3A_73 = arith.constant 0 : i32
        %dma_start3A_74 = arith.constant 0 : i32
        %dma_start3A_75 = tpu.memref_slice %arg7[%dma_start3A_73, %dma_start3A_74] : memref<48x128xi32, #tpu.memory_space<vmem>> -> memref<16x128xi32, #tpu.memory_space<vmem>>
        %dma_start3A_76 = arith.constant 0 : i32
        %dma_start3A_77 = tpu.memref_slice %arg2[%add3A_48, %dma_start3A_76] : memref<2560x128xi32, #tpu.memory_space<hbm>> -> memref<16x128xi32, #tpu.memory_space<hbm>>
        tpu.enqueue_dma source(%dma_start3A_77 : memref<16x128xi32, #tpu.memory_space<hbm>>) target(%dma_start3A_75 : memref<16x128xi32, #tpu.memory_space<vmem>>) target_semaphore(%run_scoped3A : memref<!tpu.dma_semaphore, #tpu.memory_space<semaphore_mem>>)
        %dma_wait3A = arith.constant 0 : i32
        %dma_wait3A_78 = arith.constant 0 : i32
        %dma_wait3A_79 = tpu.memref_slice %arg7[%dma_wait3A, %dma_wait3A_78] : memref<48x128xi32, #tpu.memory_space<vmem>> -> memref<16x128xi32, #tpu.memory_space<vmem>>
        %dma_wait3A_80 = arith.constant 0 : i32
        %dma_wait3A_81 = tpu.memref_slice %arg2[%add3A_48, %dma_wait3A_80] : memref<2560x128xi32, #tpu.memory_space<hbm>> -> memref<16x128xi32, #tpu.memory_space<hbm>>
        %dma_wait3A_82 = arith.constant 0 : i32
        %dma_wait3A_83 = arith.constant 0 : i32
        %dma_wait3A_84 = tpu.memref_slice %arg7[%dma_wait3A_82, %dma_wait3A_83] : memref<48x128xi32, #tpu.memory_space<vmem>> -> memref<16x128xi32, #tpu.memory_space<vmem>>
        %dma_wait3A_85 = arith.constant 0 : i32
        %dma_wait3A_86 = tpu.memref_slice %arg2[%add3A_48, %dma_wait3A_85] : memref<2560x128xi32, #tpu.memory_space<hbm>> -> memref<16x128xi32, #tpu.memory_space<hbm>>
        tpu.wait_dma2 semaphore(%run_scoped3A : memref<!tpu.dma_semaphore, #tpu.memory_space<semaphore_mem>>) src(%dma_wait3A_86 : memref<16x128xi32, #tpu.memory_space<hbm>>) dst(%dma_wait3A_84 : memref<16x128xi32, #tpu.memory_space<vmem>>)
        tpu.yield
      }) : () -> ()
      "tpu.region"() ({
        %run_scoped3A = tpu.sem_alloc : memref<!tpu.dma_semaphore, #tpu.memory_space<semaphore_mem>>
        %dma_start3A_68 = arith.constant 0 : i32
        %dma_start3A_69 = arith.constant 0 : i32
        %dma_start3A_70 = tpu.memref_slice %arg8[%dma_start3A_68, %dma_start3A_69] : memref<48x128xi32, #tpu.memory_space<vmem>> -> memref<16x128xi32, #tpu.memory_space<vmem>>
        %dma_start3A_71 = arith.constant 0 : i32
        %dma_start3A_72 = tpu.memref_slice %arg3[%add3A_48, %dma_start3A_71] : memref<2560x128xi32, #tpu.memory_space<hbm>> -> memref<16x128xi32, #tpu.memory_space<hbm>>
        %dma_start3A_73 = arith.constant 0 : i32
        %dma_start3A_74 = arith.constant 0 : i32
        %dma_start3A_75 = tpu.memref_slice %arg8[%dma_start3A_73, %dma_start3A_74] : memref<48x128xi32, #tpu.memory_space<vmem>> -> memref<16x128xi32, #tpu.memory_space<vmem>>
        %dma_start3A_76 = arith.constant 0 : i32
        %dma_start3A_77 = tpu.memref_slice %arg3[%add3A_48, %dma_start3A_76] : memref<2560x128xi32, #tpu.memory_space<hbm>> -> memref<16x128xi32, #tpu.memory_space<hbm>>
        tpu.enqueue_dma source(%dma_start3A_77 : memref<16x128xi32, #tpu.memory_space<hbm>>) target(%dma_start3A_75 : memref<16x128xi32, #tpu.memory_space<vmem>>) target_semaphore(%run_scoped3A : memref<!tpu.dma_semaphore, #tpu.memory_space<semaphore_mem>>)
        %dma_wait3A = arith.constant 0 : i32
        %dma_wait3A_78 = arith.constant 0 : i32
        %dma_wait3A_79 = tpu.memref_slice %arg8[%dma_wait3A, %dma_wait3A_78] : memref<48x128xi32, #tpu.memory_space<vmem>> -> memref<16x128xi32, #tpu.memory_space<vmem>>
        %dma_wait3A_80 = arith.constant 0 : i32
        %dma_wait3A_81 = tpu.memref_slice %arg3[%add3A_48, %dma_wait3A_80] : memref<2560x128xi32, #tpu.memory_space<hbm>> -> memref<16x128xi32, #tpu.memory_space<hbm>>
        %dma_wait3A_82 = arith.constant 0 : i32
        %dma_wait3A_83 = arith.constant 0 : i32
        %dma_wait3A_84 = tpu.memref_slice %arg8[%dma_wait3A_82, %dma_wait3A_83] : memref<48x128xi32, #tpu.memory_space<vmem>> -> memref<16x128xi32, #tpu.memory_space<vmem>>
        %dma_wait3A_85 = arith.constant 0 : i32
        %dma_wait3A_86 = tpu.memref_slice %arg3[%add3A_48, %dma_wait3A_85] : memref<2560x128xi32, #tpu.memory_space<hbm>> -> memref<16x128xi32, #tpu.memory_space<hbm>>
        tpu.wait_dma2 semaphore(%run_scoped3A : memref<!tpu.dma_semaphore, #tpu.memory_space<semaphore_mem>>) src(%dma_wait3A_86 : memref<16x128xi32, #tpu.memory_space<hbm>>) dst(%dma_wait3A_84 : memref<16x128xi32, #tpu.memory_space<vmem>>)
        tpu.yield
      }) : () -> ()
      %dma_start3A = arith.constant 0 : i32
      %dma_start3A_49 = arith.constant 0 : i32
      %dma_start3A_50 = tpu.memref_slice %arg7[%dma_start3A, %dma_start3A_49] : memref<48x128xi32, #tpu.memory_space<vmem>> -> memref<1x128xi32, #tpu.memory_space<vmem>>
      %dma_start3A_51 = tpu.memref_squeeze %dma_start3A_50 : memref<1x128xi32, #tpu.memory_space<vmem>> -> memref<128xi32, #tpu.memory_space<vmem>>
      %dma_start3A_52 = arith.constant 0 : i32
      %dma_start3A_53 = arith.constant 0 : i32
      %dma_start3A_54 = tpu.memref_slice %arg4[%dma_start3A_52, %dma_start3A_53] : memref<10240x128xf32, #tpu.memory_space<hbm>> -> memref<10240x128xf32, #tpu.memory_space<hbm>>
      tpu.enqueue_indirect_dma source(%dma_start3A_54 : memref<10240x128xf32, #tpu.memory_space<hbm>>) target(%arg9 : memref<128x128xf32, #tpu.memory_space<vmem>>) offsets(%dma_start3A_51 : memref<128xi32, #tpu.memory_space<vmem>>) semaphore(%arg11 : memref<!tpu.dma_semaphore, #tpu.memory_space<semaphore_mem>>)
      %dma_start3A_55 = arith.constant 1 : i32
      %dma_start3A_56 = arith.constant 0 : i32
      %dma_start3A_57 = tpu.memref_slice %arg7[%dma_start3A_55, %dma_start3A_56] : memref<48x128xi32, #tpu.memory_space<vmem>> -> memref<1x128xi32, #tpu.memory_space<vmem>>
      %dma_start3A_58 = tpu.memref_squeeze %dma_start3A_57 : memref<1x128xi32, #tpu.memory_space<vmem>> -> memref<128xi32, #tpu.memory_space<vmem>>
      %dma_start3A_59 = arith.constant 0 : i32
      %dma_start3A_60 = arith.constant 0 : i32
      %dma_start3A_61 = tpu.memref_slice %arg4[%dma_start3A_59, %dma_start3A_60] : memref<10240x128xf32, #tpu.memory_space<hbm>> -> memref<10240x128xf32, #tpu.memory_space<hbm>>
      tpu.enqueue_indirect_dma source(%dma_start3A_61 : memref<10240x128xf32, #tpu.memory_space<hbm>>) target(%arg10 : memref<128x128xf32, #tpu.memory_space<vmem>>) offsets(%dma_start3A_58 : memref<128xi32, #tpu.memory_space<vmem>>) semaphore(%arg12 : memref<!tpu.dma_semaphore, #tpu.memory_space<semaphore_mem>>)
      %scan3A_62 = arith.constant 0 : i32
      %scan3A_63 = arith.constant 8 : i32
      %scan3A_64 = arith.addi %scan3A_62, %scan3A_63 : i32
      %scan3A_65 = arith.constant 1 : i32
      scf.for %scan3A_68 = %scan3A_62 to %scan3A_64 step %scan3A_65  : i32 {
        %mul3A_69 = arith.constant 2 : i32
        %mul3A_70 = arith.muli %scan3A_68, %mul3A_69 : i32
        %add3A_71 = arith.constant 0 : i32
        %add3A_72 = arith.addi %add3A_71, %mul3A_70 : i32
        %add3A_73 = arith.constant 0 : i32
        %add3A_74 = arith.addi %add3A_72, %add3A_73 : i32
        tpu.wait_dma2 semaphore(%arg11 : memref<!tpu.dma_semaphore, #tpu.memory_space<semaphore_mem>>) src(%arg5 : memref<128x128xf32, #tpu.memory_space<hbm>>) dst(%arg9 : memref<128x128xf32, #tpu.memory_space<vmem>>)
        %dma_start3A_75 = arith.constant 0 : i32
        %dma_start3A_76 = tpu.memref_slice %arg8[%add3A_74, %dma_start3A_75] : memref<48x128xi32, #tpu.memory_space<vmem>> -> memref<1x128xi32, #tpu.memory_space<vmem>>
        %dma_start3A_77 = tpu.memref_squeeze %dma_start3A_76 : memref<1x128xi32, #tpu.memory_space<vmem>> -> memref<128xi32, #tpu.memory_space<vmem>>
        %dma_start3A_78 = arith.constant 0 : i32
        %dma_start3A_79 = arith.constant 0 : i32
        %dma_start3A_80 = tpu.memref_slice %arg15[%dma_start3A_78, %dma_start3A_79] : memref<10240x128xf32, #tpu.memory_space<vmem_shared>> -> memref<10240x128xf32, #tpu.memory_space<vmem_shared>>
        tpu.enqueue_indirect_dma source(%arg9 : memref<128x128xf32, #tpu.memory_space<vmem>>) target(%dma_start3A_80 : memref<10240x128xf32, #tpu.memory_space<vmem_shared>>) offsets(%dma_start3A_77 : memref<128xi32, #tpu.memory_space<vmem>>) semaphore(%arg13 : memref<!tpu.dma_semaphore, #tpu.memory_space<semaphore_mem>>) {add = true}
        tpu.wait_dma2 semaphore(%arg13 : memref<!tpu.dma_semaphore, #tpu.memory_space<semaphore_mem>>) src(%arg5 : memref<128x128xf32, #tpu.memory_space<hbm>>) dst(%arg9 : memref<128x128xf32, #tpu.memory_space<vmem>>)
        %add3A_81 = arith.constant 2 : i32
        %add3A_82 = arith.addi %add3A_74, %add3A_81 : i32
        %lt3A = arith.constant 16 : i32
        %lt3A_83 = arith.cmpi slt, %add3A_82, %lt3A : i32
        %convert_element_type3A_84 = arith.extui %lt3A_83 : i1 to i32
        %cond3A_85 = arith.constant 0 : i32
        %cond3A_86 = arith.cmpi ne, %convert_element_type3A_84, %cond3A_85 : i32
        scf.if %cond3A_86 {
          %add3A_102 = arith.constant 2 : i32
          %add3A_103 = arith.addi %add3A_74, %add3A_102 : i32
          %dma_start3A_104 = arith.constant 0 : i32
          %dma_start3A_105 = tpu.memref_slice %arg7[%add3A_103, %dma_start3A_104] : memref<48x128xi32, #tpu.memory_space<vmem>> -> memref<1x128xi32, #tpu.memory_space<vmem>>
          %dma_start3A_106 = tpu.memref_squeeze %dma_start3A_105 : memref<1x128xi32, #tpu.memory_space<vmem>> -> memref<128xi32, #tpu.memory_space<vmem>>
          %dma_start3A_107 = arith.constant 0 : i32
          %dma_start3A_108 = arith.constant 0 : i32
          %dma_start3A_109 = tpu.memref_slice %arg4[%dma_start3A_107, %dma_start3A_108] : memref<10240x128xf32, #tpu.memory_space<hbm>> -> memref<10240x128xf32, #tpu.memory_space<hbm>>
          tpu.enqueue_indirect_dma source(%dma_start3A_109 : memref<10240x128xf32, #tpu.memory_space<hbm>>) target(%arg9 : memref<128x128xf32, #tpu.memory_space<vmem>>) offsets(%dma_start3A_106 : memref<128xi32, #tpu.memory_space<vmem>>) semaphore(%arg11 : memref<!tpu.dma_semaphore, #tpu.memory_space<semaphore_mem>>)
        } else {
        }
        %add3A_87 = arith.constant 1 : i32
        %add3A_88 = arith.addi %add3A_72, %add3A_87 : i32
        tpu.wait_dma2 semaphore(%arg12 : memref<!tpu.dma_semaphore, #tpu.memory_space<semaphore_mem>>) src(%arg5 : memref<128x128xf32, #tpu.memory_space<hbm>>) dst(%arg10 : memref<128x128xf32, #tpu.memory_space<vmem>>)
        %dma_start3A_89 = arith.constant 0 : i32
        %dma_start3A_90 = tpu.memref_slice %arg8[%add3A_88, %dma_start3A_89] : memref<48x128xi32, #tpu.memory_space<vmem>> -> memref<1x128xi32, #tpu.memory_space<vmem>>
        %dma_start3A_91 = tpu.memref_squeeze %dma_start3A_90 : memref<1x128xi32, #tpu.memory_space<vmem>> -> memref<128xi32, #tpu.memory_space<vmem>>
        %dma_start3A_92 = arith.constant 0 : i32
        %dma_start3A_93 = arith.constant 0 : i32
        %dma_start3A_94 = tpu.memref_slice %arg15[%dma_start3A_92, %dma_start3A_93] : memref<10240x128xf32, #tpu.memory_space<vmem_shared>> -> memref<10240x128xf32, #tpu.memory_space<vmem_shared>>
        tpu.enqueue_indirect_dma source(%arg10 : memref<128x128xf32, #tpu.memory_space<vmem>>) target(%dma_start3A_94 : memref<10240x128xf32, #tpu.memory_space<vmem_shared>>) offsets(%dma_start3A_91 : memref<128xi32, #tpu.memory_space<vmem>>) semaphore(%arg14 : memref<!tpu.dma_semaphore, #tpu.memory_space<semaphore_mem>>) {add = true}
        tpu.wait_dma2 semaphore(%arg14 : memref<!tpu.dma_semaphore, #tpu.memory_space<semaphore_mem>>) src(%arg5 : memref<128x128xf32, #tpu.memory_space<hbm>>) dst(%arg10 : memref<128x128xf32, #tpu.memory_space<vmem>>)
        %add3A_95 = arith.constant 2 : i32
        %add3A_96 = arith.addi %add3A_88, %add3A_95 : i32
        %lt3A_97 = arith.constant 16 : i32
        %lt3A_98 = arith.cmpi slt, %add3A_96, %lt3A_97 : i32
        %convert_element_type3A_99 = arith.extui %lt3A_98 : i1 to i32
        %cond3A_100 = arith.constant 0 : i32
        %cond3A_101 = arith.cmpi ne, %convert_element_type3A_99, %cond3A_100 : i32
        scf.if %cond3A_101 {
          %add3A_102 = arith.constant 2 : i32
          %add3A_103 = arith.addi %add3A_88, %add3A_102 : i32
          %dma_start3A_104 = arith.constant 0 : i32
          %dma_start3A_105 = tpu.memref_slice %arg7[%add3A_103, %dma_start3A_104] : memref<48x128xi32, #tpu.memory_space<vmem>> -> memref<1x128xi32, #tpu.memory_space<vmem>>
          %dma_start3A_106 = tpu.memref_squeeze %dma_start3A_105 : memref<1x128xi32, #tpu.memory_space<vmem>> -> memref<128xi32, #tpu.memory_space<vmem>>
          %dma_start3A_107 = arith.constant 0 : i32
          %dma_start3A_108 = arith.constant 0 : i32
          %dma_start3A_109 = tpu.memref_slice %arg4[%dma_start3A_107, %dma_start3A_108] : memref<10240x128xf32, #tpu.memory_space<hbm>> -> memref<10240x128xf32, #tpu.memory_space<hbm>>
          tpu.enqueue_indirect_dma source(%dma_start3A_109 : memref<10240x128xf32, #tpu.memory_space<hbm>>) target(%arg10 : memref<128x128xf32, #tpu.memory_space<vmem>>) offsets(%dma_start3A_106 : memref<128xi32, #tpu.memory_space<vmem>>) semaphore(%arg12 : memref<!tpu.dma_semaphore, #tpu.memory_space<semaphore_mem>>)
        } else {
        }
      }
      %scan3A_66 = arith.constant 8 : i32
      %scan3A_67 = arith.constant 1 : i32
    } else {
    }
    %barrier3A_17 = arith.constant 0 : index
    tpu.barrier barrier_id(%barrier3A_17)
    %add3A_18 = arith.constant 0 : i32
    %add3A_19 = arith.addi %mul3A_0, %add3A_18 : i32
    "tpu.region"() ({
      %run_scoped3A = tpu.sem_alloc : memref<!tpu.dma_semaphore, #tpu.memory_space<semaphore_mem>>
      %dma_start3A = arith.constant 0 : i32
      %dma_start3A_38 = tpu.memref_slice %arg15[%add3A_19, %dma_start3A] : memref<10240x128xf32, #tpu.memory_space<vmem_shared>> -> memref<128x128xf32, #tpu.memory_space<vmem_shared>>
      %dma_start3A_39 = arith.constant 0 : i32
      %dma_start3A_40 = tpu.memref_slice %arg15[%add3A_19, %dma_start3A_39] : memref<10240x128xf32, #tpu.memory_space<vmem_shared>> -> memref<128x128xf32, #tpu.memory_space<vmem_shared>>
      tpu.enqueue_dma source(%dma_start3A_40 : memref<128x128xf32, #tpu.memory_space<vmem_shared>>) target(%arg9 : memref<128x128xf32, #tpu.memory_space<vmem>>) target_semaphore(%run_scoped3A : memref<!tpu.dma_semaphore, #tpu.memory_space<semaphore_mem>>)
      %dma_wait3A = arith.constant 0 : i32
      %dma_wait3A_41 = tpu.memref_slice %arg15[%add3A_19, %dma_wait3A] : memref<10240x128xf32, #tpu.memory_space<vmem_shared>> -> memref<128x128xf32, #tpu.memory_space<vmem_shared>>
      %dma_wait3A_42 = arith.constant 0 : i32
      %dma_wait3A_43 = tpu.memref_slice %arg15[%add3A_19, %dma_wait3A_42] : memref<10240x128xf32, #tpu.memory_space<vmem_shared>> -> memref<128x128xf32, #tpu.memory_space<vmem_shared>>
      tpu.wait_dma2 semaphore(%run_scoped3A : memref<!tpu.dma_semaphore, #tpu.memory_space<semaphore_mem>>) src(%dma_wait3A_43 : memref<128x128xf32, #tpu.memory_space<vmem_shared>>) dst(%arg9 : memref<128x128xf32, #tpu.memory_space<vmem>>)
      tpu.yield
    }) : () -> ()
    %add3A_20 = arith.constant 0 : i32
    %add3A_21 = arith.addi %mul3A_0, %add3A_20 : i32
    "tpu.region"() ({
      %run_scoped3A = tpu.sem_alloc : memref<!tpu.dma_semaphore, #tpu.memory_space<semaphore_mem>>
      %dma_start3A = arith.constant 0 : i32
      %dma_start3A_38 = tpu.memref_slice %arg6[%arg0, %add3A_21, %dma_start3A] : memref<2x10240x128xf32, #tpu.memory_space<hbm>> -> memref<1x128x128xf32, #tpu.memory_space<hbm>>
      %dma_start3A_39 = tpu.memref_squeeze %dma_start3A_38 : memref<1x128x128xf32, #tpu.memory_space<hbm>> -> memref<128x128xf32, #tpu.memory_space<hbm>>
      %dma_start3A_40 = arith.constant 0 : i32
      %dma_start3A_41 = tpu.memref_slice %arg6[%arg0, %add3A_21, %dma_start3A_40] : memref<2x10240x128xf32, #tpu.memory_space<hbm>> -> memref<1x128x128xf32, #tpu.memory_space<hbm>>
      %dma_start3A_42 = tpu.memref_squeeze %dma_start3A_41 : memref<1x128x128xf32, #tpu.memory_space<hbm>> -> memref<128x128xf32, #tpu.memory_space<hbm>>
      tpu.enqueue_dma source(%arg9 : memref<128x128xf32, #tpu.memory_space<vmem>>) target(%dma_start3A_42 : memref<128x128xf32, #tpu.memory_space<hbm>>) target_semaphore(%run_scoped3A : memref<!tpu.dma_semaphore, #tpu.memory_space<semaphore_mem>>)
      %dma_wait3A = arith.constant 0 : i32
      %dma_wait3A_43 = tpu.memref_slice %arg6[%arg0, %add3A_21, %dma_wait3A] : memref<2x10240x128xf32, #tpu.memory_space<hbm>> -> memref<1x128x128xf32, #tpu.memory_space<hbm>>
      %dma_wait3A_44 = tpu.memref_squeeze %dma_wait3A_43 : memref<1x128x128xf32, #tpu.memory_space<hbm>> -> memref<128x128xf32, #tpu.memory_space<hbm>>
      %dma_wait3A_45 = arith.constant 0 : i32
      %dma_wait3A_46 = tpu.memref_slice %arg6[%arg0, %add3A_21, %dma_wait3A_45] : memref<2x10240x128xf32, #tpu.memory_space<hbm>> -> memref<1x128x128xf32, #tpu.memory_space<hbm>>
      %dma_wait3A_47 = tpu.memref_squeeze %dma_wait3A_46 : memref<1x128x128xf32, #tpu.memory_space<hbm>> -> memref<128x128xf32, #tpu.memory_space<hbm>>
      tpu.wait_dma2 semaphore(%run_scoped3A : memref<!tpu.dma_semaphore, #tpu.memory_space<semaphore_mem>>) src(%arg9 : memref<128x128xf32, #tpu.memory_space<vmem>>) dst(%dma_wait3A_47 : memref<128x128xf32, #tpu.memory_space<hbm>>)
      tpu.yield
    }) : () -> ()
    %add3A_22 = arith.constant 128 : i32
    %add3A_23 = arith.addi %mul3A_0, %add3A_22 : i32
    "tpu.region"() ({
      %run_scoped3A = tpu.sem_alloc : memref<!tpu.dma_semaphore, #tpu.memory_space<semaphore_mem>>
      %dma_start3A = arith.constant 0 : i32
      %dma_start3A_38 = tpu.memref_slice %arg15[%add3A_23, %dma_start3A] : memref<10240x128xf32, #tpu.memory_space<vmem_shared>> -> memref<128x128xf32, #tpu.memory_space<vmem_shared>>
      %dma_start3A_39 = arith.constant 0 : i32
      %dma_start3A_40 = tpu.memref_slice %arg15[%add3A_23, %dma_start3A_39] : memref<10240x128xf32, #tpu.memory_space<vmem_shared>> -> memref<128x128xf32, #tpu.memory_space<vmem_shared>>
      tpu.enqueue_dma source(%dma_start3A_40 : memref<128x128xf32, #tpu.memory_space<vmem_shared>>) target(%arg10 : memref<128x128xf32, #tpu.memory_space<vmem>>) target_semaphore(%run_scoped3A : memref<!tpu.dma_semaphore, #tpu.memory_space<semaphore_mem>>)
      %dma_wait3A = arith.constant 0 : i32
      %dma_wait3A_41 = tpu.memref_slice %arg15[%add3A_23, %dma_wait3A] : memref<10240x128xf32, #tpu.memory_space<vmem_shared>> -> memref<128x128xf32, #tpu.memory_space<vmem_shared>>
      %dma_wait3A_42 = arith.constant 0 : i32
      %dma_wait3A_43 = tpu.memref_slice %arg15[%add3A_23, %dma_wait3A_42] : memref<10240x128xf32, #tpu.memory_space<vmem_shared>> -> memref<128x128xf32, #tpu.memory_space<vmem_shared>>
      tpu.wait_dma2 semaphore(%run_scoped3A : memref<!tpu.dma_semaphore, #tpu.memory_space<semaphore_mem>>) src(%dma_wait3A_43 : memref<128x128xf32, #tpu.memory_space<vmem_shared>>) dst(%arg10 : memref<128x128xf32, #tpu.memory_space<vmem>>)
      tpu.yield
    }) : () -> ()
    %add3A_24 = arith.constant 128 : i32
    %add3A_25 = arith.addi %mul3A_0, %add3A_24 : i32
    "tpu.region"() ({
      %run_scoped3A = tpu.sem_alloc : memref<!tpu.dma_semaphore, #tpu.memory_space<semaphore_mem>>
      %dma_start3A = arith.constant 0 : i32
      %dma_start3A_38 = tpu.memref_slice %arg6[%arg0, %add3A_25, %dma_start3A] : memref<2x10240x128xf32, #tpu.memory_space<hbm>> -> memref<1x128x128xf32, #tpu.memory_space<hbm>>
      %dma_start3A_39 = tpu.memref_squeeze %dma_start3A_38 : memref<1x128x128xf32, #tpu.memory_space<hbm>> -> memref<128x128xf32, #tpu.memory_space<hbm>>
      %dma_start3A_40 = arith.constant 0 : i32
      %dma_start3A_41 = tpu.memref_slice %arg6[%arg0, %add3A_25, %dma_start3A_40] : memref<2x10240x128xf32, #tpu.memory_space<hbm>> -> memref<1x128x128xf32, #tpu.memory_space<hbm>>
      %dma_start3A_42 = tpu.memref_squeeze %dma_start3A_41 : memref<1x128x128xf32, #tpu.memory_space<hbm>> -> memref<128x128xf32, #tpu.memory_space<hbm>>
      tpu.enqueue_dma source(%arg10 : memref<128x128xf32, #tpu.memory_space<vmem>>) target(%dma_start3A_42 : memref<128x128xf32, #tpu.memory_space<hbm>>) target_semaphore(%run_scoped3A : memref<!tpu.dma_semaphore, #tpu.memory_space<semaphore_mem>>)
      %dma_wait3A = arith.constant 0 : i32
      %dma_wait3A_43 = tpu.memref_slice %arg6[%arg0, %add3A_25, %dma_wait3A] : memref<2x10240x128xf32, #tpu.memory_space<hbm>> -> memref<1x128x128xf32, #tpu.memory_space<hbm>>
      %dma_wait3A_44 = tpu.memref_squeeze %dma_wait3A_43 : memref<1x128x128xf32, #tpu.memory_space<hbm>> -> memref<128x128xf32, #tpu.memory_space<hbm>>
      %dma_wait3A_45 = arith.constant 0 : i32
      %dma_wait3A_46 = tpu.memref_slice %arg6[%arg0, %add3A_25, %dma_wait3A_45] : memref<2x10240x128xf32, #tpu.memory_space<hbm>> -> memref<1x128x128xf32, #tpu.memory_space<hbm>>
      %dma_wait3A_47 = tpu.memref_squeeze %dma_wait3A_46 : memref<1x128x128xf32, #tpu.memory_space<hbm>> -> memref<128x128xf32, #tpu.memory_space<hbm>>
      tpu.wait_dma2 semaphore(%run_scoped3A : memref<!tpu.dma_semaphore, #tpu.memory_space<semaphore_mem>>) src(%arg10 : memref<128x128xf32, #tpu.memory_space<vmem>>) dst(%dma_wait3A_47 : memref<128x128xf32, #tpu.memory_space<hbm>>)
      tpu.yield
    }) : () -> ()
    %add3A_26 = arith.constant 256 : i32
    %add3A_27 = arith.addi %mul3A_0, %add3A_26 : i32
    "tpu.region"() ({
      %run_scoped3A = tpu.sem_alloc : memref<!tpu.dma_semaphore, #tpu.memory_space<semaphore_mem>>
      %dma_start3A = arith.constant 0 : i32
      %dma_start3A_38 = tpu.memref_slice %arg15[%add3A_27, %dma_start3A] : memref<10240x128xf32, #tpu.memory_space<vmem_shared>> -> memref<128x128xf32, #tpu.memory_space<vmem_shared>>
      %dma_start3A_39 = arith.constant 0 : i32
      %dma_start3A_40 = tpu.memref_slice %arg15[%add3A_27, %dma_start3A_39] : memref<10240x128xf32, #tpu.memory_space<vmem_shared>> -> memref<128x128xf32, #tpu.memory_space<vmem_shared>>
      tpu.enqueue_dma source(%dma_start3A_40 : memref<128x128xf32, #tpu.memory_space<vmem_shared>>) target(%arg9 : memref<128x128xf32, #tpu.memory_space<vmem>>) target_semaphore(%run_scoped3A : memref<!tpu.dma_semaphore, #tpu.memory_space<semaphore_mem>>)
      %dma_wait3A = arith.constant 0 : i32
      %dma_wait3A_41 = tpu.memref_slice %arg15[%add3A_27, %dma_wait3A] : memref<10240x128xf32, #tpu.memory_space<vmem_shared>> -> memref<128x128xf32, #tpu.memory_space<vmem_shared>>
      %dma_wait3A_42 = arith.constant 0 : i32
      %dma_wait3A_43 = tpu.memref_slice %arg15[%add3A_27, %dma_wait3A_42] : memref<10240x128xf32, #tpu.memory_space<vmem_shared>> -> memref<128x128xf32, #tpu.memory_space<vmem_shared>>
      tpu.wait_dma2 semaphore(%run_scoped3A : memref<!tpu.dma_semaphore, #tpu.memory_space<semaphore_mem>>) src(%dma_wait3A_43 : memref<128x128xf32, #tpu.memory_space<vmem_shared>>) dst(%arg9 : memref<128x128xf32, #tpu.memory_space<vmem>>)
      tpu.yield
    }) : () -> ()
    %add3A_28 = arith.constant 256 : i32
    %add3A_29 = arith.addi %mul3A_0, %add3A_28 : i32
    "tpu.region"() ({
      %run_scoped3A = tpu.sem_alloc : memref<!tpu.dma_semaphore, #tpu.memory_space<semaphore_mem>>
      %dma_start3A = arith.constant 0 : i32
      %dma_start3A_38 = tpu.memref_slice %arg6[%arg0, %add3A_29, %dma_start3A] : memref<2x10240x128xf32, #tpu.memory_space<hbm>> -> memref<1x128x128xf32, #tpu.memory_space<hbm>>
      %dma_start3A_39 = tpu.memref_squeeze %dma_start3A_38 : memref<1x128x128xf32, #tpu.memory_space<hbm>> -> memref<128x128xf32, #tpu.memory_space<hbm>>
      %dma_start3A_40 = arith.constant 0 : i32
      %dma_start3A_41 = tpu.memref_slice %arg6[%arg0, %add3A_29, %dma_start3A_40] : memref<2x10240x128xf32, #tpu.memory_space<hbm>> -> memref<1x128x128xf32, #tpu.memory_space<hbm>>
      %dma_start3A_42 = tpu.memref_squeeze %dma_start3A_41 : memref<1x128x128xf32, #tpu.memory_space<hbm>> -> memref<128x128xf32, #tpu.memory_space<hbm>>
      tpu.enqueue_dma source(%arg9 : memref<128x128xf32, #tpu.memory_space<vmem>>) target(%dma_start3A_42 : memref<128x128xf32, #tpu.memory_space<hbm>>) target_semaphore(%run_scoped3A : memref<!tpu.dma_semaphore, #tpu.memory_space<semaphore_mem>>)
      %dma_wait3A = arith.constant 0 : i32
      %dma_wait3A_43 = tpu.memref_slice %arg6[%arg0, %add3A_29, %dma_wait3A] : memref<2x10240x128xf32, #tpu.memory_space<hbm>> -> memref<1x128x128xf32, #tpu.memory_space<hbm>>
      %dma_wait3A_44 = tpu.memref_squeeze %dma_wait3A_43 : memref<1x128x128xf32, #tpu.memory_space<hbm>> -> memref<128x128xf32, #tpu.memory_space<hbm>>
      %dma_wait3A_45 = arith.constant 0 : i32
      %dma_wait3A_46 = tpu.memref_slice %arg6[%arg0, %add3A_29, %dma_wait3A_45] : memref<2x10240x128xf32, #tpu.memory_space<hbm>> -> memref<1x128x128xf32, #tpu.memory_space<hbm>>
      %dma_wait3A_47 = tpu.memref_squeeze %dma_wait3A_46 : memref<1x128x128xf32, #tpu.memory_space<hbm>> -> memref<128x128xf32, #tpu.memory_space<hbm>>
      tpu.wait_dma2 semaphore(%run_scoped3A : memref<!tpu.dma_semaphore, #tpu.memory_space<semaphore_mem>>) src(%arg9 : memref<128x128xf32, #tpu.memory_space<vmem>>) dst(%dma_wait3A_47 : memref<128x128xf32, #tpu.memory_space<hbm>>)
      tpu.yield
    }) : () -> ()
    %add3A_30 = arith.constant 384 : i32
    %add3A_31 = arith.addi %mul3A_0, %add3A_30 : i32
    "tpu.region"() ({
      %run_scoped3A = tpu.sem_alloc : memref<!tpu.dma_semaphore, #tpu.memory_space<semaphore_mem>>
      %dma_start3A = arith.constant 0 : i32
      %dma_start3A_38 = tpu.memref_slice %arg15[%add3A_31, %dma_start3A] : memref<10240x128xf32, #tpu.memory_space<vmem_shared>> -> memref<128x128xf32, #tpu.memory_space<vmem_shared>>
      %dma_start3A_39 = arith.constant 0 : i32
      %dma_start3A_40 = tpu.memref_slice %arg15[%add3A_31, %dma_start3A_39] : memref<10240x128xf32, #tpu.memory_space<vmem_shared>> -> memref<128x128xf32, #tpu.memory_space<vmem_shared>>
      tpu.enqueue_dma source(%dma_start3A_40 : memref<128x128xf32, #tpu.memory_space<vmem_shared>>) target(%arg10 : memref<128x128xf32, #tpu.memory_space<vmem>>) target_semaphore(%run_scoped3A : memref<!tpu.dma_semaphore, #tpu.memory_space<semaphore_mem>>)
      %dma_wait3A = arith.constant 0 : i32
      %dma_wait3A_41 = tpu.memref_slice %arg15[%add3A_31, %dma_wait3A] : memref<10240x128xf32, #tpu.memory_space<vmem_shared>> -> memref<128x128xf32, #tpu.memory_space<vmem_shared>>
      %dma_wait3A_42 = arith.constant 0 : i32
      %dma_wait3A_43 = tpu.memref_slice %arg15[%add3A_31, %dma_wait3A_42] : memref<10240x128xf32, #tpu.memory_space<vmem_shared>> -> memref<128x128xf32, #tpu.memory_space<vmem_shared>>
      tpu.wait_dma2 semaphore(%run_scoped3A : memref<!tpu.dma_semaphore, #tpu.memory_space<semaphore_mem>>) src(%dma_wait3A_43 : memref<128x128xf32, #tpu.memory_space<vmem_shared>>) dst(%arg10 : memref<128x128xf32, #tpu.memory_space<vmem>>)
      tpu.yield
    }) : () -> ()
    %add3A_32 = arith.constant 384 : i32
    %add3A_33 = arith.addi %mul3A_0, %add3A_32 : i32
    "tpu.region"() ({
      %run_scoped3A = tpu.sem_alloc : memref<!tpu.dma_semaphore, #tpu.memory_space<semaphore_mem>>
      %dma_start3A = arith.constant 0 : i32
      %dma_start3A_38 = tpu.memref_slice %arg6[%arg0, %add3A_33, %dma_start3A] : memref<2x10240x128xf32, #tpu.memory_space<hbm>> -> memref<1x128x128xf32, #tpu.memory_space<hbm>>
      %dma_start3A_39 = tpu.memref_squeeze %dma_start3A_38 : memref<1x128x128xf32, #tpu.memory_space<hbm>> -> memref<128x128xf32, #tpu.memory_space<hbm>>
      %dma_start3A_40 = arith.constant 0 : i32
      %dma_start3A_41 = tpu.memref_slice %arg6[%arg0, %add3A_33, %dma_start3A_40] : memref<2x10240x128xf32, #tpu.memory_space<hbm>> -> memref<1x128x128xf32, #tpu.memory_space<hbm>>
      %dma_start3A_42 = tpu.memref_squeeze %dma_start3A_41 : memref<1x128x128xf32, #tpu.memory_space<hbm>> -> memref<128x128xf32, #tpu.memory_space<hbm>>
      tpu.enqueue_dma source(%arg10 : memref<128x128xf32, #tpu.memory_space<vmem>>) target(%dma_start3A_42 : memref<128x128xf32, #tpu.memory_space<hbm>>) target_semaphore(%run_scoped3A : memref<!tpu.dma_semaphore, #tpu.memory_space<semaphore_mem>>)
      %dma_wait3A = arith.constant 0 : i32
      %dma_wait3A_43 = tpu.memref_slice %arg6[%arg0, %add3A_33, %dma_wait3A] : memref<2x10240x128xf32, #tpu.memory_space<hbm>> -> memref<1x128x128xf32, #tpu.memory_space<hbm>>
      %dma_wait3A_44 = tpu.memref_squeeze %dma_wait3A_43 : memref<1x128x128xf32, #tpu.memory_space<hbm>> -> memref<128x128xf32, #tpu.memory_space<hbm>>
      %dma_wait3A_45 = arith.constant 0 : i32
      %dma_wait3A_46 = tpu.memref_slice %arg6[%arg0, %add3A_33, %dma_wait3A_45] : memref<2x10240x128xf32, #tpu.memory_space<hbm>> -> memref<1x128x128xf32, #tpu.memory_space<hbm>>
      %dma_wait3A_47 = tpu.memref_squeeze %dma_wait3A_46 : memref<1x128x128xf32, #tpu.memory_space<hbm>> -> memref<128x128xf32, #tpu.memory_space<hbm>>
      tpu.wait_dma2 semaphore(%run_scoped3A : memref<!tpu.dma_semaphore, #tpu.memory_space<semaphore_mem>>) src(%arg10 : memref<128x128xf32, #tpu.memory_space<vmem>>) dst(%dma_wait3A_47 : memref<128x128xf32, #tpu.memory_space<hbm>>)
      tpu.yield
    }) : () -> ()
    %add3A_34 = arith.constant 512 : i32
    %add3A_35 = arith.addi %mul3A_0, %add3A_34 : i32
    "tpu.region"() ({
      %run_scoped3A = tpu.sem_alloc : memref<!tpu.dma_semaphore, #tpu.memory_space<semaphore_mem>>
      %dma_start3A = arith.constant 0 : i32
      %dma_start3A_38 = tpu.memref_slice %arg15[%add3A_35, %dma_start3A] : memref<10240x128xf32, #tpu.memory_space<vmem_shared>> -> memref<128x128xf32, #tpu.memory_space<vmem_shared>>
      %dma_start3A_39 = arith.constant 0 : i32
      %dma_start3A_40 = tpu.memref_slice %arg15[%add3A_35, %dma_start3A_39] : memref<10240x128xf32, #tpu.memory_space<vmem_shared>> -> memref<128x128xf32, #tpu.memory_space<vmem_shared>>
      tpu.enqueue_dma source(%dma_start3A_40 : memref<128x128xf32, #tpu.memory_space<vmem_shared>>) target(%arg9 : memref<128x128xf32, #tpu.memory_space<vmem>>) target_semaphore(%run_scoped3A : memref<!tpu.dma_semaphore, #tpu.memory_space<semaphore_mem>>)
      %dma_wait3A = arith.constant 0 : i32
      %dma_wait3A_41 = tpu.memref_slice %arg15[%add3A_35, %dma_wait3A] : memref<10240x128xf32, #tpu.memory_space<vmem_shared>> -> memref<128x128xf32, #tpu.memory_space<vmem_shared>>
      %dma_wait3A_42 = arith.constant 0 : i32
      %dma_wait3A_43 = tpu.memref_slice %arg15[%add3A_35, %dma_wait3A_42] : memref<10240x128xf32, #tpu.memory_space<vmem_shared>> -> memref<128x128xf32, #tpu.memory_space<vmem_shared>>
      tpu.wait_dma2 semaphore(%run_scoped3A : memref<!tpu.dma_semaphore, #tpu.memory_space<semaphore_mem>>) src(%dma_wait3A_43 : memref<128x128xf32, #tpu.memory_space<vmem_shared>>) dst(%arg9 : memref<128x128xf32, #tpu.memory_space<vmem>>)
      tpu.yield
    }) : () -> ()
    %add3A_36 = arith.constant 512 : i32
    %add3A_37 = arith.addi %mul3A_0, %add3A_36 : i32
    "tpu.region"() ({
      %run_scoped3A = tpu.sem_alloc : memref<!tpu.dma_semaphore, #tpu.memory_space<semaphore_mem>>
      %dma_start3A = arith.constant 0 : i32
      %dma_start3A_38 = tpu.memref_slice %arg6[%arg0, %add3A_37, %dma_start3A] : memref<2x10240x128xf32, #tpu.memory_space<hbm>> -> memref<1x128x128xf32, #tpu.memory_space<hbm>>
      %dma_start3A_39 = tpu.memref_squeeze %dma_start3A_38 : memref<1x128x128xf32, #tpu.memory_space<hbm>> -> memref<128x128xf32, #tpu.memory_space<hbm>>
      %dma_start3A_40 = arith.constant 0 : i32
      %dma_start3A_41 = tpu.memref_slice %arg6[%arg0, %add3A_37, %dma_start3A_40] : memref<2x10240x128xf32, #tpu.memory_space<hbm>> -> memref<1x128x128xf32, #tpu.memory_space<hbm>>
      %dma_start3A_42 = tpu.memref_squeeze %dma_start3A_41 : memref<1x128x128xf32, #tpu.memory_space<hbm>> -> memref<128x128xf32, #tpu.memory_space<hbm>>
      tpu.enqueue_dma source(%arg9 : memref<128x128xf32, #tpu.memory_space<vmem>>) target(%dma_start3A_42 : memref<128x128xf32, #tpu.memory_space<hbm>>) target_semaphore(%run_scoped3A : memref<!tpu.dma_semaphore, #tpu.memory_space<semaphore_mem>>)
      %dma_wait3A = arith.constant 0 : i32
      %dma_wait3A_43 = tpu.memref_slice %arg6[%arg0, %add3A_37, %dma_wait3A] : memref<2x10240x128xf32, #tpu.memory_space<hbm>> -> memref<1x128x128xf32, #tpu.memory_space<hbm>>
      %dma_wait3A_44 = tpu.memref_squeeze %dma_wait3A_43 : memref<1x128x128xf32, #tpu.memory_space<hbm>> -> memref<128x128xf32, #tpu.memory_space<hbm>>
      %dma_wait3A_45 = arith.constant 0 : i32
      %dma_wait3A_46 = tpu.memref_slice %arg6[%arg0, %add3A_37, %dma_wait3A_45] : memref<2x10240x128xf32, #tpu.memory_space<hbm>> -> memref<1x128x128xf32, #tpu.memory_space<hbm>>
      %dma_wait3A_47 = tpu.memref_squeeze %dma_wait3A_46 : memref<1x128x128xf32, #tpu.memory_space<hbm>> -> memref<128x128xf32, #tpu.memory_space<hbm>>
      tpu.wait_dma2 semaphore(%run_scoped3A : memref<!tpu.dma_semaphore, #tpu.memory_space<semaphore_mem>>) src(%arg9 : memref<128x128xf32, #tpu.memory_space<vmem>>) dst(%dma_wait3A_47 : memref<128x128xf32, #tpu.memory_space<hbm>>)
      tpu.yield
    }) : () -> ()
    return
  }
}

#map = affine_map<(d0, d1) -> (0, 0)>
#map1 = affine_map<(d0, d1) -> (0, 0, 0)>
module attributes {stable_mosaic.version = 14 : i64} {
  func.func @_edge_body(%arg0: i32, %arg1: i32, %arg2: memref<2560x128xi32, #tpu.memory_space<hbm>>, %arg3: memref<2560x128xi32, #tpu.memory_space<hbm>>, %arg4: memref<10240x128xf32, #tpu.memory_space<hbm>>, %arg5: memref<128x128xf32, #tpu.memory_space<hbm>>, %arg6: memref<2x10240x128xf32, #tpu.memory_space<hbm>>, %arg7: memref<48x128xi32, #tpu.memory_space<vmem>>, %arg8: memref<48x128xi32, #tpu.memory_space<vmem>>, %arg9: memref<128x128xf32, #tpu.memory_space<vmem>>, %arg10: memref<128x128xf32, #tpu.memory_space<vmem>>, %arg11: memref<!tpu.dma_semaphore, #tpu.memory_space<semaphore_mem>>, %arg12: memref<!tpu.dma_semaphore, #tpu.memory_space<semaphore_mem>>, %arg13: memref<!tpu.dma_semaphore, #tpu.memory_space<semaphore_mem>>, %arg14: memref<!tpu.dma_semaphore, #tpu.memory_space<semaphore_mem>>, %arg15: memref<10240x128xf32, #tpu.memory_space<vmem_shared>>) attributes {dimension_semantics = [#tpu.dimension_semantics<core_parallel>, #tpu.dimension_semantics<subcore_parallel>], iteration_bounds = array<i64: 2, 16>, scalar_prefetch = 0 : i64, scratch_operands = 9 : i64, tpu.core_type = #tpu.core_type<sc_vector_subcore>, window_params = [{transform_indices = #map}, {transform_indices = #map}, {transform_indices = #map}, {transform_indices = #map}, {transform_indices = #map1}]} {
    %mul3A = arith.constant 640 : i32
    %mul3A_0 = arith.muli %arg1, %mul3A : i32
    "tpu.region"() ({
      %run_scoped3A = tpu.sem_alloc : memref<!tpu.dma_semaphore, #tpu.memory_space<semaphore_mem>>
      tpu.enqueue_dma source(%arg5 : memref<128x128xf32, #tpu.memory_space<hbm>>) target(%arg9 : memref<128x128xf32, #tpu.memory_space<vmem>>) target_semaphore(%run_scoped3A : memref<!tpu.dma_semaphore, #tpu.memory_space<semaphore_mem>>)
      tpu.wait_dma2 semaphore(%run_scoped3A : memref<!tpu.dma_semaphore, #tpu.memory_space<semaphore_mem>>) src(%arg5 : memref<128x128xf32, #tpu.memory_space<hbm>>) dst(%arg9 : memref<128x128xf32, #tpu.memory_space<vmem>>)
      tpu.yield
    }) : () -> ()
    %add3A = arith.constant 0 : i32
    %add3A_1 = arith.addi %mul3A_0, %add3A : i32
    "tpu.region"() ({
      %run_scoped3A = tpu.sem_alloc : memref<!tpu.dma_semaphore, #tpu.memory_space<semaphore_mem>>
      %dma_start3A = arith.constant 0 : i32
      %dma_start3A_38 = tpu.memref_slice %arg15[%add3A_1, %dma_start3A] : memref<10240x128xf32, #tpu.memory_space<vmem_shared>> -> memref<128x128xf32, #tpu.memory_space<vmem_shared>>
      %dma_start3A_39 = arith.constant 0 : i32
      %dma_start3A_40 = tpu.memref_slice %arg15[%add3A_1, %dma_start3A_39] : memref<10240x128xf32, #tpu.memory_space<vmem_shared>> -> memref<128x128xf32, #tpu.memory_space<vmem_shared>>
      tpu.enqueue_dma source(%arg9 : memref<128x128xf32, #tpu.memory_space<vmem>>) target(%dma_start3A_40 : memref<128x128xf32, #tpu.memory_space<vmem_shared>>) target_semaphore(%run_scoped3A : memref<!tpu.dma_semaphore, #tpu.memory_space<semaphore_mem>>)
      %dma_wait3A = arith.constant 0 : i32
      %dma_wait3A_41 = tpu.memref_slice %arg15[%add3A_1, %dma_wait3A] : memref<10240x128xf32, #tpu.memory_space<vmem_shared>> -> memref<128x128xf32, #tpu.memory_space<vmem_shared>>
      %dma_wait3A_42 = arith.constant 0 : i32
      %dma_wait3A_43 = tpu.memref_slice %arg15[%add3A_1, %dma_wait3A_42] : memref<10240x128xf32, #tpu.memory_space<vmem_shared>> -> memref<128x128xf32, #tpu.memory_space<vmem_shared>>
      tpu.wait_dma2 semaphore(%run_scoped3A : memref<!tpu.dma_semaphore, #tpu.memory_space<semaphore_mem>>) src(%arg9 : memref<128x128xf32, #tpu.memory_space<vmem>>) dst(%dma_wait3A_43 : memref<128x128xf32, #tpu.memory_space<vmem_shared>>)
      tpu.yield
    }) : () -> ()
    %add3A_2 = arith.constant 128 : i32
    %add3A_3 = arith.addi %mul3A_0, %add3A_2 : i32
    "tpu.region"() ({
      %run_scoped3A = tpu.sem_alloc : memref<!tpu.dma_semaphore, #tpu.memory_space<semaphore_mem>>
      %dma_start3A = arith.constant 0 : i32
      %dma_start3A_38 = tpu.memref_slice %arg15[%add3A_3, %dma_start3A] : memref<10240x128xf32, #tpu.memory_space<vmem_shared>> -> memref<128x128xf32, #tpu.memory_space<vmem_shared>>
      %dma_start3A_39 = arith.constant 0 : i32
      %dma_start3A_40 = tpu.memref_slice %arg15[%add3A_3, %dma_start3A_39] : memref<10240x128xf32, #tpu.memory_space<vmem_shared>> -> memref<128x128xf32, #tpu.memory_space<vmem_shared>>
      tpu.enqueue_dma source(%arg9 : memref<128x128xf32, #tpu.memory_space<vmem>>) target(%dma_start3A_40 : memref<128x128xf32, #tpu.memory_space<vmem_shared>>) target_semaphore(%run_scoped3A : memref<!tpu.dma_semaphore, #tpu.memory_space<semaphore_mem>>)
      %dma_wait3A = arith.constant 0 : i32
      %dma_wait3A_41 = tpu.memref_slice %arg15[%add3A_3, %dma_wait3A] : memref<10240x128xf32, #tpu.memory_space<vmem_shared>> -> memref<128x128xf32, #tpu.memory_space<vmem_shared>>
      %dma_wait3A_42 = arith.constant 0 : i32
      %dma_wait3A_43 = tpu.memref_slice %arg15[%add3A_3, %dma_wait3A_42] : memref<10240x128xf32, #tpu.memory_space<vmem_shared>> -> memref<128x128xf32, #tpu.memory_space<vmem_shared>>
      tpu.wait_dma2 semaphore(%run_scoped3A : memref<!tpu.dma_semaphore, #tpu.memory_space<semaphore_mem>>) src(%arg9 : memref<128x128xf32, #tpu.memory_space<vmem>>) dst(%dma_wait3A_43 : memref<128x128xf32, #tpu.memory_space<vmem_shared>>)
      tpu.yield
    }) : () -> ()
    %add3A_4 = arith.constant 256 : i32
    %add3A_5 = arith.addi %mul3A_0, %add3A_4 : i32
    "tpu.region"() ({
      %run_scoped3A = tpu.sem_alloc : memref<!tpu.dma_semaphore, #tpu.memory_space<semaphore_mem>>
      %dma_start3A = arith.constant 0 : i32
      %dma_start3A_38 = tpu.memref_slice %arg15[%add3A_5, %dma_start3A] : memref<10240x128xf32, #tpu.memory_space<vmem_shared>> -> memref<128x128xf32, #tpu.memory_space<vmem_shared>>
      %dma_start3A_39 = arith.constant 0 : i32
      %dma_start3A_40 = tpu.memref_slice %arg15[%add3A_5, %dma_start3A_39] : memref<10240x128xf32, #tpu.memory_space<vmem_shared>> -> memref<128x128xf32, #tpu.memory_space<vmem_shared>>
      tpu.enqueue_dma source(%arg9 : memref<128x128xf32, #tpu.memory_space<vmem>>) target(%dma_start3A_40 : memref<128x128xf32, #tpu.memory_space<vmem_shared>>) target_semaphore(%run_scoped3A : memref<!tpu.dma_semaphore, #tpu.memory_space<semaphore_mem>>)
      %dma_wait3A = arith.constant 0 : i32
      %dma_wait3A_41 = tpu.memref_slice %arg15[%add3A_5, %dma_wait3A] : memref<10240x128xf32, #tpu.memory_space<vmem_shared>> -> memref<128x128xf32, #tpu.memory_space<vmem_shared>>
      %dma_wait3A_42 = arith.constant 0 : i32
      %dma_wait3A_43 = tpu.memref_slice %arg15[%add3A_5, %dma_wait3A_42] : memref<10240x128xf32, #tpu.memory_space<vmem_shared>> -> memref<128x128xf32, #tpu.memory_space<vmem_shared>>
      tpu.wait_dma2 semaphore(%run_scoped3A : memref<!tpu.dma_semaphore, #tpu.memory_space<semaphore_mem>>) src(%arg9 : memref<128x128xf32, #tpu.memory_space<vmem>>) dst(%dma_wait3A_43 : memref<128x128xf32, #tpu.memory_space<vmem_shared>>)
      tpu.yield
    }) : () -> ()
    %add3A_6 = arith.constant 384 : i32
    %add3A_7 = arith.addi %mul3A_0, %add3A_6 : i32
    "tpu.region"() ({
      %run_scoped3A = tpu.sem_alloc : memref<!tpu.dma_semaphore, #tpu.memory_space<semaphore_mem>>
      %dma_start3A = arith.constant 0 : i32
      %dma_start3A_38 = tpu.memref_slice %arg15[%add3A_7, %dma_start3A] : memref<10240x128xf32, #tpu.memory_space<vmem_shared>> -> memref<128x128xf32, #tpu.memory_space<vmem_shared>>
      %dma_start3A_39 = arith.constant 0 : i32
      %dma_start3A_40 = tpu.memref_slice %arg15[%add3A_7, %dma_start3A_39] : memref<10240x128xf32, #tpu.memory_space<vmem_shared>> -> memref<128x128xf32, #tpu.memory_space<vmem_shared>>
      tpu.enqueue_dma source(%arg9 : memref<128x128xf32, #tpu.memory_space<vmem>>) target(%dma_start3A_40 : memref<128x128xf32, #tpu.memory_space<vmem_shared>>) target_semaphore(%run_scoped3A : memref<!tpu.dma_semaphore, #tpu.memory_space<semaphore_mem>>)
      %dma_wait3A = arith.constant 0 : i32
      %dma_wait3A_41 = tpu.memref_slice %arg15[%add3A_7, %dma_wait3A] : memref<10240x128xf32, #tpu.memory_space<vmem_shared>> -> memref<128x128xf32, #tpu.memory_space<vmem_shared>>
      %dma_wait3A_42 = arith.constant 0 : i32
      %dma_wait3A_43 = tpu.memref_slice %arg15[%add3A_7, %dma_wait3A_42] : memref<10240x128xf32, #tpu.memory_space<vmem_shared>> -> memref<128x128xf32, #tpu.memory_space<vmem_shared>>
      tpu.wait_dma2 semaphore(%run_scoped3A : memref<!tpu.dma_semaphore, #tpu.memory_space<semaphore_mem>>) src(%arg9 : memref<128x128xf32, #tpu.memory_space<vmem>>) dst(%dma_wait3A_43 : memref<128x128xf32, #tpu.memory_space<vmem_shared>>)
      tpu.yield
    }) : () -> ()
    %add3A_8 = arith.constant 512 : i32
    %add3A_9 = arith.addi %mul3A_0, %add3A_8 : i32
    "tpu.region"() ({
      %run_scoped3A = tpu.sem_alloc : memref<!tpu.dma_semaphore, #tpu.memory_space<semaphore_mem>>
      %dma_start3A = arith.constant 0 : i32
      %dma_start3A_38 = tpu.memref_slice %arg15[%add3A_9, %dma_start3A] : memref<10240x128xf32, #tpu.memory_space<vmem_shared>> -> memref<128x128xf32, #tpu.memory_space<vmem_shared>>
      %dma_start3A_39 = arith.constant 0 : i32
      %dma_start3A_40 = tpu.memref_slice %arg15[%add3A_9, %dma_start3A_39] : memref<10240x128xf32, #tpu.memory_space<vmem_shared>> -> memref<128x128xf32, #tpu.memory_space<vmem_shared>>
      tpu.enqueue_dma source(%arg9 : memref<128x128xf32, #tpu.memory_space<vmem>>) target(%dma_start3A_40 : memref<128x128xf32, #tpu.memory_space<vmem_shared>>) target_semaphore(%run_scoped3A : memref<!tpu.dma_semaphore, #tpu.memory_space<semaphore_mem>>)
      %dma_wait3A = arith.constant 0 : i32
      %dma_wait3A_41 = tpu.memref_slice %arg15[%add3A_9, %dma_wait3A] : memref<10240x128xf32, #tpu.memory_space<vmem_shared>> -> memref<128x128xf32, #tpu.memory_space<vmem_shared>>
      %dma_wait3A_42 = arith.constant 0 : i32
      %dma_wait3A_43 = tpu.memref_slice %arg15[%add3A_9, %dma_wait3A_42] : memref<10240x128xf32, #tpu.memory_space<vmem_shared>> -> memref<128x128xf32, #tpu.memory_space<vmem_shared>>
      tpu.wait_dma2 semaphore(%run_scoped3A : memref<!tpu.dma_semaphore, #tpu.memory_space<semaphore_mem>>) src(%arg9 : memref<128x128xf32, #tpu.memory_space<vmem>>) dst(%dma_wait3A_43 : memref<128x128xf32, #tpu.memory_space<vmem_shared>>)
      tpu.yield
    }) : () -> ()
    %barrier3A = arith.constant 0 : index
    tpu.barrier barrier_id(%barrier3A)
    %eq3A = arith.constant 0 : i32
    %eq3A_10 = arith.cmpi eq, %arg0, %eq3A : i32
    %convert_element_type3A = arith.extui %eq3A_10 : i1 to i32
    %cond3A = arith.constant 0 : i32
    %cond3A_11 = arith.cmpi ne, %convert_element_type3A, %cond3A : i32
    scf.if %cond3A_11 {
      %mul3A_38 = arith.constant 144 : i32
      %mul3A_39 = arith.muli %arg1, %mul3A_38 : i32
      %scan3A = arith.constant 0 : i32
      %scan3A_40 = arith.constant 3 : i32
      %scan3A_41 = arith.addi %scan3A, %scan3A_40 : i32
      %scan3A_42 = arith.constant 1 : i32
      scf.for %scan3A_44 = %scan3A to %scan3A_41 step %scan3A_42  : i32 {
        %mul3A_45 = arith.constant 1 : i32
        %mul3A_46 = arith.muli %scan3A_44, %mul3A_45 : i32
        %add3A_47 = arith.constant 0 : i32
        %add3A_48 = arith.addi %add3A_47, %mul3A_46 : i32
        %mul3A_49 = arith.constant 48 : i32
        %mul3A_50 = arith.muli %add3A_48, %mul3A_49 : i32
        %add3A_51 = arith.addi %mul3A_39, %mul3A_50 : i32
        "tpu.region"() ({
          %run_scoped3A = tpu.sem_alloc : memref<!tpu.dma_semaphore, #tpu.memory_space<semaphore_mem>>
          %dma_start3A_70 = arith.constant 0 : i32
          %dma_start3A_71 = tpu.memref_slice %arg2[%add3A_51, %dma_start3A_70] : memref<2560x128xi32, #tpu.memory_space<hbm>> -> memref<48x128xi32, #tpu.memory_space<hbm>>
          %dma_start3A_72 = arith.constant 0 : i32
          %dma_start3A_73 = tpu.memref_slice %arg2[%add3A_51, %dma_start3A_72] : memref<2560x128xi32, #tpu.memory_space<hbm>> -> memref<48x128xi32, #tpu.memory_space<hbm>>
          tpu.enqueue_dma source(%dma_start3A_73 : memref<48x128xi32, #tpu.memory_space<hbm>>) target(%arg7 : memref<48x128xi32, #tpu.memory_space<vmem>>) target_semaphore(%run_scoped3A : memref<!tpu.dma_semaphore, #tpu.memory_space<semaphore_mem>>)
          %dma_wait3A = arith.constant 0 : i32
          %dma_wait3A_74 = tpu.memref_slice %arg2[%add3A_51, %dma_wait3A] : memref<2560x128xi32, #tpu.memory_space<hbm>> -> memref<48x128xi32, #tpu.memory_space<hbm>>
          %dma_wait3A_75 = arith.constant 0 : i32
          %dma_wait3A_76 = tpu.memref_slice %arg2[%add3A_51, %dma_wait3A_75] : memref<2560x128xi32, #tpu.memory_space<hbm>> -> memref<48x128xi32, #tpu.memory_space<hbm>>
          tpu.wait_dma2 semaphore(%run_scoped3A : memref<!tpu.dma_semaphore, #tpu.memory_space<semaphore_mem>>) src(%dma_wait3A_76 : memref<48x128xi32, #tpu.memory_space<hbm>>) dst(%arg7 : memref<48x128xi32, #tpu.memory_space<vmem>>)
          tpu.yield
        }) : () -> ()
        "tpu.region"() ({
          %run_scoped3A = tpu.sem_alloc : memref<!tpu.dma_semaphore, #tpu.memory_space<semaphore_mem>>
          %dma_start3A_70 = arith.constant 0 : i32
          %dma_start3A_71 = tpu.memref_slice %arg3[%add3A_51, %dma_start3A_70] : memref<2560x128xi32, #tpu.memory_space<hbm>> -> memref<48x128xi32, #tpu.memory_space<hbm>>
          %dma_start3A_72 = arith.constant 0 : i32
          %dma_start3A_73 = tpu.memref_slice %arg3[%add3A_51, %dma_start3A_72] : memref<2560x128xi32, #tpu.memory_space<hbm>> -> memref<48x128xi32, #tpu.memory_space<hbm>>
          tpu.enqueue_dma source(%dma_start3A_73 : memref<48x128xi32, #tpu.memory_space<hbm>>) target(%arg8 : memref<48x128xi32, #tpu.memory_space<vmem>>) target_semaphore(%run_scoped3A : memref<!tpu.dma_semaphore, #tpu.memory_space<semaphore_mem>>)
          %dma_wait3A = arith.constant 0 : i32
          %dma_wait3A_74 = tpu.memref_slice %arg3[%add3A_51, %dma_wait3A] : memref<2560x128xi32, #tpu.memory_space<hbm>> -> memref<48x128xi32, #tpu.memory_space<hbm>>
          %dma_wait3A_75 = arith.constant 0 : i32
          %dma_wait3A_76 = tpu.memref_slice %arg3[%add3A_51, %dma_wait3A_75] : memref<2560x128xi32, #tpu.memory_space<hbm>> -> memref<48x128xi32, #tpu.memory_space<hbm>>
          tpu.wait_dma2 semaphore(%run_scoped3A : memref<!tpu.dma_semaphore, #tpu.memory_space<semaphore_mem>>) src(%dma_wait3A_76 : memref<48x128xi32, #tpu.memory_space<hbm>>) dst(%arg8 : memref<48x128xi32, #tpu.memory_space<vmem>>)
          tpu.yield
        }) : () -> ()
        %dma_start3A = arith.constant 0 : i32
        %dma_start3A_52 = arith.constant 0 : i32
        %dma_start3A_53 = tpu.memref_slice %arg7[%dma_start3A, %dma_start3A_52] : memref<48x128xi32, #tpu.memory_space<vmem>> -> memref<1x128xi32, #tpu.memory_space<vmem>>
        %dma_start3A_54 = tpu.memref_squeeze %dma_start3A_53 : memref<1x128xi32, #tpu.memory_space<vmem>> -> memref<128xi32, #tpu.memory_space<vmem>>
        %dma_start3A_55 = arith.constant 0 : i32
        %dma_start3A_56 = arith.constant 0 : i32
        %dma_start3A_57 = tpu.memref_slice %arg4[%dma_start3A_55, %dma_start3A_56] : memref<10240x128xf32, #tpu.memory_space<hbm>> -> memref<10240x128xf32, #tpu.memory_space<hbm>>
        tpu.enqueue_indirect_dma source(%dma_start3A_57 : memref<10240x128xf32, #tpu.memory_space<hbm>>) target(%arg9 : memref<128x128xf32, #tpu.memory_space<vmem>>) offsets(%dma_start3A_54 : memref<128xi32, #tpu.memory_space<vmem>>) semaphore(%arg11 : memref<!tpu.dma_semaphore, #tpu.memory_space<semaphore_mem>>)
        %dma_start3A_58 = arith.constant 1 : i32
        %dma_start3A_59 = arith.constant 0 : i32
        %dma_start3A_60 = tpu.memref_slice %arg7[%dma_start3A_58, %dma_start3A_59] : memref<48x128xi32, #tpu.memory_space<vmem>> -> memref<1x128xi32, #tpu.memory_space<vmem>>
        %dma_start3A_61 = tpu.memref_squeeze %dma_start3A_60 : memref<1x128xi32, #tpu.memory_space<vmem>> -> memref<128xi32, #tpu.memory_space<vmem>>
        %dma_start3A_62 = arith.constant 0 : i32
        %dma_start3A_63 = arith.constant 0 : i32
        %dma_start3A_64 = tpu.memref_slice %arg4[%dma_start3A_62, %dma_start3A_63] : memref<10240x128xf32, #tpu.memory_space<hbm>> -> memref<10240x128xf32, #tpu.memory_space<hbm>>
        tpu.enqueue_indirect_dma source(%dma_start3A_64 : memref<10240x128xf32, #tpu.memory_space<hbm>>) target(%arg10 : memref<128x128xf32, #tpu.memory_space<vmem>>) offsets(%dma_start3A_61 : memref<128xi32, #tpu.memory_space<vmem>>) semaphore(%arg12 : memref<!tpu.dma_semaphore, #tpu.memory_space<semaphore_mem>>)
        %scan3A_65 = arith.constant 0 : i32
        %scan3A_66 = arith.constant 24 : i32
        %scan3A_67 = arith.addi %scan3A_65, %scan3A_66 : i32
        %scan3A_68 = arith.constant 1 : i32
        scf.for %scan3A_70 = %scan3A_65 to %scan3A_67 step %scan3A_68  : i32 {
          %mul3A_71 = arith.constant 2 : i32
          %mul3A_72 = arith.muli %scan3A_70, %mul3A_71 : i32
          %add3A_73 = arith.constant 0 : i32
          %add3A_74 = arith.addi %add3A_73, %mul3A_72 : i32
          %add3A_75 = arith.constant 0 : i32
          %add3A_76 = arith.addi %add3A_74, %add3A_75 : i32
          tpu.wait_dma2 semaphore(%arg11 : memref<!tpu.dma_semaphore, #tpu.memory_space<semaphore_mem>>) src(%arg5 : memref<128x128xf32, #tpu.memory_space<hbm>>) dst(%arg9 : memref<128x128xf32, #tpu.memory_space<vmem>>)
          %dma_start3A_77 = arith.constant 0 : i32
          %dma_start3A_78 = tpu.memref_slice %arg8[%add3A_76, %dma_start3A_77] : memref<48x128xi32, #tpu.memory_space<vmem>> -> memref<1x128xi32, #tpu.memory_space<vmem>>
          %dma_start3A_79 = tpu.memref_squeeze %dma_start3A_78 : memref<1x128xi32, #tpu.memory_space<vmem>> -> memref<128xi32, #tpu.memory_space<vmem>>
          %dma_start3A_80 = arith.constant 0 : i32
          %dma_start3A_81 = arith.constant 0 : i32
          %dma_start3A_82 = tpu.memref_slice %arg15[%dma_start3A_80, %dma_start3A_81] : memref<10240x128xf32, #tpu.memory_space<vmem_shared>> -> memref<10240x128xf32, #tpu.memory_space<vmem_shared>>
          tpu.enqueue_indirect_dma source(%arg9 : memref<128x128xf32, #tpu.memory_space<vmem>>) target(%dma_start3A_82 : memref<10240x128xf32, #tpu.memory_space<vmem_shared>>) offsets(%dma_start3A_79 : memref<128xi32, #tpu.memory_space<vmem>>) semaphore(%arg13 : memref<!tpu.dma_semaphore, #tpu.memory_space<semaphore_mem>>) {add = true}
          tpu.wait_dma2 semaphore(%arg13 : memref<!tpu.dma_semaphore, #tpu.memory_space<semaphore_mem>>) src(%arg5 : memref<128x128xf32, #tpu.memory_space<hbm>>) dst(%arg9 : memref<128x128xf32, #tpu.memory_space<vmem>>)
          %add3A_83 = arith.constant 2 : i32
          %add3A_84 = arith.addi %add3A_76, %add3A_83 : i32
          %lt3A = arith.constant 48 : i32
          %lt3A_85 = arith.cmpi slt, %add3A_84, %lt3A : i32
          %convert_element_type3A_86 = arith.extui %lt3A_85 : i1 to i32
          %cond3A_87 = arith.constant 0 : i32
          %cond3A_88 = arith.cmpi ne, %convert_element_type3A_86, %cond3A_87 : i32
          scf.if %cond3A_88 {
            %add3A_104 = arith.constant 2 : i32
            %add3A_105 = arith.addi %add3A_76, %add3A_104 : i32
            %dma_start3A_106 = arith.constant 0 : i32
            %dma_start3A_107 = tpu.memref_slice %arg7[%add3A_105, %dma_start3A_106] : memref<48x128xi32, #tpu.memory_space<vmem>> -> memref<1x128xi32, #tpu.memory_space<vmem>>
            %dma_start3A_108 = tpu.memref_squeeze %dma_start3A_107 : memref<1x128xi32, #tpu.memory_space<vmem>> -> memref<128xi32, #tpu.memory_space<vmem>>
            %dma_start3A_109 = arith.constant 0 : i32
            %dma_start3A_110 = arith.constant 0 : i32
            %dma_start3A_111 = tpu.memref_slice %arg4[%dma_start3A_109, %dma_start3A_110] : memref<10240x128xf32, #tpu.memory_space<hbm>> -> memref<10240x128xf32, #tpu.memory_space<hbm>>
            tpu.enqueue_indirect_dma source(%dma_start3A_111 : memref<10240x128xf32, #tpu.memory_space<hbm>>) target(%arg9 : memref<128x128xf32, #tpu.memory_space<vmem>>) offsets(%dma_start3A_108 : memref<128xi32, #tpu.memory_space<vmem>>) semaphore(%arg11 : memref<!tpu.dma_semaphore, #tpu.memory_space<semaphore_mem>>)
          } else {
          }
          %add3A_89 = arith.constant 1 : i32
          %add3A_90 = arith.addi %add3A_74, %add3A_89 : i32
          tpu.wait_dma2 semaphore(%arg12 : memref<!tpu.dma_semaphore, #tpu.memory_space<semaphore_mem>>) src(%arg5 : memref<128x128xf32, #tpu.memory_space<hbm>>) dst(%arg10 : memref<128x128xf32, #tpu.memory_space<vmem>>)
          %dma_start3A_91 = arith.constant 0 : i32
          %dma_start3A_92 = tpu.memref_slice %arg8[%add3A_90, %dma_start3A_91] : memref<48x128xi32, #tpu.memory_space<vmem>> -> memref<1x128xi32, #tpu.memory_space<vmem>>
          %dma_start3A_93 = tpu.memref_squeeze %dma_start3A_92 : memref<1x128xi32, #tpu.memory_space<vmem>> -> memref<128xi32, #tpu.memory_space<vmem>>
          %dma_start3A_94 = arith.constant 0 : i32
          %dma_start3A_95 = arith.constant 0 : i32
          %dma_start3A_96 = tpu.memref_slice %arg15[%dma_start3A_94, %dma_start3A_95] : memref<10240x128xf32, #tpu.memory_space<vmem_shared>> -> memref<10240x128xf32, #tpu.memory_space<vmem_shared>>
          tpu.enqueue_indirect_dma source(%arg10 : memref<128x128xf32, #tpu.memory_space<vmem>>) target(%dma_start3A_96 : memref<10240x128xf32, #tpu.memory_space<vmem_shared>>) offsets(%dma_start3A_93 : memref<128xi32, #tpu.memory_space<vmem>>) semaphore(%arg14 : memref<!tpu.dma_semaphore, #tpu.memory_space<semaphore_mem>>) {add = true}
          tpu.wait_dma2 semaphore(%arg14 : memref<!tpu.dma_semaphore, #tpu.memory_space<semaphore_mem>>) src(%arg5 : memref<128x128xf32, #tpu.memory_space<hbm>>) dst(%arg10 : memref<128x128xf32, #tpu.memory_space<vmem>>)
          %add3A_97 = arith.constant 2 : i32
          %add3A_98 = arith.addi %add3A_90, %add3A_97 : i32
          %lt3A_99 = arith.constant 48 : i32
          %lt3A_100 = arith.cmpi slt, %add3A_98, %lt3A_99 : i32
          %convert_element_type3A_101 = arith.extui %lt3A_100 : i1 to i32
          %cond3A_102 = arith.constant 0 : i32
          %cond3A_103 = arith.cmpi ne, %convert_element_type3A_101, %cond3A_102 : i32
          scf.if %cond3A_103 {
            %add3A_104 = arith.constant 2 : i32
            %add3A_105 = arith.addi %add3A_90, %add3A_104 : i32
            %dma_start3A_106 = arith.constant 0 : i32
            %dma_start3A_107 = tpu.memref_slice %arg7[%add3A_105, %dma_start3A_106] : memref<48x128xi32, #tpu.memory_space<vmem>> -> memref<1x128xi32, #tpu.memory_space<vmem>>
            %dma_start3A_108 = tpu.memref_squeeze %dma_start3A_107 : memref<1x128xi32, #tpu.memory_space<vmem>> -> memref<128xi32, #tpu.memory_space<vmem>>
            %dma_start3A_109 = arith.constant 0 : i32
            %dma_start3A_110 = arith.constant 0 : i32
            %dma_start3A_111 = tpu.memref_slice %arg4[%dma_start3A_109, %dma_start3A_110] : memref<10240x128xf32, #tpu.memory_space<hbm>> -> memref<10240x128xf32, #tpu.memory_space<hbm>>
            tpu.enqueue_indirect_dma source(%dma_start3A_111 : memref<10240x128xf32, #tpu.memory_space<hbm>>) target(%arg10 : memref<128x128xf32, #tpu.memory_space<vmem>>) offsets(%dma_start3A_108 : memref<128xi32, #tpu.memory_space<vmem>>) semaphore(%arg12 : memref<!tpu.dma_semaphore, #tpu.memory_space<semaphore_mem>>)
          } else {
          }
        }
        %scan3A_69 = arith.constant 24 : i32
      }
      %scan3A_43 = arith.constant 3 : i32
    } else {
    }
    %eq3A_12 = arith.constant 1 : i32
    %eq3A_13 = arith.cmpi eq, %arg0, %eq3A_12 : i32
    %convert_element_type3A_14 = arith.extui %eq3A_13 : i1 to i32
    %cond3A_15 = arith.constant 0 : i32
    %cond3A_16 = arith.cmpi ne, %convert_element_type3A_14, %cond3A_15 : i32
    scf.if %cond3A_16 {
      %mul3A_38 = arith.constant 16 : i32
      %mul3A_39 = arith.muli %arg1, %mul3A_38 : i32
      %add3A_40 = arith.constant 2304 : i32
      %add3A_41 = arith.addi %add3A_40, %mul3A_39 : i32
      %scan3A = arith.constant 0 : i32
      %mul3A_42 = arith.constant 1 : i32
      %mul3A_43 = arith.muli %scan3A, %mul3A_42 : i32
      %add3A_44 = arith.constant 0 : i32
      %add3A_45 = arith.addi %add3A_44, %mul3A_43 : i32
      %mul3A_46 = arith.constant 16 : i32
      %mul3A_47 = arith.muli %add3A_45, %mul3A_46 : i32
      %add3A_48 = arith.addi %add3A_41, %mul3A_47 : i32
      "tpu.region"() ({
        %run_scoped3A = tpu.sem_alloc : memref<!tpu.dma_semaphore, #tpu.memory_space<semaphore_mem>>
        %dma_start3A_68 = arith.constant 0 : i32
        %dma_start3A_69 = arith.constant 0 : i32
        %dma_start3A_70 = tpu.memref_slice %arg7[%dma_start3A_68, %dma_start3A_69] : memref<48x128xi32, #tpu.memory_space<vmem>> -> memref<16x128xi32, #tpu.memory_space<vmem>>
        %dma_start3A_71 = arith.constant 0 : i32
        %dma_start3A_72 = tpu.memref_slice %arg2[%add3A_48, %dma_start3A_71] : memref<2560x128xi32, #tpu.memory_space<hbm>> -> memref<16x128xi32, #tpu.memory_space<hbm>>
        %dma_start3A_73 = arith.constant 0 : i32
        %dma_start3A_74 = arith.constant 0 : i32
        %dma_start3A_75 = tpu.memref_slice %arg7[%dma_start3A_73, %dma_start3A_74] : memref<48x128xi32, #tpu.memory_space<vmem>> -> memref<16x128xi32, #tpu.memory_space<vmem>>
        %dma_start3A_76 = arith.constant 0 : i32
        %dma_start3A_77 = tpu.memref_slice %arg2[%add3A_48, %dma_start3A_76] : memref<2560x128xi32, #tpu.memory_space<hbm>> -> memref<16x128xi32, #tpu.memory_space<hbm>>
        tpu.enqueue_dma source(%dma_start3A_77 : memref<16x128xi32, #tpu.memory_space<hbm>>) target(%dma_start3A_75 : memref<16x128xi32, #tpu.memory_space<vmem>>) target_semaphore(%run_scoped3A : memref<!tpu.dma_semaphore, #tpu.memory_space<semaphore_mem>>)
        %dma_wait3A = arith.constant 0 : i32
        %dma_wait3A_78 = arith.constant 0 : i32
        %dma_wait3A_79 = tpu.memref_slice %arg7[%dma_wait3A, %dma_wait3A_78] : memref<48x128xi32, #tpu.memory_space<vmem>> -> memref<16x128xi32, #tpu.memory_space<vmem>>
        %dma_wait3A_80 = arith.constant 0 : i32
        %dma_wait3A_81 = tpu.memref_slice %arg2[%add3A_48, %dma_wait3A_80] : memref<2560x128xi32, #tpu.memory_space<hbm>> -> memref<16x128xi32, #tpu.memory_space<hbm>>
        %dma_wait3A_82 = arith.constant 0 : i32
        %dma_wait3A_83 = arith.constant 0 : i32
        %dma_wait3A_84 = tpu.memref_slice %arg7[%dma_wait3A_82, %dma_wait3A_83] : memref<48x128xi32, #tpu.memory_space<vmem>> -> memref<16x128xi32, #tpu.memory_space<vmem>>
        %dma_wait3A_85 = arith.constant 0 : i32
        %dma_wait3A_86 = tpu.memref_slice %arg2[%add3A_48, %dma_wait3A_85] : memref<2560x128xi32, #tpu.memory_space<hbm>> -> memref<16x128xi32, #tpu.memory_space<hbm>>
        tpu.wait_dma2 semaphore(%run_scoped3A : memref<!tpu.dma_semaphore, #tpu.memory_space<semaphore_mem>>) src(%dma_wait3A_86 : memref<16x128xi32, #tpu.memory_space<hbm>>) dst(%dma_wait3A_84 : memref<16x128xi32, #tpu.memory_space<vmem>>)
        tpu.yield
      }) : () -> ()
      "tpu.region"() ({
        %run_scoped3A = tpu.sem_alloc : memref<!tpu.dma_semaphore, #tpu.memory_space<semaphore_mem>>
        %dma_start3A_68 = arith.constant 0 : i32
        %dma_start3A_69 = arith.constant 0 : i32
        %dma_start3A_70 = tpu.memref_slice %arg8[%dma_start3A_68, %dma_start3A_69] : memref<48x128xi32, #tpu.memory_space<vmem>> -> memref<16x128xi32, #tpu.memory_space<vmem>>
        %dma_start3A_71 = arith.constant 0 : i32
        %dma_start3A_72 = tpu.memref_slice %arg3[%add3A_48, %dma_start3A_71] : memref<2560x128xi32, #tpu.memory_space<hbm>> -> memref<16x128xi32, #tpu.memory_space<hbm>>
        %dma_start3A_73 = arith.constant 0 : i32
        %dma_start3A_74 = arith.constant 0 : i32
        %dma_start3A_75 = tpu.memref_slice %arg8[%dma_start3A_73, %dma_start3A_74] : memref<48x128xi32, #tpu.memory_space<vmem>> -> memref<16x128xi32, #tpu.memory_space<vmem>>
        %dma_start3A_76 = arith.constant 0 : i32
        %dma_start3A_77 = tpu.memref_slice %arg3[%add3A_48, %dma_start3A_76] : memref<2560x128xi32, #tpu.memory_space<hbm>> -> memref<16x128xi32, #tpu.memory_space<hbm>>
        tpu.enqueue_dma source(%dma_start3A_77 : memref<16x128xi32, #tpu.memory_space<hbm>>) target(%dma_start3A_75 : memref<16x128xi32, #tpu.memory_space<vmem>>) target_semaphore(%run_scoped3A : memref<!tpu.dma_semaphore, #tpu.memory_space<semaphore_mem>>)
        %dma_wait3A = arith.constant 0 : i32
        %dma_wait3A_78 = arith.constant 0 : i32
        %dma_wait3A_79 = tpu.memref_slice %arg8[%dma_wait3A, %dma_wait3A_78] : memref<48x128xi32, #tpu.memory_space<vmem>> -> memref<16x128xi32, #tpu.memory_space<vmem>>
        %dma_wait3A_80 = arith.constant 0 : i32
        %dma_wait3A_81 = tpu.memref_slice %arg3[%add3A_48, %dma_wait3A_80] : memref<2560x128xi32, #tpu.memory_space<hbm>> -> memref<16x128xi32, #tpu.memory_space<hbm>>
        %dma_wait3A_82 = arith.constant 0 : i32
        %dma_wait3A_83 = arith.constant 0 : i32
        %dma_wait3A_84 = tpu.memref_slice %arg8[%dma_wait3A_82, %dma_wait3A_83] : memref<48x128xi32, #tpu.memory_space<vmem>> -> memref<16x128xi32, #tpu.memory_space<vmem>>
        %dma_wait3A_85 = arith.constant 0 : i32
        %dma_wait3A_86 = tpu.memref_slice %arg3[%add3A_48, %dma_wait3A_85] : memref<2560x128xi32, #tpu.memory_space<hbm>> -> memref<16x128xi32, #tpu.memory_space<hbm>>
        tpu.wait_dma2 semaphore(%run_scoped3A : memref<!tpu.dma_semaphore, #tpu.memory_space<semaphore_mem>>) src(%dma_wait3A_86 : memref<16x128xi32, #tpu.memory_space<hbm>>) dst(%dma_wait3A_84 : memref<16x128xi32, #tpu.memory_space<vmem>>)
        tpu.yield
      }) : () -> ()
      %dma_start3A = arith.constant 0 : i32
      %dma_start3A_49 = arith.constant 0 : i32
      %dma_start3A_50 = tpu.memref_slice %arg7[%dma_start3A, %dma_start3A_49] : memref<48x128xi32, #tpu.memory_space<vmem>> -> memref<1x128xi32, #tpu.memory_space<vmem>>
      %dma_start3A_51 = tpu.memref_squeeze %dma_start3A_50 : memref<1x128xi32, #tpu.memory_space<vmem>> -> memref<128xi32, #tpu.memory_space<vmem>>
      %dma_start3A_52 = arith.constant 0 : i32
      %dma_start3A_53 = arith.constant 0 : i32
      %dma_start3A_54 = tpu.memref_slice %arg4[%dma_start3A_52, %dma_start3A_53] : memref<10240x128xf32, #tpu.memory_space<hbm>> -> memref<10240x128xf32, #tpu.memory_space<hbm>>
      tpu.enqueue_indirect_dma source(%dma_start3A_54 : memref<10240x128xf32, #tpu.memory_space<hbm>>) target(%arg9 : memref<128x128xf32, #tpu.memory_space<vmem>>) offsets(%dma_start3A_51 : memref<128xi32, #tpu.memory_space<vmem>>) semaphore(%arg11 : memref<!tpu.dma_semaphore, #tpu.memory_space<semaphore_mem>>)
      %dma_start3A_55 = arith.constant 1 : i32
      %dma_start3A_56 = arith.constant 0 : i32
      %dma_start3A_57 = tpu.memref_slice %arg7[%dma_start3A_55, %dma_start3A_56] : memref<48x128xi32, #tpu.memory_space<vmem>> -> memref<1x128xi32, #tpu.memory_space<vmem>>
      %dma_start3A_58 = tpu.memref_squeeze %dma_start3A_57 : memref<1x128xi32, #tpu.memory_space<vmem>> -> memref<128xi32, #tpu.memory_space<vmem>>
      %dma_start3A_59 = arith.constant 0 : i32
      %dma_start3A_60 = arith.constant 0 : i32
      %dma_start3A_61 = tpu.memref_slice %arg4[%dma_start3A_59, %dma_start3A_60] : memref<10240x128xf32, #tpu.memory_space<hbm>> -> memref<10240x128xf32, #tpu.memory_space<hbm>>
      tpu.enqueue_indirect_dma source(%dma_start3A_61 : memref<10240x128xf32, #tpu.memory_space<hbm>>) target(%arg10 : memref<128x128xf32, #tpu.memory_space<vmem>>) offsets(%dma_start3A_58 : memref<128xi32, #tpu.memory_space<vmem>>) semaphore(%arg12 : memref<!tpu.dma_semaphore, #tpu.memory_space<semaphore_mem>>)
      %scan3A_62 = arith.constant 0 : i32
      %scan3A_63 = arith.constant 8 : i32
      %scan3A_64 = arith.addi %scan3A_62, %scan3A_63 : i32
      %scan3A_65 = arith.constant 1 : i32
      scf.for %scan3A_68 = %scan3A_62 to %scan3A_64 step %scan3A_65  : i32 {
        %mul3A_69 = arith.constant 2 : i32
        %mul3A_70 = arith.muli %scan3A_68, %mul3A_69 : i32
        %add3A_71 = arith.constant 0 : i32
        %add3A_72 = arith.addi %add3A_71, %mul3A_70 : i32
        %add3A_73 = arith.constant 0 : i32
        %add3A_74 = arith.addi %add3A_72, %add3A_73 : i32
        tpu.wait_dma2 semaphore(%arg11 : memref<!tpu.dma_semaphore, #tpu.memory_space<semaphore_mem>>) src(%arg5 : memref<128x128xf32, #tpu.memory_space<hbm>>) dst(%arg9 : memref<128x128xf32, #tpu.memory_space<vmem>>)
        %dma_start3A_75 = arith.constant 0 : i32
        %dma_start3A_76 = tpu.memref_slice %arg8[%add3A_74, %dma_start3A_75] : memref<48x128xi32, #tpu.memory_space<vmem>> -> memref<1x128xi32, #tpu.memory_space<vmem>>
        %dma_start3A_77 = tpu.memref_squeeze %dma_start3A_76 : memref<1x128xi32, #tpu.memory_space<vmem>> -> memref<128xi32, #tpu.memory_space<vmem>>
        %dma_start3A_78 = arith.constant 0 : i32
        %dma_start3A_79 = arith.constant 0 : i32
        %dma_start3A_80 = tpu.memref_slice %arg15[%dma_start3A_78, %dma_start3A_79] : memref<10240x128xf32, #tpu.memory_space<vmem_shared>> -> memref<10240x128xf32, #tpu.memory_space<vmem_shared>>
        tpu.enqueue_indirect_dma source(%arg9 : memref<128x128xf32, #tpu.memory_space<vmem>>) target(%dma_start3A_80 : memref<10240x128xf32, #tpu.memory_space<vmem_shared>>) offsets(%dma_start3A_77 : memref<128xi32, #tpu.memory_space<vmem>>) semaphore(%arg13 : memref<!tpu.dma_semaphore, #tpu.memory_space<semaphore_mem>>) {add = true}
        tpu.wait_dma2 semaphore(%arg13 : memref<!tpu.dma_semaphore, #tpu.memory_space<semaphore_mem>>) src(%arg5 : memref<128x128xf32, #tpu.memory_space<hbm>>) dst(%arg9 : memref<128x128xf32, #tpu.memory_space<vmem>>)
        %add3A_81 = arith.constant 2 : i32
        %add3A_82 = arith.addi %add3A_74, %add3A_81 : i32
        %lt3A = arith.constant 16 : i32
        %lt3A_83 = arith.cmpi slt, %add3A_82, %lt3A : i32
        %convert_element_type3A_84 = arith.extui %lt3A_83 : i1 to i32
        %cond3A_85 = arith.constant 0 : i32
        %cond3A_86 = arith.cmpi ne, %convert_element_type3A_84, %cond3A_85 : i32
        scf.if %cond3A_86 {
          %add3A_102 = arith.constant 2 : i32
          %add3A_103 = arith.addi %add3A_74, %add3A_102 : i32
          %dma_start3A_104 = arith.constant 0 : i32
          %dma_start3A_105 = tpu.memref_slice %arg7[%add3A_103, %dma_start3A_104] : memref<48x128xi32, #tpu.memory_space<vmem>> -> memref<1x128xi32, #tpu.memory_space<vmem>>
          %dma_start3A_106 = tpu.memref_squeeze %dma_start3A_105 : memref<1x128xi32, #tpu.memory_space<vmem>> -> memref<128xi32, #tpu.memory_space<vmem>>
          %dma_start3A_107 = arith.constant 0 : i32
          %dma_start3A_108 = arith.constant 0 : i32
          %dma_start3A_109 = tpu.memref_slice %arg4[%dma_start3A_107, %dma_start3A_108] : memref<10240x128xf32, #tpu.memory_space<hbm>> -> memref<10240x128xf32, #tpu.memory_space<hbm>>
          tpu.enqueue_indirect_dma source(%dma_start3A_109 : memref<10240x128xf32, #tpu.memory_space<hbm>>) target(%arg9 : memref<128x128xf32, #tpu.memory_space<vmem>>) offsets(%dma_start3A_106 : memref<128xi32, #tpu.memory_space<vmem>>) semaphore(%arg11 : memref<!tpu.dma_semaphore, #tpu.memory_space<semaphore_mem>>)
        } else {
        }
        %add3A_87 = arith.constant 1 : i32
        %add3A_88 = arith.addi %add3A_72, %add3A_87 : i32
        tpu.wait_dma2 semaphore(%arg12 : memref<!tpu.dma_semaphore, #tpu.memory_space<semaphore_mem>>) src(%arg5 : memref<128x128xf32, #tpu.memory_space<hbm>>) dst(%arg10 : memref<128x128xf32, #tpu.memory_space<vmem>>)
        %dma_start3A_89 = arith.constant 0 : i32
        %dma_start3A_90 = tpu.memref_slice %arg8[%add3A_88, %dma_start3A_89] : memref<48x128xi32, #tpu.memory_space<vmem>> -> memref<1x128xi32, #tpu.memory_space<vmem>>
        %dma_start3A_91 = tpu.memref_squeeze %dma_start3A_90 : memref<1x128xi32, #tpu.memory_space<vmem>> -> memref<128xi32, #tpu.memory_space<vmem>>
        %dma_start3A_92 = arith.constant 0 : i32
        %dma_start3A_93 = arith.constant 0 : i32
        %dma_start3A_94 = tpu.memref_slice %arg15[%dma_start3A_92, %dma_start3A_93] : memref<10240x128xf32, #tpu.memory_space<vmem_shared>> -> memref<10240x128xf32, #tpu.memory_space<vmem_shared>>
        tpu.enqueue_indirect_dma source(%arg10 : memref<128x128xf32, #tpu.memory_space<vmem>>) target(%dma_start3A_94 : memref<10240x128xf32, #tpu.memory_space<vmem_shared>>) offsets(%dma_start3A_91 : memref<128xi32, #tpu.memory_space<vmem>>) semaphore(%arg14 : memref<!tpu.dma_semaphore, #tpu.memory_space<semaphore_mem>>) {add = true}
        tpu.wait_dma2 semaphore(%arg14 : memref<!tpu.dma_semaphore, #tpu.memory_space<semaphore_mem>>) src(%arg5 : memref<128x128xf32, #tpu.memory_space<hbm>>) dst(%arg10 : memref<128x128xf32, #tpu.memory_space<vmem>>)
        %add3A_95 = arith.constant 2 : i32
        %add3A_96 = arith.addi %add3A_88, %add3A_95 : i32
        %lt3A_97 = arith.constant 16 : i32
        %lt3A_98 = arith.cmpi slt, %add3A_96, %lt3A_97 : i32
        %convert_element_type3A_99 = arith.extui %lt3A_98 : i1 to i32
        %cond3A_100 = arith.constant 0 : i32
        %cond3A_101 = arith.cmpi ne, %convert_element_type3A_99, %cond3A_100 : i32
        scf.if %cond3A_101 {
          %add3A_102 = arith.constant 2 : i32
          %add3A_103 = arith.addi %add3A_88, %add3A_102 : i32
          %dma_start3A_104 = arith.constant 0 : i32
          %dma_start3A_105 = tpu.memref_slice %arg7[%add3A_103, %dma_start3A_104] : memref<48x128xi32, #tpu.memory_space<vmem>> -> memref<1x128xi32, #tpu.memory_space<vmem>>
          %dma_start3A_106 = tpu.memref_squeeze %dma_start3A_105 : memref<1x128xi32, #tpu.memory_space<vmem>> -> memref<128xi32, #tpu.memory_space<vmem>>
          %dma_start3A_107 = arith.constant 0 : i32
          %dma_start3A_108 = arith.constant 0 : i32
          %dma_start3A_109 = tpu.memref_slice %arg4[%dma_start3A_107, %dma_start3A_108] : memref<10240x128xf32, #tpu.memory_space<hbm>> -> memref<10240x128xf32, #tpu.memory_space<hbm>>
          tpu.enqueue_indirect_dma source(%dma_start3A_109 : memref<10240x128xf32, #tpu.memory_space<hbm>>) target(%arg10 : memref<128x128xf32, #tpu.memory_space<vmem>>) offsets(%dma_start3A_106 : memref<128xi32, #tpu.memory_space<vmem>>) semaphore(%arg12 : memref<!tpu.dma_semaphore, #tpu.memory_space<semaphore_mem>>)
        } else {
        }
      }
      %scan3A_66 = arith.constant 8 : i32
      %scan3A_67 = arith.constant 1 : i32
    } else {
    }
    %barrier3A_17 = arith.constant 0 : index
    tpu.barrier barrier_id(%barrier3A_17)
    %add3A_18 = arith.constant 0 : i32
    %add3A_19 = arith.addi %mul3A_0, %add3A_18 : i32
    "tpu.region"() ({
      %run_scoped3A = tpu.sem_alloc : memref<!tpu.dma_semaphore, #tpu.memory_space<semaphore_mem>>
      %dma_start3A = arith.constant 0 : i32
      %dma_start3A_38 = tpu.memref_slice %arg15[%add3A_19, %dma_start3A] : memref<10240x128xf32, #tpu.memory_space<vmem_shared>> -> memref<128x128xf32, #tpu.memory_space<vmem_shared>>
      %dma_start3A_39 = arith.constant 0 : i32
      %dma_start3A_40 = tpu.memref_slice %arg15[%add3A_19, %dma_start3A_39] : memref<10240x128xf32, #tpu.memory_space<vmem_shared>> -> memref<128x128xf32, #tpu.memory_space<vmem_shared>>
      tpu.enqueue_dma source(%dma_start3A_40 : memref<128x128xf32, #tpu.memory_space<vmem_shared>>) target(%arg9 : memref<128x128xf32, #tpu.memory_space<vmem>>) target_semaphore(%run_scoped3A : memref<!tpu.dma_semaphore, #tpu.memory_space<semaphore_mem>>)
      %dma_wait3A = arith.constant 0 : i32
      %dma_wait3A_41 = tpu.memref_slice %arg15[%add3A_19, %dma_wait3A] : memref<10240x128xf32, #tpu.memory_space<vmem_shared>> -> memref<128x128xf32, #tpu.memory_space<vmem_shared>>
      %dma_wait3A_42 = arith.constant 0 : i32
      %dma_wait3A_43 = tpu.memref_slice %arg15[%add3A_19, %dma_wait3A_42] : memref<10240x128xf32, #tpu.memory_space<vmem_shared>> -> memref<128x128xf32, #tpu.memory_space<vmem_shared>>
      tpu.wait_dma2 semaphore(%run_scoped3A : memref<!tpu.dma_semaphore, #tpu.memory_space<semaphore_mem>>) src(%dma_wait3A_43 : memref<128x128xf32, #tpu.memory_space<vmem_shared>>) dst(%arg9 : memref<128x128xf32, #tpu.memory_space<vmem>>)
      tpu.yield
    }) : () -> ()
    %add3A_20 = arith.constant 0 : i32
    %add3A_21 = arith.addi %mul3A_0, %add3A_20 : i32
    "tpu.region"() ({
      %run_scoped3A = tpu.sem_alloc : memref<!tpu.dma_semaphore, #tpu.memory_space<semaphore_mem>>
      %dma_start3A = arith.constant 0 : i32
      %dma_start3A_38 = tpu.memref_slice %arg6[%arg0, %add3A_21, %dma_start3A] : memref<2x10240x128xf32, #tpu.memory_space<hbm>> -> memref<1x128x128xf32, #tpu.memory_space<hbm>>
      %dma_start3A_39 = tpu.memref_squeeze %dma_start3A_38 : memref<1x128x128xf32, #tpu.memory_space<hbm>> -> memref<128x128xf32, #tpu.memory_space<hbm>>
      %dma_start3A_40 = arith.constant 0 : i32
      %dma_start3A_41 = tpu.memref_slice %arg6[%arg0, %add3A_21, %dma_start3A_40] : memref<2x10240x128xf32, #tpu.memory_space<hbm>> -> memref<1x128x128xf32, #tpu.memory_space<hbm>>
      %dma_start3A_42 = tpu.memref_squeeze %dma_start3A_41 : memref<1x128x128xf32, #tpu.memory_space<hbm>> -> memref<128x128xf32, #tpu.memory_space<hbm>>
      tpu.enqueue_dma source(%arg9 : memref<128x128xf32, #tpu.memory_space<vmem>>) target(%dma_start3A_42 : memref<128x128xf32, #tpu.memory_space<hbm>>) target_semaphore(%run_scoped3A : memref<!tpu.dma_semaphore, #tpu.memory_space<semaphore_mem>>)
      %dma_wait3A = arith.constant 0 : i32
      %dma_wait3A_43 = tpu.memref_slice %arg6[%arg0, %add3A_21, %dma_wait3A] : memref<2x10240x128xf32, #tpu.memory_space<hbm>> -> memref<1x128x128xf32, #tpu.memory_space<hbm>>
      %dma_wait3A_44 = tpu.memref_squeeze %dma_wait3A_43 : memref<1x128x128xf32, #tpu.memory_space<hbm>> -> memref<128x128xf32, #tpu.memory_space<hbm>>
      %dma_wait3A_45 = arith.constant 0 : i32
      %dma_wait3A_46 = tpu.memref_slice %arg6[%arg0, %add3A_21, %dma_wait3A_45] : memref<2x10240x128xf32, #tpu.memory_space<hbm>> -> memref<1x128x128xf32, #tpu.memory_space<hbm>>
      %dma_wait3A_47 = tpu.memref_squeeze %dma_wait3A_46 : memref<1x128x128xf32, #tpu.memory_space<hbm>> -> memref<128x128xf32, #tpu.memory_space<hbm>>
      tpu.wait_dma2 semaphore(%run_scoped3A : memref<!tpu.dma_semaphore, #tpu.memory_space<semaphore_mem>>) src(%arg9 : memref<128x128xf32, #tpu.memory_space<vmem>>) dst(%dma_wait3A_47 : memref<128x128xf32, #tpu.memory_space<hbm>>)
      tpu.yield
    }) : () -> ()
    %add3A_22 = arith.constant 128 : i32
    %add3A_23 = arith.addi %mul3A_0, %add3A_22 : i32
    "tpu.region"() ({
      %run_scoped3A = tpu.sem_alloc : memref<!tpu.dma_semaphore, #tpu.memory_space<semaphore_mem>>
      %dma_start3A = arith.constant 0 : i32
      %dma_start3A_38 = tpu.memref_slice %arg15[%add3A_23, %dma_start3A] : memref<10240x128xf32, #tpu.memory_space<vmem_shared>> -> memref<128x128xf32, #tpu.memory_space<vmem_shared>>
      %dma_start3A_39 = arith.constant 0 : i32
      %dma_start3A_40 = tpu.memref_slice %arg15[%add3A_23, %dma_start3A_39] : memref<10240x128xf32, #tpu.memory_space<vmem_shared>> -> memref<128x128xf32, #tpu.memory_space<vmem_shared>>
      tpu.enqueue_dma source(%dma_start3A_40 : memref<128x128xf32, #tpu.memory_space<vmem_shared>>) target(%arg10 : memref<128x128xf32, #tpu.memory_space<vmem>>) target_semaphore(%run_scoped3A : memref<!tpu.dma_semaphore, #tpu.memory_space<semaphore_mem>>)
      %dma_wait3A = arith.constant 0 : i32
      %dma_wait3A_41 = tpu.memref_slice %arg15[%add3A_23, %dma_wait3A] : memref<10240x128xf32, #tpu.memory_space<vmem_shared>> -> memref<128x128xf32, #tpu.memory_space<vmem_shared>>
      %dma_wait3A_42 = arith.constant 0 : i32
      %dma_wait3A_43 = tpu.memref_slice %arg15[%add3A_23, %dma_wait3A_42] : memref<10240x128xf32, #tpu.memory_space<vmem_shared>> -> memref<128x128xf32, #tpu.memory_space<vmem_shared>>
      tpu.wait_dma2 semaphore(%run_scoped3A : memref<!tpu.dma_semaphore, #tpu.memory_space<semaphore_mem>>) src(%dma_wait3A_43 : memref<128x128xf32, #tpu.memory_space<vmem_shared>>) dst(%arg10 : memref<128x128xf32, #tpu.memory_space<vmem>>)
      tpu.yield
    }) : () -> ()
    %add3A_24 = arith.constant 128 : i32
    %add3A_25 = arith.addi %mul3A_0, %add3A_24 : i32
    "tpu.region"() ({
      %run_scoped3A = tpu.sem_alloc : memref<!tpu.dma_semaphore, #tpu.memory_space<semaphore_mem>>
      %dma_start3A = arith.constant 0 : i32
      %dma_start3A_38 = tpu.memref_slice %arg6[%arg0, %add3A_25, %dma_start3A] : memref<2x10240x128xf32, #tpu.memory_space<hbm>> -> memref<1x128x128xf32, #tpu.memory_space<hbm>>
      %dma_start3A_39 = tpu.memref_squeeze %dma_start3A_38 : memref<1x128x128xf32, #tpu.memory_space<hbm>> -> memref<128x128xf32, #tpu.memory_space<hbm>>
      %dma_start3A_40 = arith.constant 0 : i32
      %dma_start3A_41 = tpu.memref_slice %arg6[%arg0, %add3A_25, %dma_start3A_40] : memref<2x10240x128xf32, #tpu.memory_space<hbm>> -> memref<1x128x128xf32, #tpu.memory_space<hbm>>
      %dma_start3A_42 = tpu.memref_squeeze %dma_start3A_41 : memref<1x128x128xf32, #tpu.memory_space<hbm>> -> memref<128x128xf32, #tpu.memory_space<hbm>>
      tpu.enqueue_dma source(%arg10 : memref<128x128xf32, #tpu.memory_space<vmem>>) target(%dma_start3A_42 : memref<128x128xf32, #tpu.memory_space<hbm>>) target_semaphore(%run_scoped3A : memref<!tpu.dma_semaphore, #tpu.memory_space<semaphore_mem>>)
      %dma_wait3A = arith.constant 0 : i32
      %dma_wait3A_43 = tpu.memref_slice %arg6[%arg0, %add3A_25, %dma_wait3A] : memref<2x10240x128xf32, #tpu.memory_space<hbm>> -> memref<1x128x128xf32, #tpu.memory_space<hbm>>
      %dma_wait3A_44 = tpu.memref_squeeze %dma_wait3A_43 : memref<1x128x128xf32, #tpu.memory_space<hbm>> -> memref<128x128xf32, #tpu.memory_space<hbm>>
      %dma_wait3A_45 = arith.constant 0 : i32
      %dma_wait3A_46 = tpu.memref_slice %arg6[%arg0, %add3A_25, %dma_wait3A_45] : memref<2x10240x128xf32, #tpu.memory_space<hbm>> -> memref<1x128x128xf32, #tpu.memory_space<hbm>>
      %dma_wait3A_47 = tpu.memref_squeeze %dma_wait3A_46 : memref<1x128x128xf32, #tpu.memory_space<hbm>> -> memref<128x128xf32, #tpu.memory_space<hbm>>
      tpu.wait_dma2 semaphore(%run_scoped3A : memref<!tpu.dma_semaphore, #tpu.memory_space<semaphore_mem>>) src(%arg10 : memref<128x128xf32, #tpu.memory_space<vmem>>) dst(%dma_wait3A_47 : memref<128x128xf32, #tpu.memory_space<hbm>>)
      tpu.yield
    }) : () -> ()
    %add3A_26 = arith.constant 256 : i32
    %add3A_27 = arith.addi %mul3A_0, %add3A_26 : i32
    "tpu.region"() ({
      %run_scoped3A = tpu.sem_alloc : memref<!tpu.dma_semaphore, #tpu.memory_space<semaphore_mem>>
      %dma_start3A = arith.constant 0 : i32
      %dma_start3A_38 = tpu.memref_slice %arg15[%add3A_27, %dma_start3A] : memref<10240x128xf32, #tpu.memory_space<vmem_shared>> -> memref<128x128xf32, #tpu.memory_space<vmem_shared>>
      %dma_start3A_39 = arith.constant 0 : i32
      %dma_start3A_40 = tpu.memref_slice %arg15[%add3A_27, %dma_start3A_39] : memref<10240x128xf32, #tpu.memory_space<vmem_shared>> -> memref<128x128xf32, #tpu.memory_space<vmem_shared>>
      tpu.enqueue_dma source(%dma_start3A_40 : memref<128x128xf32, #tpu.memory_space<vmem_shared>>) target(%arg9 : memref<128x128xf32, #tpu.memory_space<vmem>>) target_semaphore(%run_scoped3A : memref<!tpu.dma_semaphore, #tpu.memory_space<semaphore_mem>>)
      %dma_wait3A = arith.constant 0 : i32
      %dma_wait3A_41 = tpu.memref_slice %arg15[%add3A_27, %dma_wait3A] : memref<10240x128xf32, #tpu.memory_space<vmem_shared>> -> memref<128x128xf32, #tpu.memory_space<vmem_shared>>
      %dma_wait3A_42 = arith.constant 0 : i32
      %dma_wait3A_43 = tpu.memref_slice %arg15[%add3A_27, %dma_wait3A_42] : memref<10240x128xf32, #tpu.memory_space<vmem_shared>> -> memref<128x128xf32, #tpu.memory_space<vmem_shared>>
      tpu.wait_dma2 semaphore(%run_scoped3A : memref<!tpu.dma_semaphore, #tpu.memory_space<semaphore_mem>>) src(%dma_wait3A_43 : memref<128x128xf32, #tpu.memory_space<vmem_shared>>) dst(%arg9 : memref<128x128xf32, #tpu.memory_space<vmem>>)
      tpu.yield
    }) : () -> ()
    %add3A_28 = arith.constant 256 : i32
    %add3A_29 = arith.addi %mul3A_0, %add3A_28 : i32
    "tpu.region"() ({
      %run_scoped3A = tpu.sem_alloc : memref<!tpu.dma_semaphore, #tpu.memory_space<semaphore_mem>>
      %dma_start3A = arith.constant 0 : i32
      %dma_start3A_38 = tpu.memref_slice %arg6[%arg0, %add3A_29, %dma_start3A] : memref<2x10240x128xf32, #tpu.memory_space<hbm>> -> memref<1x128x128xf32, #tpu.memory_space<hbm>>
      %dma_start3A_39 = tpu.memref_squeeze %dma_start3A_38 : memref<1x128x128xf32, #tpu.memory_space<hbm>> -> memref<128x128xf32, #tpu.memory_space<hbm>>
      %dma_start3A_40 = arith.constant 0 : i32
      %dma_start3A_41 = tpu.memref_slice %arg6[%arg0, %add3A_29, %dma_start3A_40] : memref<2x10240x128xf32, #tpu.memory_space<hbm>> -> memref<1x128x128xf32, #tpu.memory_space<hbm>>
      %dma_start3A_42 = tpu.memref_squeeze %dma_start3A_41 : memref<1x128x128xf32, #tpu.memory_space<hbm>> -> memref<128x128xf32, #tpu.memory_space<hbm>>
      tpu.enqueue_dma source(%arg9 : memref<128x128xf32, #tpu.memory_space<vmem>>) target(%dma_start3A_42 : memref<128x128xf32, #tpu.memory_space<hbm>>) target_semaphore(%run_scoped3A : memref<!tpu.dma_semaphore, #tpu.memory_space<semaphore_mem>>)
      %dma_wait3A = arith.constant 0 : i32
      %dma_wait3A_43 = tpu.memref_slice %arg6[%arg0, %add3A_29, %dma_wait3A] : memref<2x10240x128xf32, #tpu.memory_space<hbm>> -> memref<1x128x128xf32, #tpu.memory_space<hbm>>
      %dma_wait3A_44 = tpu.memref_squeeze %dma_wait3A_43 : memref<1x128x128xf32, #tpu.memory_space<hbm>> -> memref<128x128xf32, #tpu.memory_space<hbm>>
      %dma_wait3A_45 = arith.constant 0 : i32
      %dma_wait3A_46 = tpu.memref_slice %arg6[%arg0, %add3A_29, %dma_wait3A_45] : memref<2x10240x128xf32, #tpu.memory_space<hbm>> -> memref<1x128x128xf32, #tpu.memory_space<hbm>>
      %dma_wait3A_47 = tpu.memref_squeeze %dma_wait3A_46 : memref<1x128x128xf32, #tpu.memory_space<hbm>> -> memref<128x128xf32, #tpu.memory_space<hbm>>
      tpu.wait_dma2 semaphore(%run_scoped3A : memref<!tpu.dma_semaphore, #tpu.memory_space<semaphore_mem>>) src(%arg9 : memref<128x128xf32, #tpu.memory_space<vmem>>) dst(%dma_wait3A_47 : memref<128x128xf32, #tpu.memory_space<hbm>>)
      tpu.yield
    }) : () -> ()
    %add3A_30 = arith.constant 384 : i32
    %add3A_31 = arith.addi %mul3A_0, %add3A_30 : i32
    "tpu.region"() ({
      %run_scoped3A = tpu.sem_alloc : memref<!tpu.dma_semaphore, #tpu.memory_space<semaphore_mem>>
      %dma_start3A = arith.constant 0 : i32
      %dma_start3A_38 = tpu.memref_slice %arg15[%add3A_31, %dma_start3A] : memref<10240x128xf32, #tpu.memory_space<vmem_shared>> -> memref<128x128xf32, #tpu.memory_space<vmem_shared>>
      %dma_start3A_39 = arith.constant 0 : i32
      %dma_start3A_40 = tpu.memref_slice %arg15[%add3A_31, %dma_start3A_39] : memref<10240x128xf32, #tpu.memory_space<vmem_shared>> -> memref<128x128xf32, #tpu.memory_space<vmem_shared>>
      tpu.enqueue_dma source(%dma_start3A_40 : memref<128x128xf32, #tpu.memory_space<vmem_shared>>) target(%arg10 : memref<128x128xf32, #tpu.memory_space<vmem>>) target_semaphore(%run_scoped3A : memref<!tpu.dma_semaphore, #tpu.memory_space<semaphore_mem>>)
      %dma_wait3A = arith.constant 0 : i32
      %dma_wait3A_41 = tpu.memref_slice %arg15[%add3A_31, %dma_wait3A] : memref<10240x128xf32, #tpu.memory_space<vmem_shared>> -> memref<128x128xf32, #tpu.memory_space<vmem_shared>>
      %dma_wait3A_42 = arith.constant 0 : i32
      %dma_wait3A_43 = tpu.memref_slice %arg15[%add3A_31, %dma_wait3A_42] : memref<10240x128xf32, #tpu.memory_space<vmem_shared>> -> memref<128x128xf32, #tpu.memory_space<vmem_shared>>
      tpu.wait_dma2 semaphore(%run_scoped3A : memref<!tpu.dma_semaphore, #tpu.memory_space<semaphore_mem>>) src(%dma_wait3A_43 : memref<128x128xf32, #tpu.memory_space<vmem_shared>>) dst(%arg10 : memref<128x128xf32, #tpu.memory_space<vmem>>)
      tpu.yield
    }) : () -> ()
    %add3A_32 = arith.constant 384 : i32
    %add3A_33 = arith.addi %mul3A_0, %add3A_32 : i32
    "tpu.region"() ({
      %run_scoped3A = tpu.sem_alloc : memref<!tpu.dma_semaphore, #tpu.memory_space<semaphore_mem>>
      %dma_start3A = arith.constant 0 : i32
      %dma_start3A_38 = tpu.memref_slice %arg6[%arg0, %add3A_33, %dma_start3A] : memref<2x10240x128xf32, #tpu.memory_space<hbm>> -> memref<1x128x128xf32, #tpu.memory_space<hbm>>
      %dma_start3A_39 = tpu.memref_squeeze %dma_start3A_38 : memref<1x128x128xf32, #tpu.memory_space<hbm>> -> memref<128x128xf32, #tpu.memory_space<hbm>>
      %dma_start3A_40 = arith.constant 0 : i32
      %dma_start3A_41 = tpu.memref_slice %arg6[%arg0, %add3A_33, %dma_start3A_40] : memref<2x10240x128xf32, #tpu.memory_space<hbm>> -> memref<1x128x128xf32, #tpu.memory_space<hbm>>
      %dma_start3A_42 = tpu.memref_squeeze %dma_start3A_41 : memref<1x128x128xf32, #tpu.memory_space<hbm>> -> memref<128x128xf32, #tpu.memory_space<hbm>>
      tpu.enqueue_dma source(%arg10 : memref<128x128xf32, #tpu.memory_space<vmem>>) target(%dma_start3A_42 : memref<128x128xf32, #tpu.memory_space<hbm>>) target_semaphore(%run_scoped3A : memref<!tpu.dma_semaphore, #tpu.memory_space<semaphore_mem>>)
      %dma_wait3A = arith.constant 0 : i32
      %dma_wait3A_43 = tpu.memref_slice %arg6[%arg0, %add3A_33, %dma_wait3A] : memref<2x10240x128xf32, #tpu.memory_space<hbm>> -> memref<1x128x128xf32, #tpu.memory_space<hbm>>
      %dma_wait3A_44 = tpu.memref_squeeze %dma_wait3A_43 : memref<1x128x128xf32, #tpu.memory_space<hbm>> -> memref<128x128xf32, #tpu.memory_space<hbm>>
      %dma_wait3A_45 = arith.constant 0 : i32
      %dma_wait3A_46 = tpu.memref_slice %arg6[%arg0, %add3A_33, %dma_wait3A_45] : memref<2x10240x128xf32, #tpu.memory_space<hbm>> -> memref<1x128x128xf32, #tpu.memory_space<hbm>>
      %dma_wait3A_47 = tpu.memref_squeeze %dma_wait3A_46 : memref<1x128x128xf32, #tpu.memory_space<hbm>> -> memref<128x128xf32, #tpu.memory_space<hbm>>
      tpu.wait_dma2 semaphore(%run_scoped3A : memref<!tpu.dma_semaphore, #tpu.memory_space<semaphore_mem>>) src(%arg10 : memref<128x128xf32, #tpu.memory_space<vmem>>) dst(%dma_wait3A_47 : memref<128x128xf32, #tpu.memory_space<hbm>>)
      tpu.yield
    }) : () -> ()
    %add3A_34 = arith.constant 512 : i32
    %add3A_35 = arith.addi %mul3A_0, %add3A_34 : i32
    "tpu.region"() ({
      %run_scoped3A = tpu.sem_alloc : memref<!tpu.dma_semaphore, #tpu.memory_space<semaphore_mem>>
      %dma_start3A = arith.constant 0 : i32
      %dma_start3A_38 = tpu.memref_slice %arg15[%add3A_35, %dma_start3A] : memref<10240x128xf32, #tpu.memory_space<vmem_shared>> -> memref<128x128xf32, #tpu.memory_space<vmem_shared>>
      %dma_start3A_39 = arith.constant 0 : i32
      %dma_start3A_40 = tpu.memref_slice %arg15[%add3A_35, %dma_start3A_39] : memref<10240x128xf32, #tpu.memory_space<vmem_shared>> -> memref<128x128xf32, #tpu.memory_space<vmem_shared>>
      tpu.enqueue_dma source(%dma_start3A_40 : memref<128x128xf32, #tpu.memory_space<vmem_shared>>) target(%arg9 : memref<128x128xf32, #tpu.memory_space<vmem>>) target_semaphore(%run_scoped3A : memref<!tpu.dma_semaphore, #tpu.memory_space<semaphore_mem>>)
      %dma_wait3A = arith.constant 0 : i32
      %dma_wait3A_41 = tpu.memref_slice %arg15[%add3A_35, %dma_wait3A] : memref<10240x128xf32, #tpu.memory_space<vmem_shared>> -> memref<128x128xf32, #tpu.memory_space<vmem_shared>>
      %dma_wait3A_42 = arith.constant 0 : i32
      %dma_wait3A_43 = tpu.memref_slice %arg15[%add3A_35, %dma_wait3A_42] : memref<10240x128xf32, #tpu.memory_space<vmem_shared>> -> memref<128x128xf32, #tpu.memory_space<vmem_shared>>
      tpu.wait_dma2 semaphore(%run_scoped3A : memref<!tpu.dma_semaphore, #tpu.memory_space<semaphore_mem>>) src(%dma_wait3A_43 : memref<128x128xf32, #tpu.memory_space<vmem_shared>>) dst(%arg9 : memref<128x128xf32, #tpu.memory_space<vmem>>)
      tpu.yield
    }) : () -> ()
    %add3A_36 = arith.constant 512 : i32
    %add3A_37 = arith.addi %mul3A_0, %add3A_36 : i32
    "tpu.region"() ({
      %run_scoped3A = tpu.sem_alloc : memref<!tpu.dma_semaphore, #tpu.memory_space<semaphore_mem>>
      %dma_start3A = arith.constant 0 : i32
      %dma_start3A_38 = tpu.memref_slice %arg6[%arg0, %add3A_37, %dma_start3A] : memref<2x10240x128xf32, #tpu.memory_space<hbm>> -> memref<1x128x128xf32, #tpu.memory_space<hbm>>
      %dma_start3A_39 = tpu.memref_squeeze %dma_start3A_38 : memref<1x128x128xf32, #tpu.memory_space<hbm>> -> memref<128x128xf32, #tpu.memory_space<hbm>>
      %dma_start3A_40 = arith.constant 0 : i32
      %dma_start3A_41 = tpu.memref_slice %arg6[%arg0, %add3A_37, %dma_start3A_40] : memref<2x10240x128xf32, #tpu.memory_space<hbm>> -> memref<1x128x128xf32, #tpu.memory_space<hbm>>
      %dma_start3A_42 = tpu.memref_squeeze %dma_start3A_41 : memref<1x128x128xf32, #tpu.memory_space<hbm>> -> memref<128x128xf32, #tpu.memory_space<hbm>>
      tpu.enqueue_dma source(%arg9 : memref<128x128xf32, #tpu.memory_space<vmem>>) target(%dma_start3A_42 : memref<128x128xf32, #tpu.memory_space<hbm>>) target_semaphore(%run_scoped3A : memref<!tpu.dma_semaphore, #tpu.memory_space<semaphore_mem>>)
      %dma_wait3A = arith.constant 0 : i32
      %dma_wait3A_43 = tpu.memref_slice %arg6[%arg0, %add3A_37, %dma_wait3A] : memref<2x10240x128xf32, #tpu.memory_space<hbm>> -> memref<1x128x128xf32, #tpu.memory_space<hbm>>
      %dma_wait3A_44 = tpu.memref_squeeze %dma_wait3A_43 : memref<1x128x128xf32, #tpu.memory_space<hbm>> -> memref<128x128xf32, #tpu.memory_space<hbm>>
      %dma_wait3A_45 = arith.constant 0 : i32
      %dma_wait3A_46 = tpu.memref_slice %arg6[%arg0, %add3A_37, %dma_wait3A_45] : memref<2x10240x128xf32, #tpu.memory_space<hbm>> -> memref<1x128x128xf32, #tpu.memory_space<hbm>>
      %dma_wait3A_47 = tpu.memref_squeeze %dma_wait3A_46 : memref<1x128x128xf32, #tpu.memory_space<hbm>> -> memref<128x128xf32, #tpu.memory_space<hbm>>
      tpu.wait_dma2 semaphore(%run_scoped3A : memref<!tpu.dma_semaphore, #tpu.memory_space<semaphore_mem>>) src(%arg9 : memref<128x128xf32, #tpu.memory_space<vmem>>) dst(%dma_wait3A_47 : memref<128x128xf32, #tpu.memory_space<hbm>>)
      tpu.yield
    }) : () -> ()
    return
  }
}

#map = affine_map<(d0, d1) -> (0, 0)>
#map1 = affine_map<(d0, d1) -> (0, 0, 0)>
module attributes {stable_mosaic.version = 14 : i64} {
  func.func @_prep_body(%arg0: i32, %arg1: i32, %arg2: memref<80x128xi32, #tpu.memory_space<hbm>>, %arg3: memref<2560x128xi32, #tpu.memory_space<hbm>>, %arg4: memref<10000x128xf32, #tpu.memory_space<hbm>>, %arg5: memref<128x128xf32, #tpu.memory_space<hbm>>, %arg6: memref<128x128xf32, #tpu.memory_space<hbm>>, %arg7: memref<10240x128xf32, #tpu.memory_space<hbm>>, %arg8: memref<2x10240x128xf32, #tpu.memory_space<hbm>>, %arg9: memref<128xi32, #tpu.memory_space<vmem>>, %arg10: memref<16x128xi32, #tpu.memory_space<vmem>>, %arg11: memref<128x128xf32, #tpu.memory_space<vmem>>, %arg12: memref<128x128xf32, #tpu.memory_space<vmem>>, %arg13: memref<!tpu.dma_semaphore, #tpu.memory_space<semaphore_mem>>, %arg14: memref<!tpu.dma_semaphore, #tpu.memory_space<semaphore_mem>>, %arg15: memref<10240x128xf32, #tpu.memory_space<vmem_shared>>) attributes {dimension_semantics = [#tpu.dimension_semantics<core_parallel>, #tpu.dimension_semantics<subcore_parallel>], iteration_bounds = array<i64: 2, 16>, scalar_prefetch = 0 : i64, scratch_operands = 7 : i64, tpu.core_type = #tpu.core_type<sc_vector_subcore>, window_params = [{transform_indices = #map}, {transform_indices = #map}, {transform_indices = #map}, {transform_indices = #map}, {transform_indices = #map}, {transform_indices = #map}, {transform_indices = #map1}]} {
    %mul3A = arith.constant 2 : i32
    %mul3A_0 = arith.muli %arg1, %mul3A : i32
    %add3A = arith.addi %mul3A_0, %arg0 : i32
    %mul3A_1 = arith.constant 640 : i32
    %mul3A_2 = arith.muli %arg1, %mul3A_1 : i32
    "tpu.region"() ({
      %run_scoped3A = tpu.sem_alloc : memref<!tpu.dma_semaphore, #tpu.memory_space<semaphore_mem>>
      tpu.enqueue_dma source(%arg5 : memref<128x128xf32, #tpu.memory_space<hbm>>) target(%arg11 : memref<128x128xf32, #tpu.memory_space<vmem>>) target_semaphore(%run_scoped3A : memref<!tpu.dma_semaphore, #tpu.memory_space<semaphore_mem>>)
      tpu.wait_dma2 semaphore(%run_scoped3A : memref<!tpu.dma_semaphore, #tpu.memory_space<semaphore_mem>>) src(%arg5 : memref<128x128xf32, #tpu.memory_space<hbm>>) dst(%arg11 : memref<128x128xf32, #tpu.memory_space<vmem>>)
      tpu.yield
    }) : () -> ()
    %add3A_3 = arith.constant 0 : i32
    %add3A_4 = arith.addi %mul3A_2, %add3A_3 : i32
    "tpu.region"() ({
      %run_scoped3A = tpu.sem_alloc : memref<!tpu.dma_semaphore, #tpu.memory_space<semaphore_mem>>
      %dma_start3A_67 = arith.constant 0 : i32
      %dma_start3A_68 = tpu.memref_slice %arg15[%add3A_4, %dma_start3A_67] : memref<10240x128xf32, #tpu.memory_space<vmem_shared>> -> memref<128x128xf32, #tpu.memory_space<vmem_shared>>
      %dma_start3A_69 = arith.constant 0 : i32
      %dma_start3A_70 = tpu.memref_slice %arg15[%add3A_4, %dma_start3A_69] : memref<10240x128xf32, #tpu.memory_space<vmem_shared>> -> memref<128x128xf32, #tpu.memory_space<vmem_shared>>
      tpu.enqueue_dma source(%arg11 : memref<128x128xf32, #tpu.memory_space<vmem>>) target(%dma_start3A_70 : memref<128x128xf32, #tpu.memory_space<vmem_shared>>) target_semaphore(%run_scoped3A : memref<!tpu.dma_semaphore, #tpu.memory_space<semaphore_mem>>)
      %dma_wait3A_71 = arith.constant 0 : i32
      %dma_wait3A_72 = tpu.memref_slice %arg15[%add3A_4, %dma_wait3A_71] : memref<10240x128xf32, #tpu.memory_space<vmem_shared>> -> memref<128x128xf32, #tpu.memory_space<vmem_shared>>
      %dma_wait3A_73 = arith.constant 0 : i32
      %dma_wait3A_74 = tpu.memref_slice %arg15[%add3A_4, %dma_wait3A_73] : memref<10240x128xf32, #tpu.memory_space<vmem_shared>> -> memref<128x128xf32, #tpu.memory_space<vmem_shared>>
      tpu.wait_dma2 semaphore(%run_scoped3A : memref<!tpu.dma_semaphore, #tpu.memory_space<semaphore_mem>>) src(%arg11 : memref<128x128xf32, #tpu.memory_space<vmem>>) dst(%dma_wait3A_74 : memref<128x128xf32, #tpu.memory_space<vmem_shared>>)
      tpu.yield
    }) : () -> ()
    %add3A_5 = arith.constant 128 : i32
    %add3A_6 = arith.addi %mul3A_2, %add3A_5 : i32
    "tpu.region"() ({
      %run_scoped3A = tpu.sem_alloc : memref<!tpu.dma_semaphore, #tpu.memory_space<semaphore_mem>>
      %dma_start3A_67 = arith.constant 0 : i32
      %dma_start3A_68 = tpu.memref_slice %arg15[%add3A_6, %dma_start3A_67] : memref<10240x128xf32, #tpu.memory_space<vmem_shared>> -> memref<128x128xf32, #tpu.memory_space<vmem_shared>>
      %dma_start3A_69 = arith.constant 0 : i32
      %dma_start3A_70 = tpu.memref_slice %arg15[%add3A_6, %dma_start3A_69] : memref<10240x128xf32, #tpu.memory_space<vmem_shared>> -> memref<128x128xf32, #tpu.memory_space<vmem_shared>>
      tpu.enqueue_dma source(%arg11 : memref<128x128xf32, #tpu.memory_space<vmem>>) target(%dma_start3A_70 : memref<128x128xf32, #tpu.memory_space<vmem_shared>>) target_semaphore(%run_scoped3A : memref<!tpu.dma_semaphore, #tpu.memory_space<semaphore_mem>>)
      %dma_wait3A_71 = arith.constant 0 : i32
      %dma_wait3A_72 = tpu.memref_slice %arg15[%add3A_6, %dma_wait3A_71] : memref<10240x128xf32, #tpu.memory_space<vmem_shared>> -> memref<128x128xf32, #tpu.memory_space<vmem_shared>>
      %dma_wait3A_73 = arith.constant 0 : i32
      %dma_wait3A_74 = tpu.memref_slice %arg15[%add3A_6, %dma_wait3A_73] : memref<10240x128xf32, #tpu.memory_space<vmem_shared>> -> memref<128x128xf32, #tpu.memory_space<vmem_shared>>
      tpu.wait_dma2 semaphore(%run_scoped3A : memref<!tpu.dma_semaphore, #tpu.memory_space<semaphore_mem>>) src(%arg11 : memref<128x128xf32, #tpu.memory_space<vmem>>) dst(%dma_wait3A_74 : memref<128x128xf32, #tpu.memory_space<vmem_shared>>)
      tpu.yield
    }) : () -> ()
    %add3A_7 = arith.constant 256 : i32
    %add3A_8 = arith.addi %mul3A_2, %add3A_7 : i32
    "tpu.region"() ({
      %run_scoped3A = tpu.sem_alloc : memref<!tpu.dma_semaphore, #tpu.memory_space<semaphore_mem>>
      %dma_start3A_67 = arith.constant 0 : i32
      %dma_start3A_68 = tpu.memref_slice %arg15[%add3A_8, %dma_start3A_67] : memref<10240x128xf32, #tpu.memory_space<vmem_shared>> -> memref<128x128xf32, #tpu.memory_space<vmem_shared>>
      %dma_start3A_69 = arith.constant 0 : i32
      %dma_start3A_70 = tpu.memref_slice %arg15[%add3A_8, %dma_start3A_69] : memref<10240x128xf32, #tpu.memory_space<vmem_shared>> -> memref<128x128xf32, #tpu.memory_space<vmem_shared>>
      tpu.enqueue_dma source(%arg11 : memref<128x128xf32, #tpu.memory_space<vmem>>) target(%dma_start3A_70 : memref<128x128xf32, #tpu.memory_space<vmem_shared>>) target_semaphore(%run_scoped3A : memref<!tpu.dma_semaphore, #tpu.memory_space<semaphore_mem>>)
      %dma_wait3A_71 = arith.constant 0 : i32
      %dma_wait3A_72 = tpu.memref_slice %arg15[%add3A_8, %dma_wait3A_71] : memref<10240x128xf32, #tpu.memory_space<vmem_shared>> -> memref<128x128xf32, #tpu.memory_space<vmem_shared>>
      %dma_wait3A_73 = arith.constant 0 : i32
      %dma_wait3A_74 = tpu.memref_slice %arg15[%add3A_8, %dma_wait3A_73] : memref<10240x128xf32, #tpu.memory_space<vmem_shared>> -> memref<128x128xf32, #tpu.memory_space<vmem_shared>>
      tpu.wait_dma2 semaphore(%run_scoped3A : memref<!tpu.dma_semaphore, #tpu.memory_space<semaphore_mem>>) src(%arg11 : memref<128x128xf32, #tpu.memory_space<vmem>>) dst(%dma_wait3A_74 : memref<128x128xf32, #tpu.memory_space<vmem_shared>>)
      tpu.yield
    }) : () -> ()
    %add3A_9 = arith.constant 384 : i32
    %add3A_10 = arith.addi %mul3A_2, %add3A_9 : i32
    "tpu.region"() ({
      %run_scoped3A = tpu.sem_alloc : memref<!tpu.dma_semaphore, #tpu.memory_space<semaphore_mem>>
      %dma_start3A_67 = arith.constant 0 : i32
      %dma_start3A_68 = tpu.memref_slice %arg15[%add3A_10, %dma_start3A_67] : memref<10240x128xf32, #tpu.memory_space<vmem_shared>> -> memref<128x128xf32, #tpu.memory_space<vmem_shared>>
      %dma_start3A_69 = arith.constant 0 : i32
      %dma_start3A_70 = tpu.memref_slice %arg15[%add3A_10, %dma_start3A_69] : memref<10240x128xf32, #tpu.memory_space<vmem_shared>> -> memref<128x128xf32, #tpu.memory_space<vmem_shared>>
      tpu.enqueue_dma source(%arg11 : memref<128x128xf32, #tpu.memory_space<vmem>>) target(%dma_start3A_70 : memref<128x128xf32, #tpu.memory_space<vmem_shared>>) target_semaphore(%run_scoped3A : memref<!tpu.dma_semaphore, #tpu.memory_space<semaphore_mem>>)
      %dma_wait3A_71 = arith.constant 0 : i32
      %dma_wait3A_72 = tpu.memref_slice %arg15[%add3A_10, %dma_wait3A_71] : memref<10240x128xf32, #tpu.memory_space<vmem_shared>> -> memref<128x128xf32, #tpu.memory_space<vmem_shared>>
      %dma_wait3A_73 = arith.constant 0 : i32
      %dma_wait3A_74 = tpu.memref_slice %arg15[%add3A_10, %dma_wait3A_73] : memref<10240x128xf32, #tpu.memory_space<vmem_shared>> -> memref<128x128xf32, #tpu.memory_space<vmem_shared>>
      tpu.wait_dma2 semaphore(%run_scoped3A : memref<!tpu.dma_semaphore, #tpu.memory_space<semaphore_mem>>) src(%arg11 : memref<128x128xf32, #tpu.memory_space<vmem>>) dst(%dma_wait3A_74 : memref<128x128xf32, #tpu.memory_space<vmem_shared>>)
      tpu.yield
    }) : () -> ()
    %add3A_11 = arith.constant 512 : i32
    %add3A_12 = arith.addi %mul3A_2, %add3A_11 : i32
    "tpu.region"() ({
      %run_scoped3A = tpu.sem_alloc : memref<!tpu.dma_semaphore, #tpu.memory_space<semaphore_mem>>
      %dma_start3A_67 = arith.constant 0 : i32
      %dma_start3A_68 = tpu.memref_slice %arg15[%add3A_12, %dma_start3A_67] : memref<10240x128xf32, #tpu.memory_space<vmem_shared>> -> memref<128x128xf32, #tpu.memory_space<vmem_shared>>
      %dma_start3A_69 = arith.constant 0 : i32
      %dma_start3A_70 = tpu.memref_slice %arg15[%add3A_12, %dma_start3A_69] : memref<10240x128xf32, #tpu.memory_space<vmem_shared>> -> memref<128x128xf32, #tpu.memory_space<vmem_shared>>
      tpu.enqueue_dma source(%arg11 : memref<128x128xf32, #tpu.memory_space<vmem>>) target(%dma_start3A_70 : memref<128x128xf32, #tpu.memory_space<vmem_shared>>) target_semaphore(%run_scoped3A : memref<!tpu.dma_semaphore, #tpu.memory_space<semaphore_mem>>)
      %dma_wait3A_71 = arith.constant 0 : i32
      %dma_wait3A_72 = tpu.memref_slice %arg15[%add3A_12, %dma_wait3A_71] : memref<10240x128xf32, #tpu.memory_space<vmem_shared>> -> memref<128x128xf32, #tpu.memory_space<vmem_shared>>
      %dma_wait3A_73 = arith.constant 0 : i32
      %dma_wait3A_74 = tpu.memref_slice %arg15[%add3A_12, %dma_wait3A_73] : memref<10240x128xf32, #tpu.memory_space<vmem_shared>> -> memref<128x128xf32, #tpu.memory_space<vmem_shared>>
      tpu.wait_dma2 semaphore(%run_scoped3A : memref<!tpu.dma_semaphore, #tpu.memory_space<semaphore_mem>>) src(%arg11 : memref<128x128xf32, #tpu.memory_space<vmem>>) dst(%dma_wait3A_74 : memref<128x128xf32, #tpu.memory_space<vmem_shared>>)
      tpu.yield
    }) : () -> ()
    "tpu.region"() ({
      %run_scoped3A = tpu.sem_alloc : memref<!tpu.dma_semaphore, #tpu.memory_space<semaphore_mem>>
      tpu.enqueue_dma source(%arg6 : memref<128x128xf32, #tpu.memory_space<hbm>>) target(%arg12 : memref<128x128xf32, #tpu.memory_space<vmem>>) target_semaphore(%run_scoped3A : memref<!tpu.dma_semaphore, #tpu.memory_space<semaphore_mem>>)
      tpu.wait_dma2 semaphore(%run_scoped3A : memref<!tpu.dma_semaphore, #tpu.memory_space<semaphore_mem>>) src(%arg6 : memref<128x128xf32, #tpu.memory_space<hbm>>) dst(%arg12 : memref<128x128xf32, #tpu.memory_space<vmem>>)
      tpu.yield
    }) : () -> ()
    %mul3A_13 = arith.constant 2 : i32
    %mul3A_14 = arith.muli %add3A, %mul3A_13 : i32
    %add3A_15 = arith.constant 0 : i32
    %add3A_16 = arith.addi %mul3A_14, %add3A_15 : i32
    "tpu.region"() ({
      %run_scoped3A = tpu.sem_alloc : memref<!tpu.dma_semaphore, #tpu.memory_space<semaphore_mem>>
      %dma_start3A_67 = arith.constant 0 : i32
      %dma_start3A_68 = tpu.memref_slice %arg2[%add3A_16, %dma_start3A_67] : memref<80x128xi32, #tpu.memory_space<hbm>> -> memref<1x128xi32, #tpu.memory_space<hbm>>
      %dma_start3A_69 = tpu.memref_squeeze %dma_start3A_68 : memref<1x128xi32, #tpu.memory_space<hbm>> -> memref<128xi32, #tpu.memory_space<hbm>>
      %dma_start3A_70 = arith.constant 0 : i32
      %dma_start3A_71 = tpu.memref_slice %arg2[%add3A_16, %dma_start3A_70] : memref<80x128xi32, #tpu.memory_space<hbm>> -> memref<1x128xi32, #tpu.memory_space<hbm>>
      %dma_start3A_72 = tpu.memref_squeeze %dma_start3A_71 : memref<1x128xi32, #tpu.memory_space<hbm>> -> memref<128xi32, #tpu.memory_space<hbm>>
      tpu.enqueue_dma source(%dma_start3A_72 : memref<128xi32, #tpu.memory_space<hbm>>) target(%arg9 : memref<128xi32, #tpu.memory_space<vmem>>) target_semaphore(%run_scoped3A : memref<!tpu.dma_semaphore, #tpu.memory_space<semaphore_mem>>)
      %dma_wait3A_73 = arith.constant 0 : i32
      %dma_wait3A_74 = tpu.memref_slice %arg2[%add3A_16, %dma_wait3A_73] : memref<80x128xi32, #tpu.memory_space<hbm>> -> memref<1x128xi32, #tpu.memory_space<hbm>>
      %dma_wait3A_75 = tpu.memref_squeeze %dma_wait3A_74 : memref<1x128xi32, #tpu.memory_space<hbm>> -> memref<128xi32, #tpu.memory_space<hbm>>
      %dma_wait3A_76 = arith.constant 0 : i32
      %dma_wait3A_77 = tpu.memref_slice %arg2[%add3A_16, %dma_wait3A_76] : memref<80x128xi32, #tpu.memory_space<hbm>> -> memref<1x128xi32, #tpu.memory_space<hbm>>
      %dma_wait3A_78 = tpu.memref_squeeze %dma_wait3A_77 : memref<1x128xi32, #tpu.memory_space<hbm>> -> memref<128xi32, #tpu.memory_space<hbm>>
      tpu.wait_dma2 semaphore(%run_scoped3A : memref<!tpu.dma_semaphore, #tpu.memory_space<semaphore_mem>>) src(%dma_wait3A_78 : memref<128xi32, #tpu.memory_space<hbm>>) dst(%arg9 : memref<128xi32, #tpu.memory_space<vmem>>)
      tpu.yield
    }) : () -> ()
    %dma_start3A = arith.constant 0 : i32
    %dma_start3A_17 = arith.constant 0 : i32
    %dma_start3A_18 = tpu.memref_slice %arg4[%dma_start3A, %dma_start3A_17] : memref<10000x128xf32, #tpu.memory_space<hbm>> -> memref<10000x128xf32, #tpu.memory_space<hbm>>
    tpu.enqueue_indirect_dma source(%dma_start3A_18 : memref<10000x128xf32, #tpu.memory_space<hbm>>) target(%arg11 : memref<128x128xf32, #tpu.memory_space<vmem>>) offsets(%arg9 : memref<128xi32, #tpu.memory_space<vmem>>) semaphore(%arg13 : memref<!tpu.dma_semaphore, #tpu.memory_space<semaphore_mem>>)
    %dma_wait3A = arith.constant 0 : i32
    %dma_wait3A_19 = arith.constant 0 : i32
    %dma_wait3A_20 = tpu.memref_slice %arg4[%dma_wait3A, %dma_wait3A_19] : memref<10000x128xf32, #tpu.memory_space<hbm>> -> memref<10000x128xf32, #tpu.memory_space<hbm>>
    tpu.wait_indirect_dma semaphore(%arg13 : memref<!tpu.dma_semaphore, #tpu.memory_space<semaphore_mem>>) src(%dma_wait3A_20 : memref<10000x128xf32, #tpu.memory_space<hbm>>) dst(%arg11 : memref<128x128xf32, #tpu.memory_space<vmem>>)
    %mul3A_21 = arith.constant 128 : i32
    %mul3A_22 = arith.muli %add3A_16, %mul3A_21 : i32
    "tpu.region"() ({
      %run_scoped3A = tpu.sem_alloc : memref<!tpu.dma_semaphore, #tpu.memory_space<semaphore_mem>>
      %dma_start3A_67 = arith.constant 0 : i32
      %dma_start3A_68 = tpu.memref_slice %arg7[%mul3A_22, %dma_start3A_67] : memref<10240x128xf32, #tpu.memory_space<hbm>> -> memref<128x128xf32, #tpu.memory_space<hbm>>
      %dma_start3A_69 = arith.constant 0 : i32
      %dma_start3A_70 = tpu.memref_slice %arg7[%mul3A_22, %dma_start3A_69] : memref<10240x128xf32, #tpu.memory_space<hbm>> -> memref<128x128xf32, #tpu.memory_space<hbm>>
      tpu.enqueue_dma source(%arg11 : memref<128x128xf32, #tpu.memory_space<vmem>>) target(%dma_start3A_70 : memref<128x128xf32, #tpu.memory_space<hbm>>) target_semaphore(%run_scoped3A : memref<!tpu.dma_semaphore, #tpu.memory_space<semaphore_mem>>)
      %dma_wait3A_71 = arith.constant 0 : i32
      %dma_wait3A_72 = tpu.memref_slice %arg7[%mul3A_22, %dma_wait3A_71] : memref<10240x128xf32, #tpu.memory_space<hbm>> -> memref<128x128xf32, #tpu.memory_space<hbm>>
      %dma_wait3A_73 = arith.constant 0 : i32
      %dma_wait3A_74 = tpu.memref_slice %arg7[%mul3A_22, %dma_wait3A_73] : memref<10240x128xf32, #tpu.memory_space<hbm>> -> memref<128x128xf32, #tpu.memory_space<hbm>>
      tpu.wait_dma2 semaphore(%run_scoped3A : memref<!tpu.dma_semaphore, #tpu.memory_space<semaphore_mem>>) src(%arg11 : memref<128x128xf32, #tpu.memory_space<vmem>>) dst(%dma_wait3A_74 : memref<128x128xf32, #tpu.memory_space<hbm>>)
      tpu.yield
    }) : () -> ()
    %mul3A_23 = arith.constant 2 : i32
    %mul3A_24 = arith.muli %add3A, %mul3A_23 : i32
    %add3A_25 = arith.constant 1 : i32
    %add3A_26 = arith.addi %mul3A_24, %add3A_25 : i32
    "tpu.region"() ({
      %run_scoped3A = tpu.sem_alloc : memref<!tpu.dma_semaphore, #tpu.memory_space<semaphore_mem>>
      %dma_start3A_67 = arith.constant 0 : i32
      %dma_start3A_68 = tpu.memref_slice %arg2[%add3A_26, %dma_start3A_67] : memref<80x128xi32, #tpu.memory_space<hbm>> -> memref<1x128xi32, #tpu.memory_space<hbm>>
      %dma_start3A_69 = tpu.memref_squeeze %dma_start3A_68 : memref<1x128xi32, #tpu.memory_space<hbm>> -> memref<128xi32, #tpu.memory_space<hbm>>
      %dma_start3A_70 = arith.constant 0 : i32
      %dma_start3A_71 = tpu.memref_slice %arg2[%add3A_26, %dma_start3A_70] : memref<80x128xi32, #tpu.memory_space<hbm>> -> memref<1x128xi32, #tpu.memory_space<hbm>>
      %dma_start3A_72 = tpu.memref_squeeze %dma_start3A_71 : memref<1x128xi32, #tpu.memory_space<hbm>> -> memref<128xi32, #tpu.memory_space<hbm>>
      tpu.enqueue_dma source(%dma_start3A_72 : memref<128xi32, #tpu.memory_space<hbm>>) target(%arg9 : memref<128xi32, #tpu.memory_space<vmem>>) target_semaphore(%run_scoped3A : memref<!tpu.dma_semaphore, #tpu.memory_space<semaphore_mem>>)
      %dma_wait3A_73 = arith.constant 0 : i32
      %dma_wait3A_74 = tpu.memref_slice %arg2[%add3A_26, %dma_wait3A_73] : memref<80x128xi32, #tpu.memory_space<hbm>> -> memref<1x128xi32, #tpu.memory_space<hbm>>
      %dma_wait3A_75 = tpu.memref_squeeze %dma_wait3A_74 : memref<1x128xi32, #tpu.memory_space<hbm>> -> memref<128xi32, #tpu.memory_space<hbm>>
      %dma_wait3A_76 = arith.constant 0 : i32
      %dma_wait3A_77 = tpu.memref_slice %arg2[%add3A_26, %dma_wait3A_76] : memref<80x128xi32, #tpu.memory_space<hbm>> -> memref<1x128xi32, #tpu.memory_space<hbm>>
      %dma_wait3A_78 = tpu.memref_squeeze %dma_wait3A_77 : memref<1x128xi32, #tpu.memory_space<hbm>> -> memref<128xi32, #tpu.memory_space<hbm>>
      tpu.wait_dma2 semaphore(%run_scoped3A : memref<!tpu.dma_semaphore, #tpu.memory_space<semaphore_mem>>) src(%dma_wait3A_78 : memref<128xi32, #tpu.memory_space<hbm>>) dst(%arg9 : memref<128xi32, #tpu.memory_space<vmem>>)
      tpu.yield
    }) : () -> ()
    %dma_start3A_27 = arith.constant 0 : i32
    %dma_start3A_28 = arith.constant 0 : i32
    %dma_start3A_29 = tpu.memref_slice %arg4[%dma_start3A_27, %dma_start3A_28] : memref<10000x128xf32, #tpu.memory_space<hbm>> -> memref<10000x128xf32, #tpu.memory_space<hbm>>
    tpu.enqueue_indirect_dma source(%dma_start3A_29 : memref<10000x128xf32, #tpu.memory_space<hbm>>) target(%arg11 : memref<128x128xf32, #tpu.memory_space<vmem>>) offsets(%arg9 : memref<128xi32, #tpu.memory_space<vmem>>) semaphore(%arg13 : memref<!tpu.dma_semaphore, #tpu.memory_space<semaphore_mem>>)
    %dma_wait3A_30 = arith.constant 0 : i32
    %dma_wait3A_31 = arith.constant 0 : i32
    %dma_wait3A_32 = tpu.memref_slice %arg4[%dma_wait3A_30, %dma_wait3A_31] : memref<10000x128xf32, #tpu.memory_space<hbm>> -> memref<10000x128xf32, #tpu.memory_space<hbm>>
    tpu.wait_indirect_dma semaphore(%arg13 : memref<!tpu.dma_semaphore, #tpu.memory_space<semaphore_mem>>) src(%dma_wait3A_32 : memref<10000x128xf32, #tpu.memory_space<hbm>>) dst(%arg11 : memref<128x128xf32, #tpu.memory_space<vmem>>)
    %mul3A_33 = arith.constant 128 : i32
    %mul3A_34 = arith.muli %add3A_26, %mul3A_33 : i32
    "tpu.region"() ({
      %run_scoped3A = tpu.sem_alloc : memref<!tpu.dma_semaphore, #tpu.memory_space<semaphore_mem>>
      %dma_start3A_67 = arith.constant 0 : i32
      %dma_start3A_68 = tpu.memref_slice %arg7[%mul3A_34, %dma_start3A_67] : memref<10240x128xf32, #tpu.memory_space<hbm>> -> memref<128x128xf32, #tpu.memory_space<hbm>>
      %dma_start3A_69 = arith.constant 0 : i32
      %dma_start3A_70 = tpu.memref_slice %arg7[%mul3A_34, %dma_start3A_69] : memref<10240x128xf32, #tpu.memory_space<hbm>> -> memref<128x128xf32, #tpu.memory_space<hbm>>
      tpu.enqueue_dma source(%arg11 : memref<128x128xf32, #tpu.memory_space<vmem>>) target(%dma_start3A_70 : memref<128x128xf32, #tpu.memory_space<hbm>>) target_semaphore(%run_scoped3A : memref<!tpu.dma_semaphore, #tpu.memory_space<semaphore_mem>>)
      %dma_wait3A_71 = arith.constant 0 : i32
      %dma_wait3A_72 = tpu.memref_slice %arg7[%mul3A_34, %dma_wait3A_71] : memref<10240x128xf32, #tpu.memory_space<hbm>> -> memref<128x128xf32, #tpu.memory_space<hbm>>
      %dma_wait3A_73 = arith.constant 0 : i32
      %dma_wait3A_74 = tpu.memref_slice %arg7[%mul3A_34, %dma_wait3A_73] : memref<10240x128xf32, #tpu.memory_space<hbm>> -> memref<128x128xf32, #tpu.memory_space<hbm>>
      tpu.wait_dma2 semaphore(%run_scoped3A : memref<!tpu.dma_semaphore, #tpu.memory_space<semaphore_mem>>) src(%arg11 : memref<128x128xf32, #tpu.memory_space<vmem>>) dst(%dma_wait3A_74 : memref<128x128xf32, #tpu.memory_space<hbm>>)
      tpu.yield
    }) : () -> ()
    %lt3A = arith.constant 16 : i32
    %lt3A_35 = arith.cmpi slt, %add3A, %lt3A : i32
    %convert_element_type3A = arith.extui %lt3A_35 : i1 to i32
    %cond3A = arith.constant 0 : i32
    %cond3A_36 = arith.cmpi ne, %convert_element_type3A, %cond3A : i32
    scf.if %cond3A_36 {
      %add3A_67 = arith.constant 64 : i32
      %add3A_68 = arith.addi %add3A_67, %add3A : i32
      "tpu.region"() ({
        %run_scoped3A = tpu.sem_alloc : memref<!tpu.dma_semaphore, #tpu.memory_space<semaphore_mem>>
        %dma_start3A_77 = arith.constant 0 : i32
        %dma_start3A_78 = tpu.memref_slice %arg2[%add3A_68, %dma_start3A_77] : memref<80x128xi32, #tpu.memory_space<hbm>> -> memref<1x128xi32, #tpu.memory_space<hbm>>
        %dma_start3A_79 = tpu.memref_squeeze %dma_start3A_78 : memref<1x128xi32, #tpu.memory_space<hbm>> -> memref<128xi32, #tpu.memory_space<hbm>>
        %dma_start3A_80 = arith.constant 0 : i32
        %dma_start3A_81 = tpu.memref_slice %arg2[%add3A_68, %dma_start3A_80] : memref<80x128xi32, #tpu.memory_space<hbm>> -> memref<1x128xi32, #tpu.memory_space<hbm>>
        %dma_start3A_82 = tpu.memref_squeeze %dma_start3A_81 : memref<1x128xi32, #tpu.memory_space<hbm>> -> memref<128xi32, #tpu.memory_space<hbm>>
        tpu.enqueue_dma source(%dma_start3A_82 : memref<128xi32, #tpu.memory_space<hbm>>) target(%arg9 : memref<128xi32, #tpu.memory_space<vmem>>) target_semaphore(%run_scoped3A : memref<!tpu.dma_semaphore, #tpu.memory_space<semaphore_mem>>)
        %dma_wait3A_83 = arith.constant 0 : i32
        %dma_wait3A_84 = tpu.memref_slice %arg2[%add3A_68, %dma_wait3A_83] : memref<80x128xi32, #tpu.memory_space<hbm>> -> memref<1x128xi32, #tpu.memory_space<hbm>>
        %dma_wait3A_85 = tpu.memref_squeeze %dma_wait3A_84 : memref<1x128xi32, #tpu.memory_space<hbm>> -> memref<128xi32, #tpu.memory_space<hbm>>
        %dma_wait3A_86 = arith.constant 0 : i32
        %dma_wait3A_87 = tpu.memref_slice %arg2[%add3A_68, %dma_wait3A_86] : memref<80x128xi32, #tpu.memory_space<hbm>> -> memref<1x128xi32, #tpu.memory_space<hbm>>
        %dma_wait3A_88 = tpu.memref_squeeze %dma_wait3A_87 : memref<1x128xi32, #tpu.memory_space<hbm>> -> memref<128xi32, #tpu.memory_space<hbm>>
        tpu.wait_dma2 semaphore(%run_scoped3A : memref<!tpu.dma_semaphore, #tpu.memory_space<semaphore_mem>>) src(%dma_wait3A_88 : memref<128xi32, #tpu.memory_space<hbm>>) dst(%arg9 : memref<128xi32, #tpu.memory_space<vmem>>)
        tpu.yield
      }) : () -> ()
      %dma_start3A_69 = arith.constant 0 : i32
      %dma_start3A_70 = arith.constant 0 : i32
      %dma_start3A_71 = tpu.memref_slice %arg4[%dma_start3A_69, %dma_start3A_70] : memref<10000x128xf32, #tpu.memory_space<hbm>> -> memref<10000x128xf32, #tpu.memory_space<hbm>>
      tpu.enqueue_indirect_dma source(%dma_start3A_71 : memref<10000x128xf32, #tpu.memory_space<hbm>>) target(%arg11 : memref<128x128xf32, #tpu.memory_space<vmem>>) offsets(%arg9 : memref<128xi32, #tpu.memory_space<vmem>>) semaphore(%arg13 : memref<!tpu.dma_semaphore, #tpu.memory_space<semaphore_mem>>)
      %dma_wait3A_72 = arith.constant 0 : i32
      %dma_wait3A_73 = arith.constant 0 : i32
      %dma_wait3A_74 = tpu.memref_slice %arg4[%dma_wait3A_72, %dma_wait3A_73] : memref<10000x128xf32, #tpu.memory_space<hbm>> -> memref<10000x128xf32, #tpu.memory_space<hbm>>
      tpu.wait_indirect_dma semaphore(%arg13 : memref<!tpu.dma_semaphore, #tpu.memory_space<semaphore_mem>>) src(%dma_wait3A_74 : memref<10000x128xf32, #tpu.memory_space<hbm>>) dst(%arg11 : memref<128x128xf32, #tpu.memory_space<vmem>>)
      %mul3A_75 = arith.constant 128 : i32
      %mul3A_76 = arith.muli %add3A_68, %mul3A_75 : i32
      "tpu.region"() ({
        %run_scoped3A = tpu.sem_alloc : memref<!tpu.dma_semaphore, #tpu.memory_space<semaphore_mem>>
        %dma_start3A_77 = arith.constant 0 : i32
        %dma_start3A_78 = tpu.memref_slice %arg7[%mul3A_76, %dma_start3A_77] : memref<10240x128xf32, #tpu.memory_space<hbm>> -> memref<128x128xf32, #tpu.memory_space<hbm>>
        %dma_start3A_79 = arith.constant 0 : i32
        %dma_start3A_80 = tpu.memref_slice %arg7[%mul3A_76, %dma_start3A_79] : memref<10240x128xf32, #tpu.memory_space<hbm>> -> memref<128x128xf32, #tpu.memory_space<hbm>>
        tpu.enqueue_dma source(%arg11 : memref<128x128xf32, #tpu.memory_space<vmem>>) target(%dma_start3A_80 : memref<128x128xf32, #tpu.memory_space<hbm>>) target_semaphore(%run_scoped3A : memref<!tpu.dma_semaphore, #tpu.memory_space<semaphore_mem>>)
        %dma_wait3A_81 = arith.constant 0 : i32
        %dma_wait3A_82 = tpu.memref_slice %arg7[%mul3A_76, %dma_wait3A_81] : memref<10240x128xf32, #tpu.memory_space<hbm>> -> memref<128x128xf32, #tpu.memory_space<hbm>>
        %dma_wait3A_83 = arith.constant 0 : i32
        %dma_wait3A_84 = tpu.memref_slice %arg7[%mul3A_76, %dma_wait3A_83] : memref<10240x128xf32, #tpu.memory_space<hbm>> -> memref<128x128xf32, #tpu.memory_space<hbm>>
        tpu.wait_dma2 semaphore(%run_scoped3A : memref<!tpu.dma_semaphore, #tpu.memory_space<semaphore_mem>>) src(%arg11 : memref<128x128xf32, #tpu.memory_space<vmem>>) dst(%dma_wait3A_84 : memref<128x128xf32, #tpu.memory_space<hbm>>)
        tpu.yield
      }) : () -> ()
    } else {
    }
    %barrier3A = arith.constant 0 : index
    tpu.barrier barrier_id(%barrier3A)
    %mul3A_37 = arith.constant 1280 : i32
    %mul3A_38 = arith.muli %arg0, %mul3A_37 : i32
    %mul3A_39 = arith.constant 80 : i32
    %mul3A_40 = arith.muli %arg1, %mul3A_39 : i32
    %add3A_41 = arith.addi %mul3A_38, %mul3A_40 : i32
    %scan3A = arith.constant 0 : i32
    %scan3A_42 = arith.constant 5 : i32
    %scan3A_43 = arith.addi %scan3A, %scan3A_42 : i32
    %scan3A_44 = arith.constant 1 : i32
    scf.for %scan3A_67 = %scan3A to %scan3A_43 step %scan3A_44  : i32 {
      %mul3A_68 = arith.constant 16 : i32
      %mul3A_69 = arith.muli %scan3A_67, %mul3A_68 : i32
      %add3A_70 = arith.constant 0 : i32
      %add3A_71 = arith.addi %add3A_70, %mul3A_69 : i32
      %add3A_72 = arith.addi %add3A_41, %add3A_71 : i32
      %add3A_73 = arith.constant 0 : i32
      %add3A_74 = arith.addi %add3A_72, %add3A_73 : i32
      %run_scoped3A = arith.constant 0 : i32
      "tpu.region"() ({
        %run_scoped3A_247 = tpu.sem_alloc : memref<!tpu.dma_semaphore, #tpu.memory_space<semaphore_mem>>
        %dma_start3A_248 = arith.constant 0 : i32
        %dma_start3A_249 = tpu.memref_slice %arg10[%run_scoped3A, %dma_start3A_248] : memref<16x128xi32, #tpu.memory_space<vmem>> -> memref<1x128xi32, #tpu.memory_space<vmem>>
        %dma_start3A_250 = tpu.memref_squeeze %dma_start3A_249 : memref<1x128xi32, #tpu.memory_space<vmem>> -> memref<128xi32, #tpu.memory_space<vmem>>
        %dma_start3A_251 = arith.constant 0 : i32
        %dma_start3A_252 = tpu.memref_slice %arg3[%add3A_74, %dma_start3A_251] : memref<2560x128xi32, #tpu.memory_space<hbm>> -> memref<1x128xi32, #tpu.memory_space<hbm>>
        %dma_start3A_253 = tpu.memref_squeeze %dma_start3A_252 : memref<1x128xi32, #tpu.memory_space<hbm>> -> memref<128xi32, #tpu.memory_space<hbm>>
        %dma_start3A_254 = arith.constant 0 : i32
        %dma_start3A_255 = tpu.memref_slice %arg10[%run_scoped3A, %dma_start3A_254] : memref<16x128xi32, #tpu.memory_space<vmem>> -> memref<1x128xi32, #tpu.memory_space<vmem>>
        %dma_start3A_256 = tpu.memref_squeeze %dma_start3A_255 : memref<1x128xi32, #tpu.memory_space<vmem>> -> memref<128xi32, #tpu.memory_space<vmem>>
        %dma_start3A_257 = arith.constant 0 : i32
        %dma_start3A_258 = tpu.memref_slice %arg3[%add3A_74, %dma_start3A_257] : memref<2560x128xi32, #tpu.memory_space<hbm>> -> memref<1x128xi32, #tpu.memory_space<hbm>>
        %dma_start3A_259 = tpu.memref_squeeze %dma_start3A_258 : memref<1x128xi32, #tpu.memory_space<hbm>> -> memref<128xi32, #tpu.memory_space<hbm>>
        tpu.enqueue_dma source(%dma_start3A_259 : memref<128xi32, #tpu.memory_space<hbm>>) target(%dma_start3A_256 : memref<128xi32, #tpu.memory_space<vmem>>) target_semaphore(%run_scoped3A_247 : memref<!tpu.dma_semaphore, #tpu.memory_space<semaphore_mem>>)
        %dma_wait3A_260 = arith.constant 0 : i32
        %dma_wait3A_261 = tpu.memref_slice %arg10[%run_scoped3A, %dma_wait3A_260] : memref<16x128xi32, #tpu.memory_space<vmem>> -> memref<1x128xi32, #tpu.memory_space<vmem>>
        %dma_wait3A_262 = tpu.memref_squeeze %dma_wait3A_261 : memref<1x128xi32, #tpu.memory_space<vmem>> -> memref<128xi32, #tpu.memory_space<vmem>>
        %dma_wait3A_263 = arith.constant 0 : i32
        %dma_wait3A_264 = tpu.memref_slice %arg3[%add3A_74, %dma_wait3A_263] : memref<2560x128xi32, #tpu.memory_space<hbm>> -> memref<1x128xi32, #tpu.memory_space<hbm>>
        %dma_wait3A_265 = tpu.memref_squeeze %dma_wait3A_264 : memref<1x128xi32, #tpu.memory_space<hbm>> -> memref<128xi32, #tpu.memory_space<hbm>>
        %dma_wait3A_266 = arith.constant 0 : i32
        %dma_wait3A_267 = tpu.memref_slice %arg10[%run_scoped3A, %dma_wait3A_266] : memref<16x128xi32, #tpu.memory_space<vmem>> -> memref<1x128xi32, #tpu.memory_space<vmem>>
        %dma_wait3A_268 = tpu.memref_squeeze %dma_wait3A_267 : memref<1x128xi32, #tpu.memory_space<vmem>> -> memref<128xi32, #tpu.memory_space<vmem>>
        %dma_wait3A_269 = arith.constant 0 : i32
        %dma_wait3A_270 = tpu.memref_slice %arg3[%add3A_74, %dma_wait3A_269] : memref<2560x128xi32, #tpu.memory_space<hbm>> -> memref<1x128xi32, #tpu.memory_space<hbm>>
        %dma_wait3A_271 = tpu.memref_squeeze %dma_wait3A_270 : memref<1x128xi32, #tpu.memory_space<hbm>> -> memref<128xi32, #tpu.memory_space<hbm>>
        tpu.wait_dma2 semaphore(%run_scoped3A_247 : memref<!tpu.dma_semaphore, #tpu.memory_space<semaphore_mem>>) src(%dma_wait3A_271 : memref<128xi32, #tpu.memory_space<hbm>>) dst(%dma_wait3A_268 : memref<128xi32, #tpu.memory_space<vmem>>)
        tpu.yield
      }) : () -> ()
      %dma_start3A_75 = arith.constant 0 : i32
      %dma_start3A_76 = arith.constant 0 : i32
      %dma_start3A_77 = tpu.memref_slice %arg10[%dma_start3A_75, %dma_start3A_76] : memref<16x128xi32, #tpu.memory_space<vmem>> -> memref<1x128xi32, #tpu.memory_space<vmem>>
      %dma_start3A_78 = tpu.memref_squeeze %dma_start3A_77 : memref<1x128xi32, #tpu.memory_space<vmem>> -> memref<128xi32, #tpu.memory_space<vmem>>
      %dma_start3A_79 = arith.constant 0 : i32
      %dma_start3A_80 = arith.constant 0 : i32
      %dma_start3A_81 = tpu.memref_slice %arg15[%dma_start3A_79, %dma_start3A_80] : memref<10240x128xf32, #tpu.memory_space<vmem_shared>> -> memref<10240x128xf32, #tpu.memory_space<vmem_shared>>
      tpu.enqueue_indirect_dma source(%arg12 : memref<128x128xf32, #tpu.memory_space<vmem>>) target(%dma_start3A_81 : memref<10240x128xf32, #tpu.memory_space<vmem_shared>>) offsets(%dma_start3A_78 : memref<128xi32, #tpu.memory_space<vmem>>) semaphore(%arg14 : memref<!tpu.dma_semaphore, #tpu.memory_space<semaphore_mem>>) {add = true}
      %add3A_82 = arith.addi %add3A_41, %add3A_71 : i32
      %add3A_83 = arith.constant 1 : i32
      %add3A_84 = arith.addi %add3A_82, %add3A_83 : i32
      %run_scoped3A_85 = arith.constant 1 : i32
      "tpu.region"() ({
        %run_scoped3A_247 = tpu.sem_alloc : memref<!tpu.dma_semaphore, #tpu.memory_space<semaphore_mem>>
        %dma_start3A_248 = arith.constant 0 : i32
        %dma_start3A_249 = tpu.memref_slice %arg10[%run_scoped3A_85, %dma_start3A_248] : memref<16x128xi32, #tpu.memory_space<vmem>> -> memref<1x128xi32, #tpu.memory_space<vmem>>
        %dma_start3A_250 = tpu.memref_squeeze %dma_start3A_249 : memref<1x128xi32, #tpu.memory_space<vmem>> -> memref<128xi32, #tpu.memory_space<vmem>>
        %dma_start3A_251 = arith.constant 0 : i32
        %dma_start3A_252 = tpu.memref_slice %arg3[%add3A_84, %dma_start3A_251] : memref<2560x128xi32, #tpu.memory_space<hbm>> -> memref<1x128xi32, #tpu.memory_space<hbm>>
        %dma_start3A_253 = tpu.memref_squeeze %dma_start3A_252 : memref<1x128xi32, #tpu.memory_space<hbm>> -> memref<128xi32, #tpu.memory_space<hbm>>
        %dma_start3A_254 = arith.constant 0 : i32
        %dma_start3A_255 = tpu.memref_slice %arg10[%run_scoped3A_85, %dma_start3A_254] : memref<16x128xi32, #tpu.memory_space<vmem>> -> memref<1x128xi32, #tpu.memory_space<vmem>>
        %dma_start3A_256 = tpu.memref_squeeze %dma_start3A_255 : memref<1x128xi32, #tpu.memory_space<vmem>> -> memref<128xi32, #tpu.memory_space<vmem>>
        %dma_start3A_257 = arith.constant 0 : i32
        %dma_start3A_258 = tpu.memref_slice %arg3[%add3A_84, %dma_start3A_257] : memref<2560x128xi32, #tpu.memory_space<hbm>> -> memref<1x128xi32, #tpu.memory_space<hbm>>
        %dma_start3A_259 = tpu.memref_squeeze %dma_start3A_258 : memref<1x128xi32, #tpu.memory_space<hbm>> -> memref<128xi32, #tpu.memory_space<hbm>>
        tpu.enqueue_dma source(%dma_start3A_259 : memref<128xi32, #tpu.memory_space<hbm>>) target(%dma_start3A_256 : memref<128xi32, #tpu.memory_space<vmem>>) target_semaphore(%run_scoped3A_247 : memref<!tpu.dma_semaphore, #tpu.memory_space<semaphore_mem>>)
        %dma_wait3A_260 = arith.constant 0 : i32
        %dma_wait3A_261 = tpu.memref_slice %arg10[%run_scoped3A_85, %dma_wait3A_260] : memref<16x128xi32, #tpu.memory_space<vmem>> -> memref<1x128xi32, #tpu.memory_space<vmem>>
        %dma_wait3A_262 = tpu.memref_squeeze %dma_wait3A_261 : memref<1x128xi32, #tpu.memory_space<vmem>> -> memref<128xi32, #tpu.memory_space<vmem>>
        %dma_wait3A_263 = arith.constant 0 : i32
        %dma_wait3A_264 = tpu.memref_slice %arg3[%add3A_84, %dma_wait3A_263] : memref<2560x128xi32, #tpu.memory_space<hbm>> -> memref<1x128xi32, #tpu.memory_space<hbm>>
        %dma_wait3A_265 = tpu.memref_squeeze %dma_wait3A_264 : memref<1x128xi32, #tpu.memory_space<hbm>> -> memref<128xi32, #tpu.memory_space<hbm>>
        %dma_wait3A_266 = arith.constant 0 : i32
        %dma_wait3A_267 = tpu.memref_slice %arg10[%run_scoped3A_85, %dma_wait3A_266] : memref<16x128xi32, #tpu.memory_space<vmem>> -> memref<1x128xi32, #tpu.memory_space<vmem>>
        %dma_wait3A_268 = tpu.memref_squeeze %dma_wait3A_267 : memref<1x128xi32, #tpu.memory_space<vmem>> -> memref<128xi32, #tpu.memory_space<vmem>>
        %dma_wait3A_269 = arith.constant 0 : i32
        %dma_wait3A_270 = tpu.memref_slice %arg3[%add3A_84, %dma_wait3A_269] : memref<2560x128xi32, #tpu.memory_space<hbm>> -> memref<1x128xi32, #tpu.memory_space<hbm>>
        %dma_wait3A_271 = tpu.memref_squeeze %dma_wait3A_270 : memref<1x128xi32, #tpu.memory_space<hbm>> -> memref<128xi32, #tpu.memory_space<hbm>>
        tpu.wait_dma2 semaphore(%run_scoped3A_247 : memref<!tpu.dma_semaphore, #tpu.memory_space<semaphore_mem>>) src(%dma_wait3A_271 : memref<128xi32, #tpu.memory_space<hbm>>) dst(%dma_wait3A_268 : memref<128xi32, #tpu.memory_space<vmem>>)
        tpu.yield
      }) : () -> ()
      %dma_start3A_86 = arith.constant 1 : i32
      %dma_start3A_87 = arith.constant 0 : i32
      %dma_start3A_88 = tpu.memref_slice %arg10[%dma_start3A_86, %dma_start3A_87] : memref<16x128xi32, #tpu.memory_space<vmem>> -> memref<1x128xi32, #tpu.memory_space<vmem>>
      %dma_start3A_89 = tpu.memref_squeeze %dma_start3A_88 : memref<1x128xi32, #tpu.memory_space<vmem>> -> memref<128xi32, #tpu.memory_space<vmem>>
      %dma_start3A_90 = arith.constant 0 : i32
      %dma_start3A_91 = arith.constant 0 : i32
      %dma_start3A_92 = tpu.memref_slice %arg15[%dma_start3A_90, %dma_start3A_91] : memref<10240x128xf32, #tpu.memory_space<vmem_shared>> -> memref<10240x128xf32, #tpu.memory_space<vmem_shared>>
      tpu.enqueue_indirect_dma source(%arg12 : memref<128x128xf32, #tpu.memory_space<vmem>>) target(%dma_start3A_92 : memref<10240x128xf32, #tpu.memory_space<vmem_shared>>) offsets(%dma_start3A_89 : memref<128xi32, #tpu.memory_space<vmem>>) semaphore(%arg14 : memref<!tpu.dma_semaphore, #tpu.memory_space<semaphore_mem>>) {add = true}
      %add3A_93 = arith.addi %add3A_41, %add3A_71 : i32
      %add3A_94 = arith.constant 2 : i32
      %add3A_95 = arith.addi %add3A_93, %add3A_94 : i32
      %run_scoped3A_96 = arith.constant 2 : i32
      "tpu.region"() ({
        %run_scoped3A_247 = tpu.sem_alloc : memref<!tpu.dma_semaphore, #tpu.memory_space<semaphore_mem>>
        %dma_start3A_248 = arith.constant 0 : i32
        %dma_start3A_249 = tpu.memref_slice %arg10[%run_scoped3A_96, %dma_start3A_248] : memref<16x128xi32, #tpu.memory_space<vmem>> -> memref<1x128xi32, #tpu.memory_space<vmem>>
        %dma_start3A_250 = tpu.memref_squeeze %dma_start3A_249 : memref<1x128xi32, #tpu.memory_space<vmem>> -> memref<128xi32, #tpu.memory_space<vmem>>
        %dma_start3A_251 = arith.constant 0 : i32
        %dma_start3A_252 = tpu.memref_slice %arg3[%add3A_95, %dma_start3A_251] : memref<2560x128xi32, #tpu.memory_space<hbm>> -> memref<1x128xi32, #tpu.memory_space<hbm>>
        %dma_start3A_253 = tpu.memref_squeeze %dma_start3A_252 : memref<1x128xi32, #tpu.memory_space<hbm>> -> memref<128xi32, #tpu.memory_space<hbm>>
        %dma_start3A_254 = arith.constant 0 : i32
        %dma_start3A_255 = tpu.memref_slice %arg10[%run_scoped3A_96, %dma_start3A_254] : memref<16x128xi32, #tpu.memory_space<vmem>> -> memref<1x128xi32, #tpu.memory_space<vmem>>
        %dma_start3A_256 = tpu.memref_squeeze %dma_start3A_255 : memref<1x128xi32, #tpu.memory_space<vmem>> -> memref<128xi32, #tpu.memory_space<vmem>>
        %dma_start3A_257 = arith.constant 0 : i32
        %dma_start3A_258 = tpu.memref_slice %arg3[%add3A_95, %dma_start3A_257] : memref<2560x128xi32, #tpu.memory_space<hbm>> -> memref<1x128xi32, #tpu.memory_space<hbm>>
        %dma_start3A_259 = tpu.memref_squeeze %dma_start3A_258 : memref<1x128xi32, #tpu.memory_space<hbm>> -> memref<128xi32, #tpu.memory_space<hbm>>
        tpu.enqueue_dma source(%dma_start3A_259 : memref<128xi32, #tpu.memory_space<hbm>>) target(%dma_start3A_256 : memref<128xi32, #tpu.memory_space<vmem>>) target_semaphore(%run_scoped3A_247 : memref<!tpu.dma_semaphore, #tpu.memory_space<semaphore_mem>>)
        %dma_wait3A_260 = arith.constant 0 : i32
        %dma_wait3A_261 = tpu.memref_slice %arg10[%run_scoped3A_96, %dma_wait3A_260] : memref<16x128xi32, #tpu.memory_space<vmem>> -> memref<1x128xi32, #tpu.memory_space<vmem>>
        %dma_wait3A_262 = tpu.memref_squeeze %dma_wait3A_261 : memref<1x128xi32, #tpu.memory_space<vmem>> -> memref<128xi32, #tpu.memory_space<vmem>>
        %dma_wait3A_263 = arith.constant 0 : i32
        %dma_wait3A_264 = tpu.memref_slice %arg3[%add3A_95, %dma_wait3A_263] : memref<2560x128xi32, #tpu.memory_space<hbm>> -> memref<1x128xi32, #tpu.memory_space<hbm>>
        %dma_wait3A_265 = tpu.memref_squeeze %dma_wait3A_264 : memref<1x128xi32, #tpu.memory_space<hbm>> -> memref<128xi32, #tpu.memory_space<hbm>>
        %dma_wait3A_266 = arith.constant 0 : i32
        %dma_wait3A_267 = tpu.memref_slice %arg10[%run_scoped3A_96, %dma_wait3A_266] : memref<16x128xi32, #tpu.memory_space<vmem>> -> memref<1x128xi32, #tpu.memory_space<vmem>>
        %dma_wait3A_268 = tpu.memref_squeeze %dma_wait3A_267 : memref<1x128xi32, #tpu.memory_space<vmem>> -> memref<128xi32, #tpu.memory_space<vmem>>
        %dma_wait3A_269 = arith.constant 0 : i32
        %dma_wait3A_270 = tpu.memref_slice %arg3[%add3A_95, %dma_wait3A_269] : memref<2560x128xi32, #tpu.memory_space<hbm>> -> memref<1x128xi32, #tpu.memory_space<hbm>>
        %dma_wait3A_271 = tpu.memref_squeeze %dma_wait3A_270 : memref<1x128xi32, #tpu.memory_space<hbm>> -> memref<128xi32, #tpu.memory_space<hbm>>
        tpu.wait_dma2 semaphore(%run_scoped3A_247 : memref<!tpu.dma_semaphore, #tpu.memory_space<semaphore_mem>>) src(%dma_wait3A_271 : memref<128xi32, #tpu.memory_space<hbm>>) dst(%dma_wait3A_268 : memref<128xi32, #tpu.memory_space<vmem>>)
        tpu.yield
      }) : () -> ()
      %dma_start3A_97 = arith.constant 2 : i32
      %dma_start3A_98 = arith.constant 0 : i32
      %dma_start3A_99 = tpu.memref_slice %arg10[%dma_start3A_97, %dma_start3A_98] : memref<16x128xi32, #tpu.memory_space<vmem>> -> memref<1x128xi32, #tpu.memory_space<vmem>>
      %dma_start3A_100 = tpu.memref_squeeze %dma_start3A_99 : memref<1x128xi32, #tpu.memory_space<vmem>> -> memref<128xi32, #tpu.memory_space<vmem>>
      %dma_start3A_101 = arith.constant 0 : i32
      %dma_start3A_102 = arith.constant 0 : i32
      %dma_start3A_103 = tpu.memref_slice %arg15[%dma_start3A_101, %dma_start3A_102] : memref<10240x128xf32, #tpu.memory_space<vmem_shared>> -> memref<10240x128xf32, #tpu.memory_space<vmem_shared>>
      tpu.enqueue_indirect_dma source(%arg12 : memref<128x128xf32, #tpu.memory_space<vmem>>) target(%dma_start3A_103 : memref<10240x128xf32, #tpu.memory_space<vmem_shared>>) offsets(%dma_start3A_100 : memref<128xi32, #tpu.memory_space<vmem>>) semaphore(%arg14 : memref<!tpu.dma_semaphore, #tpu.memory_space<semaphore_mem>>) {add = true}
      %add3A_104 = arith.addi %add3A_41, %add3A_71 : i32
      %add3A_105 = arith.constant 3 : i32
      %add3A_106 = arith.addi %add3A_104, %add3A_105 : i32
      %run_scoped3A_107 = arith.constant 3 : i32
      "tpu.region"() ({
        %run_scoped3A_247 = tpu.sem_alloc : memref<!tpu.dma_semaphore, #tpu.memory_space<semaphore_mem>>
        %dma_start3A_248 = arith.constant 0 : i32
        %dma_start3A_249 = tpu.memref_slice %arg10[%run_scoped3A_107, %dma_start3A_248] : memref<16x128xi32, #tpu.memory_space<vmem>> -> memref<1x128xi32, #tpu.memory_space<vmem>>
        %dma_start3A_250 = tpu.memref_squeeze %dma_start3A_249 : memref<1x128xi32, #tpu.memory_space<vmem>> -> memref<128xi32, #tpu.memory_space<vmem>>
        %dma_start3A_251 = arith.constant 0 : i32
        %dma_start3A_252 = tpu.memref_slice %arg3[%add3A_106, %dma_start3A_251] : memref<2560x128xi32, #tpu.memory_space<hbm>> -> memref<1x128xi32, #tpu.memory_space<hbm>>
        %dma_start3A_253 = tpu.memref_squeeze %dma_start3A_252 : memref<1x128xi32, #tpu.memory_space<hbm>> -> memref<128xi32, #tpu.memory_space<hbm>>
        %dma_start3A_254 = arith.constant 0 : i32
        %dma_start3A_255 = tpu.memref_slice %arg10[%run_scoped3A_107, %dma_start3A_254] : memref<16x128xi32, #tpu.memory_space<vmem>> -> memref<1x128xi32, #tpu.memory_space<vmem>>
        %dma_start3A_256 = tpu.memref_squeeze %dma_start3A_255 : memref<1x128xi32, #tpu.memory_space<vmem>> -> memref<128xi32, #tpu.memory_space<vmem>>
        %dma_start3A_257 = arith.constant 0 : i32
        %dma_start3A_258 = tpu.memref_slice %arg3[%add3A_106, %dma_start3A_257] : memref<2560x128xi32, #tpu.memory_space<hbm>> -> memref<1x128xi32, #tpu.memory_space<hbm>>
        %dma_start3A_259 = tpu.memref_squeeze %dma_start3A_258 : memref<1x128xi32, #tpu.memory_space<hbm>> -> memref<128xi32, #tpu.memory_space<hbm>>
        tpu.enqueue_dma source(%dma_start3A_259 : memref<128xi32, #tpu.memory_space<hbm>>) target(%dma_start3A_256 : memref<128xi32, #tpu.memory_space<vmem>>) target_semaphore(%run_scoped3A_247 : memref<!tpu.dma_semaphore, #tpu.memory_space<semaphore_mem>>)
        %dma_wait3A_260 = arith.constant 0 : i32
        %dma_wait3A_261 = tpu.memref_slice %arg10[%run_scoped3A_107, %dma_wait3A_260] : memref<16x128xi32, #tpu.memory_space<vmem>> -> memref<1x128xi32, #tpu.memory_space<vmem>>
        %dma_wait3A_262 = tpu.memref_squeeze %dma_wait3A_261 : memref<1x128xi32, #tpu.memory_space<vmem>> -> memref<128xi32, #tpu.memory_space<vmem>>
        %dma_wait3A_263 = arith.constant 0 : i32
        %dma_wait3A_264 = tpu.memref_slice %arg3[%add3A_106, %dma_wait3A_263] : memref<2560x128xi32, #tpu.memory_space<hbm>> -> memref<1x128xi32, #tpu.memory_space<hbm>>
        %dma_wait3A_265 = tpu.memref_squeeze %dma_wait3A_264 : memref<1x128xi32, #tpu.memory_space<hbm>> -> memref<128xi32, #tpu.memory_space<hbm>>
        %dma_wait3A_266 = arith.constant 0 : i32
        %dma_wait3A_267 = tpu.memref_slice %arg10[%run_scoped3A_107, %dma_wait3A_266] : memref<16x128xi32, #tpu.memory_space<vmem>> -> memref<1x128xi32, #tpu.memory_space<vmem>>
        %dma_wait3A_268 = tpu.memref_squeeze %dma_wait3A_267 : memref<1x128xi32, #tpu.memory_space<vmem>> -> memref<128xi32, #tpu.memory_space<vmem>>
        %dma_wait3A_269 = arith.constant 0 : i32
        %dma_wait3A_270 = tpu.memref_slice %arg3[%add3A_106, %dma_wait3A_269] : memref<2560x128xi32, #tpu.memory_space<hbm>> -> memref<1x128xi32, #tpu.memory_space<hbm>>
        %dma_wait3A_271 = tpu.memref_squeeze %dma_wait3A_270 : memref<1x128xi32, #tpu.memory_space<hbm>> -> memref<128xi32, #tpu.memory_space<hbm>>
        tpu.wait_dma2 semaphore(%run_scoped3A_247 : memref<!tpu.dma_semaphore, #tpu.memory_space<semaphore_mem>>) src(%dma_wait3A_271 : memref<128xi32, #tpu.memory_space<hbm>>) dst(%dma_wait3A_268 : memref<128xi32, #tpu.memory_space<vmem>>)
        tpu.yield
      }) : () -> ()
      %dma_start3A_108 = arith.constant 3 : i32
      %dma_start3A_109 = arith.constant 0 : i32
      %dma_start3A_110 = tpu.memref_slice %arg10[%dma_start3A_108, %dma_start3A_109] : memref<16x128xi32, #tpu.memory_space<vmem>> -> memref<1x128xi32, #tpu.memory_space<vmem>>
      %dma_start3A_111 = tpu.memref_squeeze %dma_start3A_110 : memref<1x128xi32, #tpu.memory_space<vmem>> -> memref<128xi32, #tpu.memory_space<vmem>>
      %dma_start3A_112 = arith.constant 0 : i32
      %dma_start3A_113 = arith.constant 0 : i32
      %dma_start3A_114 = tpu.memref_slice %arg15[%dma_start3A_112, %dma_start3A_113] : memref<10240x128xf32, #tpu.memory_space<vmem_shared>> -> memref<10240x128xf32, #tpu.memory_space<vmem_shared>>
      tpu.enqueue_indirect_dma source(%arg12 : memref<128x128xf32, #tpu.memory_space<vmem>>) target(%dma_start3A_114 : memref<10240x128xf32, #tpu.memory_space<vmem_shared>>) offsets(%dma_start3A_111 : memref<128xi32, #tpu.memory_space<vmem>>) semaphore(%arg14 : memref<!tpu.dma_semaphore, #tpu.memory_space<semaphore_mem>>) {add = true}
      %add3A_115 = arith.addi %add3A_41, %add3A_71 : i32
      %add3A_116 = arith.constant 4 : i32
      %add3A_117 = arith.addi %add3A_115, %add3A_116 : i32
      %run_scoped3A_118 = arith.constant 4 : i32
      "tpu.region"() ({
        %run_scoped3A_247 = tpu.sem_alloc : memref<!tpu.dma_semaphore, #tpu.memory_space<semaphore_mem>>
        %dma_start3A_248 = arith.constant 0 : i32
        %dma_start3A_249 = tpu.memref_slice %arg10[%run_scoped3A_118, %dma_start3A_248] : memref<16x128xi32, #tpu.memory_space<vmem>> -> memref<1x128xi32, #tpu.memory_space<vmem>>
        %dma_start3A_250 = tpu.memref_squeeze %dma_start3A_249 : memref<1x128xi32, #tpu.memory_space<vmem>> -> memref<128xi32, #tpu.memory_space<vmem>>
        %dma_start3A_251 = arith.constant 0 : i32
        %dma_start3A_252 = tpu.memref_slice %arg3[%add3A_117, %dma_start3A_251] : memref<2560x128xi32, #tpu.memory_space<hbm>> -> memref<1x128xi32, #tpu.memory_space<hbm>>
        %dma_start3A_253 = tpu.memref_squeeze %dma_start3A_252 : memref<1x128xi32, #tpu.memory_space<hbm>> -> memref<128xi32, #tpu.memory_space<hbm>>
        %dma_start3A_254 = arith.constant 0 : i32
        %dma_start3A_255 = tpu.memref_slice %arg10[%run_scoped3A_118, %dma_start3A_254] : memref<16x128xi32, #tpu.memory_space<vmem>> -> memref<1x128xi32, #tpu.memory_space<vmem>>
        %dma_start3A_256 = tpu.memref_squeeze %dma_start3A_255 : memref<1x128xi32, #tpu.memory_space<vmem>> -> memref<128xi32, #tpu.memory_space<vmem>>
        %dma_start3A_257 = arith.constant 0 : i32
        %dma_start3A_258 = tpu.memref_slice %arg3[%add3A_117, %dma_start3A_257] : memref<2560x128xi32, #tpu.memory_space<hbm>> -> memref<1x128xi32, #tpu.memory_space<hbm>>
        %dma_start3A_259 = tpu.memref_squeeze %dma_start3A_258 : memref<1x128xi32, #tpu.memory_space<hbm>> -> memref<128xi32, #tpu.memory_space<hbm>>
        tpu.enqueue_dma source(%dma_start3A_259 : memref<128xi32, #tpu.memory_space<hbm>>) target(%dma_start3A_256 : memref<128xi32, #tpu.memory_space<vmem>>) target_semaphore(%run_scoped3A_247 : memref<!tpu.dma_semaphore, #tpu.memory_space<semaphore_mem>>)
        %dma_wait3A_260 = arith.constant 0 : i32
        %dma_wait3A_261 = tpu.memref_slice %arg10[%run_scoped3A_118, %dma_wait3A_260] : memref<16x128xi32, #tpu.memory_space<vmem>> -> memref<1x128xi32, #tpu.memory_space<vmem>>
        %dma_wait3A_262 = tpu.memref_squeeze %dma_wait3A_261 : memref<1x128xi32, #tpu.memory_space<vmem>> -> memref<128xi32, #tpu.memory_space<vmem>>
        %dma_wait3A_263 = arith.constant 0 : i32
        %dma_wait3A_264 = tpu.memref_slice %arg3[%add3A_117, %dma_wait3A_263] : memref<2560x128xi32, #tpu.memory_space<hbm>> -> memref<1x128xi32, #tpu.memory_space<hbm>>
        %dma_wait3A_265 = tpu.memref_squeeze %dma_wait3A_264 : memref<1x128xi32, #tpu.memory_space<hbm>> -> memref<128xi32, #tpu.memory_space<hbm>>
        %dma_wait3A_266 = arith.constant 0 : i32
        %dma_wait3A_267 = tpu.memref_slice %arg10[%run_scoped3A_118, %dma_wait3A_266] : memref<16x128xi32, #tpu.memory_space<vmem>> -> memref<1x128xi32, #tpu.memory_space<vmem>>
        %dma_wait3A_268 = tpu.memref_squeeze %dma_wait3A_267 : memref<1x128xi32, #tpu.memory_space<vmem>> -> memref<128xi32, #tpu.memory_space<vmem>>
        %dma_wait3A_269 = arith.constant 0 : i32
        %dma_wait3A_270 = tpu.memref_slice %arg3[%add3A_117, %dma_wait3A_269] : memref<2560x128xi32, #tpu.memory_space<hbm>> -> memref<1x128xi32, #tpu.memory_space<hbm>>
        %dma_wait3A_271 = tpu.memref_squeeze %dma_wait3A_270 : memref<1x128xi32, #tpu.memory_space<hbm>> -> memref<128xi32, #tpu.memory_space<hbm>>
        tpu.wait_dma2 semaphore(%run_scoped3A_247 : memref<!tpu.dma_semaphore, #tpu.memory_space<semaphore_mem>>) src(%dma_wait3A_271 : memref<128xi32, #tpu.memory_space<hbm>>) dst(%dma_wait3A_268 : memref<128xi32, #tpu.memory_space<vmem>>)
        tpu.yield
      }) : () -> ()
      %dma_start3A_119 = arith.constant 4 : i32
      %dma_start3A_120 = arith.constant 0 : i32
      %dma_start3A_121 = tpu.memref_slice %arg10[%dma_start3A_119, %dma_start3A_120] : memref<16x128xi32, #tpu.memory_space<vmem>> -> memref<1x128xi32, #tpu.memory_space<vmem>>
      %dma_start3A_122 = tpu.memref_squeeze %dma_start3A_121 : memref<1x128xi32, #tpu.memory_space<vmem>> -> memref<128xi32, #tpu.memory_space<vmem>>
      %dma_start3A_123 = arith.constant 0 : i32
      %dma_start3A_124 = arith.constant 0 : i32
      %dma_start3A_125 = tpu.memref_slice %arg15[%dma_start3A_123, %dma_start3A_124] : memref<10240x128xf32, #tpu.memory_space<vmem_shared>> -> memref<10240x128xf32, #tpu.memory_space<vmem_shared>>
      tpu.enqueue_indirect_dma source(%arg12 : memref<128x128xf32, #tpu.memory_space<vmem>>) target(%dma_start3A_125 : memref<10240x128xf32, #tpu.memory_space<vmem_shared>>) offsets(%dma_start3A_122 : memref<128xi32, #tpu.memory_space<vmem>>) semaphore(%arg14 : memref<!tpu.dma_semaphore, #tpu.memory_space<semaphore_mem>>) {add = true}
      %add3A_126 = arith.addi %add3A_41, %add3A_71 : i32
      %add3A_127 = arith.constant 5 : i32
      %add3A_128 = arith.addi %add3A_126, %add3A_127 : i32
      %run_scoped3A_129 = arith.constant 5 : i32
      "tpu.region"() ({
        %run_scoped3A_247 = tpu.sem_alloc : memref<!tpu.dma_semaphore, #tpu.memory_space<semaphore_mem>>
        %dma_start3A_248 = arith.constant 0 : i32
        %dma_start3A_249 = tpu.memref_slice %arg10[%run_scoped3A_129, %dma_start3A_248] : memref<16x128xi32, #tpu.memory_space<vmem>> -> memref<1x128xi32, #tpu.memory_space<vmem>>
        %dma_start3A_250 = tpu.memref_squeeze %dma_start3A_249 : memref<1x128xi32, #tpu.memory_space<vmem>> -> memref<128xi32, #tpu.memory_space<vmem>>
        %dma_start3A_251 = arith.constant 0 : i32
        %dma_start3A_252 = tpu.memref_slice %arg3[%add3A_128, %dma_start3A_251] : memref<2560x128xi32, #tpu.memory_space<hbm>> -> memref<1x128xi32, #tpu.memory_space<hbm>>
        %dma_start3A_253 = tpu.memref_squeeze %dma_start3A_252 : memref<1x128xi32, #tpu.memory_space<hbm>> -> memref<128xi32, #tpu.memory_space<hbm>>
        %dma_start3A_254 = arith.constant 0 : i32
        %dma_start3A_255 = tpu.memref_slice %arg10[%run_scoped3A_129, %dma_start3A_254] : memref<16x128xi32, #tpu.memory_space<vmem>> -> memref<1x128xi32, #tpu.memory_space<vmem>>
        %dma_start3A_256 = tpu.memref_squeeze %dma_start3A_255 : memref<1x128xi32, #tpu.memory_space<vmem>> -> memref<128xi32, #tpu.memory_space<vmem>>
        %dma_start3A_257 = arith.constant 0 : i32
        %dma_start3A_258 = tpu.memref_slice %arg3[%add3A_128, %dma_start3A_257] : memref<2560x128xi32, #tpu.memory_space<hbm>> -> memref<1x128xi32, #tpu.memory_space<hbm>>
        %dma_start3A_259 = tpu.memref_squeeze %dma_start3A_258 : memref<1x128xi32, #tpu.memory_space<hbm>> -> memref<128xi32, #tpu.memory_space<hbm>>
        tpu.enqueue_dma source(%dma_start3A_259 : memref<128xi32, #tpu.memory_space<hbm>>) target(%dma_start3A_256 : memref<128xi32, #tpu.memory_space<vmem>>) target_semaphore(%run_scoped3A_247 : memref<!tpu.dma_semaphore, #tpu.memory_space<semaphore_mem>>)
        %dma_wait3A_260 = arith.constant 0 : i32
        %dma_wait3A_261 = tpu.memref_slice %arg10[%run_scoped3A_129, %dma_wait3A_260] : memref<16x128xi32, #tpu.memory_space<vmem>> -> memref<1x128xi32, #tpu.memory_space<vmem>>
        %dma_wait3A_262 = tpu.memref_squeeze %dma_wait3A_261 : memref<1x128xi32, #tpu.memory_space<vmem>> -> memref<128xi32, #tpu.memory_space<vmem>>
        %dma_wait3A_263 = arith.constant 0 : i32
        %dma_wait3A_264 = tpu.memref_slice %arg3[%add3A_128, %dma_wait3A_263] : memref<2560x128xi32, #tpu.memory_space<hbm>> -> memref<1x128xi32, #tpu.memory_space<hbm>>
        %dma_wait3A_265 = tpu.memref_squeeze %dma_wait3A_264 : memref<1x128xi32, #tpu.memory_space<hbm>> -> memref<128xi32, #tpu.memory_space<hbm>>
        %dma_wait3A_266 = arith.constant 0 : i32
        %dma_wait3A_267 = tpu.memref_slice %arg10[%run_scoped3A_129, %dma_wait3A_266] : memref<16x128xi32, #tpu.memory_space<vmem>> -> memref<1x128xi32, #tpu.memory_space<vmem>>
        %dma_wait3A_268 = tpu.memref_squeeze %dma_wait3A_267 : memref<1x128xi32, #tpu.memory_space<vmem>> -> memref<128xi32, #tpu.memory_space<vmem>>
        %dma_wait3A_269 = arith.constant 0 : i32
        %dma_wait3A_270 = tpu.memref_slice %arg3[%add3A_128, %dma_wait3A_269] : memref<2560x128xi32, #tpu.memory_space<hbm>> -> memref<1x128xi32, #tpu.memory_space<hbm>>
        %dma_wait3A_271 = tpu.memref_squeeze %dma_wait3A_270 : memref<1x128xi32, #tpu.memory_space<hbm>> -> memref<128xi32, #tpu.memory_space<hbm>>
        tpu.wait_dma2 semaphore(%run_scoped3A_247 : memref<!tpu.dma_semaphore, #tpu.memory_space<semaphore_mem>>) src(%dma_wait3A_271 : memref<128xi32, #tpu.memory_space<hbm>>) dst(%dma_wait3A_268 : memref<128xi32, #tpu.memory_space<vmem>>)
        tpu.yield
      }) : () -> ()
      %dma_start3A_130 = arith.constant 5 : i32
      %dma_start3A_131 = arith.constant 0 : i32
      %dma_start3A_132 = tpu.memref_slice %arg10[%dma_start3A_130, %dma_start3A_131] : memref<16x128xi32, #tpu.memory_space<vmem>> -> memref<1x128xi32, #tpu.memory_space<vmem>>
      %dma_start3A_133 = tpu.memref_squeeze %dma_start3A_132 : memref<1x128xi32, #tpu.memory_space<vmem>> -> memref<128xi32, #tpu.memory_space<vmem>>
      %dma_start3A_134 = arith.constant 0 : i32
      %dma_start3A_135 = arith.constant 0 : i32
      %dma_start3A_136 = tpu.memref_slice %arg15[%dma_start3A_134, %dma_start3A_135] : memref<10240x128xf32, #tpu.memory_space<vmem_shared>> -> memref<10240x128xf32, #tpu.memory_space<vmem_shared>>
      tpu.enqueue_indirect_dma source(%arg12 : memref<128x128xf32, #tpu.memory_space<vmem>>) target(%dma_start3A_136 : memref<10240x128xf32, #tpu.memory_space<vmem_shared>>) offsets(%dma_start3A_133 : memref<128xi32, #tpu.memory_space<vmem>>) semaphore(%arg14 : memref<!tpu.dma_semaphore, #tpu.memory_space<semaphore_mem>>) {add = true}
      %add3A_137 = arith.addi %add3A_41, %add3A_71 : i32
      %add3A_138 = arith.constant 6 : i32
      %add3A_139 = arith.addi %add3A_137, %add3A_138 : i32
      %run_scoped3A_140 = arith.constant 6 : i32
      "tpu.region"() ({
        %run_scoped3A_247 = tpu.sem_alloc : memref<!tpu.dma_semaphore, #tpu.memory_space<semaphore_mem>>
        %dma_start3A_248 = arith.constant 0 : i32
        %dma_start3A_249 = tpu.memref_slice %arg10[%run_scoped3A_140, %dma_start3A_248] : memref<16x128xi32, #tpu.memory_space<vmem>> -> memref<1x128xi32, #tpu.memory_space<vmem>>
        %dma_start3A_250 = tpu.memref_squeeze %dma_start3A_249 : memref<1x128xi32, #tpu.memory_space<vmem>> -> memref<128xi32, #tpu.memory_space<vmem>>
        %dma_start3A_251 = arith.constant 0 : i32
        %dma_start3A_252 = tpu.memref_slice %arg3[%add3A_139, %dma_start3A_251] : memref<2560x128xi32, #tpu.memory_space<hbm>> -> memref<1x128xi32, #tpu.memory_space<hbm>>
        %dma_start3A_253 = tpu.memref_squeeze %dma_start3A_252 : memref<1x128xi32, #tpu.memory_space<hbm>> -> memref<128xi32, #tpu.memory_space<hbm>>
        %dma_start3A_254 = arith.constant 0 : i32
        %dma_start3A_255 = tpu.memref_slice %arg10[%run_scoped3A_140, %dma_start3A_254] : memref<16x128xi32, #tpu.memory_space<vmem>> -> memref<1x128xi32, #tpu.memory_space<vmem>>
        %dma_start3A_256 = tpu.memref_squeeze %dma_start3A_255 : memref<1x128xi32, #tpu.memory_space<vmem>> -> memref<128xi32, #tpu.memory_space<vmem>>
        %dma_start3A_257 = arith.constant 0 : i32
        %dma_start3A_258 = tpu.memref_slice %arg3[%add3A_139, %dma_start3A_257] : memref<2560x128xi32, #tpu.memory_space<hbm>> -> memref<1x128xi32, #tpu.memory_space<hbm>>
        %dma_start3A_259 = tpu.memref_squeeze %dma_start3A_258 : memref<1x128xi32, #tpu.memory_space<hbm>> -> memref<128xi32, #tpu.memory_space<hbm>>
        tpu.enqueue_dma source(%dma_start3A_259 : memref<128xi32, #tpu.memory_space<hbm>>) target(%dma_start3A_256 : memref<128xi32, #tpu.memory_space<vmem>>) target_semaphore(%run_scoped3A_247 : memref<!tpu.dma_semaphore, #tpu.memory_space<semaphore_mem>>)
        %dma_wait3A_260 = arith.constant 0 : i32
        %dma_wait3A_261 = tpu.memref_slice %arg10[%run_scoped3A_140, %dma_wait3A_260] : memref<16x128xi32, #tpu.memory_space<vmem>> -> memref<1x128xi32, #tpu.memory_space<vmem>>
        %dma_wait3A_262 = tpu.memref_squeeze %dma_wait3A_261 : memref<1x128xi32, #tpu.memory_space<vmem>> -> memref<128xi32, #tpu.memory_space<vmem>>
        %dma_wait3A_263 = arith.constant 0 : i32
        %dma_wait3A_264 = tpu.memref_slice %arg3[%add3A_139, %dma_wait3A_263] : memref<2560x128xi32, #tpu.memory_space<hbm>> -> memref<1x128xi32, #tpu.memory_space<hbm>>
        %dma_wait3A_265 = tpu.memref_squeeze %dma_wait3A_264 : memref<1x128xi32, #tpu.memory_space<hbm>> -> memref<128xi32, #tpu.memory_space<hbm>>
        %dma_wait3A_266 = arith.constant 0 : i32
        %dma_wait3A_267 = tpu.memref_slice %arg10[%run_scoped3A_140, %dma_wait3A_266] : memref<16x128xi32, #tpu.memory_space<vmem>> -> memref<1x128xi32, #tpu.memory_space<vmem>>
        %dma_wait3A_268 = tpu.memref_squeeze %dma_wait3A_267 : memref<1x128xi32, #tpu.memory_space<vmem>> -> memref<128xi32, #tpu.memory_space<vmem>>
        %dma_wait3A_269 = arith.constant 0 : i32
        %dma_wait3A_270 = tpu.memref_slice %arg3[%add3A_139, %dma_wait3A_269] : memref<2560x128xi32, #tpu.memory_space<hbm>> -> memref<1x128xi32, #tpu.memory_space<hbm>>
        %dma_wait3A_271 = tpu.memref_squeeze %dma_wait3A_270 : memref<1x128xi32, #tpu.memory_space<hbm>> -> memref<128xi32, #tpu.memory_space<hbm>>
        tpu.wait_dma2 semaphore(%run_scoped3A_247 : memref<!tpu.dma_semaphore, #tpu.memory_space<semaphore_mem>>) src(%dma_wait3A_271 : memref<128xi32, #tpu.memory_space<hbm>>) dst(%dma_wait3A_268 : memref<128xi32, #tpu.memory_space<vmem>>)
        tpu.yield
      }) : () -> ()
      %dma_start3A_141 = arith.constant 6 : i32
      %dma_start3A_142 = arith.constant 0 : i32
      %dma_start3A_143 = tpu.memref_slice %arg10[%dma_start3A_141, %dma_start3A_142] : memref<16x128xi32, #tpu.memory_space<vmem>> -> memref<1x128xi32, #tpu.memory_space<vmem>>
      %dma_start3A_144 = tpu.memref_squeeze %dma_start3A_143 : memref<1x128xi32, #tpu.memory_space<vmem>> -> memref<128xi32, #tpu.memory_space<vmem>>
      %dma_start3A_145 = arith.constant 0 : i32
      %dma_start3A_146 = arith.constant 0 : i32
      %dma_start3A_147 = tpu.memref_slice %arg15[%dma_start3A_145, %dma_start3A_146] : memref<10240x128xf32, #tpu.memory_space<vmem_shared>> -> memref<10240x128xf32, #tpu.memory_space<vmem_shared>>
      tpu.enqueue_indirect_dma source(%arg12 : memref<128x128xf32, #tpu.memory_space<vmem>>) target(%dma_start3A_147 : memref<10240x128xf32, #tpu.memory_space<vmem_shared>>) offsets(%dma_start3A_144 : memref<128xi32, #tpu.memory_space<vmem>>) semaphore(%arg14 : memref<!tpu.dma_semaphore, #tpu.memory_space<semaphore_mem>>) {add = true}
      %add3A_148 = arith.addi %add3A_41, %add3A_71 : i32
      %add3A_149 = arith.constant 7 : i32
      %add3A_150 = arith.addi %add3A_148, %add3A_149 : i32
      %run_scoped3A_151 = arith.constant 7 : i32
      "tpu.region"() ({
        %run_scoped3A_247 = tpu.sem_alloc : memref<!tpu.dma_semaphore, #tpu.memory_space<semaphore_mem>>
        %dma_start3A_248 = arith.constant 0 : i32
        %dma_start3A_249 = tpu.memref_slice %arg10[%run_scoped3A_151, %dma_start3A_248] : memref<16x128xi32, #tpu.memory_space<vmem>> -> memref<1x128xi32, #tpu.memory_space<vmem>>
        %dma_start3A_250 = tpu.memref_squeeze %dma_start3A_249 : memref<1x128xi32, #tpu.memory_space<vmem>> -> memref<128xi32, #tpu.memory_space<vmem>>
        %dma_start3A_251 = arith.constant 0 : i32
        %dma_start3A_252 = tpu.memref_slice %arg3[%add3A_150, %dma_start3A_251] : memref<2560x128xi32, #tpu.memory_space<hbm>> -> memref<1x128xi32, #tpu.memory_space<hbm>>
        %dma_start3A_253 = tpu.memref_squeeze %dma_start3A_252 : memref<1x128xi32, #tpu.memory_space<hbm>> -> memref<128xi32, #tpu.memory_space<hbm>>
        %dma_start3A_254 = arith.constant 0 : i32
        %dma_start3A_255 = tpu.memref_slice %arg10[%run_scoped3A_151, %dma_start3A_254] : memref<16x128xi32, #tpu.memory_space<vmem>> -> memref<1x128xi32, #tpu.memory_space<vmem>>
        %dma_start3A_256 = tpu.memref_squeeze %dma_start3A_255 : memref<1x128xi32, #tpu.memory_space<vmem>> -> memref<128xi32, #tpu.memory_space<vmem>>
        %dma_start3A_257 = arith.constant 0 : i32
        %dma_start3A_258 = tpu.memref_slice %arg3[%add3A_150, %dma_start3A_257] : memref<2560x128xi32, #tpu.memory_space<hbm>> -> memref<1x128xi32, #tpu.memory_space<hbm>>
        %dma_start3A_259 = tpu.memref_squeeze %dma_start3A_258 : memref<1x128xi32, #tpu.memory_space<hbm>> -> memref<128xi32, #tpu.memory_space<hbm>>
        tpu.enqueue_dma source(%dma_start3A_259 : memref<128xi32, #tpu.memory_space<hbm>>) target(%dma_start3A_256 : memref<128xi32, #tpu.memory_space<vmem>>) target_semaphore(%run_scoped3A_247 : memref<!tpu.dma_semaphore, #tpu.memory_space<semaphore_mem>>)
        %dma_wait3A_260 = arith.constant 0 : i32
        %dma_wait3A_261 = tpu.memref_slice %arg10[%run_scoped3A_151, %dma_wait3A_260] : memref<16x128xi32, #tpu.memory_space<vmem>> -> memref<1x128xi32, #tpu.memory_space<vmem>>
        %dma_wait3A_262 = tpu.memref_squeeze %dma_wait3A_261 : memref<1x128xi32, #tpu.memory_space<vmem>> -> memref<128xi32, #tpu.memory_space<vmem>>
        %dma_wait3A_263 = arith.constant 0 : i32
        %dma_wait3A_264 = tpu.memref_slice %arg3[%add3A_150, %dma_wait3A_263] : memref<2560x128xi32, #tpu.memory_space<hbm>> -> memref<1x128xi32, #tpu.memory_space<hbm>>
        %dma_wait3A_265 = tpu.memref_squeeze %dma_wait3A_264 : memref<1x128xi32, #tpu.memory_space<hbm>> -> memref<128xi32, #tpu.memory_space<hbm>>
        %dma_wait3A_266 = arith.constant 0 : i32
        %dma_wait3A_267 = tpu.memref_slice %arg10[%run_scoped3A_151, %dma_wait3A_266] : memref<16x128xi32, #tpu.memory_space<vmem>> -> memref<1x128xi32, #tpu.memory_space<vmem>>
        %dma_wait3A_268 = tpu.memref_squeeze %dma_wait3A_267 : memref<1x128xi32, #tpu.memory_space<vmem>> -> memref<128xi32, #tpu.memory_space<vmem>>
        %dma_wait3A_269 = arith.constant 0 : i32
        %dma_wait3A_270 = tpu.memref_slice %arg3[%add3A_150, %dma_wait3A_269] : memref<2560x128xi32, #tpu.memory_space<hbm>> -> memref<1x128xi32, #tpu.memory_space<hbm>>
        %dma_wait3A_271 = tpu.memref_squeeze %dma_wait3A_270 : memref<1x128xi32, #tpu.memory_space<hbm>> -> memref<128xi32, #tpu.memory_space<hbm>>
        tpu.wait_dma2 semaphore(%run_scoped3A_247 : memref<!tpu.dma_semaphore, #tpu.memory_space<semaphore_mem>>) src(%dma_wait3A_271 : memref<128xi32, #tpu.memory_space<hbm>>) dst(%dma_wait3A_268 : memref<128xi32, #tpu.memory_space<vmem>>)
        tpu.yield
      }) : () -> ()
      %dma_start3A_152 = arith.constant 7 : i32
      %dma_start3A_153 = arith.constant 0 : i32
      %dma_start3A_154 = tpu.memref_slice %arg10[%dma_start3A_152, %dma_start3A_153] : memref<16x128xi32, #tpu.memory_space<vmem>> -> memref<1x128xi32, #tpu.memory_space<vmem>>
      %dma_start3A_155 = tpu.memref_squeeze %dma_start3A_154 : memref<1x128xi32, #tpu.memory_space<vmem>> -> memref<128xi32, #tpu.memory_space<vmem>>
      %dma_start3A_156 = arith.constant 0 : i32
      %dma_start3A_157 = arith.constant 0 : i32
      %dma_start3A_158 = tpu.memref_slice %arg15[%dma_start3A_156, %dma_start3A_157] : memref<10240x128xf32, #tpu.memory_space<vmem_shared>> -> memref<10240x128xf32, #tpu.memory_space<vmem_shared>>
      tpu.enqueue_indirect_dma source(%arg12 : memref<128x128xf32, #tpu.memory_space<vmem>>) target(%dma_start3A_158 : memref<10240x128xf32, #tpu.memory_space<vmem_shared>>) offsets(%dma_start3A_155 : memref<128xi32, #tpu.memory_space<vmem>>) semaphore(%arg14 : memref<!tpu.dma_semaphore, #tpu.memory_space<semaphore_mem>>) {add = true}
      %add3A_159 = arith.addi %add3A_41, %add3A_71 : i32
      %add3A_160 = arith.constant 8 : i32
      %add3A_161 = arith.addi %add3A_159, %add3A_160 : i32
      %run_scoped3A_162 = arith.constant 8 : i32
      "tpu.region"() ({
        %run_scoped3A_247 = tpu.sem_alloc : memref<!tpu.dma_semaphore, #tpu.memory_space<semaphore_mem>>
        %dma_start3A_248 = arith.constant 0 : i32
        %dma_start3A_249 = tpu.memref_slice %arg10[%run_scoped3A_162, %dma_start3A_248] : memref<16x128xi32, #tpu.memory_space<vmem>> -> memref<1x128xi32, #tpu.memory_space<vmem>>
        %dma_start3A_250 = tpu.memref_squeeze %dma_start3A_249 : memref<1x128xi32, #tpu.memory_space<vmem>> -> memref<128xi32, #tpu.memory_space<vmem>>
        %dma_start3A_251 = arith.constant 0 : i32
        %dma_start3A_252 = tpu.memref_slice %arg3[%add3A_161, %dma_start3A_251] : memref<2560x128xi32, #tpu.memory_space<hbm>> -> memref<1x128xi32, #tpu.memory_space<hbm>>
        %dma_start3A_253 = tpu.memref_squeeze %dma_start3A_252 : memref<1x128xi32, #tpu.memory_space<hbm>> -> memref<128xi32, #tpu.memory_space<hbm>>
        %dma_start3A_254 = arith.constant 0 : i32
        %dma_start3A_255 = tpu.memref_slice %arg10[%run_scoped3A_162, %dma_start3A_254] : memref<16x128xi32, #tpu.memory_space<vmem>> -> memref<1x128xi32, #tpu.memory_space<vmem>>
        %dma_start3A_256 = tpu.memref_squeeze %dma_start3A_255 : memref<1x128xi32, #tpu.memory_space<vmem>> -> memref<128xi32, #tpu.memory_space<vmem>>
        %dma_start3A_257 = arith.constant 0 : i32
        %dma_start3A_258 = tpu.memref_slice %arg3[%add3A_161, %dma_start3A_257] : memref<2560x128xi32, #tpu.memory_space<hbm>> -> memref<1x128xi32, #tpu.memory_space<hbm>>
        %dma_start3A_259 = tpu.memref_squeeze %dma_start3A_258 : memref<1x128xi32, #tpu.memory_space<hbm>> -> memref<128xi32, #tpu.memory_space<hbm>>
        tpu.enqueue_dma source(%dma_start3A_259 : memref<128xi32, #tpu.memory_space<hbm>>) target(%dma_start3A_256 : memref<128xi32, #tpu.memory_space<vmem>>) target_semaphore(%run_scoped3A_247 : memref<!tpu.dma_semaphore, #tpu.memory_space<semaphore_mem>>)
        %dma_wait3A_260 = arith.constant 0 : i32
        %dma_wait3A_261 = tpu.memref_slice %arg10[%run_scoped3A_162, %dma_wait3A_260] : memref<16x128xi32, #tpu.memory_space<vmem>> -> memref<1x128xi32, #tpu.memory_space<vmem>>
        %dma_wait3A_262 = tpu.memref_squeeze %dma_wait3A_261 : memref<1x128xi32, #tpu.memory_space<vmem>> -> memref<128xi32, #tpu.memory_space<vmem>>
        %dma_wait3A_263 = arith.constant 0 : i32
        %dma_wait3A_264 = tpu.memref_slice %arg3[%add3A_161, %dma_wait3A_263] : memref<2560x128xi32, #tpu.memory_space<hbm>> -> memref<1x128xi32, #tpu.memory_space<hbm>>
        %dma_wait3A_265 = tpu.memref_squeeze %dma_wait3A_264 : memref<1x128xi32, #tpu.memory_space<hbm>> -> memref<128xi32, #tpu.memory_space<hbm>>
        %dma_wait3A_266 = arith.constant 0 : i32
        %dma_wait3A_267 = tpu.memref_slice %arg10[%run_scoped3A_162, %dma_wait3A_266] : memref<16x128xi32, #tpu.memory_space<vmem>> -> memref<1x128xi32, #tpu.memory_space<vmem>>
        %dma_wait3A_268 = tpu.memref_squeeze %dma_wait3A_267 : memref<1x128xi32, #tpu.memory_space<vmem>> -> memref<128xi32, #tpu.memory_space<vmem>>
        %dma_wait3A_269 = arith.constant 0 : i32
        %dma_wait3A_270 = tpu.memref_slice %arg3[%add3A_161, %dma_wait3A_269] : memref<2560x128xi32, #tpu.memory_space<hbm>> -> memref<1x128xi32, #tpu.memory_space<hbm>>
        %dma_wait3A_271 = tpu.memref_squeeze %dma_wait3A_270 : memref<1x128xi32, #tpu.memory_space<hbm>> -> memref<128xi32, #tpu.memory_space<hbm>>
        tpu.wait_dma2 semaphore(%run_scoped3A_247 : memref<!tpu.dma_semaphore, #tpu.memory_space<semaphore_mem>>) src(%dma_wait3A_271 : memref<128xi32, #tpu.memory_space<hbm>>) dst(%dma_wait3A_268 : memref<128xi32, #tpu.memory_space<vmem>>)
        tpu.yield
      }) : () -> ()
      %dma_start3A_163 = arith.constant 8 : i32
      %dma_start3A_164 = arith.constant 0 : i32
      %dma_start3A_165 = tpu.memref_slice %arg10[%dma_start3A_163, %dma_start3A_164] : memref<16x128xi32, #tpu.memory_space<vmem>> -> memref<1x128xi32, #tpu.memory_space<vmem>>
      %dma_start3A_166 = tpu.memref_squeeze %dma_start3A_165 : memref<1x128xi32, #tpu.memory_space<vmem>> -> memref<128xi32, #tpu.memory_space<vmem>>
      %dma_start3A_167 = arith.constant 0 : i32
      %dma_start3A_168 = arith.constant 0 : i32
      %dma_start3A_169 = tpu.memref_slice %arg15[%dma_start3A_167, %dma_start3A_168] : memref<10240x128xf32, #tpu.memory_space<vmem_shared>> -> memref<10240x128xf32, #tpu.memory_space<vmem_shared>>
      tpu.enqueue_indirect_dma source(%arg12 : memref<128x128xf32, #tpu.memory_space<vmem>>) target(%dma_start3A_169 : memref<10240x128xf32, #tpu.memory_space<vmem_shared>>) offsets(%dma_start3A_166 : memref<128xi32, #tpu.memory_space<vmem>>) semaphore(%arg14 : memref<!tpu.dma_semaphore, #tpu.memory_space<semaphore_mem>>) {add = true}
      %add3A_170 = arith.addi %add3A_41, %add3A_71 : i32
      %add3A_171 = arith.constant 9 : i32
      %add3A_172 = arith.addi %add3A_170, %add3A_171 : i32
      %run_scoped3A_173 = arith.constant 9 : i32
      "tpu.region"() ({
        %run_scoped3A_247 = tpu.sem_alloc : memref<!tpu.dma_semaphore, #tpu.memory_space<semaphore_mem>>
        %dma_start3A_248 = arith.constant 0 : i32
        %dma_start3A_249 = tpu.memref_slice %arg10[%run_scoped3A_173, %dma_start3A_248] : memref<16x128xi32, #tpu.memory_space<vmem>> -> memref<1x128xi32, #tpu.memory_space<vmem>>
        %dma_start3A_250 = tpu.memref_squeeze %dma_start3A_249 : memref<1x128xi32, #tpu.memory_space<vmem>> -> memref<128xi32, #tpu.memory_space<vmem>>
        %dma_start3A_251 = arith.constant 0 : i32
        %dma_start3A_252 = tpu.memref_slice %arg3[%add3A_172, %dma_start3A_251] : memref<2560x128xi32, #tpu.memory_space<hbm>> -> memref<1x128xi32, #tpu.memory_space<hbm>>
        %dma_start3A_253 = tpu.memref_squeeze %dma_start3A_252 : memref<1x128xi32, #tpu.memory_space<hbm>> -> memref<128xi32, #tpu.memory_space<hbm>>
        %dma_start3A_254 = arith.constant 0 : i32
        %dma_start3A_255 = tpu.memref_slice %arg10[%run_scoped3A_173, %dma_start3A_254] : memref<16x128xi32, #tpu.memory_space<vmem>> -> memref<1x128xi32, #tpu.memory_space<vmem>>
        %dma_start3A_256 = tpu.memref_squeeze %dma_start3A_255 : memref<1x128xi32, #tpu.memory_space<vmem>> -> memref<128xi32, #tpu.memory_space<vmem>>
        %dma_start3A_257 = arith.constant 0 : i32
        %dma_start3A_258 = tpu.memref_slice %arg3[%add3A_172, %dma_start3A_257] : memref<2560x128xi32, #tpu.memory_space<hbm>> -> memref<1x128xi32, #tpu.memory_space<hbm>>
        %dma_start3A_259 = tpu.memref_squeeze %dma_start3A_258 : memref<1x128xi32, #tpu.memory_space<hbm>> -> memref<128xi32, #tpu.memory_space<hbm>>
        tpu.enqueue_dma source(%dma_start3A_259 : memref<128xi32, #tpu.memory_space<hbm>>) target(%dma_start3A_256 : memref<128xi32, #tpu.memory_space<vmem>>) target_semaphore(%run_scoped3A_247 : memref<!tpu.dma_semaphore, #tpu.memory_space<semaphore_mem>>)
        %dma_wait3A_260 = arith.constant 0 : i32
        %dma_wait3A_261 = tpu.memref_slice %arg10[%run_scoped3A_173, %dma_wait3A_260] : memref<16x128xi32, #tpu.memory_space<vmem>> -> memref<1x128xi32, #tpu.memory_space<vmem>>
        %dma_wait3A_262 = tpu.memref_squeeze %dma_wait3A_261 : memref<1x128xi32, #tpu.memory_space<vmem>> -> memref<128xi32, #tpu.memory_space<vmem>>
        %dma_wait3A_263 = arith.constant 0 : i32
        %dma_wait3A_264 = tpu.memref_slice %arg3[%add3A_172, %dma_wait3A_263] : memref<2560x128xi32, #tpu.memory_space<hbm>> -> memref<1x128xi32, #tpu.memory_space<hbm>>
        %dma_wait3A_265 = tpu.memref_squeeze %dma_wait3A_264 : memref<1x128xi32, #tpu.memory_space<hbm>> -> memref<128xi32, #tpu.memory_space<hbm>>
        %dma_wait3A_266 = arith.constant 0 : i32
        %dma_wait3A_267 = tpu.memref_slice %arg10[%run_scoped3A_173, %dma_wait3A_266] : memref<16x128xi32, #tpu.memory_space<vmem>> -> memref<1x128xi32, #tpu.memory_space<vmem>>
        %dma_wait3A_268 = tpu.memref_squeeze %dma_wait3A_267 : memref<1x128xi32, #tpu.memory_space<vmem>> -> memref<128xi32, #tpu.memory_space<vmem>>
        %dma_wait3A_269 = arith.constant 0 : i32
        %dma_wait3A_270 = tpu.memref_slice %arg3[%add3A_172, %dma_wait3A_269] : memref<2560x128xi32, #tpu.memory_space<hbm>> -> memref<1x128xi32, #tpu.memory_space<hbm>>
        %dma_wait3A_271 = tpu.memref_squeeze %dma_wait3A_270 : memref<1x128xi32, #tpu.memory_space<hbm>> -> memref<128xi32, #tpu.memory_space<hbm>>
        tpu.wait_dma2 semaphore(%run_scoped3A_247 : memref<!tpu.dma_semaphore, #tpu.memory_space<semaphore_mem>>) src(%dma_wait3A_271 : memref<128xi32, #tpu.memory_space<hbm>>) dst(%dma_wait3A_268 : memref<128xi32, #tpu.memory_space<vmem>>)
        tpu.yield
      }) : () -> ()
      %dma_start3A_174 = arith.constant 9 : i32
      %dma_start3A_175 = arith.constant 0 : i32
      %dma_start3A_176 = tpu.memref_slice %arg10[%dma_start3A_174, %dma_start3A_175] : memref<16x128xi32, #tpu.memory_space<vmem>> -> memref<1x128xi32, #tpu.memory_space<vmem>>
      %dma_start3A_177 = tpu.memref_squeeze %dma_start3A_176 : memref<1x128xi32, #tpu.memory_space<vmem>> -> memref<128xi32, #tpu.memory_space<vmem>>
      %dma_start3A_178 = arith.constant 0 : i32
      %dma_start3A_179 = arith.constant 0 : i32
      %dma_start3A_180 = tpu.memref_slice %arg15[%dma_start3A_178, %dma_start3A_179] : memref<10240x128xf32, #tpu.memory_space<vmem_shared>> -> memref<10240x128xf32, #tpu.memory_space<vmem_shared>>
      tpu.enqueue_indirect_dma source(%arg12 : memref<128x128xf32, #tpu.memory_space<vmem>>) target(%dma_start3A_180 : memref<10240x128xf32, #tpu.memory_space<vmem_shared>>) offsets(%dma_start3A_177 : memref<128xi32, #tpu.memory_space<vmem>>) semaphore(%arg14 : memref<!tpu.dma_semaphore, #tpu.memory_space<semaphore_mem>>) {add = true}
      %add3A_181 = arith.addi %add3A_41, %add3A_71 : i32
      %add3A_182 = arith.constant 10 : i32
      %add3A_183 = arith.addi %add3A_181, %add3A_182 : i32
      %run_scoped3A_184 = arith.constant 10 : i32
      "tpu.region"() ({
        %run_scoped3A_247 = tpu.sem_alloc : memref<!tpu.dma_semaphore, #tpu.memory_space<semaphore_mem>>
        %dma_start3A_248 = arith.constant 0 : i32
        %dma_start3A_249 = tpu.memref_slice %arg10[%run_scoped3A_184, %dma_start3A_248] : memref<16x128xi32, #tpu.memory_space<vmem>> -> memref<1x128xi32, #tpu.memory_space<vmem>>
        %dma_start3A_250 = tpu.memref_squeeze %dma_start3A_249 : memref<1x128xi32, #tpu.memory_space<vmem>> -> memref<128xi32, #tpu.memory_space<vmem>>
        %dma_start3A_251 = arith.constant 0 : i32
        %dma_start3A_252 = tpu.memref_slice %arg3[%add3A_183, %dma_start3A_251] : memref<2560x128xi32, #tpu.memory_space<hbm>> -> memref<1x128xi32, #tpu.memory_space<hbm>>
        %dma_start3A_253 = tpu.memref_squeeze %dma_start3A_252 : memref<1x128xi32, #tpu.memory_space<hbm>> -> memref<128xi32, #tpu.memory_space<hbm>>
        %dma_start3A_254 = arith.constant 0 : i32
        %dma_start3A_255 = tpu.memref_slice %arg10[%run_scoped3A_184, %dma_start3A_254] : memref<16x128xi32, #tpu.memory_space<vmem>> -> memref<1x128xi32, #tpu.memory_space<vmem>>
        %dma_start3A_256 = tpu.memref_squeeze %dma_start3A_255 : memref<1x128xi32, #tpu.memory_space<vmem>> -> memref<128xi32, #tpu.memory_space<vmem>>
        %dma_start3A_257 = arith.constant 0 : i32
        %dma_start3A_258 = tpu.memref_slice %arg3[%add3A_183, %dma_start3A_257] : memref<2560x128xi32, #tpu.memory_space<hbm>> -> memref<1x128xi32, #tpu.memory_space<hbm>>
        %dma_start3A_259 = tpu.memref_squeeze %dma_start3A_258 : memref<1x128xi32, #tpu.memory_space<hbm>> -> memref<128xi32, #tpu.memory_space<hbm>>
        tpu.enqueue_dma source(%dma_start3A_259 : memref<128xi32, #tpu.memory_space<hbm>>) target(%dma_start3A_256 : memref<128xi32, #tpu.memory_space<vmem>>) target_semaphore(%run_scoped3A_247 : memref<!tpu.dma_semaphore, #tpu.memory_space<semaphore_mem>>)
        %dma_wait3A_260 = arith.constant 0 : i32
        %dma_wait3A_261 = tpu.memref_slice %arg10[%run_scoped3A_184, %dma_wait3A_260] : memref<16x128xi32, #tpu.memory_space<vmem>> -> memref<1x128xi32, #tpu.memory_space<vmem>>
        %dma_wait3A_262 = tpu.memref_squeeze %dma_wait3A_261 : memref<1x128xi32, #tpu.memory_space<vmem>> -> memref<128xi32, #tpu.memory_space<vmem>>
        %dma_wait3A_263 = arith.constant 0 : i32
        %dma_wait3A_264 = tpu.memref_slice %arg3[%add3A_183, %dma_wait3A_263] : memref<2560x128xi32, #tpu.memory_space<hbm>> -> memref<1x128xi32, #tpu.memory_space<hbm>>
        %dma_wait3A_265 = tpu.memref_squeeze %dma_wait3A_264 : memref<1x128xi32, #tpu.memory_space<hbm>> -> memref<128xi32, #tpu.memory_space<hbm>>
        %dma_wait3A_266 = arith.constant 0 : i32
        %dma_wait3A_267 = tpu.memref_slice %arg10[%run_scoped3A_184, %dma_wait3A_266] : memref<16x128xi32, #tpu.memory_space<vmem>> -> memref<1x128xi32, #tpu.memory_space<vmem>>
        %dma_wait3A_268 = tpu.memref_squeeze %dma_wait3A_267 : memref<1x128xi32, #tpu.memory_space<vmem>> -> memref<128xi32, #tpu.memory_space<vmem>>
        %dma_wait3A_269 = arith.constant 0 : i32
        %dma_wait3A_270 = tpu.memref_slice %arg3[%add3A_183, %dma_wait3A_269] : memref<2560x128xi32, #tpu.memory_space<hbm>> -> memref<1x128xi32, #tpu.memory_space<hbm>>
        %dma_wait3A_271 = tpu.memref_squeeze %dma_wait3A_270 : memref<1x128xi32, #tpu.memory_space<hbm>> -> memref<128xi32, #tpu.memory_space<hbm>>
        tpu.wait_dma2 semaphore(%run_scoped3A_247 : memref<!tpu.dma_semaphore, #tpu.memory_space<semaphore_mem>>) src(%dma_wait3A_271 : memref<128xi32, #tpu.memory_space<hbm>>) dst(%dma_wait3A_268 : memref<128xi32, #tpu.memory_space<vmem>>)
        tpu.yield
      }) : () -> ()
      %dma_start3A_185 = arith.constant 10 : i32
      %dma_start3A_186 = arith.constant 0 : i32
      %dma_start3A_187 = tpu.memref_slice %arg10[%dma_start3A_185, %dma_start3A_186] : memref<16x128xi32, #tpu.memory_space<vmem>> -> memref<1x128xi32, #tpu.memory_space<vmem>>
      %dma_start3A_188 = tpu.memref_squeeze %dma_start3A_187 : memref<1x128xi32, #tpu.memory_space<vmem>> -> memref<128xi32, #tpu.memory_space<vmem>>
      %dma_start3A_189 = arith.constant 0 : i32
      %dma_start3A_190 = arith.constant 0 : i32
      %dma_start3A_191 = tpu.memref_slice %arg15[%dma_start3A_189, %dma_start3A_190] : memref<10240x128xf32, #tpu.memory_space<vmem_shared>> -> memref<10240x128xf32, #tpu.memory_space<vmem_shared>>
      tpu.enqueue_indirect_dma source(%arg12 : memref<128x128xf32, #tpu.memory_space<vmem>>) target(%dma_start3A_191 : memref<10240x128xf32, #tpu.memory_space<vmem_shared>>) offsets(%dma_start3A_188 : memref<128xi32, #tpu.memory_space<vmem>>) semaphore(%arg14 : memref<!tpu.dma_semaphore, #tpu.memory_space<semaphore_mem>>) {add = true}
      %add3A_192 = arith.addi %add3A_41, %add3A_71 : i32
      %add3A_193 = arith.constant 11 : i32
      %add3A_194 = arith.addi %add3A_192, %add3A_193 : i32
      %run_scoped3A_195 = arith.constant 11 : i32
      "tpu.region"() ({
        %run_scoped3A_247 = tpu.sem_alloc : memref<!tpu.dma_semaphore, #tpu.memory_space<semaphore_mem>>
        %dma_start3A_248 = arith.constant 0 : i32
        %dma_start3A_249 = tpu.memref_slice %arg10[%run_scoped3A_195, %dma_start3A_248] : memref<16x128xi32, #tpu.memory_space<vmem>> -> memref<1x128xi32, #tpu.memory_space<vmem>>
        %dma_start3A_250 = tpu.memref_squeeze %dma_start3A_249 : memref<1x128xi32, #tpu.memory_space<vmem>> -> memref<128xi32, #tpu.memory_space<vmem>>
        %dma_start3A_251 = arith.constant 0 : i32
        %dma_start3A_252 = tpu.memref_slice %arg3[%add3A_194, %dma_start3A_251] : memref<2560x128xi32, #tpu.memory_space<hbm>> -> memref<1x128xi32, #tpu.memory_space<hbm>>
        %dma_start3A_253 = tpu.memref_squeeze %dma_start3A_252 : memref<1x128xi32, #tpu.memory_space<hbm>> -> memref<128xi32, #tpu.memory_space<hbm>>
        %dma_start3A_254 = arith.constant 0 : i32
        %dma_start3A_255 = tpu.memref_slice %arg10[%run_scoped3A_195, %dma_start3A_254] : memref<16x128xi32, #tpu.memory_space<vmem>> -> memref<1x128xi32, #tpu.memory_space<vmem>>
        %dma_start3A_256 = tpu.memref_squeeze %dma_start3A_255 : memref<1x128xi32, #tpu.memory_space<vmem>> -> memref<128xi32, #tpu.memory_space<vmem>>
        %dma_start3A_257 = arith.constant 0 : i32
        %dma_start3A_258 = tpu.memref_slice %arg3[%add3A_194, %dma_start3A_257] : memref<2560x128xi32, #tpu.memory_space<hbm>> -> memref<1x128xi32, #tpu.memory_space<hbm>>
        %dma_start3A_259 = tpu.memref_squeeze %dma_start3A_258 : memref<1x128xi32, #tpu.memory_space<hbm>> -> memref<128xi32, #tpu.memory_space<hbm>>
        tpu.enqueue_dma source(%dma_start3A_259 : memref<128xi32, #tpu.memory_space<hbm>>) target(%dma_start3A_256 : memref<128xi32, #tpu.memory_space<vmem>>) target_semaphore(%run_scoped3A_247 : memref<!tpu.dma_semaphore, #tpu.memory_space<semaphore_mem>>)
        %dma_wait3A_260 = arith.constant 0 : i32
        %dma_wait3A_261 = tpu.memref_slice %arg10[%run_scoped3A_195, %dma_wait3A_260] : memref<16x128xi32, #tpu.memory_space<vmem>> -> memref<1x128xi32, #tpu.memory_space<vmem>>
        %dma_wait3A_262 = tpu.memref_squeeze %dma_wait3A_261 : memref<1x128xi32, #tpu.memory_space<vmem>> -> memref<128xi32, #tpu.memory_space<vmem>>
        %dma_wait3A_263 = arith.constant 0 : i32
        %dma_wait3A_264 = tpu.memref_slice %arg3[%add3A_194, %dma_wait3A_263] : memref<2560x128xi32, #tpu.memory_space<hbm>> -> memref<1x128xi32, #tpu.memory_space<hbm>>
        %dma_wait3A_265 = tpu.memref_squeeze %dma_wait3A_264 : memref<1x128xi32, #tpu.memory_space<hbm>> -> memref<128xi32, #tpu.memory_space<hbm>>
        %dma_wait3A_266 = arith.constant 0 : i32
        %dma_wait3A_267 = tpu.memref_slice %arg10[%run_scoped3A_195, %dma_wait3A_266] : memref<16x128xi32, #tpu.memory_space<vmem>> -> memref<1x128xi32, #tpu.memory_space<vmem>>
        %dma_wait3A_268 = tpu.memref_squeeze %dma_wait3A_267 : memref<1x128xi32, #tpu.memory_space<vmem>> -> memref<128xi32, #tpu.memory_space<vmem>>
        %dma_wait3A_269 = arith.constant 0 : i32
        %dma_wait3A_270 = tpu.memref_slice %arg3[%add3A_194, %dma_wait3A_269] : memref<2560x128xi32, #tpu.memory_space<hbm>> -> memref<1x128xi32, #tpu.memory_space<hbm>>
        %dma_wait3A_271 = tpu.memref_squeeze %dma_wait3A_270 : memref<1x128xi32, #tpu.memory_space<hbm>> -> memref<128xi32, #tpu.memory_space<hbm>>
        tpu.wait_dma2 semaphore(%run_scoped3A_247 : memref<!tpu.dma_semaphore, #tpu.memory_space<semaphore_mem>>) src(%dma_wait3A_271 : memref<128xi32, #tpu.memory_space<hbm>>) dst(%dma_wait3A_268 : memref<128xi32, #tpu.memory_space<vmem>>)
        tpu.yield
      }) : () -> ()
      %dma_start3A_196 = arith.constant 11 : i32
      %dma_start3A_197 = arith.constant 0 : i32
      %dma_start3A_198 = tpu.memref_slice %arg10[%dma_start3A_196, %dma_start3A_197] : memref<16x128xi32, #tpu.memory_space<vmem>> -> memref<1x128xi32, #tpu.memory_space<vmem>>
      %dma_start3A_199 = tpu.memref_squeeze %dma_start3A_198 : memref<1x128xi32, #tpu.memory_space<vmem>> -> memref<128xi32, #tpu.memory_space<vmem>>
      %dma_start3A_200 = arith.constant 0 : i32
      %dma_start3A_201 = arith.constant 0 : i32
      %dma_start3A_202 = tpu.memref_slice %arg15[%dma_start3A_200, %dma_start3A_201] : memref<10240x128xf32, #tpu.memory_space<vmem_shared>> -> memref<10240x128xf32, #tpu.memory_space<vmem_shared>>
      tpu.enqueue_indirect_dma source(%arg12 : memref<128x128xf32, #tpu.memory_space<vmem>>) target(%dma_start3A_202 : memref<10240x128xf32, #tpu.memory_space<vmem_shared>>) offsets(%dma_start3A_199 : memref<128xi32, #tpu.memory_space<vmem>>) semaphore(%arg14 : memref<!tpu.dma_semaphore, #tpu.memory_space<semaphore_mem>>) {add = true}
      %add3A_203 = arith.addi %add3A_41, %add3A_71 : i32
      %add3A_204 = arith.constant 12 : i32
      %add3A_205 = arith.addi %add3A_203, %add3A_204 : i32
      %run_scoped3A_206 = arith.constant 12 : i32
      "tpu.region"() ({
        %run_scoped3A_247 = tpu.sem_alloc : memref<!tpu.dma_semaphore, #tpu.memory_space<semaphore_mem>>
        %dma_start3A_248 = arith.constant 0 : i32
        %dma_start3A_249 = tpu.memref_slice %arg10[%run_scoped3A_206, %dma_start3A_248] : memref<16x128xi32, #tpu.memory_space<vmem>> -> memref<1x128xi32, #tpu.memory_space<vmem>>
        %dma_start3A_250 = tpu.memref_squeeze %dma_start3A_249 : memref<1x128xi32, #tpu.memory_space<vmem>> -> memref<128xi32, #tpu.memory_space<vmem>>
        %dma_start3A_251 = arith.constant 0 : i32
        %dma_start3A_252 = tpu.memref_slice %arg3[%add3A_205, %dma_start3A_251] : memref<2560x128xi32, #tpu.memory_space<hbm>> -> memref<1x128xi32, #tpu.memory_space<hbm>>
        %dma_start3A_253 = tpu.memref_squeeze %dma_start3A_252 : memref<1x128xi32, #tpu.memory_space<hbm>> -> memref<128xi32, #tpu.memory_space<hbm>>
        %dma_start3A_254 = arith.constant 0 : i32
        %dma_start3A_255 = tpu.memref_slice %arg10[%run_scoped3A_206, %dma_start3A_254] : memref<16x128xi32, #tpu.memory_space<vmem>> -> memref<1x128xi32, #tpu.memory_space<vmem>>
        %dma_start3A_256 = tpu.memref_squeeze %dma_start3A_255 : memref<1x128xi32, #tpu.memory_space<vmem>> -> memref<128xi32, #tpu.memory_space<vmem>>
        %dma_start3A_257 = arith.constant 0 : i32
        %dma_start3A_258 = tpu.memref_slice %arg3[%add3A_205, %dma_start3A_257] : memref<2560x128xi32, #tpu.memory_space<hbm>> -> memref<1x128xi32, #tpu.memory_space<hbm>>
        %dma_start3A_259 = tpu.memref_squeeze %dma_start3A_258 : memref<1x128xi32, #tpu.memory_space<hbm>> -> memref<128xi32, #tpu.memory_space<hbm>>
        tpu.enqueue_dma source(%dma_start3A_259 : memref<128xi32, #tpu.memory_space<hbm>>) target(%dma_start3A_256 : memref<128xi32, #tpu.memory_space<vmem>>) target_semaphore(%run_scoped3A_247 : memref<!tpu.dma_semaphore, #tpu.memory_space<semaphore_mem>>)
        %dma_wait3A_260 = arith.constant 0 : i32
        %dma_wait3A_261 = tpu.memref_slice %arg10[%run_scoped3A_206, %dma_wait3A_260] : memref<16x128xi32, #tpu.memory_space<vmem>> -> memref<1x128xi32, #tpu.memory_space<vmem>>
        %dma_wait3A_262 = tpu.memref_squeeze %dma_wait3A_261 : memref<1x128xi32, #tpu.memory_space<vmem>> -> memref<128xi32, #tpu.memory_space<vmem>>
        %dma_wait3A_263 = arith.constant 0 : i32
        %dma_wait3A_264 = tpu.memref_slice %arg3[%add3A_205, %dma_wait3A_263] : memref<2560x128xi32, #tpu.memory_space<hbm>> -> memref<1x128xi32, #tpu.memory_space<hbm>>
        %dma_wait3A_265 = tpu.memref_squeeze %dma_wait3A_264 : memref<1x128xi32, #tpu.memory_space<hbm>> -> memref<128xi32, #tpu.memory_space<hbm>>
        %dma_wait3A_266 = arith.constant 0 : i32
        %dma_wait3A_267 = tpu.memref_slice %arg10[%run_scoped3A_206, %dma_wait3A_266] : memref<16x128xi32, #tpu.memory_space<vmem>> -> memref<1x128xi32, #tpu.memory_space<vmem>>
        %dma_wait3A_268 = tpu.memref_squeeze %dma_wait3A_267 : memref<1x128xi32, #tpu.memory_space<vmem>> -> memref<128xi32, #tpu.memory_space<vmem>>
        %dma_wait3A_269 = arith.constant 0 : i32
        %dma_wait3A_270 = tpu.memref_slice %arg3[%add3A_205, %dma_wait3A_269] : memref<2560x128xi32, #tpu.memory_space<hbm>> -> memref<1x128xi32, #tpu.memory_space<hbm>>
        %dma_wait3A_271 = tpu.memref_squeeze %dma_wait3A_270 : memref<1x128xi32, #tpu.memory_space<hbm>> -> memref<128xi32, #tpu.memory_space<hbm>>
        tpu.wait_dma2 semaphore(%run_scoped3A_247 : memref<!tpu.dma_semaphore, #tpu.memory_space<semaphore_mem>>) src(%dma_wait3A_271 : memref<128xi32, #tpu.memory_space<hbm>>) dst(%dma_wait3A_268 : memref<128xi32, #tpu.memory_space<vmem>>)
        tpu.yield
      }) : () -> ()
      %dma_start3A_207 = arith.constant 12 : i32
      %dma_start3A_208 = arith.constant 0 : i32
      %dma_start3A_209 = tpu.memref_slice %arg10[%dma_start3A_207, %dma_start3A_208] : memref<16x128xi32, #tpu.memory_space<vmem>> -> memref<1x128xi32, #tpu.memory_space<vmem>>
      %dma_start3A_210 = tpu.memref_squeeze %dma_start3A_209 : memref<1x128xi32, #tpu.memory_space<vmem>> -> memref<128xi32, #tpu.memory_space<vmem>>
      %dma_start3A_211 = arith.constant 0 : i32
      %dma_start3A_212 = arith.constant 0 : i32
      %dma_start3A_213 = tpu.memref_slice %arg15[%dma_start3A_211, %dma_start3A_212] : memref<10240x128xf32, #tpu.memory_space<vmem_shared>> -> memref<10240x128xf32, #tpu.memory_space<vmem_shared>>
      tpu.enqueue_indirect_dma source(%arg12 : memref<128x128xf32, #tpu.memory_space<vmem>>) target(%dma_start3A_213 : memref<10240x128xf32, #tpu.memory_space<vmem_shared>>) offsets(%dma_start3A_210 : memref<128xi32, #tpu.memory_space<vmem>>) semaphore(%arg14 : memref<!tpu.dma_semaphore, #tpu.memory_space<semaphore_mem>>) {add = true}
      %add3A_214 = arith.addi %add3A_41, %add3A_71 : i32
      %add3A_215 = arith.constant 13 : i32
      %add3A_216 = arith.addi %add3A_214, %add3A_215 : i32
      %run_scoped3A_217 = arith.constant 13 : i32
      "tpu.region"() ({
        %run_scoped3A_247 = tpu.sem_alloc : memref<!tpu.dma_semaphore, #tpu.memory_space<semaphore_mem>>
        %dma_start3A_248 = arith.constant 0 : i32
        %dma_start3A_249 = tpu.memref_slice %arg10[%run_scoped3A_217, %dma_start3A_248] : memref<16x128xi32, #tpu.memory_space<vmem>> -> memref<1x128xi32, #tpu.memory_space<vmem>>
        %dma_start3A_250 = tpu.memref_squeeze %dma_start3A_249 : memref<1x128xi32, #tpu.memory_space<vmem>> -> memref<128xi32, #tpu.memory_space<vmem>>
        %dma_start3A_251 = arith.constant 0 : i32
        %dma_start3A_252 = tpu.memref_slice %arg3[%add3A_216, %dma_start3A_251] : memref<2560x128xi32, #tpu.memory_space<hbm>> -> memref<1x128xi32, #tpu.memory_space<hbm>>
        %dma_start3A_253 = tpu.memref_squeeze %dma_start3A_252 : memref<1x128xi32, #tpu.memory_space<hbm>> -> memref<128xi32, #tpu.memory_space<hbm>>
        %dma_start3A_254 = arith.constant 0 : i32
        %dma_start3A_255 = tpu.memref_slice %arg10[%run_scoped3A_217, %dma_start3A_254] : memref<16x128xi32, #tpu.memory_space<vmem>> -> memref<1x128xi32, #tpu.memory_space<vmem>>
        %dma_start3A_256 = tpu.memref_squeeze %dma_start3A_255 : memref<1x128xi32, #tpu.memory_space<vmem>> -> memref<128xi32, #tpu.memory_space<vmem>>
        %dma_start3A_257 = arith.constant 0 : i32
        %dma_start3A_258 = tpu.memref_slice %arg3[%add3A_216, %dma_start3A_257] : memref<2560x128xi32, #tpu.memory_space<hbm>> -> memref<1x128xi32, #tpu.memory_space<hbm>>
        %dma_start3A_259 = tpu.memref_squeeze %dma_start3A_258 : memref<1x128xi32, #tpu.memory_space<hbm>> -> memref<128xi32, #tpu.memory_space<hbm>>
        tpu.enqueue_dma source(%dma_start3A_259 : memref<128xi32, #tpu.memory_space<hbm>>) target(%dma_start3A_256 : memref<128xi32, #tpu.memory_space<vmem>>) target_semaphore(%run_scoped3A_247 : memref<!tpu.dma_semaphore, #tpu.memory_space<semaphore_mem>>)
        %dma_wait3A_260 = arith.constant 0 : i32
        %dma_wait3A_261 = tpu.memref_slice %arg10[%run_scoped3A_217, %dma_wait3A_260] : memref<16x128xi32, #tpu.memory_space<vmem>> -> memref<1x128xi32, #tpu.memory_space<vmem>>
        %dma_wait3A_262 = tpu.memref_squeeze %dma_wait3A_261 : memref<1x128xi32, #tpu.memory_space<vmem>> -> memref<128xi32, #tpu.memory_space<vmem>>
        %dma_wait3A_263 = arith.constant 0 : i32
        %dma_wait3A_264 = tpu.memref_slice %arg3[%add3A_216, %dma_wait3A_263] : memref<2560x128xi32, #tpu.memory_space<hbm>> -> memref<1x128xi32, #tpu.memory_space<hbm>>
        %dma_wait3A_265 = tpu.memref_squeeze %dma_wait3A_264 : memref<1x128xi32, #tpu.memory_space<hbm>> -> memref<128xi32, #tpu.memory_space<hbm>>
        %dma_wait3A_266 = arith.constant 0 : i32
        %dma_wait3A_267 = tpu.memref_slice %arg10[%run_scoped3A_217, %dma_wait3A_266] : memref<16x128xi32, #tpu.memory_space<vmem>> -> memref<1x128xi32, #tpu.memory_space<vmem>>
        %dma_wait3A_268 = tpu.memref_squeeze %dma_wait3A_267 : memref<1x128xi32, #tpu.memory_space<vmem>> -> memref<128xi32, #tpu.memory_space<vmem>>
        %dma_wait3A_269 = arith.constant 0 : i32
        %dma_wait3A_270 = tpu.memref_slice %arg3[%add3A_216, %dma_wait3A_269] : memref<2560x128xi32, #tpu.memory_space<hbm>> -> memref<1x128xi32, #tpu.memory_space<hbm>>
        %dma_wait3A_271 = tpu.memref_squeeze %dma_wait3A_270 : memref<1x128xi32, #tpu.memory_space<hbm>> -> memref<128xi32, #tpu.memory_space<hbm>>
        tpu.wait_dma2 semaphore(%run_scoped3A_247 : memref<!tpu.dma_semaphore, #tpu.memory_space<semaphore_mem>>) src(%dma_wait3A_271 : memref<128xi32, #tpu.memory_space<hbm>>) dst(%dma_wait3A_268 : memref<128xi32, #tpu.memory_space<vmem>>)
        tpu.yield
      }) : () -> ()
      %dma_start3A_218 = arith.constant 13 : i32
      %dma_start3A_219 = arith.constant 0 : i32
      %dma_start3A_220 = tpu.memref_slice %arg10[%dma_start3A_218, %dma_start3A_219] : memref<16x128xi32, #tpu.memory_space<vmem>> -> memref<1x128xi32, #tpu.memory_space<vmem>>
      %dma_start3A_221 = tpu.memref_squeeze %dma_start3A_220 : memref<1x128xi32, #tpu.memory_space<vmem>> -> memref<128xi32, #tpu.memory_space<vmem>>
      %dma_start3A_222 = arith.constant 0 : i32
      %dma_start3A_223 = arith.constant 0 : i32
      %dma_start3A_224 = tpu.memref_slice %arg15[%dma_start3A_222, %dma_start3A_223] : memref<10240x128xf32, #tpu.memory_space<vmem_shared>> -> memref<10240x128xf32, #tpu.memory_space<vmem_shared>>
      tpu.enqueue_indirect_dma source(%arg12 : memref<128x128xf32, #tpu.memory_space<vmem>>) target(%dma_start3A_224 : memref<10240x128xf32, #tpu.memory_space<vmem_shared>>) offsets(%dma_start3A_221 : memref<128xi32, #tpu.memory_space<vmem>>) semaphore(%arg14 : memref<!tpu.dma_semaphore, #tpu.memory_space<semaphore_mem>>) {add = true}
      %add3A_225 = arith.addi %add3A_41, %add3A_71 : i32
      %add3A_226 = arith.constant 14 : i32
      %add3A_227 = arith.addi %add3A_225, %add3A_226 : i32
      %run_scoped3A_228 = arith.constant 14 : i32
      "tpu.region"() ({
        %run_scoped3A_247 = tpu.sem_alloc : memref<!tpu.dma_semaphore, #tpu.memory_space<semaphore_mem>>
        %dma_start3A_248 = arith.constant 0 : i32
        %dma_start3A_249 = tpu.memref_slice %arg10[%run_scoped3A_228, %dma_start3A_248] : memref<16x128xi32, #tpu.memory_space<vmem>> -> memref<1x128xi32, #tpu.memory_space<vmem>>
        %dma_start3A_250 = tpu.memref_squeeze %dma_start3A_249 : memref<1x128xi32, #tpu.memory_space<vmem>> -> memref<128xi32, #tpu.memory_space<vmem>>
        %dma_start3A_251 = arith.constant 0 : i32
        %dma_start3A_252 = tpu.memref_slice %arg3[%add3A_227, %dma_start3A_251] : memref<2560x128xi32, #tpu.memory_space<hbm>> -> memref<1x128xi32, #tpu.memory_space<hbm>>
        %dma_start3A_253 = tpu.memref_squeeze %dma_start3A_252 : memref<1x128xi32, #tpu.memory_space<hbm>> -> memref<128xi32, #tpu.memory_space<hbm>>
        %dma_start3A_254 = arith.constant 0 : i32
        %dma_start3A_255 = tpu.memref_slice %arg10[%run_scoped3A_228, %dma_start3A_254] : memref<16x128xi32, #tpu.memory_space<vmem>> -> memref<1x128xi32, #tpu.memory_space<vmem>>
        %dma_start3A_256 = tpu.memref_squeeze %dma_start3A_255 : memref<1x128xi32, #tpu.memory_space<vmem>> -> memref<128xi32, #tpu.memory_space<vmem>>
        %dma_start3A_257 = arith.constant 0 : i32
        %dma_start3A_258 = tpu.memref_slice %arg3[%add3A_227, %dma_start3A_257] : memref<2560x128xi32, #tpu.memory_space<hbm>> -> memref<1x128xi32, #tpu.memory_space<hbm>>
        %dma_start3A_259 = tpu.memref_squeeze %dma_start3A_258 : memref<1x128xi32, #tpu.memory_space<hbm>> -> memref<128xi32, #tpu.memory_space<hbm>>
        tpu.enqueue_dma source(%dma_start3A_259 : memref<128xi32, #tpu.memory_space<hbm>>) target(%dma_start3A_256 : memref<128xi32, #tpu.memory_space<vmem>>) target_semaphore(%run_scoped3A_247 : memref<!tpu.dma_semaphore, #tpu.memory_space<semaphore_mem>>)
        %dma_wait3A_260 = arith.constant 0 : i32
        %dma_wait3A_261 = tpu.memref_slice %arg10[%run_scoped3A_228, %dma_wait3A_260] : memref<16x128xi32, #tpu.memory_space<vmem>> -> memref<1x128xi32, #tpu.memory_space<vmem>>
        %dma_wait3A_262 = tpu.memref_squeeze %dma_wait3A_261 : memref<1x128xi32, #tpu.memory_space<vmem>> -> memref<128xi32, #tpu.memory_space<vmem>>
        %dma_wait3A_263 = arith.constant 0 : i32
        %dma_wait3A_264 = tpu.memref_slice %arg3[%add3A_227, %dma_wait3A_263] : memref<2560x128xi32, #tpu.memory_space<hbm>> -> memref<1x128xi32, #tpu.memory_space<hbm>>
        %dma_wait3A_265 = tpu.memref_squeeze %dma_wait3A_264 : memref<1x128xi32, #tpu.memory_space<hbm>> -> memref<128xi32, #tpu.memory_space<hbm>>
        %dma_wait3A_266 = arith.constant 0 : i32
        %dma_wait3A_267 = tpu.memref_slice %arg10[%run_scoped3A_228, %dma_wait3A_266] : memref<16x128xi32, #tpu.memory_space<vmem>> -> memref<1x128xi32, #tpu.memory_space<vmem>>
        %dma_wait3A_268 = tpu.memref_squeeze %dma_wait3A_267 : memref<1x128xi32, #tpu.memory_space<vmem>> -> memref<128xi32, #tpu.memory_space<vmem>>
        %dma_wait3A_269 = arith.constant 0 : i32
        %dma_wait3A_270 = tpu.memref_slice %arg3[%add3A_227, %dma_wait3A_269] : memref<2560x128xi32, #tpu.memory_space<hbm>> -> memref<1x128xi32, #tpu.memory_space<hbm>>
        %dma_wait3A_271 = tpu.memref_squeeze %dma_wait3A_270 : memref<1x128xi32, #tpu.memory_space<hbm>> -> memref<128xi32, #tpu.memory_space<hbm>>
        tpu.wait_dma2 semaphore(%run_scoped3A_247 : memref<!tpu.dma_semaphore, #tpu.memory_space<semaphore_mem>>) src(%dma_wait3A_271 : memref<128xi32, #tpu.memory_space<hbm>>) dst(%dma_wait3A_268 : memref<128xi32, #tpu.memory_space<vmem>>)
        tpu.yield
      }) : () -> ()
      %dma_start3A_229 = arith.constant 14 : i32
      %dma_start3A_230 = arith.constant 0 : i32
      %dma_start3A_231 = tpu.memref_slice %arg10[%dma_start3A_229, %dma_start3A_230] : memref<16x128xi32, #tpu.memory_space<vmem>> -> memref<1x128xi32, #tpu.memory_space<vmem>>
      %dma_start3A_232 = tpu.memref_squeeze %dma_start3A_231 : memref<1x128xi32, #tpu.memory_space<vmem>> -> memref<128xi32, #tpu.memory_space<vmem>>
      %dma_start3A_233 = arith.constant 0 : i32
      %dma_start3A_234 = arith.constant 0 : i32
      %dma_start3A_235 = tpu.memref_slice %arg15[%dma_start3A_233, %dma_start3A_234] : memref<10240x128xf32, #tpu.memory_space<vmem_shared>> -> memref<10240x128xf32, #tpu.memory_space<vmem_shared>>
      tpu.enqueue_indirect_dma source(%arg12 : memref<128x128xf32, #tpu.memory_space<vmem>>) target(%dma_start3A_235 : memref<10240x128xf32, #tpu.memory_space<vmem_shared>>) offsets(%dma_start3A_232 : memref<128xi32, #tpu.memory_space<vmem>>) semaphore(%arg14 : memref<!tpu.dma_semaphore, #tpu.memory_space<semaphore_mem>>) {add = true}
      %add3A_236 = arith.addi %add3A_41, %add3A_71 : i32
      %add3A_237 = arith.constant 15 : i32
      %add3A_238 = arith.addi %add3A_236, %add3A_237 : i32
      %run_scoped3A_239 = arith.constant 15 : i32
      "tpu.region"() ({
        %run_scoped3A_247 = tpu.sem_alloc : memref<!tpu.dma_semaphore, #tpu.memory_space<semaphore_mem>>
        %dma_start3A_248 = arith.constant 0 : i32
        %dma_start3A_249 = tpu.memref_slice %arg10[%run_scoped3A_239, %dma_start3A_248] : memref<16x128xi32, #tpu.memory_space<vmem>> -> memref<1x128xi32, #tpu.memory_space<vmem>>
        %dma_start3A_250 = tpu.memref_squeeze %dma_start3A_249 : memref<1x128xi32, #tpu.memory_space<vmem>> -> memref<128xi32, #tpu.memory_space<vmem>>
        %dma_start3A_251 = arith.constant 0 : i32
        %dma_start3A_252 = tpu.memref_slice %arg3[%add3A_238, %dma_start3A_251] : memref<2560x128xi32, #tpu.memory_space<hbm>> -> memref<1x128xi32, #tpu.memory_space<hbm>>
        %dma_start3A_253 = tpu.memref_squeeze %dma_start3A_252 : memref<1x128xi32, #tpu.memory_space<hbm>> -> memref<128xi32, #tpu.memory_space<hbm>>
        %dma_start3A_254 = arith.constant 0 : i32
        %dma_start3A_255 = tpu.memref_slice %arg10[%run_scoped3A_239, %dma_start3A_254] : memref<16x128xi32, #tpu.memory_space<vmem>> -> memref<1x128xi32, #tpu.memory_space<vmem>>
        %dma_start3A_256 = tpu.memref_squeeze %dma_start3A_255 : memref<1x128xi32, #tpu.memory_space<vmem>> -> memref<128xi32, #tpu.memory_space<vmem>>
        %dma_start3A_257 = arith.constant 0 : i32
        %dma_start3A_258 = tpu.memref_slice %arg3[%add3A_238, %dma_start3A_257] : memref<2560x128xi32, #tpu.memory_space<hbm>> -> memref<1x128xi32, #tpu.memory_space<hbm>>
        %dma_start3A_259 = tpu.memref_squeeze %dma_start3A_258 : memref<1x128xi32, #tpu.memory_space<hbm>> -> memref<128xi32, #tpu.memory_space<hbm>>
        tpu.enqueue_dma source(%dma_start3A_259 : memref<128xi32, #tpu.memory_space<hbm>>) target(%dma_start3A_256 : memref<128xi32, #tpu.memory_space<vmem>>) target_semaphore(%run_scoped3A_247 : memref<!tpu.dma_semaphore, #tpu.memory_space<semaphore_mem>>)
        %dma_wait3A_260 = arith.constant 0 : i32
        %dma_wait3A_261 = tpu.memref_slice %arg10[%run_scoped3A_239, %dma_wait3A_260] : memref<16x128xi32, #tpu.memory_space<vmem>> -> memref<1x128xi32, #tpu.memory_space<vmem>>
        %dma_wait3A_262 = tpu.memref_squeeze %dma_wait3A_261 : memref<1x128xi32, #tpu.memory_space<vmem>> -> memref<128xi32, #tpu.memory_space<vmem>>
        %dma_wait3A_263 = arith.constant 0 : i32
        %dma_wait3A_264 = tpu.memref_slice %arg3[%add3A_238, %dma_wait3A_263] : memref<2560x128xi32, #tpu.memory_space<hbm>> -> memref<1x128xi32, #tpu.memory_space<hbm>>
        %dma_wait3A_265 = tpu.memref_squeeze %dma_wait3A_264 : memref<1x128xi32, #tpu.memory_space<hbm>> -> memref<128xi32, #tpu.memory_space<hbm>>
        %dma_wait3A_266 = arith.constant 0 : i32
        %dma_wait3A_267 = tpu.memref_slice %arg10[%run_scoped3A_239, %dma_wait3A_266] : memref<16x128xi32, #tpu.memory_space<vmem>> -> memref<1x128xi32, #tpu.memory_space<vmem>>
        %dma_wait3A_268 = tpu.memref_squeeze %dma_wait3A_267 : memref<1x128xi32, #tpu.memory_space<vmem>> -> memref<128xi32, #tpu.memory_space<vmem>>
        %dma_wait3A_269 = arith.constant 0 : i32
        %dma_wait3A_270 = tpu.memref_slice %arg3[%add3A_238, %dma_wait3A_269] : memref<2560x128xi32, #tpu.memory_space<hbm>> -> memref<1x128xi32, #tpu.memory_space<hbm>>
        %dma_wait3A_271 = tpu.memref_squeeze %dma_wait3A_270 : memref<1x128xi32, #tpu.memory_space<hbm>> -> memref<128xi32, #tpu.memory_space<hbm>>
        tpu.wait_dma2 semaphore(%run_scoped3A_247 : memref<!tpu.dma_semaphore, #tpu.memory_space<semaphore_mem>>) src(%dma_wait3A_271 : memref<128xi32, #tpu.memory_space<hbm>>) dst(%dma_wait3A_268 : memref<128xi32, #tpu.memory_space<vmem>>)
        tpu.yield
      }) : () -> ()
      %dma_start3A_240 = arith.constant 15 : i32
      %dma_start3A_241 = arith.constant 0 : i32
      %dma_start3A_242 = tpu.memref_slice %arg10[%dma_start3A_240, %dma_start3A_241] : memref<16x128xi32, #tpu.memory_space<vmem>> -> memref<1x128xi32, #tpu.memory_space<vmem>>
      %dma_start3A_243 = tpu.memref_squeeze %dma_start3A_242 : memref<1x128xi32, #tpu.memory_space<vmem>> -> memref<128xi32, #tpu.memory_space<vmem>>
      %dma_start3A_244 = arith.constant 0 : i32
      %dma_start3A_245 = arith.constant 0 : i32
      %dma_start3A_246 = tpu.memref_slice %arg15[%dma_start3A_244, %dma_start3A_245] : memref<10240x128xf32, #tpu.memory_space<vmem_shared>> -> memref<10240x128xf32, #tpu.memory_space<vmem_shared>>
      tpu.enqueue_indirect_dma source(%arg12 : memref<128x128xf32, #tpu.memory_space<vmem>>) target(%dma_start3A_246 : memref<10240x128xf32, #tpu.memory_space<vmem_shared>>) offsets(%dma_start3A_243 : memref<128xi32, #tpu.memory_space<vmem>>) semaphore(%arg14 : memref<!tpu.dma_semaphore, #tpu.memory_space<semaphore_mem>>) {add = true}
      tpu.wait_dma2 semaphore(%arg14 : memref<!tpu.dma_semaphore, #tpu.memory_space<semaphore_mem>>) src(%arg5 : memref<128x128xf32, #tpu.memory_space<hbm>>) dst(%arg12 : memref<128x128xf32, #tpu.memory_space<vmem>>)
      tpu.wait_dma2 semaphore(%arg14 : memref<!tpu.dma_semaphore, #tpu.memory_space<semaphore_mem>>) src(%arg5 : memref<128x128xf32, #tpu.memory_space<hbm>>) dst(%arg12 : memref<128x128xf32, #tpu.memory_space<vmem>>)
      tpu.wait_dma2 semaphore(%arg14 : memref<!tpu.dma_semaphore, #tpu.memory_space<semaphore_mem>>) src(%arg5 : memref<128x128xf32, #tpu.memory_space<hbm>>) dst(%arg12 : memref<128x128xf32, #tpu.memory_space<vmem>>)
      tpu.wait_dma2 semaphore(%arg14 : memref<!tpu.dma_semaphore, #tpu.memory_space<semaphore_mem>>) src(%arg5 : memref<128x128xf32, #tpu.memory_space<hbm>>) dst(%arg12 : memref<128x128xf32, #tpu.memory_space<vmem>>)
      tpu.wait_dma2 semaphore(%arg14 : memref<!tpu.dma_semaphore, #tpu.memory_space<semaphore_mem>>) src(%arg5 : memref<128x128xf32, #tpu.memory_space<hbm>>) dst(%arg12 : memref<128x128xf32, #tpu.memory_space<vmem>>)
      tpu.wait_dma2 semaphore(%arg14 : memref<!tpu.dma_semaphore, #tpu.memory_space<semaphore_mem>>) src(%arg5 : memref<128x128xf32, #tpu.memory_space<hbm>>) dst(%arg12 : memref<128x128xf32, #tpu.memory_space<vmem>>)
      tpu.wait_dma2 semaphore(%arg14 : memref<!tpu.dma_semaphore, #tpu.memory_space<semaphore_mem>>) src(%arg5 : memref<128x128xf32, #tpu.memory_space<hbm>>) dst(%arg12 : memref<128x128xf32, #tpu.memory_space<vmem>>)
      tpu.wait_dma2 semaphore(%arg14 : memref<!tpu.dma_semaphore, #tpu.memory_space<semaphore_mem>>) src(%arg5 : memref<128x128xf32, #tpu.memory_space<hbm>>) dst(%arg12 : memref<128x128xf32, #tpu.memory_space<vmem>>)
      tpu.wait_dma2 semaphore(%arg14 : memref<!tpu.dma_semaphore, #tpu.memory_space<semaphore_mem>>) src(%arg5 : memref<128x128xf32, #tpu.memory_space<hbm>>) dst(%arg12 : memref<128x128xf32, #tpu.memory_space<vmem>>)
      tpu.wait_dma2 semaphore(%arg14 : memref<!tpu.dma_semaphore, #tpu.memory_space<semaphore_mem>>) src(%arg5 : memref<128x128xf32, #tpu.memory_space<hbm>>) dst(%arg12 : memref<128x128xf32, #tpu.memory_space<vmem>>)
      tpu.wait_dma2 semaphore(%arg14 : memref<!tpu.dma_semaphore, #tpu.memory_space<semaphore_mem>>) src(%arg5 : memref<128x128xf32, #tpu.memory_space<hbm>>) dst(%arg12 : memref<128x128xf32, #tpu.memory_space<vmem>>)
      tpu.wait_dma2 semaphore(%arg14 : memref<!tpu.dma_semaphore, #tpu.memory_space<semaphore_mem>>) src(%arg5 : memref<128x128xf32, #tpu.memory_space<hbm>>) dst(%arg12 : memref<128x128xf32, #tpu.memory_space<vmem>>)
      tpu.wait_dma2 semaphore(%arg14 : memref<!tpu.dma_semaphore, #tpu.memory_space<semaphore_mem>>) src(%arg5 : memref<128x128xf32, #tpu.memory_space<hbm>>) dst(%arg12 : memref<128x128xf32, #tpu.memory_space<vmem>>)
      tpu.wait_dma2 semaphore(%arg14 : memref<!tpu.dma_semaphore, #tpu.memory_space<semaphore_mem>>) src(%arg5 : memref<128x128xf32, #tpu.memory_space<hbm>>) dst(%arg12 : memref<128x128xf32, #tpu.memory_space<vmem>>)
      tpu.wait_dma2 semaphore(%arg14 : memref<!tpu.dma_semaphore, #tpu.memory_space<semaphore_mem>>) src(%arg5 : memref<128x128xf32, #tpu.memory_space<hbm>>) dst(%arg12 : memref<128x128xf32, #tpu.memory_space<vmem>>)
      tpu.wait_dma2 semaphore(%arg14 : memref<!tpu.dma_semaphore, #tpu.memory_space<semaphore_mem>>) src(%arg5 : memref<128x128xf32, #tpu.memory_space<hbm>>) dst(%arg12 : memref<128x128xf32, #tpu.memory_space<vmem>>)
    }
    %scan3A_45 = arith.constant 5 : i32
    %barrier3A_46 = arith.constant 0 : index
    tpu.barrier barrier_id(%barrier3A_46)
    %add3A_47 = arith.constant 0 : i32
    %add3A_48 = arith.addi %mul3A_2, %add3A_47 : i32
    "tpu.region"() ({
      %run_scoped3A = tpu.sem_alloc : memref<!tpu.dma_semaphore, #tpu.memory_space<semaphore_mem>>
      %dma_start3A_67 = arith.constant 0 : i32
      %dma_start3A_68 = tpu.memref_slice %arg15[%add3A_48, %dma_start3A_67] : memref<10240x128xf32, #tpu.memory_space<vmem_shared>> -> memref<128x128xf32, #tpu.memory_space<vmem_shared>>
      %dma_start3A_69 = arith.constant 0 : i32
      %dma_start3A_70 = tpu.memref_slice %arg15[%add3A_48, %dma_start3A_69] : memref<10240x128xf32, #tpu.memory_space<vmem_shared>> -> memref<128x128xf32, #tpu.memory_space<vmem_shared>>
      tpu.enqueue_dma source(%dma_start3A_70 : memref<128x128xf32, #tpu.memory_space<vmem_shared>>) target(%arg11 : memref<128x128xf32, #tpu.memory_space<vmem>>) target_semaphore(%run_scoped3A : memref<!tpu.dma_semaphore, #tpu.memory_space<semaphore_mem>>)
      %dma_wait3A_71 = arith.constant 0 : i32
      %dma_wait3A_72 = tpu.memref_slice %arg15[%add3A_48, %dma_wait3A_71] : memref<10240x128xf32, #tpu.memory_space<vmem_shared>> -> memref<128x128xf32, #tpu.memory_space<vmem_shared>>
      %dma_wait3A_73 = arith.constant 0 : i32
      %dma_wait3A_74 = tpu.memref_slice %arg15[%add3A_48, %dma_wait3A_73] : memref<10240x128xf32, #tpu.memory_space<vmem_shared>> -> memref<128x128xf32, #tpu.memory_space<vmem_shared>>
      tpu.wait_dma2 semaphore(%run_scoped3A : memref<!tpu.dma_semaphore, #tpu.memory_space<semaphore_mem>>) src(%dma_wait3A_74 : memref<128x128xf32, #tpu.memory_space<vmem_shared>>) dst(%arg11 : memref<128x128xf32, #tpu.memory_space<vmem>>)
      tpu.yield
    }) : () -> ()
    %add3A_49 = arith.constant 0 : i32
    %add3A_50 = arith.addi %mul3A_2, %add3A_49 : i32
    "tpu.region"() ({
      %run_scoped3A = tpu.sem_alloc : memref<!tpu.dma_semaphore, #tpu.memory_space<semaphore_mem>>
      %dma_start3A_67 = arith.constant 0 : i32
      %dma_start3A_68 = tpu.memref_slice %arg8[%arg0, %add3A_50, %dma_start3A_67] : memref<2x10240x128xf32, #tpu.memory_space<hbm>> -> memref<1x128x128xf32, #tpu.memory_space<hbm>>
      %dma_start3A_69 = tpu.memref_squeeze %dma_start3A_68 : memref<1x128x128xf32, #tpu.memory_space<hbm>> -> memref<128x128xf32, #tpu.memory_space<hbm>>
      %dma_start3A_70 = arith.constant 0 : i32
      %dma_start3A_71 = tpu.memref_slice %arg8[%arg0, %add3A_50, %dma_start3A_70] : memref<2x10240x128xf32, #tpu.memory_space<hbm>> -> memref<1x128x128xf32, #tpu.memory_space<hbm>>
      %dma_start3A_72 = tpu.memref_squeeze %dma_start3A_71 : memref<1x128x128xf32, #tpu.memory_space<hbm>> -> memref<128x128xf32, #tpu.memory_space<hbm>>
      tpu.enqueue_dma source(%arg11 : memref<128x128xf32, #tpu.memory_space<vmem>>) target(%dma_start3A_72 : memref<128x128xf32, #tpu.memory_space<hbm>>) target_semaphore(%run_scoped3A : memref<!tpu.dma_semaphore, #tpu.memory_space<semaphore_mem>>)
      %dma_wait3A_73 = arith.constant 0 : i32
      %dma_wait3A_74 = tpu.memref_slice %arg8[%arg0, %add3A_50, %dma_wait3A_73] : memref<2x10240x128xf32, #tpu.memory_space<hbm>> -> memref<1x128x128xf32, #tpu.memory_space<hbm>>
      %dma_wait3A_75 = tpu.memref_squeeze %dma_wait3A_74 : memref<1x128x128xf32, #tpu.memory_space<hbm>> -> memref<128x128xf32, #tpu.memory_space<hbm>>
      %dma_wait3A_76 = arith.constant 0 : i32
      %dma_wait3A_77 = tpu.memref_slice %arg8[%arg0, %add3A_50, %dma_wait3A_76] : memref<2x10240x128xf32, #tpu.memory_space<hbm>> -> memref<1x128x128xf32, #tpu.memory_space<hbm>>
      %dma_wait3A_78 = tpu.memref_squeeze %dma_wait3A_77 : memref<1x128x128xf32, #tpu.memory_space<hbm>> -> memref<128x128xf32, #tpu.memory_space<hbm>>
      tpu.wait_dma2 semaphore(%run_scoped3A : memref<!tpu.dma_semaphore, #tpu.memory_space<semaphore_mem>>) src(%arg11 : memref<128x128xf32, #tpu.memory_space<vmem>>) dst(%dma_wait3A_78 : memref<128x128xf32, #tpu.memory_space<hbm>>)
      tpu.yield
    }) : () -> ()
    %add3A_51 = arith.constant 128 : i32
    %add3A_52 = arith.addi %mul3A_2, %add3A_51 : i32
    "tpu.region"() ({
      %run_scoped3A = tpu.sem_alloc : memref<!tpu.dma_semaphore, #tpu.memory_space<semaphore_mem>>
      %dma_start3A_67 = arith.constant 0 : i32
      %dma_start3A_68 = tpu.memref_slice %arg15[%add3A_52, %dma_start3A_67] : memref<10240x128xf32, #tpu.memory_space<vmem_shared>> -> memref<128x128xf32, #tpu.memory_space<vmem_shared>>
      %dma_start3A_69 = arith.constant 0 : i32
      %dma_start3A_70 = tpu.memref_slice %arg15[%add3A_52, %dma_start3A_69] : memref<10240x128xf32, #tpu.memory_space<vmem_shared>> -> memref<128x128xf32, #tpu.memory_space<vmem_shared>>
      tpu.enqueue_dma source(%dma_start3A_70 : memref<128x128xf32, #tpu.memory_space<vmem_shared>>) target(%arg11 : memref<128x128xf32, #tpu.memory_space<vmem>>) target_semaphore(%run_scoped3A : memref<!tpu.dma_semaphore, #tpu.memory_space<semaphore_mem>>)
      %dma_wait3A_71 = arith.constant 0 : i32
      %dma_wait3A_72 = tpu.memref_slice %arg15[%add3A_52, %dma_wait3A_71] : memref<10240x128xf32, #tpu.memory_space<vmem_shared>> -> memref<128x128xf32, #tpu.memory_space<vmem_shared>>
      %dma_wait3A_73 = arith.constant 0 : i32
      %dma_wait3A_74 = tpu.memref_slice %arg15[%add3A_52, %dma_wait3A_73] : memref<10240x128xf32, #tpu.memory_space<vmem_shared>> -> memref<128x128xf32, #tpu.memory_space<vmem_shared>>
      tpu.wait_dma2 semaphore(%run_scoped3A : memref<!tpu.dma_semaphore, #tpu.memory_space<semaphore_mem>>) src(%dma_wait3A_74 : memref<128x128xf32, #tpu.memory_space<vmem_shared>>) dst(%arg11 : memref<128x128xf32, #tpu.memory_space<vmem>>)
      tpu.yield
    }) : () -> ()
    %add3A_53 = arith.constant 128 : i32
    %add3A_54 = arith.addi %mul3A_2, %add3A_53 : i32
    "tpu.region"() ({
      %run_scoped3A = tpu.sem_alloc : memref<!tpu.dma_semaphore, #tpu.memory_space<semaphore_mem>>
      %dma_start3A_67 = arith.constant 0 : i32
      %dma_start3A_68 = tpu.memref_slice %arg8[%arg0, %add3A_54, %dma_start3A_67] : memref<2x10240x128xf32, #tpu.memory_space<hbm>> -> memref<1x128x128xf32, #tpu.memory_space<hbm>>
      %dma_start3A_69 = tpu.memref_squeeze %dma_start3A_68 : memref<1x128x128xf32, #tpu.memory_space<hbm>> -> memref<128x128xf32, #tpu.memory_space<hbm>>
      %dma_start3A_70 = arith.constant 0 : i32
      %dma_start3A_71 = tpu.memref_slice %arg8[%arg0, %add3A_54, %dma_start3A_70] : memref<2x10240x128xf32, #tpu.memory_space<hbm>> -> memref<1x128x128xf32, #tpu.memory_space<hbm>>
      %dma_start3A_72 = tpu.memref_squeeze %dma_start3A_71 : memref<1x128x128xf32, #tpu.memory_space<hbm>> -> memref<128x128xf32, #tpu.memory_space<hbm>>
      tpu.enqueue_dma source(%arg11 : memref<128x128xf32, #tpu.memory_space<vmem>>) target(%dma_start3A_72 : memref<128x128xf32, #tpu.memory_space<hbm>>) target_semaphore(%run_scoped3A : memref<!tpu.dma_semaphore, #tpu.memory_space<semaphore_mem>>)
      %dma_wait3A_73 = arith.constant 0 : i32
      %dma_wait3A_74 = tpu.memref_slice %arg8[%arg0, %add3A_54, %dma_wait3A_73] : memref<2x10240x128xf32, #tpu.memory_space<hbm>> -> memref<1x128x128xf32, #tpu.memory_space<hbm>>
      %dma_wait3A_75 = tpu.memref_squeeze %dma_wait3A_74 : memref<1x128x128xf32, #tpu.memory_space<hbm>> -> memref<128x128xf32, #tpu.memory_space<hbm>>
      %dma_wait3A_76 = arith.constant 0 : i32
      %dma_wait3A_77 = tpu.memref_slice %arg8[%arg0, %add3A_54, %dma_wait3A_76] : memref<2x10240x128xf32, #tpu.memory_space<hbm>> -> memref<1x128x128xf32, #tpu.memory_space<hbm>>
      %dma_wait3A_78 = tpu.memref_squeeze %dma_wait3A_77 : memref<1x128x128xf32, #tpu.memory_space<hbm>> -> memref<128x128xf32, #tpu.memory_space<hbm>>
      tpu.wait_dma2 semaphore(%run_scoped3A : memref<!tpu.dma_semaphore, #tpu.memory_space<semaphore_mem>>) src(%arg11 : memref<128x128xf32, #tpu.memory_space<vmem>>) dst(%dma_wait3A_78 : memref<128x128xf32, #tpu.memory_space<hbm>>)
      tpu.yield
    }) : () -> ()
    %add3A_55 = arith.constant 256 : i32
    %add3A_56 = arith.addi %mul3A_2, %add3A_55 : i32
    "tpu.region"() ({
      %run_scoped3A = tpu.sem_alloc : memref<!tpu.dma_semaphore, #tpu.memory_space<semaphore_mem>>
      %dma_start3A_67 = arith.constant 0 : i32
      %dma_start3A_68 = tpu.memref_slice %arg15[%add3A_56, %dma_start3A_67] : memref<10240x128xf32, #tpu.memory_space<vmem_shared>> -> memref<128x128xf32, #tpu.memory_space<vmem_shared>>
      %dma_start3A_69 = arith.constant 0 : i32
      %dma_start3A_70 = tpu.memref_slice %arg15[%add3A_56, %dma_start3A_69] : memref<10240x128xf32, #tpu.memory_space<vmem_shared>> -> memref<128x128xf32, #tpu.memory_space<vmem_shared>>
      tpu.enqueue_dma source(%dma_start3A_70 : memref<128x128xf32, #tpu.memory_space<vmem_shared>>) target(%arg11 : memref<128x128xf32, #tpu.memory_space<vmem>>) target_semaphore(%run_scoped3A : memref<!tpu.dma_semaphore, #tpu.memory_space<semaphore_mem>>)
      %dma_wait3A_71 = arith.constant 0 : i32
      %dma_wait3A_72 = tpu.memref_slice %arg15[%add3A_56, %dma_wait3A_71] : memref<10240x128xf32, #tpu.memory_space<vmem_shared>> -> memref<128x128xf32, #tpu.memory_space<vmem_shared>>
      %dma_wait3A_73 = arith.constant 0 : i32
      %dma_wait3A_74 = tpu.memref_slice %arg15[%add3A_56, %dma_wait3A_73] : memref<10240x128xf32, #tpu.memory_space<vmem_shared>> -> memref<128x128xf32, #tpu.memory_space<vmem_shared>>
      tpu.wait_dma2 semaphore(%run_scoped3A : memref<!tpu.dma_semaphore, #tpu.memory_space<semaphore_mem>>) src(%dma_wait3A_74 : memref<128x128xf32, #tpu.memory_space<vmem_shared>>) dst(%arg11 : memref<128x128xf32, #tpu.memory_space<vmem>>)
      tpu.yield
    }) : () -> ()
    %add3A_57 = arith.constant 256 : i32
    %add3A_58 = arith.addi %mul3A_2, %add3A_57 : i32
    "tpu.region"() ({
      %run_scoped3A = tpu.sem_alloc : memref<!tpu.dma_semaphore, #tpu.memory_space<semaphore_mem>>
      %dma_start3A_67 = arith.constant 0 : i32
      %dma_start3A_68 = tpu.memref_slice %arg8[%arg0, %add3A_58, %dma_start3A_67] : memref<2x10240x128xf32, #tpu.memory_space<hbm>> -> memref<1x128x128xf32, #tpu.memory_space<hbm>>
      %dma_start3A_69 = tpu.memref_squeeze %dma_start3A_68 : memref<1x128x128xf32, #tpu.memory_space<hbm>> -> memref<128x128xf32, #tpu.memory_space<hbm>>
      %dma_start3A_70 = arith.constant 0 : i32
      %dma_start3A_71 = tpu.memref_slice %arg8[%arg0, %add3A_58, %dma_start3A_70] : memref<2x10240x128xf32, #tpu.memory_space<hbm>> -> memref<1x128x128xf32, #tpu.memory_space<hbm>>
      %dma_start3A_72 = tpu.memref_squeeze %dma_start3A_71 : memref<1x128x128xf32, #tpu.memory_space<hbm>> -> memref<128x128xf32, #tpu.memory_space<hbm>>
      tpu.enqueue_dma source(%arg11 : memref<128x128xf32, #tpu.memory_space<vmem>>) target(%dma_start3A_72 : memref<128x128xf32, #tpu.memory_space<hbm>>) target_semaphore(%run_scoped3A : memref<!tpu.dma_semaphore, #tpu.memory_space<semaphore_mem>>)
      %dma_wait3A_73 = arith.constant 0 : i32
      %dma_wait3A_74 = tpu.memref_slice %arg8[%arg0, %add3A_58, %dma_wait3A_73] : memref<2x10240x128xf32, #tpu.memory_space<hbm>> -> memref<1x128x128xf32, #tpu.memory_space<hbm>>
      %dma_wait3A_75 = tpu.memref_squeeze %dma_wait3A_74 : memref<1x128x128xf32, #tpu.memory_space<hbm>> -> memref<128x128xf32, #tpu.memory_space<hbm>>
      %dma_wait3A_76 = arith.constant 0 : i32
      %dma_wait3A_77 = tpu.memref_slice %arg8[%arg0, %add3A_58, %dma_wait3A_76] : memref<2x10240x128xf32, #tpu.memory_space<hbm>> -> memref<1x128x128xf32, #tpu.memory_space<hbm>>
      %dma_wait3A_78 = tpu.memref_squeeze %dma_wait3A_77 : memref<1x128x128xf32, #tpu.memory_space<hbm>> -> memref<128x128xf32, #tpu.memory_space<hbm>>
      tpu.wait_dma2 semaphore(%run_scoped3A : memref<!tpu.dma_semaphore, #tpu.memory_space<semaphore_mem>>) src(%arg11 : memref<128x128xf32, #tpu.memory_space<vmem>>) dst(%dma_wait3A_78 : memref<128x128xf32, #tpu.memory_space<hbm>>)
      tpu.yield
    }) : () -> ()
    %add3A_59 = arith.constant 384 : i32
    %add3A_60 = arith.addi %mul3A_2, %add3A_59 : i32
    "tpu.region"() ({
      %run_scoped3A = tpu.sem_alloc : memref<!tpu.dma_semaphore, #tpu.memory_space<semaphore_mem>>
      %dma_start3A_67 = arith.constant 0 : i32
      %dma_start3A_68 = tpu.memref_slice %arg15[%add3A_60, %dma_start3A_67] : memref<10240x128xf32, #tpu.memory_space<vmem_shared>> -> memref<128x128xf32, #tpu.memory_space<vmem_shared>>
      %dma_start3A_69 = arith.constant 0 : i32
      %dma_start3A_70 = tpu.memref_slice %arg15[%add3A_60, %dma_start3A_69] : memref<10240x128xf32, #tpu.memory_space<vmem_shared>> -> memref<128x128xf32, #tpu.memory_space<vmem_shared>>
      tpu.enqueue_dma source(%dma_start3A_70 : memref<128x128xf32, #tpu.memory_space<vmem_shared>>) target(%arg11 : memref<128x128xf32, #tpu.memory_space<vmem>>) target_semaphore(%run_scoped3A : memref<!tpu.dma_semaphore, #tpu.memory_space<semaphore_mem>>)
      %dma_wait3A_71 = arith.constant 0 : i32
      %dma_wait3A_72 = tpu.memref_slice %arg15[%add3A_60, %dma_wait3A_71] : memref<10240x128xf32, #tpu.memory_space<vmem_shared>> -> memref<128x128xf32, #tpu.memory_space<vmem_shared>>
      %dma_wait3A_73 = arith.constant 0 : i32
      %dma_wait3A_74 = tpu.memref_slice %arg15[%add3A_60, %dma_wait3A_73] : memref<10240x128xf32, #tpu.memory_space<vmem_shared>> -> memref<128x128xf32, #tpu.memory_space<vmem_shared>>
      tpu.wait_dma2 semaphore(%run_scoped3A : memref<!tpu.dma_semaphore, #tpu.memory_space<semaphore_mem>>) src(%dma_wait3A_74 : memref<128x128xf32, #tpu.memory_space<vmem_shared>>) dst(%arg11 : memref<128x128xf32, #tpu.memory_space<vmem>>)
      tpu.yield
    }) : () -> ()
    %add3A_61 = arith.constant 384 : i32
    %add3A_62 = arith.addi %mul3A_2, %add3A_61 : i32
    "tpu.region"() ({
      %run_scoped3A = tpu.sem_alloc : memref<!tpu.dma_semaphore, #tpu.memory_space<semaphore_mem>>
      %dma_start3A_67 = arith.constant 0 : i32
      %dma_start3A_68 = tpu.memref_slice %arg8[%arg0, %add3A_62, %dma_start3A_67] : memref<2x10240x128xf32, #tpu.memory_space<hbm>> -> memref<1x128x128xf32, #tpu.memory_space<hbm>>
      %dma_start3A_69 = tpu.memref_squeeze %dma_start3A_68 : memref<1x128x128xf32, #tpu.memory_space<hbm>> -> memref<128x128xf32, #tpu.memory_space<hbm>>
      %dma_start3A_70 = arith.constant 0 : i32
      %dma_start3A_71 = tpu.memref_slice %arg8[%arg0, %add3A_62, %dma_start3A_70] : memref<2x10240x128xf32, #tpu.memory_space<hbm>> -> memref<1x128x128xf32, #tpu.memory_space<hbm>>
      %dma_start3A_72 = tpu.memref_squeeze %dma_start3A_71 : memref<1x128x128xf32, #tpu.memory_space<hbm>> -> memref<128x128xf32, #tpu.memory_space<hbm>>
      tpu.enqueue_dma source(%arg11 : memref<128x128xf32, #tpu.memory_space<vmem>>) target(%dma_start3A_72 : memref<128x128xf32, #tpu.memory_space<hbm>>) target_semaphore(%run_scoped3A : memref<!tpu.dma_semaphore, #tpu.memory_space<semaphore_mem>>)
      %dma_wait3A_73 = arith.constant 0 : i32
      %dma_wait3A_74 = tpu.memref_slice %arg8[%arg0, %add3A_62, %dma_wait3A_73] : memref<2x10240x128xf32, #tpu.memory_space<hbm>> -> memref<1x128x128xf32, #tpu.memory_space<hbm>>
      %dma_wait3A_75 = tpu.memref_squeeze %dma_wait3A_74 : memref<1x128x128xf32, #tpu.memory_space<hbm>> -> memref<128x128xf32, #tpu.memory_space<hbm>>
      %dma_wait3A_76 = arith.constant 0 : i32
      %dma_wait3A_77 = tpu.memref_slice %arg8[%arg0, %add3A_62, %dma_wait3A_76] : memref<2x10240x128xf32, #tpu.memory_space<hbm>> -> memref<1x128x128xf32, #tpu.memory_space<hbm>>
      %dma_wait3A_78 = tpu.memref_squeeze %dma_wait3A_77 : memref<1x128x128xf32, #tpu.memory_space<hbm>> -> memref<128x128xf32, #tpu.memory_space<hbm>>
      tpu.wait_dma2 semaphore(%run_scoped3A : memref<!tpu.dma_semaphore, #tpu.memory_space<semaphore_mem>>) src(%arg11 : memref<128x128xf32, #tpu.memory_space<vmem>>) dst(%dma_wait3A_78 : memref<128x128xf32, #tpu.memory_space<hbm>>)
      tpu.yield
    }) : () -> ()
    %add3A_63 = arith.constant 512 : i32
    %add3A_64 = arith.addi %mul3A_2, %add3A_63 : i32
    "tpu.region"() ({
      %run_scoped3A = tpu.sem_alloc : memref<!tpu.dma_semaphore, #tpu.memory_space<semaphore_mem>>
      %dma_start3A_67 = arith.constant 0 : i32
      %dma_start3A_68 = tpu.memref_slice %arg15[%add3A_64, %dma_start3A_67] : memref<10240x128xf32, #tpu.memory_space<vmem_shared>> -> memref<128x128xf32, #tpu.memory_space<vmem_shared>>
      %dma_start3A_69 = arith.constant 0 : i32
      %dma_start3A_70 = tpu.memref_slice %arg15[%add3A_64, %dma_start3A_69] : memref<10240x128xf32, #tpu.memory_space<vmem_shared>> -> memref<128x128xf32, #tpu.memory_space<vmem_shared>>
      tpu.enqueue_dma source(%dma_start3A_70 : memref<128x128xf32, #tpu.memory_space<vmem_shared>>) target(%arg11 : memref<128x128xf32, #tpu.memory_space<vmem>>) target_semaphore(%run_scoped3A : memref<!tpu.dma_semaphore, #tpu.memory_space<semaphore_mem>>)
      %dma_wait3A_71 = arith.constant 0 : i32
      %dma_wait3A_72 = tpu.memref_slice %arg15[%add3A_64, %dma_wait3A_71] : memref<10240x128xf32, #tpu.memory_space<vmem_shared>> -> memref<128x128xf32, #tpu.memory_space<vmem_shared>>
      %dma_wait3A_73 = arith.constant 0 : i32
      %dma_wait3A_74 = tpu.memref_slice %arg15[%add3A_64, %dma_wait3A_73] : memref<10240x128xf32, #tpu.memory_space<vmem_shared>> -> memref<128x128xf32, #tpu.memory_space<vmem_shared>>
      tpu.wait_dma2 semaphore(%run_scoped3A : memref<!tpu.dma_semaphore, #tpu.memory_space<semaphore_mem>>) src(%dma_wait3A_74 : memref<128x128xf32, #tpu.memory_space<vmem_shared>>) dst(%arg11 : memref<128x128xf32, #tpu.memory_space<vmem>>)
      tpu.yield
    }) : () -> ()
    %add3A_65 = arith.constant 512 : i32
    %add3A_66 = arith.addi %mul3A_2, %add3A_65 : i32
    "tpu.region"() ({
      %run_scoped3A = tpu.sem_alloc : memref<!tpu.dma_semaphore, #tpu.memory_space<semaphore_mem>>
      %dma_start3A_67 = arith.constant 0 : i32
      %dma_start3A_68 = tpu.memref_slice %arg8[%arg0, %add3A_66, %dma_start3A_67] : memref<2x10240x128xf32, #tpu.memory_space<hbm>> -> memref<1x128x128xf32, #tpu.memory_space<hbm>>
      %dma_start3A_69 = tpu.memref_squeeze %dma_start3A_68 : memref<1x128x128xf32, #tpu.memory_space<hbm>> -> memref<128x128xf32, #tpu.memory_space<hbm>>
      %dma_start3A_70 = arith.constant 0 : i32
      %dma_start3A_71 = tpu.memref_slice %arg8[%arg0, %add3A_66, %dma_start3A_70] : memref<2x10240x128xf32, #tpu.memory_space<hbm>> -> memref<1x128x128xf32, #tpu.memory_space<hbm>>
      %dma_start3A_72 = tpu.memref_squeeze %dma_start3A_71 : memref<1x128x128xf32, #tpu.memory_space<hbm>> -> memref<128x128xf32, #tpu.memory_space<hbm>>
      tpu.enqueue_dma source(%arg11 : memref<128x128xf32, #tpu.memory_space<vmem>>) target(%dma_start3A_72 : memref<128x128xf32, #tpu.memory_space<hbm>>) target_semaphore(%run_scoped3A : memref<!tpu.dma_semaphore, #tpu.memory_space<semaphore_mem>>)
      %dma_wait3A_73 = arith.constant 0 : i32
      %dma_wait3A_74 = tpu.memref_slice %arg8[%arg0, %add3A_66, %dma_wait3A_73] : memref<2x10240x128xf32, #tpu.memory_space<hbm>> -> memref<1x128x128xf32, #tpu.memory_space<hbm>>
      %dma_wait3A_75 = tpu.memref_squeeze %dma_wait3A_74 : memref<1x128x128xf32, #tpu.memory_space<hbm>> -> memref<128x128xf32, #tpu.memory_space<hbm>>
      %dma_wait3A_76 = arith.constant 0 : i32
      %dma_wait3A_77 = tpu.memref_slice %arg8[%arg0, %add3A_66, %dma_wait3A_76] : memref<2x10240x128xf32, #tpu.memory_space<hbm>> -> memref<1x128x128xf32, #tpu.memory_space<hbm>>
      %dma_wait3A_78 = tpu.memref_squeeze %dma_wait3A_77 : memref<1x128x128xf32, #tpu.memory_space<hbm>> -> memref<128x128xf32, #tpu.memory_space<hbm>>
      tpu.wait_dma2 semaphore(%run_scoped3A : memref<!tpu.dma_semaphore, #tpu.memory_space<semaphore_mem>>) src(%arg11 : memref<128x128xf32, #tpu.memory_space<vmem>>) dst(%dma_wait3A_78 : memref<128x128xf32, #tpu.memory_space<hbm>>)
      tpu.yield
    }) : () -> ()
    return
  }
}

module attributes {stable_mosaic.version = 14 : i64} {
  func.func @_tc1_body(%arg0: i32, %arg1: memref<1024x128xf32, #tpu.memory_space<vmem>>, %arg2: memref<128x128xf32, #tpu.memory_space<vmem>>, %arg3: memref<2x1024x128xf32, #tpu.memory_space<vmem>>, %arg4: memref<1024x128xf32, #tpu.memory_space<vmem>>) attributes {dimension_semantics = [#tpu.dimension_semantics<arbitrary>], iteration_bounds = array<i64: 10>, scalar_prefetch = 0 : i64, scratch_operands = 0 : i64, tpu.core_type = #tpu.core_type<tc>, window_params = [{transform_indices = @transform_0, window_bounds = array<i64: 1024, 128>}, {pipeline_mode = #tpu.pipeline_mode<synchronous>, transform_indices = @transform_1, window_bounds = array<i64: 128, 128>}, {transform_indices = @transform_2, window_bounds = array<i64: 2, 1024, 128>}, {transform_indices = @transform_3, window_bounds = array<i64: 1024, 128>}]} {
    %get3A = arith.constant 0 : index
    %get3A_0 = arith.constant 0 : index
    %get3A_1 = arith.constant 0 : index
    %get3A_2 = vector.load %arg3[%get3A, %get3A_0, %get3A_1] : memref<2x1024x128xf32, #tpu.memory_space<vmem>>, vector<1x1024x1xf32>
    %get3A_3 = vector.shape_cast %get3A_2 : vector<1x1024x1xf32> to vector<1024x1xf32>
    %get3A_4 = arith.constant 1 : index
    %get3A_5 = arith.constant 0 : index
    %get3A_6 = arith.constant 0 : index
    %get3A_7 = vector.load %arg3[%get3A_4, %get3A_5, %get3A_6] : memref<2x1024x128xf32, #tpu.memory_space<vmem>>, vector<1x1024x1xf32>
    %get3A_8 = vector.shape_cast %get3A_7 : vector<1x1024x1xf32> to vector<1024x1xf32>
    %add3A = arith.addf %get3A_3, %get3A_8 : vector<1024x1xf32>
    %add3A_9 = arith.constant 1.000000e+00 : f32
    %add3A_10 = vector.broadcast %add3A_9 : f32 to vector<1024x1xf32>
    %add3A_11 = arith.addf %add3A, %add3A_10 : vector<1024x1xf32>
    %rsqrt3A = math.rsqrt %add3A_11 : vector<1024x1xf32>
    %get3A_12 = arith.constant 0 : index
    %get3A_13 = arith.constant 0 : index
    %get3A_14 = vector.load %arg1[%get3A_12, %get3A_13] : memref<1024x128xf32, #tpu.memory_space<vmem>>, vector<1024x128xf32>
    %get3A_15 = arith.constant 0 : index
    %get3A_16 = arith.constant 0 : index
    %get3A_17 = vector.load %arg2[%get3A_15, %get3A_16] : memref<128x128xf32, #tpu.memory_space<vmem>>, vector<128x128xf32>
    %dot_general3A = arith.constant dense<0.000000e+00> : vector<1024x128xf32>
    %dot_general3A_18 = tpu.matmul %get3A_14, %get3A_17, %dot_general3A {dimension_numbers = #tpu.dot_dimension_numbers<[1], [0], [0], [1], [0, 0, 1, 1], [], []>, transpose_lhs_hint = false} : vector<1024x128xf32>, vector<128x128xf32>, vector<1024x128xf32> -> vector<1024x128xf32>
    %mul3A = vector.broadcast %rsqrt3A : vector<1024x1xf32> to vector<1024x128xf32>
    %mul3A_19 = arith.mulf %mul3A, %dot_general3A_18 : vector<1024x128xf32>
    %swap3A = arith.constant 0 : index
    %swap3A_20 = arith.constant 0 : index
    %swap3A_21 = vector.load %arg4[%swap3A, %swap3A_20] : memref<1024x128xf32, #tpu.memory_space<vmem>>, vector<1024x128xf32>
    tpu.vector_store %arg4[%swap3A, %swap3A_20], %mul3A_19 {strides = array<i32>} : memref<1024x128xf32, #tpu.memory_space<vmem>>, vector<1024x128xf32>,
    return
  }
  func.func @transform_0(%arg0: i32) -> (i32, i32) {
    %c0_i32 = arith.constant 0 : i32
    %c0_i32_0 = arith.constant 0 : i32
    return %arg0, %c0_i32 : i32, i32
  }
  func.func @transform_1(%arg0: i32) -> (i32, i32) {
    %c0_i32 = arith.constant 0 : i32
    %c0_i32_0 = arith.constant 0 : i32
    %c0_i32_1 = arith.constant 0 : i32
    return %c0_i32, %c0_i32_0 : i32, i32
  }
  func.func @transform_2(%arg0: i32) -> (i32, i32, i32) {
    %c0_i32 = arith.constant 0 : i32
    %c0_i32_0 = arith.constant 0 : i32
    %c0_i32_1 = arith.constant 0 : i32
    return %c0_i32, %arg0, %c0_i32_0 : i32, i32, i32
  }
  func.func @transform_3(%arg0: i32) -> (i32, i32) {
    %c0_i32 = arith.constant 0 : i32
    %c0_i32_0 = arith.constant 0 : i32
    return %arg0, %c0_i32 : i32, i32
  }
}

module attributes {stable_mosaic.version = 14 : i64} {
  func.func @_tc2_body(%arg0: i32, %arg1: memref<2x1024x128xf32, #tpu.memory_space<vmem>>, %arg2: memref<1024x128xf32, #tpu.memory_space<vmem>>, %arg3: memref<2x1024x128xf32, #tpu.memory_space<vmem>>, %arg4: memref<1024x128xf32, #tpu.memory_space<vmem>>, %arg5: memref<128x128xf32, #tpu.memory_space<vmem>>, %arg6: memref<1x128xf32, #tpu.memory_space<vmem>>, %arg7: memref<128x128xf32, #tpu.memory_space<vmem>>, %arg8: memref<1x128xf32, #tpu.memory_space<vmem>>, %arg9: memref<1x128xf32, #tpu.memory_space<vmem>>, %arg10: memref<1x128xf32, #tpu.memory_space<vmem>>, %arg11: memref<1024x128xf32, #tpu.memory_space<vmem>>) attributes {dimension_semantics = [#tpu.dimension_semantics<arbitrary>], iteration_bounds = array<i64: 10>, scalar_prefetch = 0 : i64, scratch_operands = 0 : i64, tpu.core_type = #tpu.core_type<tc>, window_params = [{transform_indices = @transform_0, window_bounds = array<i64: 2, 1024, 128>}, {transform_indices = @transform_1, window_bounds = array<i64: 1024, 128>}, {transform_indices = @transform_2, window_bounds = array<i64: 2, 1024, 128>}, {transform_indices = @transform_3, window_bounds = array<i64: 1024, 128>}, {pipeline_mode = #tpu.pipeline_mode<synchronous>, transform_indices = @transform_4, window_bounds = array<i64: 128, 128>}, {pipeline_mode = #tpu.pipeline_mode<synchronous>, transform_indices = @transform_5, window_bounds = array<i64: 1, 128>}, {pipeline_mode = #tpu.pipeline_mode<synchronous>, transform_indices = @transform_6, window_bounds = array<i64: 128, 128>}, {pipeline_mode = #tpu.pipeline_mode<synchronous>, transform_indices = @transform_7, window_bounds = array<i64: 1, 128>}, {pipeline_mode = #tpu.pipeline_mode<synchronous>, transform_indices = @transform_8, window_bounds = array<i64: 1, 128>}, {pipeline_mode = #tpu.pipeline_mode<synchronous>, transform_indices = @transform_9, window_bounds = array<i64: 1, 128>}, {transform_indices = @transform_10, window_bounds = array<i64: 1024, 128>}]} {
    %get3A = arith.constant 0 : index
    %get3A_0 = arith.constant 0 : index
    %get3A_1 = arith.constant 0 : index
    %get3A_2 = vector.load %arg3[%get3A, %get3A_0, %get3A_1] : memref<2x1024x128xf32, #tpu.memory_space<vmem>>, vector<1x1024x1xf32>
    %get3A_3 = vector.shape_cast %get3A_2 : vector<1x1024x1xf32> to vector<1024x1xf32>
    %get3A_4 = arith.constant 1 : index
    %get3A_5 = arith.constant 0 : index
    %get3A_6 = arith.constant 0 : index
    %get3A_7 = vector.load %arg3[%get3A_4, %get3A_5, %get3A_6] : memref<2x1024x128xf32, #tpu.memory_space<vmem>>, vector<1x1024x1xf32>
    %get3A_8 = vector.shape_cast %get3A_7 : vector<1x1024x1xf32> to vector<1024x1xf32>
    %add3A = arith.addf %get3A_3, %get3A_8 : vector<1024x1xf32>
    %add3A_9 = arith.constant 1.000000e+00 : f32
    %add3A_10 = vector.broadcast %add3A_9 : f32 to vector<1024x1xf32>
    %add3A_11 = arith.addf %add3A, %add3A_10 : vector<1024x1xf32>
    %rsqrt3A = math.rsqrt %add3A_11 : vector<1024x1xf32>
    %get3A_12 = arith.constant 0 : index
    %get3A_13 = arith.constant 0 : index
    %get3A_14 = arith.constant 0 : index
    %get3A_15 = vector.load %arg1[%get3A_12, %get3A_13, %get3A_14] : memref<2x1024x128xf32, #tpu.memory_space<vmem>>, vector<1x1024x128xf32>
    %get3A_16 = vector.shape_cast %get3A_15 : vector<1x1024x128xf32> to vector<1024x128xf32>
    %get3A_17 = arith.constant 1 : index
    %get3A_18 = arith.constant 0 : index
    %get3A_19 = arith.constant 0 : index
    %get3A_20 = vector.load %arg1[%get3A_17, %get3A_18, %get3A_19] : memref<2x1024x128xf32, #tpu.memory_space<vmem>>, vector<1x1024x128xf32>
    %get3A_21 = vector.shape_cast %get3A_20 : vector<1x1024x128xf32> to vector<1024x128xf32>
    %add3A_22 = arith.addf %get3A_16, %get3A_21 : vector<1024x128xf32>
    %get3A_23 = arith.constant 0 : index
    %get3A_24 = arith.constant 0 : index
    %get3A_25 = vector.load %arg2[%get3A_23, %get3A_24] : memref<1024x128xf32, #tpu.memory_space<vmem>>, vector<1024x128xf32>
    %add3A_26 = arith.addf %add3A_22, %get3A_25 : vector<1024x128xf32>
    %mul3A = vector.broadcast %rsqrt3A : vector<1024x1xf32> to vector<1024x128xf32>
    %mul3A_27 = arith.mulf %mul3A, %add3A_26 : vector<1024x128xf32>
    %get3A_28 = arith.constant 0 : index
    %get3A_29 = arith.constant 0 : index
    %get3A_30 = vector.load %arg8[%get3A_28, %get3A_29] : memref<1x128xf32, #tpu.memory_space<vmem>>, vector<1x128xf32>
    %add3A_31 = vector.broadcast %get3A_30 : vector<1x128xf32> to vector<1024x128xf32>
    %add3A_32 = arith.addf %mul3A_27, %add3A_31 : vector<1024x128xf32>
    %reduce_sum3A = arith.constant dense<0.000000e+00> : vector<1024xf32>
    %reduce_sum3A_33 = vector.multi_reduction <add>, %add3A_32, %reduce_sum3A [1] : vector<1024x128xf32> to vector<1024xf32>
    %broadcast_in_dim3A = vector.shape_cast %reduce_sum3A_33 : vector<1024xf32> to vector<1024x1xf32>
    %div3A = arith.constant 1.280000e+02 : f32
    %div3A_34 = vector.broadcast %div3A : f32 to vector<1024x1xf32>
    %div3A_35 = arith.divf %broadcast_in_dim3A, %div3A_34 : vector<1024x1xf32>
    %sub3A = vector.broadcast %div3A_35 : vector<1024x1xf32> to vector<1024x128xf32>
    %sub3A_36 = arith.subf %add3A_32, %sub3A : vector<1024x128xf32>
    %mul3A_37 = arith.mulf %sub3A_36, %sub3A_36 : vector<1024x128xf32>
    %reduce_sum3A_38 = arith.constant dense<0.000000e+00> : vector<1024xf32>
    %reduce_sum3A_39 = vector.multi_reduction <add>, %mul3A_37, %reduce_sum3A_38 [1] : vector<1024x128xf32> to vector<1024xf32>
    %broadcast_in_dim3A_40 = vector.shape_cast %reduce_sum3A_39 : vector<1024xf32> to vector<1024x1xf32>
    %div3A_41 = arith.constant 1.280000e+02 : f32
    %div3A_42 = vector.broadcast %div3A_41 : f32 to vector<1024x1xf32>
    %div3A_43 = arith.divf %broadcast_in_dim3A_40, %div3A_42 : vector<1024x1xf32>
    %add3A_44 = arith.constant 9.99999974E-6 : f32
    %add3A_45 = vector.broadcast %add3A_44 : f32 to vector<1024x1xf32>
    %add3A_46 = arith.addf %div3A_43, %add3A_45 : vector<1024x1xf32>
    %rsqrt3A_47 = math.rsqrt %add3A_46 : vector<1024x1xf32>
    %mul3A_48 = vector.broadcast %rsqrt3A_47 : vector<1024x1xf32> to vector<1024x128xf32>
    %mul3A_49 = arith.mulf %sub3A_36, %mul3A_48 : vector<1024x128xf32>
    %get3A_50 = arith.constant 0 : index
    %get3A_51 = arith.constant 0 : index
    %get3A_52 = vector.load %arg9[%get3A_50, %get3A_51] : memref<1x128xf32, #tpu.memory_space<vmem>>, vector<1x128xf32>
    %mul3A_53 = vector.broadcast %get3A_52 : vector<1x128xf32> to vector<1024x128xf32>
    %mul3A_54 = arith.mulf %mul3A_49, %mul3A_53 : vector<1024x128xf32>
    %get3A_55 = arith.constant 0 : index
    %get3A_56 = arith.constant 0 : index
    %get3A_57 = vector.load %arg10[%get3A_55, %get3A_56] : memref<1x128xf32, #tpu.memory_space<vmem>>, vector<1x128xf32>
    %add3A_58 = vector.broadcast %get3A_57 : vector<1x128xf32> to vector<1024x128xf32>
    %add3A_59 = arith.addf %mul3A_54, %add3A_58 : vector<1024x128xf32>
    %max3A = arith.constant 0.000000e+00 : f32
    %max3A_60 = vector.broadcast %max3A : f32 to vector<1024x128xf32>
    %max3A_61 = arith.maximumf %add3A_59, %max3A_60 : vector<1024x128xf32>
    %get3A_62 = arith.constant 0 : index
    %get3A_63 = arith.constant 0 : index
    %get3A_64 = vector.load %arg4[%get3A_62, %get3A_63] : memref<1024x128xf32, #tpu.memory_space<vmem>>, vector<1024x128xf32>
    %get3A_65 = arith.constant 0 : index
    %get3A_66 = arith.constant 0 : index
    %get3A_67 = vector.load %arg5[%get3A_65, %get3A_66] : memref<128x128xf32, #tpu.memory_space<vmem>>, vector<128x128xf32>
    %dot_general3A = arith.constant dense<0.000000e+00> : vector<1024x128xf32>
    %dot_general3A_68 = tpu.matmul %get3A_64, %get3A_67, %dot_general3A {dimension_numbers = #tpu.dot_dimension_numbers<[1], [0], [0], [1], [0, 0, 1, 1], [], []>, transpose_lhs_hint = false} : vector<1024x128xf32>, vector<128x128xf32>, vector<1024x128xf32> -> vector<1024x128xf32>
    %get3A_69 = arith.constant 0 : index
    %get3A_70 = arith.constant 0 : index
    %get3A_71 = vector.load %arg6[%get3A_69, %get3A_70] : memref<1x128xf32, #tpu.memory_space<vmem>>, vector<1x128xf32>
    %add3A_72 = vector.broadcast %get3A_71 : vector<1x128xf32> to vector<1024x128xf32>
    %add3A_73 = arith.addf %dot_general3A_68, %add3A_72 : vector<1024x128xf32>
    %add3A_74 = arith.addf %add3A_73, %max3A_61 : vector<1024x128xf32>
    %get3A_75 = arith.constant 0 : index
    %get3A_76 = arith.constant 0 : index
    %get3A_77 = vector.load %arg7[%get3A_75, %get3A_76] : memref<128x128xf32, #tpu.memory_space<vmem>>, vector<128x128xf32>
    %dot_general3A_78 = arith.constant dense<0.000000e+00> : vector<1024x128xf32>
    %dot_general3A_79 = tpu.matmul %add3A_74, %get3A_77, %dot_general3A_78 {dimension_numbers = #tpu.dot_dimension_numbers<[1], [0], [0], [1], [0, 0, 1, 1], [], []>, transpose_lhs_hint = false} : vector<1024x128xf32>, vector<128x128xf32>, vector<1024x128xf32> -> vector<1024x128xf32>
    %mul3A_80 = vector.broadcast %rsqrt3A : vector<1024x1xf32> to vector<1024x128xf32>
    %mul3A_81 = arith.mulf %mul3A_80, %dot_general3A_79 : vector<1024x128xf32>
    %swap3A = arith.constant 0 : index
    %swap3A_82 = arith.constant 0 : index
    %swap3A_83 = vector.load %arg11[%swap3A, %swap3A_82] : memref<1024x128xf32, #tpu.memory_space<vmem>>, vector<1024x128xf32>
    tpu.vector_store %arg11[%swap3A, %swap3A_82], %mul3A_81 {strides = array<i32>} : memref<1024x128xf32, #tpu.memory_space<vmem>>, vector<1024x128xf32>,
    return
  }
  func.func @transform_0(%arg0: i32) -> (i32, i32, i32) {
    %c0_i32 = arith.constant 0 : i32
    %c0_i32_0 = arith.constant 0 : i32
    %c0_i32_1 = arith.constant 0 : i32
    return %c0_i32, %arg0, %c0_i32_0 : i32, i32, i32
  }
  func.func @transform_1(%arg0: i32) -> (i32, i32) {
    %c0_i32 = arith.constant 0 : i32
    %c0_i32_0 = arith.constant 0 : i32
    return %arg0, %c0_i32 : i32, i32
  }
  func.func @transform_2(%arg0: i32) -> (i32, i32, i32) {
    %c0_i32 = arith.constant 0 : i32
    %c0_i32_0 = arith.constant 0 : i32
    %c0_i32_1 = arith.constant 0 : i32
    return %c0_i32, %arg0, %c0_i32_0 : i32, i32, i32
  }
  func.func @transform_3(%arg0: i32) -> (i32, i32) {
    %c0_i32 = arith.constant 0 : i32
    %c0_i32_0 = arith.constant 0 : i32
    return %arg0, %c0_i32 : i32, i32
  }
  func.func @transform_4(%arg0: i32) -> (i32, i32) {
    %c0_i32 = arith.constant 0 : i32
    %c0_i32_0 = arith.constant 0 : i32
    %c0_i32_1 = arith.constant 0 : i32
    return %c0_i32, %c0_i32_0 : i32, i32
  }
  func.func @transform_5(%arg0: i32) -> (i32, i32) {
    %c0_i32 = arith.constant 0 : i32
    %c0_i32_0 = arith.constant 0 : i32
    %c0_i32_1 = arith.constant 0 : i32
    return %c0_i32, %c0_i32_0 : i32, i32
  }
  func.func @transform_6(%arg0: i32) -> (i32, i32) {
    %c0_i32 = arith.constant 0 : i32
    %c0_i32_0 = arith.constant 0 : i32
    %c0_i32_1 = arith.constant 0 : i32
    return %c0_i32, %c0_i32_0 : i32, i32
  }
  func.func @transform_7(%arg0: i32) -> (i32, i32) {
    %c0_i32 = arith.constant 0 : i32
    %c0_i32_0 = arith.constant 0 : i32
    %c0_i32_1 = arith.constant 0 : i32
    return %c0_i32, %c0_i32_0 : i32, i32
  }
  func.func @transform_8(%arg0: i32) -> (i32, i32) {
    %c0_i32 = arith.constant 0 : i32
    %c0_i32_0 = arith.constant 0 : i32
    %c0_i32_1 = arith.constant 0 : i32
    return %c0_i32, %c0_i32_0 : i32, i32
  }
  func.func @transform_9(%arg0: i32) -> (i32, i32) {
    %c0_i32 = arith.constant 0 : i32
    %c0_i32_0 = arith.constant 0 : i32
    %c0_i32_1 = arith.constant 0 : i32
    return %c0_i32, %c0_i32_0 : i32, i32
  }
  func.func @transform_10(%arg0: i32) -> (i32, i32) {
    %c0_i32 = arith.constant 0 : i32
    %c0_i32_0 = arith.constant 0 : i32
    return %arg0, %c0_i32 : i32, i32
  }
}

module attributes {stable_mosaic.version = 14 : i64} {
  func.func @_tc3_body(%arg0: i32, %arg1: memref<2x1024x128xf32, #tpu.memory_space<vmem>>, %arg2: memref<1024x128xf32, #tpu.memory_space<vmem>>, %arg3: memref<2x1024x128xf32, #tpu.memory_space<vmem>>, %arg4: memref<1x128xf32, #tpu.memory_space<vmem>>, %arg5: memref<1x128xf32, #tpu.memory_space<vmem>>, %arg6: memref<1x128xf32, #tpu.memory_space<vmem>>, %arg7: memref<64x1xf32, #tpu.memory_space<vmem>>, %arg8: memref<64x1xf32, #tpu.memory_space<vmem>>, %arg9: memref<64x1xf32, #tpu.memory_space<vmem>>, %arg10: memref<1024x128xf32, #tpu.memory_space<vmem>>, %arg11: memref<64x128xf32, #tpu.memory_space<vmem>>) attributes {dimension_semantics = [#tpu.dimension_semantics<arbitrary>], iteration_bounds = array<i64: 10>, scalar_prefetch = 0 : i64, scratch_operands = 0 : i64, tpu.core_type = #tpu.core_type<tc>, window_params = [{transform_indices = @transform_0, window_bounds = array<i64: 2, 1024, 128>}, {transform_indices = @transform_1, window_bounds = array<i64: 1024, 128>}, {transform_indices = @transform_2, window_bounds = array<i64: 2, 1024, 128>}, {pipeline_mode = #tpu.pipeline_mode<synchronous>, transform_indices = @transform_3, window_bounds = array<i64: 1, 128>}, {pipeline_mode = #tpu.pipeline_mode<synchronous>, transform_indices = @transform_4, window_bounds = array<i64: 1, 128>}, {pipeline_mode = #tpu.pipeline_mode<synchronous>, transform_indices = @transform_5, window_bounds = array<i64: 1, 128>}, {pipeline_mode = #tpu.pipeline_mode<synchronous>, transform_indices = @transform_6, window_bounds = array<i64: 64, 1>}, {pipeline_mode = #tpu.pipeline_mode<synchronous>, transform_indices = @transform_7, window_bounds = array<i64: 64, 1>}, {pipeline_mode = #tpu.pipeline_mode<synchronous>, transform_indices = @transform_8, window_bounds = array<i64: 64, 1>}, {transform_indices = @transform_9, window_bounds = array<i64: 1024, 128>}, {pipeline_mode = #tpu.pipeline_mode<synchronous>, transform_indices = @transform_10, window_bounds = array<i64: 64, 128>}]} {
    %get3A = arith.constant 0 : index
    %get3A_0 = arith.constant 0 : index
    %get3A_1 = arith.constant 0 : index
    %get3A_2 = vector.load %arg3[%get3A, %get3A_0, %get3A_1] : memref<2x1024x128xf32, #tpu.memory_space<vmem>>, vector<1x1024x1xf32>
    %get3A_3 = vector.shape_cast %get3A_2 : vector<1x1024x1xf32> to vector<1024x1xf32>
    %get3A_4 = arith.constant 1 : index
    %get3A_5 = arith.constant 0 : index
    %get3A_6 = arith.constant 0 : index
    %get3A_7 = vector.load %arg3[%get3A_4, %get3A_5, %get3A_6] : memref<2x1024x128xf32, #tpu.memory_space<vmem>>, vector<1x1024x1xf32>
    %get3A_8 = vector.shape_cast %get3A_7 : vector<1x1024x1xf32> to vector<1024x1xf32>
    %add3A = arith.addf %get3A_3, %get3A_8 : vector<1024x1xf32>
    %add3A_9 = arith.constant 1.000000e+00 : f32
    %add3A_10 = vector.broadcast %add3A_9 : f32 to vector<1024x1xf32>
    %add3A_11 = arith.addf %add3A, %add3A_10 : vector<1024x1xf32>
    %rsqrt3A = math.rsqrt %add3A_11 : vector<1024x1xf32>
    %get3A_12 = arith.constant 0 : index
    %get3A_13 = arith.constant 0 : index
    %get3A_14 = arith.constant 0 : index
    %get3A_15 = vector.load %arg1[%get3A_12, %get3A_13, %get3A_14] : memref<2x1024x128xf32, #tpu.memory_space<vmem>>, vector<1x1024x128xf32>
    %get3A_16 = vector.shape_cast %get3A_15 : vector<1x1024x128xf32> to vector<1024x128xf32>
    %get3A_17 = arith.constant 1 : index
    %get3A_18 = arith.constant 0 : index
    %get3A_19 = arith.constant 0 : index
    %get3A_20 = vector.load %arg1[%get3A_17, %get3A_18, %get3A_19] : memref<2x1024x128xf32, #tpu.memory_space<vmem>>, vector<1x1024x128xf32>
    %get3A_21 = vector.shape_cast %get3A_20 : vector<1x1024x128xf32> to vector<1024x128xf32>
    %add3A_22 = arith.addf %get3A_16, %get3A_21 : vector<1024x128xf32>
    %get3A_23 = arith.constant 0 : index
    %get3A_24 = arith.constant 0 : index
    %get3A_25 = vector.load %arg2[%get3A_23, %get3A_24] : memref<1024x128xf32, #tpu.memory_space<vmem>>, vector<1024x128xf32>
    %add3A_26 = arith.addf %add3A_22, %get3A_25 : vector<1024x128xf32>
    %mul3A = vector.broadcast %rsqrt3A : vector<1024x1xf32> to vector<1024x128xf32>
    %mul3A_27 = arith.mulf %mul3A, %add3A_26 : vector<1024x128xf32>
    %get3A_28 = arith.constant 0 : index
    %get3A_29 = arith.constant 0 : index
    %get3A_30 = vector.load %arg4[%get3A_28, %get3A_29] : memref<1x128xf32, #tpu.memory_space<vmem>>, vector<1x128xf32>
    %add3A_31 = vector.broadcast %get3A_30 : vector<1x128xf32> to vector<1024x128xf32>
    %add3A_32 = arith.addf %mul3A_27, %add3A_31 : vector<1024x128xf32>
    %reduce_sum3A = arith.constant dense<0.000000e+00> : vector<1024xf32>
    %reduce_sum3A_33 = vector.multi_reduction <add>, %add3A_32, %reduce_sum3A [1] : vector<1024x128xf32> to vector<1024xf32>
    %broadcast_in_dim3A = vector.shape_cast %reduce_sum3A_33 : vector<1024xf32> to vector<1024x1xf32>
    %div3A = arith.constant 1.280000e+02 : f32
    %div3A_34 = vector.broadcast %div3A : f32 to vector<1024x1xf32>
    %div3A_35 = arith.divf %broadcast_in_dim3A, %div3A_34 : vector<1024x1xf32>
    %sub3A = vector.broadcast %div3A_35 : vector<1024x1xf32> to vector<1024x128xf32>
    %sub3A_36 = arith.subf %add3A_32, %sub3A : vector<1024x128xf32>
    %mul3A_37 = arith.mulf %sub3A_36, %sub3A_36 : vector<1024x128xf32>
    %reduce_sum3A_38 = arith.constant dense<0.000000e+00> : vector<1024xf32>
    %reduce_sum3A_39 = vector.multi_reduction <add>, %mul3A_37, %reduce_sum3A_38 [1] : vector<1024x128xf32> to vector<1024xf32>
    %broadcast_in_dim3A_40 = vector.shape_cast %reduce_sum3A_39 : vector<1024xf32> to vector<1024x1xf32>
    %div3A_41 = arith.constant 1.280000e+02 : f32
    %div3A_42 = vector.broadcast %div3A_41 : f32 to vector<1024x1xf32>
    %div3A_43 = arith.divf %broadcast_in_dim3A_40, %div3A_42 : vector<1024x1xf32>
    %add3A_44 = arith.constant 9.99999974E-6 : f32
    %add3A_45 = vector.broadcast %add3A_44 : f32 to vector<1024x1xf32>
    %add3A_46 = arith.addf %div3A_43, %add3A_45 : vector<1024x1xf32>
    %rsqrt3A_47 = math.rsqrt %add3A_46 : vector<1024x1xf32>
    %mul3A_48 = vector.broadcast %rsqrt3A_47 : vector<1024x1xf32> to vector<1024x128xf32>
    %mul3A_49 = arith.mulf %sub3A_36, %mul3A_48 : vector<1024x128xf32>
    %get3A_50 = arith.constant 0 : index
    %get3A_51 = arith.constant 0 : index
    %get3A_52 = vector.load %arg5[%get3A_50, %get3A_51] : memref<1x128xf32, #tpu.memory_space<vmem>>, vector<1x128xf32>
    %mul3A_53 = vector.broadcast %get3A_52 : vector<1x128xf32> to vector<1024x128xf32>
    %mul3A_54 = arith.mulf %mul3A_49, %mul3A_53 : vector<1024x128xf32>
    %get3A_55 = arith.constant 0 : index
    %get3A_56 = arith.constant 0 : index
    %get3A_57 = vector.load %arg6[%get3A_55, %get3A_56] : memref<1x128xf32, #tpu.memory_space<vmem>>, vector<1x128xf32>
    %add3A_58 = vector.broadcast %get3A_57 : vector<1x128xf32> to vector<1024x128xf32>
    %add3A_59 = arith.addf %mul3A_54, %add3A_58 : vector<1024x128xf32>
    %max3A = arith.constant 0.000000e+00 : f32
    %max3A_60 = vector.broadcast %max3A : f32 to vector<1024x128xf32>
    %max3A_61 = arith.maximumf %add3A_59, %max3A_60 : vector<1024x128xf32>
    %swap3A = arith.constant 0 : index
    %swap3A_62 = arith.constant 0 : index
    %swap3A_63 = vector.load %arg10[%swap3A, %swap3A_62] : memref<1024x128xf32, #tpu.memory_space<vmem>>, vector<1024x128xf32>
    tpu.vector_store %arg10[%swap3A, %swap3A_62], %max3A_61 {strides = array<i32>} : memref<1024x128xf32, #tpu.memory_space<vmem>>, vector<1024x128xf32>,
    %iota3A = tpu.iota {dimensions = array<i32: 1>} : vector<64x1024xi32>
    %mul3A_64 = arith.constant 1024 : i32
    %mul3A_65 = arith.muli %arg0, %mul3A_64 : i32
    %add3A_66 = vector.broadcast %mul3A_65 : i32 to vector<64x1024xi32>
    %add3A_67 = arith.addi %iota3A, %add3A_66 : vector<64x1024xi32>
    %convert_element_type3A = arith.sitofp %add3A_67 : vector<64x1024xi32> to vector<64x1024xf32>
    %get3A_68 = arith.constant 0 : index
    %get3A_69 = arith.constant 0 : index
    %get3A_70 = vector.load %arg7[%get3A_68, %get3A_69] : memref<64x1xf32, #tpu.memory_space<vmem>>, vector<64x1xf32>
    %ge3A = vector.broadcast %get3A_70 : vector<64x1xf32> to vector<64x1024xf32>
    %ge3A_71 = arith.cmpf oge, %convert_element_type3A, %ge3A : vector<64x1024xf32>
    %get3A_72 = arith.constant 0 : index
    %get3A_73 = arith.constant 0 : index
    %get3A_74 = vector.load %arg8[%get3A_72, %get3A_73] : memref<64x1xf32, #tpu.memory_space<vmem>>, vector<64x1xf32>
    %lt3A = vector.broadcast %get3A_74 : vector<64x1xf32> to vector<64x1024xf32>
    %lt3A_75 = arith.cmpf olt, %convert_element_type3A, %lt3A : vector<64x1024xf32>
    %and3A = arith.andi %ge3A_71, %lt3A_75 : vector<64x1024xi1>
    %jit3A = arith.constant 1.000000e+00 : f32
    %jit3A_76 = arith.constant 0.000000e+00 : f32
    %broadcast_in_dim3A_77 = vector.broadcast %jit3A : f32 to vector<64x1024xf32>
    %broadcast_in_dim3A_78 = vector.broadcast %jit3A_76 : f32 to vector<64x1024xf32>
    %select_n3A = arith.select %and3A, %broadcast_in_dim3A_77, %broadcast_in_dim3A_78 : vector<64x1024xi1>, vector<64x1024xf32>
    %eq3A = arith.constant 0 : i32
    %eq3A_79 = arith.cmpi eq, %arg0, %eq3A : i32
    %convert_element_type3A_80 = arith.extui %eq3A_79 : i1 to i32
    %cond3A = arith.constant 0 : i32
    %cond3A_81 = arith.cmpi ne, %convert_element_type3A_80, %cond3A : i32
    scf.if %cond3A_81 {
      %broadcast_in_dim3A_95 = arith.constant 0.000000e+00 : f32
      %broadcast_in_dim3A_96 = vector.broadcast %broadcast_in_dim3A_95 : f32 to vector<64x128xf32>
      %swap3A_97 = arith.constant 0 : index
      %swap3A_98 = arith.constant 0 : index
      %swap3A_99 = vector.load %arg11[%swap3A_97, %swap3A_98] : memref<64x128xf32, #tpu.memory_space<vmem>>, vector<64x128xf32>
      tpu.vector_store %arg11[%swap3A_97, %swap3A_98], %broadcast_in_dim3A_96 {strides = array<i32>} : memref<64x128xf32, #tpu.memory_space<vmem>>, vector<64x128xf32>,
    } else {
    }
    %get3A_82 = arith.constant 0 : index
    %get3A_83 = arith.constant 0 : index
    %get3A_84 = vector.load %arg11[%get3A_82, %get3A_83] : memref<64x128xf32, #tpu.memory_space<vmem>>, vector<64x128xf32>
    %dot_general3A = arith.constant dense<0.000000e+00> : vector<64x128xf32>
    %dot_general3A_85 = tpu.matmul %select_n3A, %max3A_61, %dot_general3A {dimension_numbers = #tpu.dot_dimension_numbers<[1], [0], [0], [1], [0, 0, 1, 1], [], []>, transpose_lhs_hint = false} : vector<64x1024xf32>, vector<1024x128xf32>, vector<64x128xf32> -> vector<64x128xf32>
    %add3A_86 = arith.addf %get3A_84, %dot_general3A_85 : vector<64x128xf32>
    %swap3A_87 = arith.constant 0 : index
    %swap3A_88 = arith.constant 0 : index
    %swap3A_89 = vector.load %arg11[%swap3A_87, %swap3A_88] : memref<64x128xf32, #tpu.memory_space<vmem>>, vector<64x128xf32>
    tpu.vector_store %arg11[%swap3A_87, %swap3A_88], %add3A_86 {strides = array<i32>} : memref<64x128xf32, #tpu.memory_space<vmem>>, vector<64x128xf32>,
    %eq3A_90 = arith.constant 9 : i32
    %eq3A_91 = arith.cmpi eq, %arg0, %eq3A_90 : i32
    %convert_element_type3A_92 = arith.extui %eq3A_91 : i1 to i32
    %cond3A_93 = arith.constant 0 : i32
    %cond3A_94 = arith.cmpi ne, %convert_element_type3A_92, %cond3A_93 : i32
    scf.if %cond3A_94 {
      %get3A_95 = arith.constant 0 : index
      %get3A_96 = arith.constant 0 : index
      %get3A_97 = vector.load %arg11[%get3A_95, %get3A_96] : memref<64x128xf32, #tpu.memory_space<vmem>>, vector<64x128xf32>
      %get3A_98 = arith.constant 0 : index
      %get3A_99 = arith.constant 0 : index
      %get3A_100 = vector.load %arg9[%get3A_98, %get3A_99] : memref<64x1xf32, #tpu.memory_space<vmem>>, vector<64x1xf32>
      %mul3A_101 = vector.broadcast %get3A_100 : vector<64x1xf32> to vector<64x128xf32>
      %mul3A_102 = arith.mulf %get3A_97, %mul3A_101 : vector<64x128xf32>
      %swap3A_103 = arith.constant 0 : index
      %swap3A_104 = arith.constant 0 : index
      %swap3A_105 = vector.load %arg11[%swap3A_103, %swap3A_104] : memref<64x128xf32, #tpu.memory_space<vmem>>, vector<64x128xf32>
      tpu.vector_store %arg11[%swap3A_103, %swap3A_104], %mul3A_102 {strides = array<i32>} : memref<64x128xf32, #tpu.memory_space<vmem>>, vector<64x128xf32>,
    } else {
    }
    return
  }
  func.func @transform_0(%arg0: i32) -> (i32, i32, i32) {
    %c0_i32 = arith.constant 0 : i32
    %c0_i32_0 = arith.constant 0 : i32
    %c0_i32_1 = arith.constant 0 : i32
    return %c0_i32, %arg0, %c0_i32_0 : i32, i32, i32
  }
  func.func @transform_1(%arg0: i32) -> (i32, i32) {
    %c0_i32 = arith.constant 0 : i32
    %c0_i32_0 = arith.constant 0 : i32
    return %arg0, %c0_i32 : i32, i32
  }
  func.func @transform_2(%arg0: i32) -> (i32, i32, i32) {
    %c0_i32 = arith.constant 0 : i32
    %c0_i32_0 = arith.constant 0 : i32
    %c0_i32_1 = arith.constant 0 : i32
    return %c0_i32, %arg0, %c0_i32_0 : i32, i32, i32
  }
  func.func @transform_3(%arg0: i32) -> (i32, i32) {
    %c0_i32 = arith.constant 0 : i32
    %c0_i32_0 = arith.constant 0 : i32
    %c0_i32_1 = arith.constant 0 : i32
    return %c0_i32, %c0_i32_0 : i32, i32
  }
  func.func @transform_4(%arg0: i32) -> (i32, i32) {
    %c0_i32 = arith.constant 0 : i32
    %c0_i32_0 = arith.constant 0 : i32
    %c0_i32_1 = arith.constant 0 : i32
    return %c0_i32, %c0_i32_0 : i32, i32
  }
  func.func @transform_5(%arg0: i32) -> (i32, i32) {
    %c0_i32 = arith.constant 0 : i32
    %c0_i32_0 = arith.constant 0 : i32
    %c0_i32_1 = arith.constant 0 : i32
    return %c0_i32, %c0_i32_0 : i32, i32
  }
  func.func @transform_6(%arg0: i32) -> (i32, i32) {
    %c0_i32 = arith.constant 0 : i32
    %c0_i32_0 = arith.constant 0 : i32
    %c0_i32_1 = arith.constant 0 : i32
    return %c0_i32, %c0_i32_0 : i32, i32
  }
  func.func @transform_7(%arg0: i32) -> (i32, i32) {
    %c0_i32 = arith.constant 0 : i32
    %c0_i32_0 = arith.constant 0 : i32
    %c0_i32_1 = arith.constant 0 : i32
    return %c0_i32, %c0_i32_0 : i32, i32
  }
  func.func @transform_8(%arg0: i32) -> (i32, i32) {
    %c0_i32 = arith.constant 0 : i32
    %c0_i32_0 = arith.constant 0 : i32
    %c0_i32_1 = arith.constant 0 : i32
    return %c0_i32, %c0_i32_0 : i32, i32
  }
  func.func @transform_9(%arg0: i32) -> (i32, i32) {
    %c0_i32 = arith.constant 0 : i32
    %c0_i32_0 = arith.constant 0 : i32
    return %arg0, %c0_i32 : i32, i32
  }
  func.func @transform_10(%arg0: i32) -> (i32, i32) {
    %c0_i32 = arith.constant 0 : i32
    %c0_i32_0 = arith.constant 0 : i32
    %c0_i32_1 = arith.constant 0 : i32
    return %c0_i32, %c0_i32_0 : i32, i32
  }
}

</mosaic_0001>

<sc_bundles>
// kernel: kernel.11.cloned.1.call-start
scs
__scs_entry_jumppad:
0x0: {  	(pc) =	sbr.rel $0x88, $3  }
0x1: {  	(tag) =	ssettag $0x0;
	lr =	simm.s32 $0x1  }
0x2: {  	[smem:$0x3F93] =	sst lr;
	_ =	strace $0xD0000000  }
0x3: {  	_ = 	snop  }
0x4: {  	_ = 	snop  }
0x5: {  	_ = 	snop  }
0x6: {  	_ = 	snop  }
0x7: {  	_ = 	snop  }
__scs_overlays_trampoline_lowered:
0x8: {  	[smem:$0x3FA2] =	sst s0  }
0x9: {  	[smem:$0x3FA3] =	sst s1  }
0xa: {  	[smem:$0x3FA4] =	sst s2  }
0xb: {  	[smem:$0x3FA5] =	sst s3  }
0xc: {  	[smem:$0x3FA6] =	sst s4  }
0xd: {  	[smem:$0x3FA7] =	sst s5  }
0xe: {  	[smem:$0x3FA8] =	sst s6  }
0xf: {  	[smem:$0x3FA9] =	sst s7  }
0x10: {  	[smem:$0x3FAA] =	sst s8  }
0x11: {  	[smem:$0x3FAB] =	sst s9;
	s0 =	simm.s32 @!p0 $0x0  }
0x12: {  	s1 =	sld [smem:$0x3F91];
	s0 =	simm.s32 @p0 $0x1  }
0x13: {  	[smem:$0x3FAC] =	sst s0;
	s0 =	simm.s32 @!p1 $0x0  }
0x14: {  	s2 =	sld [smem:$0x3F90];
	s0 =	simm.s32 @p1 $0x1  }
0x15: {  	[smem:$0x3FAD] =	sst s0;
	s0 =	simm.s32 @!p2 $0x0  }
0x16: {  	s3 =	sld [smem:$0x3FDB];
	s0 =	simm.s32 @p2 $0x1  }
0x17: {  	s4 =	simm.s32 $0x1BF5;
	[smem:$0x3FAF] =	sst s0  }
0x18: {  	s0 =	sld [smem:$0x3F92];
	_ =	swait.ge [sflag:s4], $0x0  }
0x19: {  	s7 =	sld [smem:$0x3F93]  }
0x1a: {  	s8 =	sadd.s32 $0xFFFFE003, lr  }
0x1b: {  	s9 =	sadd.s32 $0xFFFFFEF7, lr;
	s5 =	simm.s32 $0xFFFFFFFF;
	p2 =	slt.u32 s8, $0xFFFFF086  }
0x1c: {  	p1 =	slt.u32 s9, $0xF7A;
	s5 =	simm.s32 @!p2 $0x0  }
0x1d: {  	s5 =	simm.s32 @p1 $0x1;
	p0 =	seq.s32 s7, s2  }
0x1e: {  	s7 =	smul.u32 @!p0 $0xF7A, s2;
	p2 =	seq.s32 @!p0 s5, $0x0  }
0x1f: {  	s9 =	smul.u32 $0xF7A, s1;
	s8 =	simm.s32 @!p0 $0x1BF5;
	p2 =	por !p2, p0  }
0x20: {  	[sflag:s8] =	ssyncset.s32 @!p0 $0xFFFFF086;
	s6 =	sadd.s32 @!p0 s3, s7;
	s7 =	simm.s32 @!p0 $0x108  }
0x21: {  	s3 =	sadd.s32 s3, s9;
	s6 =	sadd.s32 @!p0 $0x88, s6;
	s7 =	simm.s32 @p2 $0x1082  }
0x22: {  	[simem:s7], [sflag:s8] =	dma.local @!p0 [hbm:s6], $0xF7A  }
0x23: {  	s9 =	sor.u32 $0xD0000000, s2;
	s6 =	simm.s32 $0x108;
	_ =	swait.ge @!p0 [sflag:s8], $0x0  }
0x24: {  	s3 =	sadd.s32 $0x88, s3;
	s6 =	simm.s32 @!p1 $0x1082;
	[sflag:s4] =	ssyncset.s32 $0xFFFFF086  }
0x25: {  	[simem:s6], [sflag:s4] =	dma.local [hbm:s3], $0xF7A  }
0x26: {  	[smem:$0x3F93] =	sst s1;
	(tag) =	ssettag s2;
	_ =	strace s9  }
0x27: {  	s1 =	sld [smem:$0x3FA3]  }
0x28: {  	s2 =	sld [smem:$0x3FA4]  }
0x29: {  	s4 =	sld [smem:$0x3FA6]  }
0x2a: {  	p0 =	seq.s32 s5, $0x0;
	s5 =	sld [smem:$0x3FA7]  }
0x2b: {  	s6 =	sld [smem:$0x3FA8]  }
0x2c: {  	s7 =	sld [smem:$0x3FA9]  }
0x2d: {  	s3 =	simm.s32 $0x108;
	s8 =	sld [smem:$0x3FAA]  }
0x2e: {  	s3 =	simm.s32 @!p0 $0x1082;
	s9 =	sld [smem:$0x3FAB]  }
0x2f: {  	lr =	sadd.s32 s0, s3;
	s0 =	sld [smem:$0x3FA2]  }
0x30: {  	s3 =	sld [smem:$0x3FA5]  }
0x31: {  	[smem:$0x3FAE] =	sst s10  }
0x32: {  	s10 =	sld [smem:$0x3FAC];
	_ =	sdelay $0x3  }
0x33: {  	p0 =	seq.s32 s10, $0x1;
	s10 =	sld [smem:$0x3FAE];
	_ =	sdelay $0x3  }
0x34: {  	[smem:$0x3FAE] =	sst s10  }
0x35: {  	s10 =	sld [smem:$0x3FAD];
	_ =	sdelay $0x3  }
0x36: {  	p1 =	seq.s32 s10, $0x1;
	s10 =	sld [smem:$0x3FAE];
	_ =	sdelay $0x3  }
0x37: {  	[smem:$0x3FAE] =	sst s10  }
0x38: {  	s10 =	sld [smem:$0x3FAF]  }
0x39: {  	_ = 	snop;
	(pc) =	sbr.ind lr, $3  }
0x3a: {  	_ = 	snop  }
0x3b: {  	_ = 	snop  }
0x3c: {  	p2 =	seq.s32 s10, $0x1;
	s10 =	sld [smem:$0x3FAE]  }
0x3d: {  	_ =	shalt  }
0x3e: {  	_ =	shalt  }
0x3f: {  	_ =	shalt  }
0x40: {  	_ =	shalt  }
0x41: {  	_ =	shalt  }
0x42: {  	_ =	shalt  }
0x43: {  	_ =	shalt  }
0x44: {  	_ =	shalt  }
0x45: {  	_ =	shalt  }
0x46: {  	_ =	shalt  }
0x47: {  	_ =	shalt  }
0x48: {  	_ =	shalt  }
0x49: {  	_ =	shalt  }
0x4a: {  	_ =	shalt  }
0x4b: {  	_ =	shalt  }
0x4c: {  	_ =	shalt  }
0x4d: {  	_ =	shalt  }
0x4e: {  	_ =	shalt  }
0x4f: {  	_ =	shalt  }
0x50: {  	_ =	shalt  }
0x51: {  	_ =	shalt  }
0x52: {  	_ =	shalt  }
0x53: {  	_ =	shalt  }
0x54: {  	_ =	shalt  }
0x55: {  	_ =	shalt  }
0x56: {  	_ =	shalt  }
0x57: {  	_ =	shalt  }
0x58: {  	_ =	shalt  }
0x59: {  	_ =	shalt  }
0x5a: {  	_ =	shalt  }
0x5b: {  	_ =	shalt  }
0x5c: {  	_ =	shalt  }
0x5d: {  	_ =	shalt  }
0x5e: {  	_ =	shalt  }
0x5f: {  	_ =	shalt  }
0x60: {  	_ =	shalt  }
0x61: {  	_ =	shalt  }
0x62: {  	_ =	shalt  }
0x63: {  	_ =	shalt  }
0x64: {  	_ =	shalt  }
0x65: {  	_ =	shalt  }
0x66: {  	_ =	shalt  }
0x67: {  	_ =	shalt  }
0x68: {  	_ =	shalt  }
0x69: {  	_ =	shalt  }
0x6a: {  	_ =	shalt  }
0x6b: {  	_ =	shalt  }
0x6c: {  	_ =	shalt  }
0x6d: {  	_ =	shalt  }
0x6e: {  	_ =	shalt  }
0x6f: {  	_ =	shalt  }
0x70: {  	_ =	shalt  }
0x71: {  	_ =	shalt  }
0x72: {  	_ =	shalt  }
0x73: {  	_ =	shalt  }
0x74: {  	_ =	shalt  }
0x75: {  	_ =	shalt  }
0x76: {  	_ =	shalt  }
0x77: {  	_ =	shalt  }
0x78: {  	_ =	shalt  }
0x79: {  	_ =	shalt  }
0x7a: {  	_ =	shalt  }
0x7b: {  	_ =	shalt  }
0x7c: {  	_ =	shalt  }
0x7d: {  	_ =	shalt  }
0x7e: {  	_ =	shalt  }
0x7f: {  	_ =	shalt  }
0x80: {  	_ =	shalt  }
0x81: {  	_ =	shalt  }
0x82: {  	_ =	shalt  }
0x83: {  	_ =	shalt  }
0x84: {  	_ =	shalt  }
0x85: {  	_ =	shalt  }
0x86: {  	_ =	shalt  }
0x87: {  	_ =	shalt  }
.Lfunc_end0:
.L_simem_size_0:
called_computation.1_lowered:
.L_overlay_start_0:
0x88: {  	s2 =	sld [smem:$0x3FD9]  }
0x89: {  	s3 =	sld [smem:$0x3FFE];
	_ =	sdelay $0x1  }
0x8a: {  	s1 =	srdreg.scid  }
0x8b: {  	s0 =	sand.u32 $0x1, s1  }
0x8c: {  	s14 =	sshll.u32 s0, $0xA;
	s2 =	sadd.s32 s3, s2  }
0x8d: {  	s2 =	sadd.s32 s2, s14  }
0x8e: {  	[smem:$0x3FBA] =	sst s2  }
0x8f: {  	_ = 	snop  }
0x90: {  	s2 =	sld [smem:$0x3FD0];
	_ =	sdelay $0x2  }
0x91: {  	s15 =	simm.s32 $0xA;
	s4 =	simm.s32 $0x10  }
0x92: {  	[smem:s4], [sflag:s15] =	dma.local [hbm:s2], $0x1  }
0x93: {  	_ =	swait.eq [sflag:s15], $0x1  }
0x94: {  	[sflag:s15] =	ssyncset.done $0x0  }
0x95: {  	[sflag:s15] =	ssyncadd.s32 $0xFFFFFFFF  }
0x96: {  	s16 =	sld [smem:$0x10];
	(tm) =	ssettm $0x1  }
0x97: {  	s17 =	sld [smem:$0x3FFB];
	_ =	sdelay $0x3  }
0x98: {  	_ =	strace s17  }
0x99: {  	s3 =	sld [smem:$0x3FFC];
	_ =	sdelay $0x3  }
0x9a: {  	_ =	strace s3  }
0x9b: {  	s3 =	sld [smem:$0x3FFD];
	_ =	sdelay $0x3  }
0x9c: {  	_ =	strace s3  }
0x9d: {  	_ =	strace $0x8FFFFFFF  }
0x9e: {  	s18 =	sld [smem:$0x3FDB];
	_ =	sdelay $0x1  }
0x9f: {  	s19 =	simm.s32 $_scs_section_size  }
0xa0: {  	s5 =	simm.s32 $_size__tile_overlayer_lowered;
	s6 =	simm.s32 $_tile_overlayer_lowered  }
0xa1: {  	s22 =	simm.s32 $0x1BFF;
	s21 =	sshll.u32 s6, $0x1;
	s3 =	sadd.s32 s19, s18  }
0xa2: {  	s7 =	simm.s32 $0x0;
	s20 =	sshll.u32 s5, $0x1;
	s5 =	sadd.s32 s21, s3  }
0xa3: {  	[timem:s7], [sflag:s22] =	dma.local [hbm:s5], s20  }
0xa4: {  	_ =	swait.ge [sflag:s22], s20  }
0xa5: {  	s4 =	ssub.s32 $0x0, s20;
	[sflag:s22] =	ssyncset.done $0x0  }
0xa6: {  	[sflag:s22] =	ssyncadd.s32 s4;
	_ =	sdelay $0x1  }
0xa7: {  	s23 =	simm.s32 $0x1B8B  }
0xa8: {  	_ =	swait.ge [sflag:s23], $0x1  }
0xa9: {  	[sflag:s23] =	ssyncset.done $0x0  }
0xaa: {  	s25 =	simm.s32 $0x1B8E;
	s24 =	sld [smem:$0x3FFE];
	[sflag:s23] =	ssyncadd.s32 $0xFFFFFFFF  }
0xab: {  	s26 =	simm.s32 $execute0_lowered;
	[smem:$0x3FD2] =	sst s25  }
0xac: {  	s5 =	sshll.u32 s26, $0x1;
	_ =	strace $0x80000049;
	[dreg:$0x1] =	wrdreg $0xFFFFFFFF  }
0xad: {  	s28 =	simm.s32 $_size_execute0_lowered;
	s3 =	sadd.s32 s3, s5;
	[dreg:$0x0] =	wrdreg $0x0  }
0xae: {  	s5 =	sshll.u32 s28, $0x1;
	[dreg:$0x2] =	wrdreg s3  }
0xaf: {  	[dreg:$0x3] =	wrdreg s5  }
0xb0: {  	[dreg:$0x4] =	wrdreg $0xC0  }
0xb1: {  	_ =	task [dreg:s7], $0x5FFFF  }
0xb2: {  	[dreg:$0x1] =	wrdreg $0xFFFFFFFF  }
0xb3: {  	[dreg:$0x0] =	wrdreg $0x60  }
0xb4: {  	[dreg:$0x2] =	wrdreg s24  }
0xb5: {  	[dreg:$0x3] =	wrdreg s16  }
0xb6: {  	[dreg:$0x4] =	wrdreg $0xB0000  }
0xb7: {  	[dreg:$0x5] =	wrdreg $0x9  }
0xb8: {  	_ =	task.clear_ibuf [dreg:s7], $0x6FFFF;
	_ =	strace $0x90000049  }
0xb9: {  	s29 =	simm.s32 $0x9;
	_ =	strace $0x8000004B  }
0xba: {  	_ =	swait.ge [sflag:s29], $0x1  }
0xbb: {  	[sflag:s29] =	ssyncadd.s32 $0xFFFFFFFF  }
0xbc: {  	_ =	strace $0x9000004B  }
0xbd: {  	_ =	sfence  }
0xbe: {  	s30 =	sld [smem:$0x0];
	_ =	sdelay $0x2  }
0xbf: {  	s31 =	sshll.u32 s1, $0xD;
	s1 =	sshrl.u32 s1, $0x2  }
0xc0: {  	s3 =	sand.u32 $0x4000, s31;
	s1 =	sadd.s32 s1, s30  }
0xc1: {  	s0 =	sor.u32 s3, s0;
	s1 =	sshll.u32 s1, $0x11  }
0xc2: {  	s0 =	sor.u32 s1, s0  }
0xc3: {  	s0 =	sadd.s32 $0x8F2B, s0  }
0xc4: {  	[sflag:s0] =	ssyncadd.remote.s32 $0x1  }
0xc5: {  	_ =	sfence.sel $0xFFFF  }
0xc6: {  	[dreg:$0x0] =	wrdreg $0xFFFFFFFF;
	(pc) =	sbr.abs _section_cstart, $3  }
0xc7: {  	[dreg:$0x1] =	wrdreg $0xFFFFFFFF  }
0xc8: {  	_ =	task.clear_ibuf [dreg:s7], $0x2FFFF;
	_ =	strace $0x9FFFFFFF  }
0xc9: {  	(tm) =	ssettm $0x7FFFFFFF  }
tec
execute0_lowered:
.L_overlay_start_1:
0x0: {  	(tag) =	ssettag $0x1  }
0x1: {  	s0 =	rddreg [dreg:$0x0]  }
0x2: {  	s1 =	rddreg [dreg:$0x1]  }
0x3: {  	s2 =	rddreg [dreg:$0x2]  }
0x4: {  	s4 =	simm.s32 $0x0;
	s3 =	srdreg.scid;
	s17 =	stileid.u32  }
0x5: {  	s28 =	simm.s32 $0x1;
	s29 =	simm.s32 $0x3;
	s31 =	simm.s32 $0x2  }
0x6: {  	s30 =	simm.s32 $0x2F80;
	[smem:$0x7FF] =	sst s4;
	s5 =	sadd.s32 $0x4000, s0  }
0x7: {  	s3 =	sand.u32 $0x1, s3;
	s7 =	smul.u32 $0x50000, s17;
	s6 =	sadd.s32 $0xE800, s0  }
0x8: {  	s14 =	smul.u32 $0x14000, s17;
	s9 =	sadd.s32 $0xE000, s0;
	s0 =	sadd.s32 $0x87000, s0  }
0x9: {  	s13 =	smul.u32 $0x90, s17;
	s17 =	sshll.u32 s17, $0x8;
	_ =	strace $0x8000004A  }
0xa: {  	s8 =	ssub.s32 $0x2, s3;
	[dreg:$0x4] =	wrdreg s9;
	s20 =	smul.u32 $0x140000, s3  }
0xb: {  	p0 =	seq.s32 s3, $0x1;
	s3 =	sor.u32 $0x9000, s17;
	s25 =	sshrl.u32 s8, $0x1  }
0xc: {  	s7 =	sshrl.u32 s7, $0x2;
	s16 =	sadd.s32 $0x4000, s14;
	s26 =	sadd.s32 $0x8000, s14  }
0xd: {  	s18 =	sadd.s32 $0xC000, s14;
	s19 =	sadd.s32 $0x10000, s14;
	s21 =	sadd.s32 s5, s3  }
0xe: {  	s3 =	sadd.s32 s1, s3;
	s15 =	ssub.s32 s8, s25;
	s8 =	sadd.s32 s7, s2  }
0xf: {  	s9 =	sadd.s32 s16, s2;
	s10 =	sadd.s32 s26, s2;
	s11 =	sadd.s32 s18, s2  }
0x10: {  	s12 =	sadd.s32 s19, s2;
	s14 =	sadd.s32 s14, s20;
	[dreg:$0x5] =	wrdreg s21  }
0x11: {  	s16 =	sadd.s32 s20, s16;
	[dreg:$0x6] =	wrdreg s3;
	s24 =	sadd.s32 s20, s26  }
0x12: {  	s25 =	sadd.s32 s20, s18;
	s26 =	sadd.s32 s20, s19;
	s14 =	sshrl.u32 s14, $0x3  }
0x13: {  	s16 =	sshrl.u32 s16, $0x3;
	s3 =	sshrl.u32 s24, $0x3;
	s7 =	sshrl.u32 s25, $0x3  }
0x14: {  	s21 =	smax.u32 s15, $0x1;
	s24 =	simm.s32 $0x1800;
	s25 =	simm.s32 $0x80  }
.Ltmp0:
0x15: {  	s22 =	sadd.s32 s0, s14;
	s23 =	sadd.s32 s0, s16;
	(pc) =	sbr.rel .LBB2_1-.Ltmp0, $4  }
0x16: {  	s14 =	sshrl.u32 s26, $0x3;
	s18 =	sadd.s32 s0, s3;
	s19 =	sadd.s32 s0, s7  }
0x17: {  	s26 =	simm.s32 $0x7000;
	s3 =	simm.s32 $0x4;
	[dreg:$0x7] =	wrdreg s22  }
0x18: {  	[dreg:$0x8] =	wrdreg s23;
	s20 =	sadd.s32 s0, s14;
	s22 =	simm.s32 $0x3000  }
0x19: {  	s23 =	simm.s32 $0x5;
	s0 =	simm.s32 $0x2F00;
	s14 =	simm.s32 $0x0  }
.LBB2_5:
0x1a: {  	s7 =	rddreg [dreg:$0x5]  }
0x1b: {  	[tilespmem:s4], [sflag:$0x5] =	stream.linear.gather [hbm4b:s7+s4], $0x800, $0x38;
	[tilespmem:$0x1F000] =	vst v63  }
0x1c: {  	_ =	swait.ge [sflag:s23], $0x800  }
0x1d: {  	[sflag:s23] =	ssyncset.done $0x0  }
0x1e: {  	s15 =	rddreg [dreg:$0x6];
	[sflag:s23] =	ssyncadd.s32 $0xFFFFF800  }
0x1f: {  	[tilespmem:s24], [sflag:$0x5] =	stream.linear.gather [hbm4b:s15+s4], $0x800, $0x38;
	[tilespmem:$0x1F000] =	vst v63  }
0x20: {  	_ =	swait.ge [sflag:s23], $0x800  }
0x21: {  	[sflag:s23] =	ssyncset.done $0x0  }
0x22: {  	[sflag:s23] =	ssyncadd.s32 $0xFFFFF800  }
0x23: {  	[tilespmem:s22], [sflag:$0x1] =	stream.indirect.gather [hbm4b:s6+s25], $0x80, s4, s25, $0xb8;
	[tilespmem:$0x1F000] =	vst v63  }
0x24: {  	_ = 	snop  }
0x25: {  	[tilespmem:s26], [sflag:$0x2] =	stream.indirect.gather [hbm4b:s6+s25], $0x80, s25, s25, $0xb8;
	[tilespmem:$0x1F000] =	vst v63  }
0x26: {  	_ =	swait.ge [sflag:s28], $0x4000  }
0x27: {  	[sflag:s28] =	ssyncset.done $0x0  }
0x28: {  	[sflag:s28] =	ssyncadd.s32 $0xFFFFC000  }
0x29: {  	[spmem:s2] =	stream.indirect.scatter.add.f32 [tilespmem:s22], [sflag:$0x3], $0x80, s24, s25, $0xb8;
	[tilespmem:$0x1F000] =	vst v63  }
0x2a: {  	_ =	swait.ge [sflag:s29], $0x4000  }
0x2b: {  	[sflag:s29] =	ssyncset.done $0x0  }
0x2c: {  	s16 =	simm.s32 $0x100;
	[sflag:s29] =	ssyncadd.s32 $0xFFFFC000  }
0x2d: {  	[tilespmem:s22], [sflag:$0x1] =	stream.indirect.gather [hbm4b:s6+s25], $0x80, s16, s25, $0xb8;
	[tilespmem:$0x1F000] =	vst v63  }
0x2e: {  	_ =	swait.ge [sflag:s31], $0x4000  }
0x2f: {  	[sflag:s31] =	ssyncset.done $0x0  }
0x30: {  	s17 =	simm.s32 $0x1880;
	[sflag:s31] =	ssyncadd.s32 $0xFFFFC000  }
0x31: {  	[spmem:s2] =	stream.indirect.scatter.add.f32 [tilespmem:s26], [sflag:$0x4], $0x80, s17, s25, $0xb8;
	[tilespmem:$0x1F000] =	vst v63  }
0x32: {  	_ =	swait.ge [sflag:s3], $0x4000  }
0x33: {  	[sflag:s3] =	ssyncset.done $0x0  }
0x34: {  	s15 =	simm.s32 $0x180;
	[sflag:s3] =	ssyncadd.s32 $0xFFFFC000  }
0x35: {  	[tilespmem:s26], [sflag:$0x2] =	stream.indirect.gather [hbm4b:s6+s25], $0x80, s15, s25, $0xb8;
	[tilespmem:$0x1F000] =	vst v63  }
0x36: {  	_ =	swait.ge [sflag:s28], $0x4000  }
0x37: {  	[sflag:s28] =	ssyncset.done $0x0  }
0x38: {  	s16 =	simm.s32 $0x1900;
	[sflag:s28] =	ssyncadd.s32 $0xFFFFC000  }
0x39: {  	[spmem:s2] =	stream.indirect.scatter.add.f32 [tilespmem:s22], [sflag:$0x3], $0x80, s16, s25, $0xb8;
	[tilespmem:$0x1F000] =	vst v63  }
0x3a: {  	_ =	swait.ge [sflag:s29], $0x4000  }
0x3b: {  	[sflag:s29] =	ssyncset.done $0x0  }
0x3c: {  	s17 =	simm.s32 $0x200;
	[sflag:s29] =	ssyncadd.s32 $0xFFFFC000  }
0x3d: {  	[tilespmem:s22], [sflag:$0x1] =	stream.indirect.gather [hbm4b:s6+s25], $0x80, s17, s25, $0xb8;
	[tilespmem:$0x1F000] =	vst v63  }
0x3e: {  	_ =	swait.ge [sflag:s31], $0x4000  }
0x3f: {  	[sflag:s31] =	ssyncset.done $0x0  }
0x40: {  	s15 =	simm.s32 $0x1980;
	[sflag:s31] =	ssyncadd.s32 $0xFFFFC000  }
0x41: {  	[spmem:s2] =	stream.indirect.scatter.add.f32 [tilespmem:s26], [sflag:$0x4], $0x80, s15, s25, $0xb8;
	[tilespmem:$0x1F000] =	vst v63  }
0x42: {  	_ =	swait.ge [sflag:s3], $0x4000  }
0x43: {  	[sflag:s3] =	ssyncset.done $0x0  }
0x44: {  	s16 =	simm.s32 $0x280;
	[sflag:s3] =	ssyncadd.s32 $0xFFFFC000  }
0x45: {  	[tilespmem:s26], [sflag:$0x2] =	stream.indirect.gather [hbm4b:s6+s25], $0x80, s16, s25, $0xb8;
	[tilespmem:$0x1F000] =	vst v63  }
0x46: {  	_ =	swait.ge [sflag:s28], $0x4000  }
0x47: {  	[sflag:s28] =	ssyncset.done $0x0  }
0x48: {  	s17 =	simm.s32 $0x1A00;
	[sflag:s28] =	ssyncadd.s32 $0xFFFFC000  }
0x49: {  	[spmem:s2] =	stream.indirect.scatter.add.f32 [tilespmem:s22], [sflag:$0x3], $0x80, s17, s25, $0xb8;
	[tilespmem:$0x1F000] =	vst v63  }
0x4a: {  	_ =	swait.ge [sflag:s29], $0x4000  }
0x4b: {  	[sflag:s29] =	ssyncset.done $0x0  }
0x4c: {  	s15 =	simm.s32 $0x300;
	[sflag:s29] =	ssyncadd.s32 $0xFFFFC000  }
0x4d: {  	[tilespmem:s22], [sflag:$0x1] =	stream.indirect.gather [hbm4b:s6+s25], $0x80, s15, s25, $0xb8;
	[tilespmem:$0x1F000] =	vst v63  }
0x4e: {  	_ =	swait.ge [sflag:s31], $0x4000  }
0x4f: {  	[sflag:s31] =	ssyncset.done $0x0  }
0x50: {  	s16 =	simm.s32 $0x1A80;
	[sflag:s31] =	ssyncadd.s32 $0xFFFFC000  }
0x51: {  	[spmem:s2] =	stream.indirect.scatter.add.f32 [tilespmem:s26], [sflag:$0x4], $0x80, s16, s25, $0xb8;
	[tilespmem:$0x1F000] =	vst v63  }
0x52: {  	_ =	swait.ge [sflag:s3], $0x4000  }
0x53: {  	[sflag:s3] =	ssyncset.done $0x0  }
0x54: {  	s17 =	simm.s32 $0x380;
	[sflag:s3] =	ssyncadd.s32 $0xFFFFC000  }
0x55: {  	[tilespmem:s26], [sflag:$0x2] =	stream.indirect.gather [hbm4b:s6+s25], $0x80, s17, s25, $0xb8;
	[tilespmem:$0x1F000] =	vst v63  }
0x56: {  	_ =	swait.ge [sflag:s28], $0x4000  }
0x57: {  	[sflag:s28] =	ssyncset.done $0x0  }
0x58: {  	s15 =	simm.s32 $0x1B00;
	[sflag:s28] =	ssyncadd.s32 $0xFFFFC000  }
0x59: {  	[spmem:s2] =	stream.indirect.scatter.add.f32 [tilespmem:s22], [sflag:$0x3], $0x80, s15, s25, $0xb8;
	[tilespmem:$0x1F000] =	vst v63  }
0x5a: {  	_ =	swait.ge [sflag:s29], $0x4000  }
0x5b: {  	[sflag:s29] =	ssyncset.done $0x0  }
0x5c: {  	s16 =	simm.s32 $0x400;
	[sflag:s29] =	ssyncadd.s32 $0xFFFFC000  }
0x5d: {  	[tilespmem:s22], [sflag:$0x1] =	stream.indirect.gather [hbm4b:s6+s25], $0x80, s16, s25, $0xb8;
	[tilespmem:$0x1F000] =	vst v63  }
0x5e: {  	_ =	swait.ge [sflag:s31], $0x4000  }
0x5f: {  	[sflag:s31] =	ssyncset.done $0x0  }
0x60: {  	s17 =	simm.s32 $0x1B80;
	[sflag:s31] =	ssyncadd.s32 $0xFFFFC000  }
0x61: {  	[spmem:s2] =	stream.indirect.scatter.add.f32 [tilespmem:s26], [sflag:$0x4], $0x80, s17, s25, $0xb8;
	[tilespmem:$0x1F000] =	vst v63  }
0x62: {  	_ =	swait.ge [sflag:s3], $0x4000  }
0x63: {  	[sflag:s3] =	ssyncset.done $0x0  }
0x64: {  	s15 =	simm.s32 $0x480;
	[sflag:s3] =	ssyncadd.s32 $0xFFFFC000  }
0x65: {  	[tilespmem:s26], [sflag:$0x2] =	stream.indirect.gather [hbm4b:s6+s25], $0x80, s15, s25, $0xb8;
	[tilespmem:$0x1F000] =	vst v63  }
0x66: {  	_ =	swait.ge [sflag:s28], $0x4000  }
0x67: {  	[sflag:s28] =	ssyncset.done $0x0  }
0x68: {  	s16 =	simm.s32 $0x1C00;
	[sflag:s28] =	ssyncadd.s32 $0xFFFFC000  }
0x69: {  	[spmem:s2] =	stream.indirect.scatter.add.f32 [tilespmem:s22], [sflag:$0x3], $0x80, s16, s25, $0xb8;
	[tilespmem:$0x1F000] =	vst v63  }
0x6a: {  	_ =	swait.ge [sflag:s29], $0x4000  }
0x6b: {  	[sflag:s29] =	ssyncset.done $0x0  }
0x6c: {  	s17 =	simm.s32 $0x500;
	[sflag:s29] =	ssyncadd.s32 $0xFFFFC000  }
0x6d: {  	[tilespmem:s22], [sflag:$0x1] =	stream.indirect.gather [hbm4b:s6+s25], $0x80, s17, s25, $0xb8;
	[tilespmem:$0x1F000] =	vst v63  }
0x6e: {  	_ =	swait.ge [sflag:s31], $0x4000  }
0x6f: {  	[sflag:s31] =	ssyncset.done $0x0  }
0x70: {  	s15 =	simm.s32 $0x1C80;
	[sflag:s31] =	ssyncadd.s32 $0xFFFFC000  }
0x71: {  	[spmem:s2] =	stream.indirect.scatter.add.f32 [tilespmem:s26], [sflag:$0x4], $0x80, s15, s25, $0xb8;
	[tilespmem:$0x1F000] =	vst v63  }
0x72: {  	_ =	swait.ge [sflag:s3], $0x4000  }
0x73: {  	[sflag:s3] =	ssyncset.done $0x0  }
0x74: {  	s16 =	simm.s32 $0x580;
	[sflag:s3] =	ssyncadd.s32 $0xFFFFC000  }
0x75: {  	[tilespmem:s26], [sflag:$0x2] =	stream.indirect.gather [hbm4b:s6+s25], $0x80, s16, s25, $0xb8;
	[tilespmem:$0x1F000] =	vst v63  }
0x76: {  	_ =	swait.ge [sflag:s28], $0x4000  }
0x77: {  	[sflag:s28] =	ssyncset.done $0x0  }
0x78: {  	s17 =	simm.s32 $0x1D00;
	[sflag:s28] =	ssyncadd.s32 $0xFFFFC000  }
0x79: {  	[spmem:s2] =	stream.indirect.scatter.add.f32 [tilespmem:s22], [sflag:$0x3], $0x80, s17, s25, $0xb8;
	[tilespmem:$0x1F000] =	vst v63  }
0x7a: {  	_ =	swait.ge [sflag:s29], $0x4000  }
0x7b: {  	[sflag:s29] =	ssyncset.done $0x0  }
0x7c: {  	s15 =	simm.s32 $0x600;
	[sflag:s29] =	ssyncadd.s32 $0xFFFFC000  }
0x7d: {  	[tilespmem:s22], [sflag:$0x1] =	stream.indirect.gather [hbm4b:s6+s25], $0x80, s15, s25, $0xb8;
	[tilespmem:$0x1F000] =	vst v63  }
0x7e: {  	_ =	swait.ge [sflag:s31], $0x4000  }
0x7f: {  	[sflag:s31] =	ssyncset.done $0x0  }
0x80: {  	s16 =	simm.s32 $0x1D80;
	[sflag:s31] =	ssyncadd.s32 $0xFFFFC000  }
0x81: {  	[spmem:s2] =	stream.indirect.scatter.add.f32 [tilespmem:s26], [sflag:$0x4], $0x80, s16, s25, $0xb8;
	[tilespmem:$0x1F000] =	vst v63  }
0x82: {  	_ =	swait.ge [sflag:s3], $0x4000  }
0x83: {  	[sflag:s3] =	ssyncset.done $0x0  }
0x84: {  	s17 =	simm.s32 $0x680;
	[sflag:s3] =	ssyncadd.s32 $0xFFFFC000  }
0x85: {  	[tilespmem:s26], [sflag:$0x2] =	stream.indirect.gather [hbm4b:s6+s25], $0x80, s17, s25, $0xb8;
	[tilespmem:$0x1F000] =	vst v63  }
0x86: {  	_ =	swait.ge [sflag:s28], $0x4000  }
0x87: {  	[sflag:s28] =	ssyncset.done $0x0  }
0x88: {  	s15 =	simm.s32 $0x1E00;
	[sflag:s28] =	ssyncadd.s32 $0xFFFFC000  }
0x89: {  	[spmem:s2] =	stream.indirect.scatter.add.f32 [tilespmem:s22], [sflag:$0x3], $0x80, s15, s25, $0xb8;
	[tilespmem:$0x1F000] =	vst v63  }
0x8a: {  	_ =	swait.ge [sflag:s29], $0x4000  }
0x8b: {  	[sflag:s29] =	ssyncset.done $0x0  }
0x8c: {  	s16 =	simm.s32 $0x700;
	[sflag:s29] =	ssyncadd.s32 $0xFFFFC000  }
0x8d: {  	[tilespmem:s22], [sflag:$0x1] =	stream.indirect.gather [hbm4b:s6+s25], $0x80, s16, s25, $0xb8;
	[tilespmem:$0x1F000] =	vst v63  }
0x8e: {  	_ =	swait.ge [sflag:s31], $0x4000  }
0x8f: {  	[sflag:s31] =	ssyncset.done $0x0  }
0x90: {  	s17 =	simm.s32 $0x1E80;
	[sflag:s31] =	ssyncadd.s32 $0xFFFFC000  }
0x91: {  	[spmem:s2] =	stream.indirect.scatter.add.f32 [tilespmem:s26], [sflag:$0x4], $0x80, s17, s25, $0xb8;
	[tilespmem:$0x1F000] =	vst v63  }
0x92: {  	_ =	swait.ge [sflag:s3], $0x4000  }
0x93: {  	[sflag:s3] =	ssyncset.done $0x0  }
0x94: {  	s15 =	simm.s32 $0x780;
	[sflag:s3] =	ssyncadd.s32 $0xFFFFC000  }
0x95: {  	[tilespmem:s26], [sflag:$0x2] =	stream.indirect.gather [hbm4b:s6+s25], $0x80, s15, s25, $0xb8;
	[tilespmem:$0x1F000] =	vst v63  }
0x96: {  	_ =	swait.ge [sflag:s28], $0x4000  }
0x97: {  	[sflag:s28] =	ssyncset.done $0x0  }
0x98: {  	s16 =	simm.s32 $0x1F00;
	[sflag:s28] =	ssyncadd.s32 $0xFFFFC000  }
0x99: {  	[spmem:s2] =	stream.indirect.scatter.add.f32 [tilespmem:s22], [sflag:$0x3], $0x80, s16, s25, $0xb8;
	[tilespmem:$0x1F000] =	vst v63  }
0x9a: {  	_ =	swait.ge [sflag:s29], $0x4000  }
0x9b: {  	[sflag:s29] =	ssyncset.done $0x0  }
0x9c: {  	[sflag:s29] =	ssyncadd.s32 $0xFFFFC000  }
0x9d: {  	_ =	swait.ge [sflag:s31], $0x4000  }
0x9e: {  	[sflag:s31] =	ssyncset.done $0x0  }
0x9f: {  	s17 =	simm.s32 $0x1F80;
	[sflag:s31] =	ssyncadd.s32 $0xFFFFC000  }
0xa0: {  	[spmem:s2] =	stream.indirect.scatter.add.f32 [tilespmem:s26], [sflag:$0x4], $0x80, s17, s25, $0xb8;
	[tilespmem:$0x1F000] =	vst v63  }
0xa1: {  	_ =	swait.ge [sflag:s3], $0x4000  }
0xa2: {  	[sflag:s3] =	ssyncset.done $0x0  }
0xa3: {  	[sflag:s3] =	ssyncadd.s32 $0xFFFFC000  }
.LBB2_6:
0xa4: {  	[bflag:$0x0] =	sbarrier.arrive $0xFFFF  }
0xa5: {  	[tilespmem:s22], [sflag:$0x5] =	stream.linear.gather [spmem:s8], $0x4000, $0x38;
	[tilespmem:$0x1F000] =	vst v63  }
0xa6: {  	_ =	swait.ge [sflag:s23], $0x4000  }
0xa7: {  	[sflag:s23] =	ssyncset.done $0x0  }
0xa8: {  	s7 =	rddreg [dreg:$0x7];
	[sflag:s23] =	ssyncadd.s32 $0xFFFFC000  }
0xa9: {  	[hbm4b:s7+s4] =	stream.linear.scatter [tilespmem:s22], [sflag:$0x5], $0x4000, $0x38;
	[tilespmem:$0x1F000] =	vst v63  }
0xaa: {  	_ =	swait.ge [sflag:s23], $0x4000  }
0xab: {  	[sflag:s23] =	ssyncset.done $0x0  }
0xac: {  	[sflag:s23] =	ssyncadd.s32 $0xFFFFC000  }
0xad: {  	[tilespmem:s26], [sflag:$0x5] =	stream.linear.gather [spmem:s9], $0x4000, $0x38;
	[tilespmem:$0x1F000] =	vst v63  }
0xae: {  	_ =	swait.ge [sflag:s23], $0x4000  }
0xaf: {  	[sflag:s23] =	ssyncset.done $0x0  }
0xb0: {  	s17 =	rddreg [dreg:$0x8];
	[sflag:s23] =	ssyncadd.s32 $0xFFFFC000  }
0xb1: {  	[hbm4b:s17+s4] =	stream.linear.scatter [tilespmem:s26], [sflag:$0x5], $0x4000, $0x38;
	[tilespmem:$0x1F000] =	vst v63  }
0xb2: {  	_ =	swait.ge [sflag:s23], $0x4000  }
0xb3: {  	[sflag:s23] =	ssyncset.done $0x0  }
0xb4: {  	[sflag:s23] =	ssyncadd.s32 $0xFFFFC000  }
0xb5: {  	[tilespmem:s22], [sflag:$0x5] =	stream.linear.gather [spmem:s10], $0x4000, $0x38;
	[tilespmem:$0x1F000] =	vst v63  }
0xb6: {  	_ =	swait.ge [sflag:s23], $0x4000  }
0xb7: {  	[sflag:s23] =	ssyncset.done $0x0  }
0xb8: {  	[sflag:s23] =	ssyncadd.s32 $0xFFFFC000  }
0xb9: {  	[hbm4b:s18+s4] =	stream.linear.scatter [tilespmem:s22], [sflag:$0x5], $0x4000, $0x38;
	[tilespmem:$0x1F000] =	vst v63  }
0xba: {  	_ =	swait.ge [sflag:s23], $0x4000  }
0xbb: {  	[sflag:s23] =	ssyncset.done $0x0  }
0xbc: {  	[sflag:s23] =	ssyncadd.s32 $0xFFFFC000  }
0xbd: {  	[tilespmem:s26], [sflag:$0x5] =	stream.linear.gather [spmem:s11], $0x4000, $0x38;
	[tilespmem:$0x1F000] =	vst v63  }
0xbe: {  	_ =	swait.ge [sflag:s23], $0x4000  }
0xbf: {  	[sflag:s23] =	ssyncset.done $0x0  }
0xc0: {  	[sflag:s23] =	ssyncadd.s32 $0xFFFFC000  }
0xc1: {  	[hbm4b:s19+s4] =	stream.linear.scatter [tilespmem:s26], [sflag:$0x5], $0x4000, $0x38;
	[tilespmem:$0x1F000] =	vst v63  }
0xc2: {  	_ =	swait.ge [sflag:s23], $0x4000  }
0xc3: {  	[sflag:s23] =	ssyncset.done $0x0  }
0xc4: {  	[sflag:s23] =	ssyncadd.s32 $0xFFFFC000  }
0xc5: {  	[tilespmem:s22], [sflag:$0x5] =	stream.linear.gather [spmem:s12], $0x4000, $0x38;
	[tilespmem:$0x1F000] =	vst v63  }
0xc6: {  	s14 =	sadd.s32 $0x1, s14;
	_ =	swait.ge [sflag:s23], $0x4000  }
0xc7: {  	p1 =	sne.s32 s14, s21;
	[sflag:s23] =	ssyncset.done $0x0  }
.Ltmp1:
0xc8: {  	[sflag:s23] =	ssyncadd.s32 $0xFFFFC000;
	(pc) =	sbr.rel @!p1 .LBB2_7-.Ltmp1, $4  }
0xc9: {  	[hbm4b:s20+s4] =	stream.linear.scatter [tilespmem:s22], [sflag:$0x5], $0x4000, $0x38;
	[tilespmem:$0x1F000] =	vst v63  }
0xca: {  	_ =	swait.ge [sflag:s23], $0x4000  }
0xcb: {  	[sflag:s23] =	ssyncset.done $0x0  }
0xcc: {  	[sflag:s23] =	ssyncadd.s32 $0xFFFFC000  }
.LBB2_1:
0xcd: {  	s7 =	rddreg [dreg:$0x4]  }
0xce: {  	[tilespmem:s22], [sflag:$0x5] =	stream.linear.gather [hbm4b:s7+s4], $0x4000, $0x38;
	[tilespmem:$0x1F000] =	vst v63  }
0xcf: {  	_ =	swait.ge [sflag:s23], $0x4000  }
0xd0: {  	[sflag:s23] =	ssyncset.done $0x0  }
0xd1: {  	[sflag:s23] =	ssyncadd.s32 $0xFFFFC000  }
0xd2: {  	[spmem:s8] =	stream.linear.scatter [tilespmem:s22], [sflag:$0x5], $0x4000, $0x38;
	[tilespmem:$0x1F000] =	vst v63  }
0xd3: {  	_ =	swait.ge [sflag:s23], $0x4000  }
0xd4: {  	[sflag:s23] =	ssyncset.done $0x0  }
0xd5: {  	[sflag:s23] =	ssyncadd.s32 $0xFFFFC000  }
0xd6: {  	[spmem:s9] =	stream.linear.scatter [tilespmem:s22], [sflag:$0x5], $0x4000, $0x38;
	[tilespmem:$0x1F000] =	vst v63  }
0xd7: {  	_ =	swait.ge [sflag:s23], $0x4000  }
0xd8: {  	[sflag:s23] =	ssyncset.done $0x0  }
0xd9: {  	[sflag:s23] =	ssyncadd.s32 $0xFFFFC000  }
0xda: {  	[spmem:s10] =	stream.linear.scatter [tilespmem:s22], [sflag:$0x5], $0x4000, $0x38;
	[tilespmem:$0x1F000] =	vst v63  }
0xdb: {  	_ =	swait.ge [sflag:s23], $0x4000  }
0xdc: {  	[sflag:s23] =	ssyncset.done $0x0  }
0xdd: {  	[sflag:s23] =	ssyncadd.s32 $0xFFFFC000  }
0xde: {  	[spmem:s11] =	stream.linear.scatter [tilespmem:s22], [sflag:$0x5], $0x4000, $0x38;
	[tilespmem:$0x1F000] =	vst v63  }
0xdf: {  	_ =	swait.ge [sflag:s23], $0x4000  }
0xe0: {  	[sflag:s23] =	ssyncset.done $0x0  }
0xe1: {  	[sflag:s23] =	ssyncadd.s32 $0xFFFFC000  }
0xe2: {  	[spmem:s12] =	stream.linear.scatter [tilespmem:s22], [sflag:$0x5], $0x4000, $0x38;
	[tilespmem:$0x1F000] =	vst v63  }
.Ltmp2:
0xe3: {  	_ =	swait.ge [sflag:s23], $0x4000;
	(pc) =	sbr.rel @p0 .LBB2_5-.Ltmp2, $4  }
0xe4: {  	[sflag:s23] =	ssyncset.done $0x0  }
0xe5: {  	[sflag:s23] =	ssyncadd.s32 $0xFFFFC000  }
0xe6: {  	[bflag:$0x0] =	sbarrier.arrive $0xFFFF  }
0xe7: {  	s15 =	simm.s32 $0x0  }
.LBB2_2:
0xe8: {  	s7 =	smul.u32 $0x30, s15;
	_ =	sdelay $0x1  }
0xe9: {  	s7 =	sadd.s32 s13, s7  }
0xea: {  	s7 =	sshll.u32 s7, $0x4  }
0xeb: {  	s17 =	simm.s32 $0x0;
	s16 =	sadd.s32 s5, s7  }
0xec: {  	[tilespmem:s17], [sflag:$0x5] =	stream.linear.gather [hbm4b:s16+s17], $0x1800, $0x38;
	[tilespmem:$0x1F000] =	vst v63  }
0xed: {  	_ =	swait.ge [sflag:s23], $0x1800  }
0xee: {  	[sflag:s23] =	ssyncset.done $0x0  }
0xef: {  	s7 =	sadd.s32 s1, s7;
	[sflag:s23] =	ssyncadd.s32 $0xFFFFE800  }
0xf0: {  	[tilespmem:s24], [sflag:$0x5] =	stream.linear.gather [hbm4b:s7+s17], $0x1800, $0x38;
	[tilespmem:$0x1F000] =	vst v63  }
0xf1: {  	_ =	swait.ge [sflag:s23], $0x1800  }
0xf2: {  	[sflag:s23] =	ssyncset.done $0x0  }
0xf3: {  	[sflag:s23] =	ssyncadd.s32 $0xFFFFE800  }
0xf4: {  	[tilespmem:s22], [sflag:$0x1] =	stream.indirect.gather [hbm4b:s6+s25], $0x80, s17, s25, $0xb8;
	[tilespmem:$0x1F000] =	vst v63  }
0xf5: {  	_ = 	snop  }
0xf6: {  	[tilespmem:s26], [sflag:$0x2] =	stream.indirect.gather [hbm4b:s6+s25], $0x80, s25, s25, $0xb8;
	[tilespmem:$0x1F000] =	vst v63  }
0xf7: {  	_ =	swait.ge [sflag:s28], $0x4000  }
0xf8: {  	[sflag:s28] =	ssyncset.done $0x0  }
0xf9: {  	s17 =	simm.s32 $0x1800;
	[sflag:s28] =	ssyncadd.s32 $0xFFFFC000  }
0xfa: {  	[spmem:s2] =	stream.indirect.scatter.add.f32 [tilespmem:s22], [sflag:$0x3], $0x80, s17, s25, $0xb8;
	[tilespmem:$0x1F000] =	vst v63  }
0xfb: {  	_ =	swait.ge [sflag:s29], $0x4000  }
0xfc: {  	[sflag:s29] =	ssyncset.done $0x0  }
0xfd: {  	s16 =	simm.s32 $0x100;
	[sflag:s29] =	ssyncadd.s32 $0xFFFFC000  }
0xfe: {  	[tilespmem:s22], [sflag:$0x1] =	stream.indirect.gather [hbm4b:s6+s25], $0x80, s16, s25, $0xb8;
	[tilespmem:$0x1F000] =	vst v63  }
0xff: {  	_ =	swait.ge [sflag:s31], $0x4000  }
0x100: {  	[sflag:s31] =	ssyncset.done $0x0  }
0x101: {  	s17 =	simm.s32 $0x1880;
	[sflag:s31] =	ssyncadd.s32 $0xFFFFC000  }
0x102: {  	[spmem:s2] =	stream.indirect.scatter.add.f32 [tilespmem:s26], [sflag:$0x4], $0x80, s17, s25, $0xb8;
	[tilespmem:$0x1F000] =	vst v63  }
0x103: {  	_ =	swait.ge [sflag:s3], $0x4000  }
0x104: {  	[sflag:s3] =	ssyncset.done $0x0  }
0x105: {  	s7 =	simm.s32 $0x400;
	s16 =	simm.s32 $0x180;
	[sflag:s3] =	ssyncadd.s32 $0xFFFFC000  }
.LBB2_3:
0x106: {  	[tilespmem:s26], [sflag:$0x2] =	stream.indirect.gather [hbm4b:s6+s25], $0x80, s16, s25, $0xb8;
	[tilespmem:$0x1F000] =	vst v63  }
0x107: {  	s16 =	smov.u32 s7  }
0x108: {  	p1 =	sne.s32 s7, $0x5800;
	s7 =	sadd.s32 $0x400, s7;
	_ =	swait.ge [sflag:s28], $0x4000  }
0x109: {  	s16 =	sshra.s32 s16, $0x2;
	[sflag:s28] =	ssyncset.done $0x0  }
0x10a: {  	s17 =	sadd.s32 $0x1800, s16;
	[sflag:s28] =	ssyncadd.s32 $0xFFFFC000  }
0x10b: {  	[spmem:s2] =	stream.indirect.scatter.add.f32 [tilespmem:s22], [sflag:$0x3], $0x80, s17, s25, $0xb8;
	[tilespmem:$0x1F000] =	vst v63  }
0x10c: {  	_ =	swait.ge [sflag:s29], $0x4000  }
0x10d: {  	[sflag:s29] =	ssyncset.done $0x0  }
0x10e: {  	s17 =	sadd.s32 $0x100, s16;
	[sflag:s29] =	ssyncadd.s32 $0xFFFFC000  }
0x10f: {  	[tilespmem:s22], [sflag:$0x1] =	stream.indirect.gather [hbm4b:s6+s25], $0x80, s17, s25, $0xb8;
	[tilespmem:$0x1F000] =	vst v63  }
0x110: {  	_ =	swait.ge [sflag:s31], $0x4000  }
0x111: {  	[sflag:s31] =	ssyncset.done $0x0  }
.Ltmp3:
0x112: {  	s17 =	sadd.s32 $0x1880, s16;
	[sflag:s31] =	ssyncadd.s32 $0xFFFFC000;
	(pc) =	sbr.rel @p1 .LBB2_3-.Ltmp3, $4  }
0x113: {  	[spmem:s2] =	stream.indirect.scatter.add.f32 [tilespmem:s26], [sflag:$0x4], $0x80, s17, s25, $0xb8;
	[tilespmem:$0x1F000] =	vst v63  }
0x114: {  	_ =	swait.ge [sflag:s3], $0x4000  }
0x115: {  	[sflag:s3] =	ssyncset.done $0x0  }
0x116: {  	s16 =	sadd.s32 $0x180, s16;
	[sflag:s3] =	ssyncadd.s32 $0xFFFFC000  }
0x117: {  	[tilespmem:s26], [sflag:$0x2] =	stream.indirect.gather [hbm4b:s6+s25], $0x80, s16, s25, $0xb8;
	[tilespmem:$0x1F000] =	vst v63  }
0x118: {  	_ =	swait.ge [sflag:s28], $0x4000  }
0x119: {  	[sflag:s28] =	ssyncset.done $0x0  }
0x11a: {  	[sflag:s28] =	ssyncadd.s32 $0xFFFFC000  }
0x11b: {  	[spmem:s2] =	stream.indirect.scatter.add.f32 [tilespmem:s22], [sflag:$0x3], $0x80, s0, s25, $0xb8;
	[tilespmem:$0x1F000] =	vst v63  }
0x11c: {  	_ =	swait.ge [sflag:s29], $0x4000  }
0x11d: {  	[sflag:s29] =	ssyncset.done $0x0  }
0x11e: {  	[sflag:s29] =	ssyncadd.s32 $0xFFFFC000  }
0x11f: {  	_ =	swait.ge [sflag:s31], $0x4000  }
0x120: {  	s15 =	sadd.s32 $0x1, s15;
	[sflag:s31] =	ssyncset.done $0x0  }
0x121: {  	p1 =	seq.s32 s15, $0x3;
	[sflag:s31] =	ssyncadd.s32 $0xFFFFC000  }
0x122: {  	[spmem:s2] =	stream.indirect.scatter.add.f32 [tilespmem:s26], [sflag:$0x4], $0x80, s30, s25, $0xb8;
	[tilespmem:$0x1F000] =	vst v63  }
.Ltmp4:
0x123: {  	_ = 	snop;
	(pc) =	sbr.rel @!p1 .LBB2_2-.Ltmp4, $4  }
.Ltmp5:
0x124: {  	_ = 	snop;
	(pc) =	sbr.rel @p1 .LBB2_6-.Ltmp5, $4  }
0x125: {  	_ =	swait.ge [sflag:s3], $0x4000  }
0x126: {  	[sflag:s3] =	ssyncset.done $0x0  }
0x127: {  	[sflag:s3] =	ssyncadd.s32 $0xFFFFC000  }
0x128: {  	_ = 	snop  }
.LBB2_7:
0x129: {  	_ =	sfence.sel $0x180000  }
0x12a: {  	[bflag:$0x0] =	sbarrier.arrive $0xFFFF  }
0x12b: {  	_ =	strace $0x9000004A  }
0x12c: {  	s0 =	stileid.u32;
	[bflag:$0x2] =	sbarrier.arrive $0xFFFF  }
0x12d: {  	p0 =	sne.s32 s0, $0x0;
	s0 =	rddreg [dreg:$0x3]  }
0x12e: {  	s0 =	sadd.s32 @!p0 $0x100000, s0  }
0x12f: {  	[sflag:s0] =	ssyncadd.tile.s32 @!p0 $0x1;
	_ =	shalt  }
.Lfunc_end2:
_tile_overlayer_lowered:
.L_overlay_start_2:
0x130: {  	(tag) =	ssettag $0x2  }
0x131: {  	s0 =	rddreg [dreg:$0x0];
	s2 =	stileid.u32  }
0x132: {  	s1 =	rddreg [dreg:$0x1];
	p0 =	sne.s32 s2, $0x0  }
0x133: {  	s3 =	rddreg [dreg:$0x2];
	[bflag:$0x3] =	sbarrier.arrive $0xFFFF;
	s2 =	simm.s32 @!p0 $0x1C05  }
0x134: {  	[timem:s3], [sflag:s2] =	dma.local @!p0 [hbm:s0], s1  }
0x135: {  	s0 =	simm.s32 @!p0 $0x5  }
0x136: {  	_ =	swait.ge @!p0 [sflag:s0], s1  }
0x137: {  	s1 =	ssub.s32 @!p0 $0x0, s1;
	[sflag:s0] =	ssyncset.done @!p0 $0x0  }
0x138: {  	[sflag:s0] =	ssyncadd.s32 @!p0 s1  }
0x139: {  	[bflag:$0x3] =	sbarrier.arrive $0xFFFF  }
0x13a: {  	_ =	shalt  }

// kernel: kernel.14.cloned.1.call-start
scs
__scs_entry_jumppad:
0x0: {  	(pc) =	sbr.rel $0x88, $3  }
0x1: {  	(tag) =	ssettag $0x0;
	lr =	simm.s32 $0x1  }
0x2: {  	[smem:$0x3F93] =	sst lr;
	_ =	strace $0xD0000000  }
0x3: {  	_ = 	snop  }
0x4: {  	_ = 	snop  }
0x5: {  	_ = 	snop  }
0x6: {  	_ = 	snop  }
0x7: {  	_ = 	snop  }
__scs_overlays_trampoline_lowered:
0x8: {  	[smem:$0x3FA2] =	sst s0  }
0x9: {  	[smem:$0x3FA3] =	sst s1  }
0xa: {  	[smem:$0x3FA4] =	sst s2  }
0xb: {  	[smem:$0x3FA5] =	sst s3  }
0xc: {  	[smem:$0x3FA6] =	sst s4  }
0xd: {  	[smem:$0x3FA7] =	sst s5  }
0xe: {  	[smem:$0x3FA8] =	sst s6  }
0xf: {  	[smem:$0x3FA9] =	sst s7  }
0x10: {  	[smem:$0x3FAA] =	sst s8  }
0x11: {  	[smem:$0x3FAB] =	sst s9;
	s0 =	simm.s32 @!p0 $0x0  }
0x12: {  	s1 =	sld [smem:$0x3F91];
	s0 =	simm.s32 @p0 $0x1  }
0x13: {  	[smem:$0x3FAC] =	sst s0;
	s0 =	simm.s32 @!p1 $0x0  }
0x14: {  	s2 =	sld [smem:$0x3F90];
	s0 =	simm.s32 @p1 $0x1  }
0x15: {  	[smem:$0x3FAD] =	sst s0;
	s0 =	simm.s32 @!p2 $0x0  }
0x16: {  	s3 =	sld [smem:$0x3FDB];
	s0 =	simm.s32 @p2 $0x1  }
0x17: {  	s4 =	simm.s32 $0x1BF5;
	[smem:$0x3FAF] =	sst s0  }
0x18: {  	s0 =	sld [smem:$0x3F92];
	_ =	swait.ge [sflag:s4], $0x0  }
0x19: {  	s7 =	sld [smem:$0x3F93]  }
0x1a: {  	s8 =	sadd.s32 $0xFFFFE003, lr  }
0x1b: {  	s9 =	sadd.s32 $0xFFFFFEF7, lr;
	s5 =	simm.s32 $0xFFFFFFFF;
	p2 =	slt.u32 s8, $0xFFFFF086  }
0x1c: {  	p1 =	slt.u32 s9, $0xF7A;
	s5 =	simm.s32 @!p2 $0x0  }
0x1d: {  	s5 =	simm.s32 @p1 $0x1;
	p0 =	seq.s32 s7, s2  }
0x1e: {  	s7 =	smul.u32 @!p0 $0xF7A, s2;
	p2 =	seq.s32 @!p0 s5, $0x0  }
0x1f: {  	s9 =	smul.u32 $0xF7A, s1;
	s8 =	simm.s32 @!p0 $0x1BF5;
	p2 =	por !p2, p0  }
0x20: {  	[sflag:s8] =	ssyncset.s32 @!p0 $0xFFFFF086;
	s6 =	sadd.s32 @!p0 s3, s7;
	s7 =	simm.s32 @!p0 $0x108  }
0x21: {  	s3 =	sadd.s32 s3, s9;
	s6 =	sadd.s32 @!p0 $0x88, s6;
	s7 =	simm.s32 @p2 $0x1082  }
0x22: {  	[simem:s7], [sflag:s8] =	dma.local @!p0 [hbm:s6], $0xF7A  }
0x23: {  	s9 =	sor.u32 $0xD0000000, s2;
	s6 =	simm.s32 $0x108;
	_ =	swait.ge @!p0 [sflag:s8], $0x0  }
0x24: {  	s3 =	sadd.s32 $0x88, s3;
	s6 =	simm.s32 @!p1 $0x1082;
	[sflag:s4] =	ssyncset.s32 $0xFFFFF086  }
0x25: {  	[simem:s6], [sflag:s4] =	dma.local [hbm:s3], $0xF7A  }
0x26: {  	[smem:$0x3F93] =	sst s1;
	(tag) =	ssettag s2;
	_ =	strace s9  }
0x27: {  	s1 =	sld [smem:$0x3FA3]  }
0x28: {  	s2 =	sld [smem:$0x3FA4]  }
0x29: {  	s4 =	sld [smem:$0x3FA6]  }
0x2a: {  	p0 =	seq.s32 s5, $0x0;
	s5 =	sld [smem:$0x3FA7]  }
0x2b: {  	s6 =	sld [smem:$0x3FA8]  }
0x2c: {  	s7 =	sld [smem:$0x3FA9]  }
0x2d: {  	s3 =	simm.s32 $0x108;
	s8 =	sld [smem:$0x3FAA]  }
0x2e: {  	s3 =	simm.s32 @!p0 $0x1082;
	s9 =	sld [smem:$0x3FAB]  }
0x2f: {  	lr =	sadd.s32 s0, s3;
	s0 =	sld [smem:$0x3FA2]  }
0x30: {  	s3 =	sld [smem:$0x3FA5]  }
0x31: {  	[smem:$0x3FAE] =	sst s10  }
0x32: {  	s10 =	sld [smem:$0x3FAC];
	_ =	sdelay $0x3  }
0x33: {  	p0 =	seq.s32 s10, $0x1;
	s10 =	sld [smem:$0x3FAE];
	_ =	sdelay $0x3  }
0x34: {  	[smem:$0x3FAE] =	sst s10  }
0x35: {  	s10 =	sld [smem:$0x3FAD];
	_ =	sdelay $0x3  }
0x36: {  	p1 =	seq.s32 s10, $0x1;
	s10 =	sld [smem:$0x3FAE];
	_ =	sdelay $0x3  }
0x37: {  	[smem:$0x3FAE] =	sst s10  }
0x38: {  	s10 =	sld [smem:$0x3FAF]  }
0x39: {  	_ = 	snop;
	(pc) =	sbr.ind lr, $3  }
0x3a: {  	_ = 	snop  }
0x3b: {  	_ = 	snop  }
0x3c: {  	p2 =	seq.s32 s10, $0x1;
	s10 =	sld [smem:$0x3FAE]  }
0x3d: {  	_ =	shalt  }
0x3e: {  	_ =	shalt  }
0x3f: {  	_ =	shalt  }
0x40: {  	_ =	shalt  }
0x41: {  	_ =	shalt  }
0x42: {  	_ =	shalt  }
0x43: {  	_ =	shalt  }
0x44: {  	_ =	shalt  }
0x45: {  	_ =	shalt  }
0x46: {  	_ =	shalt  }
0x47: {  	_ =	shalt  }
0x48: {  	_ =	shalt  }
0x49: {  	_ =	shalt  }
0x4a: {  	_ =	shalt  }
0x4b: {  	_ =	shalt  }
0x4c: {  	_ =	shalt  }
0x4d: {  	_ =	shalt  }
0x4e: {  	_ =	shalt  }
0x4f: {  	_ =	shalt  }
0x50: {  	_ =	shalt  }
0x51: {  	_ =	shalt  }
0x52: {  	_ =	shalt  }
0x53: {  	_ =	shalt  }
0x54: {  	_ =	shalt  }
0x55: {  	_ =	shalt  }
0x56: {  	_ =	shalt  }
0x57: {  	_ =	shalt  }
0x58: {  	_ =	shalt  }
0x59: {  	_ =	shalt  }
0x5a: {  	_ =	shalt  }
0x5b: {  	_ =	shalt  }
0x5c: {  	_ =	shalt  }
0x5d: {  	_ =	shalt  }
0x5e: {  	_ =	shalt  }
0x5f: {  	_ =	shalt  }
0x60: {  	_ =	shalt  }
0x61: {  	_ =	shalt  }
0x62: {  	_ =	shalt  }
0x63: {  	_ =	shalt  }
0x64: {  	_ =	shalt  }
0x65: {  	_ =	shalt  }
0x66: {  	_ =	shalt  }
0x67: {  	_ =	shalt  }
0x68: {  	_ =	shalt  }
0x69: {  	_ =	shalt  }
0x6a: {  	_ =	shalt  }
0x6b: {  	_ =	shalt  }
0x6c: {  	_ =	shalt  }
0x6d: {  	_ =	shalt  }
0x6e: {  	_ =	shalt  }
0x6f: {  	_ =	shalt  }
0x70: {  	_ =	shalt  }
0x71: {  	_ =	shalt  }
0x72: {  	_ =	shalt  }
0x73: {  	_ =	shalt  }
0x74: {  	_ =	shalt  }
0x75: {  	_ =	shalt  }
0x76: {  	_ =	shalt  }
0x77: {  	_ =	shalt  }
0x78: {  	_ =	shalt  }
0x79: {  	_ =	shalt  }
0x7a: {  	_ =	shalt  }
0x7b: {  	_ =	shalt  }
0x7c: {  	_ =	shalt  }
0x7d: {  	_ =	shalt  }
0x7e: {  	_ =	shalt  }
0x7f: {  	_ =	shalt  }
0x80: {  	_ =	shalt  }
0x81: {  	_ =	shalt  }
0x82: {  	_ =	shalt  }
0x83: {  	_ =	shalt  }
0x84: {  	_ =	shalt  }
0x85: {  	_ =	shalt  }
0x86: {  	_ =	shalt  }
0x87: {  	_ =	shalt  }
.Lfunc_end0:
.L_simem_size_0:
called_computation.2_lowered:
.L_overlay_start_0:
0x88: {  	s2 =	sld [smem:$0x3FD9]  }
0x89: {  	s3 =	sld [smem:$0x3FFE];
	_ =	sdelay $0x1  }
0x8a: {  	s1 =	srdreg.scid  }
0x8b: {  	s0 =	sand.u32 $0x1, s1  }
0x8c: {  	s14 =	sshll.u32 s0, $0xA;
	s2 =	sadd.s32 s3, s2  }
0x8d: {  	s2 =	sadd.s32 s2, s14  }
0x8e: {  	[smem:$0x3FBA] =	sst s2  }
0x8f: {  	_ = 	snop  }
0x90: {  	s2 =	sld [smem:$0x3FD0];
	_ =	sdelay $0x2  }
0x91: {  	s15 =	simm.s32 $0xA;
	s4 =	simm.s32 $0x10  }
0x92: {  	[smem:s4], [sflag:s15] =	dma.local [hbm:s2], $0x1  }
0x93: {  	_ =	swait.eq [sflag:s15], $0x1  }
0x94: {  	[sflag:s15] =	ssyncset.done $0x0  }
0x95: {  	[sflag:s15] =	ssyncadd.s32 $0xFFFFFFFF  }
0x96: {  	s16 =	sld [smem:$0x10];
	(tm) =	ssettm $0x1  }
0x97: {  	s17 =	sld [smem:$0x3FFB];
	_ =	sdelay $0x3  }
0x98: {  	_ =	strace s17  }
0x99: {  	s3 =	sld [smem:$0x3FFC];
	_ =	sdelay $0x3  }
0x9a: {  	_ =	strace s3  }
0x9b: {  	s3 =	sld [smem:$0x3FFD];
	_ =	sdelay $0x3  }
0x9c: {  	_ =	strace s3  }
0x9d: {  	_ =	strace $0x8FFFFFFF  }
0x9e: {  	s18 =	sld [smem:$0x3FDB];
	_ =	sdelay $0x1  }
0x9f: {  	s19 =	simm.s32 $_scs_section_size  }
0xa0: {  	s5 =	simm.s32 $_size__tile_overlayer_lowered;
	s6 =	simm.s32 $_tile_overlayer_lowered  }
0xa1: {  	s22 =	simm.s32 $0x1BFF;
	s21 =	sshll.u32 s6, $0x1;
	s3 =	sadd.s32 s19, s18  }
0xa2: {  	s7 =	simm.s32 $0x0;
	s20 =	sshll.u32 s5, $0x1;
	s5 =	sadd.s32 s21, s3  }
0xa3: {  	[timem:s7], [sflag:s22] =	dma.local [hbm:s5], s20  }
0xa4: {  	_ =	swait.ge [sflag:s22], s20  }
0xa5: {  	s4 =	ssub.s32 $0x0, s20;
	[sflag:s22] =	ssyncset.done $0x0  }
0xa6: {  	[sflag:s22] =	ssyncadd.s32 s4;
	_ =	sdelay $0x1  }
0xa7: {  	s23 =	simm.s32 $0x1B8B  }
0xa8: {  	_ =	swait.ge [sflag:s23], $0x1  }
0xa9: {  	[sflag:s23] =	ssyncset.done $0x0  }
0xaa: {  	s25 =	simm.s32 $0x1B8E;
	s24 =	sld [smem:$0x3FFE];
	[sflag:s23] =	ssyncadd.s32 $0xFFFFFFFF  }
0xab: {  	s26 =	simm.s32 $execute0_lowered;
	[smem:$0x3FD2] =	sst s25  }
0xac: {  	s5 =	sshll.u32 s26, $0x1;
	_ =	strace $0x8000004C;
	[dreg:$0x1] =	wrdreg $0xFFFFFFFF  }
0xad: {  	s28 =	simm.s32 $_size_execute0_lowered;
	s3 =	sadd.s32 s3, s5;
	[dreg:$0x0] =	wrdreg $0x0  }
0xae: {  	s5 =	sshll.u32 s28, $0x1;
	[dreg:$0x2] =	wrdreg s3  }
0xaf: {  	[dreg:$0x3] =	wrdreg s5  }
0xb0: {  	[dreg:$0x4] =	wrdreg $0xC0  }
0xb1: {  	_ =	task [dreg:s7], $0x5FFFF  }
0xb2: {  	[dreg:$0x1] =	wrdreg $0xFFFFFFFF  }
0xb3: {  	[dreg:$0x0] =	wrdreg $0x60  }
0xb4: {  	[dreg:$0x2] =	wrdreg s24  }
0xb5: {  	[dreg:$0x3] =	wrdreg s16  }
0xb6: {  	[dreg:$0x4] =	wrdreg $0xB0000  }
0xb7: {  	[dreg:$0x5] =	wrdreg $0x9  }
0xb8: {  	_ =	task.clear_ibuf [dreg:s7], $0x6FFFF;
	_ =	strace $0x9000004C  }
0xb9: {  	s29 =	simm.s32 $0x9;
	_ =	strace $0x8000004E  }
0xba: {  	_ =	swait.ge [sflag:s29], $0x1  }
0xbb: {  	[sflag:s29] =	ssyncadd.s32 $0xFFFFFFFF  }
0xbc: {  	_ =	strace $0x9000004E  }
0xbd: {  	_ =	sfence  }
0xbe: {  	s30 =	sld [smem:$0x0];
	_ =	sdelay $0x2  }
0xbf: {  	s31 =	sshll.u32 s1, $0xD;
	s1 =	sshrl.u32 s1, $0x2  }
0xc0: {  	s3 =	sand.u32 $0x4000, s31;
	s1 =	sadd.s32 s1, s30  }
0xc1: {  	s0 =	sor.u32 s3, s0;
	s1 =	sshll.u32 s1, $0x11  }
0xc2: {  	s0 =	sor.u32 s1, s0  }
0xc3: {  	s0 =	sadd.s32 $0x8F2B, s0  }
0xc4: {  	[sflag:s0] =	ssyncadd.remote.s32 $0x1  }
0xc5: {  	_ =	sfence.sel $0xFFFF  }
0xc6: {  	[dreg:$0x0] =	wrdreg $0xFFFFFFFF;
	(pc) =	sbr.abs _section_cstart, $3  }
0xc7: {  	[dreg:$0x1] =	wrdreg $0xFFFFFFFF  }
0xc8: {  	_ =	task.clear_ibuf [dreg:s7], $0x2FFFF;
	_ =	strace $0x9FFFFFFF  }
0xc9: {  	(tm) =	ssettm $0x7FFFFFFF  }
tec
execute0_lowered:
.L_overlay_start_1:
0x0: {  	(tag) =	ssettag $0x1  }
0x1: {  	s0 =	rddreg [dreg:$0x0]  }
0x2: {  	s1 =	rddreg [dreg:$0x1]  }
0x3: {  	s2 =	rddreg [dreg:$0x2]  }
0x4: {  	s4 =	simm.s32 $0x0;
	s3 =	srdreg.scid;
	s17 =	stileid.u32  }
0x5: {  	s28 =	simm.s32 $0x1;
	s29 =	simm.s32 $0x3;
	s31 =	simm.s32 $0x2  }
0x6: {  	s30 =	simm.s32 $0x2F80;
	[smem:$0x7FF] =	sst s4;
	s5 =	sadd.s32 $0x4000, s0  }
0x7: {  	s3 =	sand.u32 $0x1, s3;
	s7 =	smul.u32 $0x50000, s17;
	s6 =	sadd.s32 $0xE800, s0  }
0x8: {  	s14 =	smul.u32 $0x14000, s17;
	s9 =	sadd.s32 $0xE000, s0;
	s0 =	sadd.s32 $0x87000, s0  }
0x9: {  	s13 =	smul.u32 $0x90, s17;
	s17 =	sshll.u32 s17, $0x8;
	_ =	strace $0x8000004D  }
0xa: {  	s8 =	ssub.s32 $0x2, s3;
	[dreg:$0x4] =	wrdreg s9;
	s20 =	smul.u32 $0x140000, s3  }
0xb: {  	p0 =	seq.s32 s3, $0x1;
	s3 =	sor.u32 $0x9000, s17;
	s25 =	sshrl.u32 s8, $0x1  }
0xc: {  	s7 =	sshrl.u32 s7, $0x2;
	s16 =	sadd.s32 $0x4000, s14;
	s26 =	sadd.s32 $0x8000, s14  }
0xd: {  	s18 =	sadd.s32 $0xC000, s14;
	s19 =	sadd.s32 $0x10000, s14;
	s21 =	sadd.s32 s5, s3  }
0xe: {  	s3 =	sadd.s32 s1, s3;
	s15 =	ssub.s32 s8, s25;
	s8 =	sadd.s32 s7, s2  }
0xf: {  	s9 =	sadd.s32 s16, s2;
	s10 =	sadd.s32 s26, s2;
	s11 =	sadd.s32 s18, s2  }
0x10: {  	s12 =	sadd.s32 s19, s2;
	s14 =	sadd.s32 s14, s20;
	[dreg:$0x5] =	wrdreg s21  }
0x11: {  	s16 =	sadd.s32 s20, s16;
	[dreg:$0x6] =	wrdreg s3;
	s24 =	sadd.s32 s20, s26  }
0x12: {  	s25 =	sadd.s32 s20, s18;
	s26 =	sadd.s32 s20, s19;
	s14 =	sshrl.u32 s14, $0x3  }
0x13: {  	s16 =	sshrl.u32 s16, $0x3;
	s3 =	sshrl.u32 s24, $0x3;
	s7 =	sshrl.u32 s25, $0x3  }
0x14: {  	s21 =	smax.u32 s15, $0x1;
	s24 =	simm.s32 $0x1800;
	s25 =	simm.s32 $0x80  }
.Ltmp0:
0x15: {  	s22 =	sadd.s32 s0, s14;
	s23 =	sadd.s32 s0, s16;
	(pc) =	sbr.rel .LBB2_1-.Ltmp0, $4  }
0x16: {  	s14 =	sshrl.u32 s26, $0x3;
	s18 =	sadd.s32 s0, s3;
	s19 =	sadd.s32 s0, s7  }
0x17: {  	s26 =	simm.s32 $0x7000;
	s3 =	simm.s32 $0x4;
	[dreg:$0x7] =	wrdreg s22  }
0x18: {  	[dreg:$0x8] =	wrdreg s23;
	s20 =	sadd.s32 s0, s14;
	s22 =	simm.s32 $0x3000  }
0x19: {  	s23 =	simm.s32 $0x5;
	s0 =	simm.s32 $0x2F00;
	s14 =	simm.s32 $0x0  }
.LBB2_5:
0x1a: {  	s7 =	rddreg [dreg:$0x5]  }
0x1b: {  	[tilespmem:s4], [sflag:$0x5] =	stream.linear.gather [hbm4b:s7+s4], $0x800, $0x38;
	[tilespmem:$0x1F000] =	vst v63  }
0x1c: {  	_ =	swait.ge [sflag:s23], $0x800  }
0x1d: {  	[sflag:s23] =	ssyncset.done $0x0  }
0x1e: {  	s15 =	rddreg [dreg:$0x6];
	[sflag:s23] =	ssyncadd.s32 $0xFFFFF800  }
0x1f: {  	[tilespmem:s24], [sflag:$0x5] =	stream.linear.gather [hbm4b:s15+s4], $0x800, $0x38;
	[tilespmem:$0x1F000] =	vst v63  }
0x20: {  	_ =	swait.ge [sflag:s23], $0x800  }
0x21: {  	[sflag:s23] =	ssyncset.done $0x0  }
0x22: {  	[sflag:s23] =	ssyncadd.s32 $0xFFFFF800  }
0x23: {  	[tilespmem:s22], [sflag:$0x1] =	stream.indirect.gather [hbm4b:s6+s25], $0x80, s4, s25, $0xb8;
	[tilespmem:$0x1F000] =	vst v63  }
0x24: {  	_ = 	snop  }
0x25: {  	[tilespmem:s26], [sflag:$0x2] =	stream.indirect.gather [hbm4b:s6+s25], $0x80, s25, s25, $0xb8;
	[tilespmem:$0x1F000] =	vst v63  }
0x26: {  	_ =	swait.ge [sflag:s28], $0x4000  }
0x27: {  	[sflag:s28] =	ssyncset.done $0x0  }
0x28: {  	[sflag:s28] =	ssyncadd.s32 $0xFFFFC000  }
0x29: {  	[spmem:s2] =	stream.indirect.scatter.add.f32 [tilespmem:s22], [sflag:$0x3], $0x80, s24, s25, $0xb8;
	[tilespmem:$0x1F000] =	vst v63  }
0x2a: {  	_ =	swait.ge [sflag:s29], $0x4000  }
0x2b: {  	[sflag:s29] =	ssyncset.done $0x0  }
0x2c: {  	s16 =	simm.s32 $0x100;
	[sflag:s29] =	ssyncadd.s32 $0xFFFFC000  }
0x2d: {  	[tilespmem:s22], [sflag:$0x1] =	stream.indirect.gather [hbm4b:s6+s25], $0x80, s16, s25, $0xb8;
	[tilespmem:$0x1F000] =	vst v63  }
0x2e: {  	_ =	swait.ge [sflag:s31], $0x4000  }
0x2f: {  	[sflag:s31] =	ssyncset.done $0x0  }
0x30: {  	s17 =	simm.s32 $0x1880;
	[sflag:s31] =	ssyncadd.s32 $0xFFFFC000  }
0x31: {  	[spmem:s2] =	stream.indirect.scatter.add.f32 [tilespmem:s26], [sflag:$0x4], $0x80, s17, s25, $0xb8;
	[tilespmem:$0x1F000] =	vst v63  }
0x32: {  	_ =	swait.ge [sflag:s3], $0x4000  }
0x33: {  	[sflag:s3] =	ssyncset.done $0x0  }
0x34: {  	s15 =	simm.s32 $0x180;
	[sflag:s3] =	ssyncadd.s32 $0xFFFFC000  }
0x35: {  	[tilespmem:s26], [sflag:$0x2] =	stream.indirect.gather [hbm4b:s6+s25], $0x80, s15, s25, $0xb8;
	[tilespmem:$0x1F000] =	vst v63  }
0x36: {  	_ =	swait.ge [sflag:s28], $0x4000  }
0x37: {  	[sflag:s28] =	ssyncset.done $0x0  }
0x38: {  	s16 =	simm.s32 $0x1900;
	[sflag:s28] =	ssyncadd.s32 $0xFFFFC000  }
0x39: {  	[spmem:s2] =	stream.indirect.scatter.add.f32 [tilespmem:s22], [sflag:$0x3], $0x80, s16, s25, $0xb8;
	[tilespmem:$0x1F000] =	vst v63  }
0x3a: {  	_ =	swait.ge [sflag:s29], $0x4000  }
0x3b: {  	[sflag:s29] =	ssyncset.done $0x0  }
0x3c: {  	s17 =	simm.s32 $0x200;
	[sflag:s29] =	ssyncadd.s32 $0xFFFFC000  }
0x3d: {  	[tilespmem:s22], [sflag:$0x1] =	stream.indirect.gather [hbm4b:s6+s25], $0x80, s17, s25, $0xb8;
	[tilespmem:$0x1F000] =	vst v63  }
0x3e: {  	_ =	swait.ge [sflag:s31], $0x4000  }
0x3f: {  	[sflag:s31] =	ssyncset.done $0x0  }
0x40: {  	s15 =	simm.s32 $0x1980;
	[sflag:s31] =	ssyncadd.s32 $0xFFFFC000  }
0x41: {  	[spmem:s2] =	stream.indirect.scatter.add.f32 [tilespmem:s26], [sflag:$0x4], $0x80, s15, s25, $0xb8;
	[tilespmem:$0x1F000] =	vst v63  }
0x42: {  	_ =	swait.ge [sflag:s3], $0x4000  }
0x43: {  	[sflag:s3] =	ssyncset.done $0x0  }
0x44: {  	s16 =	simm.s32 $0x280;
	[sflag:s3] =	ssyncadd.s32 $0xFFFFC000  }
0x45: {  	[tilespmem:s26], [sflag:$0x2] =	stream.indirect.gather [hbm4b:s6+s25], $0x80, s16, s25, $0xb8;
	[tilespmem:$0x1F000] =	vst v63  }
0x46: {  	_ =	swait.ge [sflag:s28], $0x4000  }
0x47: {  	[sflag:s28] =	ssyncset.done $0x0  }
0x48: {  	s17 =	simm.s32 $0x1A00;
	[sflag:s28] =	ssyncadd.s32 $0xFFFFC000  }
0x49: {  	[spmem:s2] =	stream.indirect.scatter.add.f32 [tilespmem:s22], [sflag:$0x3], $0x80, s17, s25, $0xb8;
	[tilespmem:$0x1F000] =	vst v63  }
0x4a: {  	_ =	swait.ge [sflag:s29], $0x4000  }
0x4b: {  	[sflag:s29] =	ssyncset.done $0x0  }
0x4c: {  	s15 =	simm.s32 $0x300;
	[sflag:s29] =	ssyncadd.s32 $0xFFFFC000  }
0x4d: {  	[tilespmem:s22], [sflag:$0x1] =	stream.indirect.gather [hbm4b:s6+s25], $0x80, s15, s25, $0xb8;
	[tilespmem:$0x1F000] =	vst v63  }
0x4e: {  	_ =	swait.ge [sflag:s31], $0x4000  }
0x4f: {  	[sflag:s31] =	ssyncset.done $0x0  }
0x50: {  	s16 =	simm.s32 $0x1A80;
	[sflag:s31] =	ssyncadd.s32 $0xFFFFC000  }
0x51: {  	[spmem:s2] =	stream.indirect.scatter.add.f32 [tilespmem:s26], [sflag:$0x4], $0x80, s16, s25, $0xb8;
	[tilespmem:$0x1F000] =	vst v63  }
0x52: {  	_ =	swait.ge [sflag:s3], $0x4000  }
0x53: {  	[sflag:s3] =	ssyncset.done $0x0  }
0x54: {  	s17 =	simm.s32 $0x380;
	[sflag:s3] =	ssyncadd.s32 $0xFFFFC000  }
0x55: {  	[tilespmem:s26], [sflag:$0x2] =	stream.indirect.gather [hbm4b:s6+s25], $0x80, s17, s25, $0xb8;
	[tilespmem:$0x1F000] =	vst v63  }
0x56: {  	_ =	swait.ge [sflag:s28], $0x4000  }
0x57: {  	[sflag:s28] =	ssyncset.done $0x0  }
0x58: {  	s15 =	simm.s32 $0x1B00;
	[sflag:s28] =	ssyncadd.s32 $0xFFFFC000  }
0x59: {  	[spmem:s2] =	stream.indirect.scatter.add.f32 [tilespmem:s22], [sflag:$0x3], $0x80, s15, s25, $0xb8;
	[tilespmem:$0x1F000] =	vst v63  }
0x5a: {  	_ =	swait.ge [sflag:s29], $0x4000  }
0x5b: {  	[sflag:s29] =	ssyncset.done $0x0  }
0x5c: {  	s16 =	simm.s32 $0x400;
	[sflag:s29] =	ssyncadd.s32 $0xFFFFC000  }
0x5d: {  	[tilespmem:s22], [sflag:$0x1] =	stream.indirect.gather [hbm4b:s6+s25], $0x80, s16, s25, $0xb8;
	[tilespmem:$0x1F000] =	vst v63  }
0x5e: {  	_ =	swait.ge [sflag:s31], $0x4000  }
0x5f: {  	[sflag:s31] =	ssyncset.done $0x0  }
0x60: {  	s17 =	simm.s32 $0x1B80;
	[sflag:s31] =	ssyncadd.s32 $0xFFFFC000  }
0x61: {  	[spmem:s2] =	stream.indirect.scatter.add.f32 [tilespmem:s26], [sflag:$0x4], $0x80, s17, s25, $0xb8;
	[tilespmem:$0x1F000] =	vst v63  }
0x62: {  	_ =	swait.ge [sflag:s3], $0x4000  }
0x63: {  	[sflag:s3] =	ssyncset.done $0x0  }
0x64: {  	s15 =	simm.s32 $0x480;
	[sflag:s3] =	ssyncadd.s32 $0xFFFFC000  }
0x65: {  	[tilespmem:s26], [sflag:$0x2] =	stream.indirect.gather [hbm4b:s6+s25], $0x80, s15, s25, $0xb8;
	[tilespmem:$0x1F000] =	vst v63  }
0x66: {  	_ =	swait.ge [sflag:s28], $0x4000  }
0x67: {  	[sflag:s28] =	ssyncset.done $0x0  }
0x68: {  	s16 =	simm.s32 $0x1C00;
	[sflag:s28] =	ssyncadd.s32 $0xFFFFC000  }
0x69: {  	[spmem:s2] =	stream.indirect.scatter.add.f32 [tilespmem:s22], [sflag:$0x3], $0x80, s16, s25, $0xb8;
	[tilespmem:$0x1F000] =	vst v63  }
0x6a: {  	_ =	swait.ge [sflag:s29], $0x4000  }
0x6b: {  	[sflag:s29] =	ssyncset.done $0x0  }
0x6c: {  	s17 =	simm.s32 $0x500;
	[sflag:s29] =	ssyncadd.s32 $0xFFFFC000  }
0x6d: {  	[tilespmem:s22], [sflag:$0x1] =	stream.indirect.gather [hbm4b:s6+s25], $0x80, s17, s25, $0xb8;
	[tilespmem:$0x1F000] =	vst v63  }
0x6e: {  	_ =	swait.ge [sflag:s31], $0x4000  }
0x6f: {  	[sflag:s31] =	ssyncset.done $0x0  }
0x70: {  	s15 =	simm.s32 $0x1C80;
	[sflag:s31] =	ssyncadd.s32 $0xFFFFC000  }
0x71: {  	[spmem:s2] =	stream.indirect.scatter.add.f32 [tilespmem:s26], [sflag:$0x4], $0x80, s15, s25, $0xb8;
	[tilespmem:$0x1F000] =	vst v63  }
0x72: {  	_ =	swait.ge [sflag:s3], $0x4000  }
0x73: {  	[sflag:s3] =	ssyncset.done $0x0  }
0x74: {  	s16 =	simm.s32 $0x580;
	[sflag:s3] =	ssyncadd.s32 $0xFFFFC000  }
0x75: {  	[tilespmem:s26], [sflag:$0x2] =	stream.indirect.gather [hbm4b:s6+s25], $0x80, s16, s25, $0xb8;
	[tilespmem:$0x1F000] =	vst v63  }
0x76: {  	_ =	swait.ge [sflag:s28], $0x4000  }
0x77: {  	[sflag:s28] =	ssyncset.done $0x0  }
0x78: {  	s17 =	simm.s32 $0x1D00;
	[sflag:s28] =	ssyncadd.s32 $0xFFFFC000  }
0x79: {  	[spmem:s2] =	stream.indirect.scatter.add.f32 [tilespmem:s22], [sflag:$0x3], $0x80, s17, s25, $0xb8;
	[tilespmem:$0x1F000] =	vst v63  }
0x7a: {  	_ =	swait.ge [sflag:s29], $0x4000  }
0x7b: {  	[sflag:s29] =	ssyncset.done $0x0  }
0x7c: {  	s15 =	simm.s32 $0x600;
	[sflag:s29] =	ssyncadd.s32 $0xFFFFC000  }
0x7d: {  	[tilespmem:s22], [sflag:$0x1] =	stream.indirect.gather [hbm4b:s6+s25], $0x80, s15, s25, $0xb8;
	[tilespmem:$0x1F000] =	vst v63  }
0x7e: {  	_ =	swait.ge [sflag:s31], $0x4000  }
0x7f: {  	[sflag:s31] =	ssyncset.done $0x0  }
0x80: {  	s16 =	simm.s32 $0x1D80;
	[sflag:s31] =	ssyncadd.s32 $0xFFFFC000  }
0x81: {  	[spmem:s2] =	stream.indirect.scatter.add.f32 [tilespmem:s26], [sflag:$0x4], $0x80, s16, s25, $0xb8;
	[tilespmem:$0x1F000] =	vst v63  }
0x82: {  	_ =	swait.ge [sflag:s3], $0x4000  }
0x83: {  	[sflag:s3] =	ssyncset.done $0x0  }
0x84: {  	s17 =	simm.s32 $0x680;
	[sflag:s3] =	ssyncadd.s32 $0xFFFFC000  }
0x85: {  	[tilespmem:s26], [sflag:$0x2] =	stream.indirect.gather [hbm4b:s6+s25], $0x80, s17, s25, $0xb8;
	[tilespmem:$0x1F000] =	vst v63  }
0x86: {  	_ =	swait.ge [sflag:s28], $0x4000  }
0x87: {  	[sflag:s28] =	ssyncset.done $0x0  }
0x88: {  	s15 =	simm.s32 $0x1E00;
	[sflag:s28] =	ssyncadd.s32 $0xFFFFC000  }
0x89: {  	[spmem:s2] =	stream.indirect.scatter.add.f32 [tilespmem:s22], [sflag:$0x3], $0x80, s15, s25, $0xb8;
	[tilespmem:$0x1F000] =	vst v63  }
0x8a: {  	_ =	swait.ge [sflag:s29], $0x4000  }
0x8b: {  	[sflag:s29] =	ssyncset.done $0x0  }
0x8c: {  	s16 =	simm.s32 $0x700;
	[sflag:s29] =	ssyncadd.s32 $0xFFFFC000  }
0x8d: {  	[tilespmem:s22], [sflag:$0x1] =	stream.indirect.gather [hbm4b:s6+s25], $0x80, s16, s25, $0xb8;
	[tilespmem:$0x1F000] =	vst v63  }
0x8e: {  	_ =	swait.ge [sflag:s31], $0x4000  }
0x8f: {  	[sflag:s31] =	ssyncset.done $0x0  }
0x90: {  	s17 =	simm.s32 $0x1E80;
	[sflag:s31] =	ssyncadd.s32 $0xFFFFC000  }
0x91: {  	[spmem:s2] =	stream.indirect.scatter.add.f32 [tilespmem:s26], [sflag:$0x4], $0x80, s17, s25, $0xb8;
	[tilespmem:$0x1F000] =	vst v63  }
0x92: {  	_ =	swait.ge [sflag:s3], $0x4000  }
0x93: {  	[sflag:s3] =	ssyncset.done $0x0  }
0x94: {  	s15 =	simm.s32 $0x780;
	[sflag:s3] =	ssyncadd.s32 $0xFFFFC000  }
0x95: {  	[tilespmem:s26], [sflag:$0x2] =	stream.indirect.gather [hbm4b:s6+s25], $0x80, s15, s25, $0xb8;
	[tilespmem:$0x1F000] =	vst v63  }
0x96: {  	_ =	swait.ge [sflag:s28], $0x4000  }
0x97: {  	[sflag:s28] =	ssyncset.done $0x0  }
0x98: {  	s16 =	simm.s32 $0x1F00;
	[sflag:s28] =	ssyncadd.s32 $0xFFFFC000  }
0x99: {  	[spmem:s2] =	stream.indirect.scatter.add.f32 [tilespmem:s22], [sflag:$0x3], $0x80, s16, s25, $0xb8;
	[tilespmem:$0x1F000] =	vst v63  }
0x9a: {  	_ =	swait.ge [sflag:s29], $0x4000  }
0x9b: {  	[sflag:s29] =	ssyncset.done $0x0  }
0x9c: {  	[sflag:s29] =	ssyncadd.s32 $0xFFFFC000  }
0x9d: {  	_ =	swait.ge [sflag:s31], $0x4000  }
0x9e: {  	[sflag:s31] =	ssyncset.done $0x0  }
0x9f: {  	s17 =	simm.s32 $0x1F80;
	[sflag:s31] =	ssyncadd.s32 $0xFFFFC000  }
0xa0: {  	[spmem:s2] =	stream.indirect.scatter.add.f32 [tilespmem:s26], [sflag:$0x4], $0x80, s17, s25, $0xb8;
	[tilespmem:$0x1F000] =	vst v63  }
0xa1: {  	_ =	swait.ge [sflag:s3], $0x4000  }
0xa2: {  	[sflag:s3] =	ssyncset.done $0x0  }
0xa3: {  	[sflag:s3] =	ssyncadd.s32 $0xFFFFC000  }
.LBB2_6:
0xa4: {  	[bflag:$0x0] =	sbarrier.arrive $0xFFFF  }
0xa5: {  	[tilespmem:s22], [sflag:$0x5] =	stream.linear.gather [spmem:s8], $0x4000, $0x38;
	[tilespmem:$0x1F000] =	vst v63  }
0xa6: {  	_ =	swait.ge [sflag:s23], $0x4000  }
0xa7: {  	[sflag:s23] =	ssyncset.done $0x0  }
0xa8: {  	s7 =	rddreg [dreg:$0x7];
	[sflag:s23] =	ssyncadd.s32 $0xFFFFC000  }
0xa9: {  	[hbm4b:s7+s4] =	stream.linear.scatter [tilespmem:s22], [sflag:$0x5], $0x4000, $0x38;
	[tilespmem:$0x1F000] =	vst v63  }
0xaa: {  	_ =	swait.ge [sflag:s23], $0x4000  }
0xab: {  	[sflag:s23] =	ssyncset.done $0x0  }
0xac: {  	[sflag:s23] =	ssyncadd.s32 $0xFFFFC000  }
0xad: {  	[tilespmem:s26], [sflag:$0x5] =	stream.linear.gather [spmem:s9], $0x4000, $0x38;
	[tilespmem:$0x1F000] =	vst v63  }
0xae: {  	_ =	swait.ge [sflag:s23], $0x4000  }
0xaf: {  	[sflag:s23] =	ssyncset.done $0x0  }
0xb0: {  	s17 =	rddreg [dreg:$0x8];
	[sflag:s23] =	ssyncadd.s32 $0xFFFFC000  }
0xb1: {  	[hbm4b:s17+s4] =	stream.linear.scatter [tilespmem:s26], [sflag:$0x5], $0x4000, $0x38;
	[tilespmem:$0x1F000] =	vst v63  }
0xb2: {  	_ =	swait.ge [sflag:s23], $0x4000  }
0xb3: {  	[sflag:s23] =	ssyncset.done $0x0  }
0xb4: {  	[sflag:s23] =	ssyncadd.s32 $0xFFFFC000  }
0xb5: {  	[tilespmem:s22], [sflag:$0x5] =	stream.linear.gather [spmem:s10], $0x4000, $0x38;
	[tilespmem:$0x1F000] =	vst v63  }
0xb6: {  	_ =	swait.ge [sflag:s23], $0x4000  }
0xb7: {  	[sflag:s23] =	ssyncset.done $0x0  }
0xb8: {  	[sflag:s23] =	ssyncadd.s32 $0xFFFFC000  }
0xb9: {  	[hbm4b:s18+s4] =	stream.linear.scatter [tilespmem:s22], [sflag:$0x5], $0x4000, $0x38;
	[tilespmem:$0x1F000] =	vst v63  }
0xba: {  	_ =	swait.ge [sflag:s23], $0x4000  }
0xbb: {  	[sflag:s23] =	ssyncset.done $0x0  }
0xbc: {  	[sflag:s23] =	ssyncadd.s32 $0xFFFFC000  }
0xbd: {  	[tilespmem:s26], [sflag:$0x5] =	stream.linear.gather [spmem:s11], $0x4000, $0x38;
	[tilespmem:$0x1F000] =	vst v63  }
0xbe: {  	_ =	swait.ge [sflag:s23], $0x4000  }
0xbf: {  	[sflag:s23] =	ssyncset.done $0x0  }
0xc0: {  	[sflag:s23] =	ssyncadd.s32 $0xFFFFC000  }
0xc1: {  	[hbm4b:s19+s4] =	stream.linear.scatter [tilespmem:s26], [sflag:$0x5], $0x4000, $0x38;
	[tilespmem:$0x1F000] =	vst v63  }
0xc2: {  	_ =	swait.ge [sflag:s23], $0x4000  }
0xc3: {  	[sflag:s23] =	ssyncset.done $0x0  }
0xc4: {  	[sflag:s23] =	ssyncadd.s32 $0xFFFFC000  }
0xc5: {  	[tilespmem:s22], [sflag:$0x5] =	stream.linear.gather [spmem:s12], $0x4000, $0x38;
	[tilespmem:$0x1F000] =	vst v63  }
0xc6: {  	s14 =	sadd.s32 $0x1, s14;
	_ =	swait.ge [sflag:s23], $0x4000  }
0xc7: {  	p1 =	sne.s32 s14, s21;
	[sflag:s23] =	ssyncset.done $0x0  }
.Ltmp1:
0xc8: {  	[sflag:s23] =	ssyncadd.s32 $0xFFFFC000;
	(pc) =	sbr.rel @!p1 .LBB2_7-.Ltmp1, $4  }
0xc9: {  	[hbm4b:s20+s4] =	stream.linear.scatter [tilespmem:s22], [sflag:$0x5], $0x4000, $0x38;
	[tilespmem:$0x1F000] =	vst v63  }
0xca: {  	_ =	swait.ge [sflag:s23], $0x4000  }
0xcb: {  	[sflag:s23] =	ssyncset.done $0x0  }
0xcc: {  	[sflag:s23] =	ssyncadd.s32 $0xFFFFC000  }
.LBB2_1:
0xcd: {  	s7 =	rddreg [dreg:$0x4]  }
0xce: {  	[tilespmem:s22], [sflag:$0x5] =	stream.linear.gather [hbm4b:s7+s4], $0x4000, $0x38;
	[tilespmem:$0x1F000] =	vst v63  }
0xcf: {  	_ =	swait.ge [sflag:s23], $0x4000  }
0xd0: {  	[sflag:s23] =	ssyncset.done $0x0  }
0xd1: {  	[sflag:s23] =	ssyncadd.s32 $0xFFFFC000  }
0xd2: {  	[spmem:s8] =	stream.linear.scatter [tilespmem:s22], [sflag:$0x5], $0x4000, $0x38;
	[tilespmem:$0x1F000] =	vst v63  }
0xd3: {  	_ =	swait.ge [sflag:s23], $0x4000  }
0xd4: {  	[sflag:s23] =	ssyncset.done $0x0  }
0xd5: {  	[sflag:s23] =	ssyncadd.s32 $0xFFFFC000  }
0xd6: {  	[spmem:s9] =	stream.linear.scatter [tilespmem:s22], [sflag:$0x5], $0x4000, $0x38;
	[tilespmem:$0x1F000] =	vst v63  }
0xd7: {  	_ =	swait.ge [sflag:s23], $0x4000  }
0xd8: {  	[sflag:s23] =	ssyncset.done $0x0  }
0xd9: {  	[sflag:s23] =	ssyncadd.s32 $0xFFFFC000  }
0xda: {  	[spmem:s10] =	stream.linear.scatter [tilespmem:s22], [sflag:$0x5], $0x4000, $0x38;
	[tilespmem:$0x1F000] =	vst v63  }
0xdb: {  	_ =	swait.ge [sflag:s23], $0x4000  }
0xdc: {  	[sflag:s23] =	ssyncset.done $0x0  }
0xdd: {  	[sflag:s23] =	ssyncadd.s32 $0xFFFFC000  }
0xde: {  	[spmem:s11] =	stream.linear.scatter [tilespmem:s22], [sflag:$0x5], $0x4000, $0x38;
	[tilespmem:$0x1F000] =	vst v63  }
0xdf: {  	_ =	swait.ge [sflag:s23], $0x4000  }
0xe0: {  	[sflag:s23] =	ssyncset.done $0x0  }
0xe1: {  	[sflag:s23] =	ssyncadd.s32 $0xFFFFC000  }
0xe2: {  	[spmem:s12] =	stream.linear.scatter [tilespmem:s22], [sflag:$0x5], $0x4000, $0x38;
	[tilespmem:$0x1F000] =	vst v63  }
.Ltmp2:
0xe3: {  	_ =	swait.ge [sflag:s23], $0x4000;
	(pc) =	sbr.rel @p0 .LBB2_5-.Ltmp2, $4  }
0xe4: {  	[sflag:s23] =	ssyncset.done $0x0  }
0xe5: {  	[sflag:s23] =	ssyncadd.s32 $0xFFFFC000  }
0xe6: {  	[bflag:$0x0] =	sbarrier.arrive $0xFFFF  }
0xe7: {  	s15 =	simm.s32 $0x0  }
.LBB2_2:
0xe8: {  	s7 =	smul.u32 $0x30, s15;
	_ =	sdelay $0x1  }
0xe9: {  	s7 =	sadd.s32 s13, s7  }
0xea: {  	s7 =	sshll.u32 s7, $0x4  }
0xeb: {  	s17 =	simm.s32 $0x0;
	s16 =	sadd.s32 s5, s7  }
0xec: {  	[tilespmem:s17], [sflag:$0x5] =	stream.linear.gather [hbm4b:s16+s17], $0x1800, $0x38;
	[tilespmem:$0x1F000] =	vst v63  }
0xed: {  	_ =	swait.ge [sflag:s23], $0x1800  }
0xee: {  	[sflag:s23] =	ssyncset.done $0x0  }
0xef: {  	s7 =	sadd.s32 s1, s7;
	[sflag:s23] =	ssyncadd.s32 $0xFFFFE800  }
0xf0: {  	[tilespmem:s24], [sflag:$0x5] =	stream.linear.gather [hbm4b:s7+s17], $0x1800, $0x38;
	[tilespmem:$0x1F000] =	vst v63  }
0xf1: {  	_ =	swait.ge [sflag:s23], $0x1800  }
0xf2: {  	[sflag:s23] =	ssyncset.done $0x0  }
0xf3: {  	[sflag:s23] =	ssyncadd.s32 $0xFFFFE800  }
0xf4: {  	[tilespmem:s22], [sflag:$0x1] =	stream.indirect.gather [hbm4b:s6+s25], $0x80, s17, s25, $0xb8;
	[tilespmem:$0x1F000] =	vst v63  }
0xf5: {  	_ = 	snop  }
0xf6: {  	[tilespmem:s26], [sflag:$0x2] =	stream.indirect.gather [hbm4b:s6+s25], $0x80, s25, s25, $0xb8;
	[tilespmem:$0x1F000] =	vst v63  }
0xf7: {  	_ =	swait.ge [sflag:s28], $0x4000  }
0xf8: {  	[sflag:s28] =	ssyncset.done $0x0  }
0xf9: {  	s17 =	simm.s32 $0x1800;
	[sflag:s28] =	ssyncadd.s32 $0xFFFFC000  }
0xfa: {  	[spmem:s2] =	stream.indirect.scatter.add.f32 [tilespmem:s22], [sflag:$0x3], $0x80, s17, s25, $0xb8;
	[tilespmem:$0x1F000] =	vst v63  }
0xfb: {  	_ =	swait.ge [sflag:s29], $0x4000  }
0xfc: {  	[sflag:s29] =	ssyncset.done $0x0  }
0xfd: {  	s16 =	simm.s32 $0x100;
	[sflag:s29] =	ssyncadd.s32 $0xFFFFC000  }
0xfe: {  	[tilespmem:s22], [sflag:$0x1] =	stream.indirect.gather [hbm4b:s6+s25], $0x80, s16, s25, $0xb8;
	[tilespmem:$0x1F000] =	vst v63  }
0xff: {  	_ =	swait.ge [sflag:s31], $0x4000  }
0x100: {  	[sflag:s31] =	ssyncset.done $0x0  }
0x101: {  	s17 =	simm.s32 $0x1880;
	[sflag:s31] =	ssyncadd.s32 $0xFFFFC000  }
0x102: {  	[spmem:s2] =	stream.indirect.scatter.add.f32 [tilespmem:s26], [sflag:$0x4], $0x80, s17, s25, $0xb8;
	[tilespmem:$0x1F000] =	vst v63  }
0x103: {  	_ =	swait.ge [sflag:s3], $0x4000  }
0x104: {  	[sflag:s3] =	ssyncset.done $0x0  }
0x105: {  	s7 =	simm.s32 $0x400;
	s16 =	simm.s32 $0x180;
	[sflag:s3] =	ssyncadd.s32 $0xFFFFC000  }
.LBB2_3:
0x106: {  	[tilespmem:s26], [sflag:$0x2] =	stream.indirect.gather [hbm4b:s6+s25], $0x80, s16, s25, $0xb8;
	[tilespmem:$0x1F000] =	vst v63  }
0x107: {  	s16 =	smov.u32 s7  }
0x108: {  	p1 =	sne.s32 s7, $0x5800;
	s7 =	sadd.s32 $0x400, s7;
	_ =	swait.ge [sflag:s28], $0x4000  }
0x109: {  	s16 =	sshra.s32 s16, $0x2;
	[sflag:s28] =	ssyncset.done $0x0  }
0x10a: {  	s17 =	sadd.s32 $0x1800, s16;
	[sflag:s28] =	ssyncadd.s32 $0xFFFFC000  }
0x10b: {  	[spmem:s2] =	stream.indirect.scatter.add.f32 [tilespmem:s22], [sflag:$0x3], $0x80, s17, s25, $0xb8;
	[tilespmem:$0x1F000] =	vst v63  }
0x10c: {  	_ =	swait.ge [sflag:s29], $0x4000  }
0x10d: {  	[sflag:s29] =	ssyncset.done $0x0  }
0x10e: {  	s17 =	sadd.s32 $0x100, s16;
	[sflag:s29] =	ssyncadd.s32 $0xFFFFC000  }
0x10f: {  	[tilespmem:s22], [sflag:$0x1] =	stream.indirect.gather [hbm4b:s6+s25], $0x80, s17, s25, $0xb8;
	[tilespmem:$0x1F000] =	vst v63  }
0x110: {  	_ =	swait.ge [sflag:s31], $0x4000  }
0x111: {  	[sflag:s31] =	ssyncset.done $0x0  }
.Ltmp3:
0x112: {  	s17 =	sadd.s32 $0x1880, s16;
	[sflag:s31] =	ssyncadd.s32 $0xFFFFC000;
	(pc) =	sbr.rel @p1 .LBB2_3-.Ltmp3, $4  }
0x113: {  	[spmem:s2] =	stream.indirect.scatter.add.f32 [tilespmem:s26], [sflag:$0x4], $0x80, s17, s25, $0xb8;
	[tilespmem:$0x1F000] =	vst v63  }
0x114: {  	_ =	swait.ge [sflag:s3], $0x4000  }
0x115: {  	[sflag:s3] =	ssyncset.done $0x0  }
0x116: {  	s16 =	sadd.s32 $0x180, s16;
	[sflag:s3] =	ssyncadd.s32 $0xFFFFC000  }
0x117: {  	[tilespmem:s26], [sflag:$0x2] =	stream.indirect.gather [hbm4b:s6+s25], $0x80, s16, s25, $0xb8;
	[tilespmem:$0x1F000] =	vst v63  }
0x118: {  	_ =	swait.ge [sflag:s28], $0x4000  }
0x119: {  	[sflag:s28] =	ssyncset.done $0x0  }
0x11a: {  	[sflag:s28] =	ssyncadd.s32 $0xFFFFC000  }
0x11b: {  	[spmem:s2] =	stream.indirect.scatter.add.f32 [tilespmem:s22], [sflag:$0x3], $0x80, s0, s25, $0xb8;
	[tilespmem:$0x1F000] =	vst v63  }
0x11c: {  	_ =	swait.ge [sflag:s29], $0x4000  }
0x11d: {  	[sflag:s29] =	ssyncset.done $0x0  }
0x11e: {  	[sflag:s29] =	ssyncadd.s32 $0xFFFFC000  }
0x11f: {  	_ =	swait.ge [sflag:s31], $0x4000  }
0x120: {  	s15 =	sadd.s32 $0x1, s15;
	[sflag:s31] =	ssyncset.done $0x0  }
0x121: {  	p1 =	seq.s32 s15, $0x3;
	[sflag:s31] =	ssyncadd.s32 $0xFFFFC000  }
0x122: {  	[spmem:s2] =	stream.indirect.scatter.add.f32 [tilespmem:s26], [sflag:$0x4], $0x80, s30, s25, $0xb8;
	[tilespmem:$0x1F000] =	vst v63  }
.Ltmp4:
0x123: {  	_ = 	snop;
	(pc) =	sbr.rel @!p1 .LBB2_2-.Ltmp4, $4  }
.Ltmp5:
0x124: {  	_ = 	snop;
	(pc) =	sbr.rel @p1 .LBB2_6-.Ltmp5, $4  }
0x125: {  	_ =	swait.ge [sflag:s3], $0x4000  }
0x126: {  	[sflag:s3] =	ssyncset.done $0x0  }
0x127: {  	[sflag:s3] =	ssyncadd.s32 $0xFFFFC000  }
0x128: {  	_ = 	snop  }
.LBB2_7:
0x129: {  	_ =	sfence.sel $0x180000  }
0x12a: {  	[bflag:$0x0] =	sbarrier.arrive $0xFFFF  }
0x12b: {  	_ =	strace $0x9000004D  }
0x12c: {  	s0 =	stileid.u32;
	[bflag:$0x2] =	sbarrier.arrive $0xFFFF  }
0x12d: {  	p0 =	sne.s32 s0, $0x0;
	s0 =	rddreg [dreg:$0x3]  }
0x12e: {  	s0 =	sadd.s32 @!p0 $0x100000, s0  }
0x12f: {  	[sflag:s0] =	ssyncadd.tile.s32 @!p0 $0x1;
	_ =	shalt  }
.Lfunc_end2:
_tile_overlayer_lowered:
.L_overlay_start_2:
0x130: {  	(tag) =	ssettag $0x2  }
0x131: {  	s0 =	rddreg [dreg:$0x0];
	s2 =	stileid.u32  }
0x132: {  	s1 =	rddreg [dreg:$0x1];
	p0 =	sne.s32 s2, $0x0  }
0x133: {  	s3 =	rddreg [dreg:$0x2];
	[bflag:$0x3] =	sbarrier.arrive $0xFFFF;
	s2 =	simm.s32 @!p0 $0x1C05  }
0x134: {  	[timem:s3], [sflag:s2] =	dma.local @!p0 [hbm:s0], s1  }
0x135: {  	s0 =	simm.s32 @!p0 $0x5  }
0x136: {  	_ =	swait.ge @!p0 [sflag:s0], s1  }
0x137: {  	s1 =	ssub.s32 @!p0 $0x0, s1;
	[sflag:s0] =	ssyncset.done @!p0 $0x0  }
0x138: {  	[sflag:s0] =	ssyncadd.s32 @!p0 s1  }
0x139: {  	[bflag:$0x3] =	sbarrier.arrive $0xFFFF  }
0x13a: {  	_ =	shalt  }

// kernel: kernel.8.cloned.1.call-start
scs
__scs_entry_jumppad:
0x0: {  	(pc) =	sbr.rel $0x88, $3  }
0x1: {  	(tag) =	ssettag $0x0;
	lr =	simm.s32 $0x1  }
0x2: {  	[smem:$0x3F93] =	sst lr;
	_ =	strace $0xD0000000  }
0x3: {  	_ = 	snop  }
0x4: {  	_ = 	snop  }
0x5: {  	_ = 	snop  }
0x6: {  	_ = 	snop  }
0x7: {  	_ = 	snop  }
__scs_overlays_trampoline_lowered:
0x8: {  	[smem:$0x3FA2] =	sst s0  }
0x9: {  	[smem:$0x3FA3] =	sst s1  }
0xa: {  	[smem:$0x3FA4] =	sst s2  }
0xb: {  	[smem:$0x3FA5] =	sst s3  }
0xc: {  	[smem:$0x3FA6] =	sst s4  }
0xd: {  	[smem:$0x3FA7] =	sst s5  }
0xe: {  	[smem:$0x3FA8] =	sst s6  }
0xf: {  	[smem:$0x3FA9] =	sst s7  }
0x10: {  	[smem:$0x3FAA] =	sst s8  }
0x11: {  	[smem:$0x3FAB] =	sst s9;
	s0 =	simm.s32 @!p0 $0x0  }
0x12: {  	s1 =	sld [smem:$0x3F91];
	s0 =	simm.s32 @p0 $0x1  }
0x13: {  	[smem:$0x3FAC] =	sst s0;
	s0 =	simm.s32 @!p1 $0x0  }
0x14: {  	s2 =	sld [smem:$0x3F90];
	s0 =	simm.s32 @p1 $0x1  }
0x15: {  	[smem:$0x3FAD] =	sst s0;
	s0 =	simm.s32 @!p2 $0x0  }
0x16: {  	s3 =	sld [smem:$0x3FDB];
	s0 =	simm.s32 @p2 $0x1  }
0x17: {  	s4 =	simm.s32 $0x1BF5;
	[smem:$0x3FAF] =	sst s0  }
0x18: {  	s0 =	sld [smem:$0x3F92];
	_ =	swait.ge [sflag:s4], $0x0  }
0x19: {  	s7 =	sld [smem:$0x3F93]  }
0x1a: {  	s8 =	sadd.s32 $0xFFFFE003, lr  }
0x1b: {  	s9 =	sadd.s32 $0xFFFFFEF7, lr;
	s5 =	simm.s32 $0xFFFFFFFF;
	p2 =	slt.u32 s8, $0xFFFFF086  }
0x1c: {  	p1 =	slt.u32 s9, $0xF7A;
	s5 =	simm.s32 @!p2 $0x0  }
0x1d: {  	s5 =	simm.s32 @p1 $0x1;
	p0 =	seq.s32 s7, s2  }
0x1e: {  	s7 =	smul.u32 @!p0 $0xF7A, s2;
	p2 =	seq.s32 @!p0 s5, $0x0  }
0x1f: {  	s9 =	smul.u32 $0xF7A, s1;
	s8 =	simm.s32 @!p0 $0x1BF5;
	p2 =	por !p2, p0  }
0x20: {  	[sflag:s8] =	ssyncset.s32 @!p0 $0xFFFFF086;
	s6 =	sadd.s32 @!p0 s3, s7;
	s7 =	simm.s32 @!p0 $0x108  }
0x21: {  	s3 =	sadd.s32 s3, s9;
	s6 =	sadd.s32 @!p0 $0x88, s6;
	s7 =	simm.s32 @p2 $0x1082  }
0x22: {  	[simem:s7], [sflag:s8] =	dma.local @!p0 [hbm:s6], $0xF7A  }
0x23: {  	s9 =	sor.u32 $0xD0000000, s2;
	s6 =	simm.s32 $0x108;
	_ =	swait.ge @!p0 [sflag:s8], $0x0  }
0x24: {  	s3 =	sadd.s32 $0x88, s3;
	s6 =	simm.s32 @!p1 $0x1082;
	[sflag:s4] =	ssyncset.s32 $0xFFFFF086  }
0x25: {  	[simem:s6], [sflag:s4] =	dma.local [hbm:s3], $0xF7A  }
0x26: {  	[smem:$0x3F93] =	sst s1;
	(tag) =	ssettag s2;
	_ =	strace s9  }
0x27: {  	s1 =	sld [smem:$0x3FA3]  }
0x28: {  	s2 =	sld [smem:$0x3FA4]  }
0x29: {  	s4 =	sld [smem:$0x3FA6]  }
0x2a: {  	p0 =	seq.s32 s5, $0x0;
	s5 =	sld [smem:$0x3FA7]  }
0x2b: {  	s6 =	sld [smem:$0x3FA8]  }
0x2c: {  	s7 =	sld [smem:$0x3FA9]  }
0x2d: {  	s3 =	simm.s32 $0x108;
	s8 =	sld [smem:$0x3FAA]  }
0x2e: {  	s3 =	simm.s32 @!p0 $0x1082;
	s9 =	sld [smem:$0x3FAB]  }
0x2f: {  	lr =	sadd.s32 s0, s3;
	s0 =	sld [smem:$0x3FA2]  }
0x30: {  	s3 =	sld [smem:$0x3FA5]  }
0x31: {  	[smem:$0x3FAE] =	sst s10  }
0x32: {  	s10 =	sld [smem:$0x3FAC];
	_ =	sdelay $0x3  }
0x33: {  	p0 =	seq.s32 s10, $0x1;
	s10 =	sld [smem:$0x3FAE];
	_ =	sdelay $0x3  }
0x34: {  	[smem:$0x3FAE] =	sst s10  }
0x35: {  	s10 =	sld [smem:$0x3FAD];
	_ =	sdelay $0x3  }
0x36: {  	p1 =	seq.s32 s10, $0x1;
	s10 =	sld [smem:$0x3FAE];
	_ =	sdelay $0x3  }
0x37: {  	[smem:$0x3FAE] =	sst s10  }
0x38: {  	s10 =	sld [smem:$0x3FAF]  }
0x39: {  	_ = 	snop;
	(pc) =	sbr.ind lr, $3  }
0x3a: {  	_ = 	snop  }
0x3b: {  	_ = 	snop  }
0x3c: {  	p2 =	seq.s32 s10, $0x1;
	s10 =	sld [smem:$0x3FAE]  }
0x3d: {  	_ =	shalt  }
0x3e: {  	_ =	shalt  }
0x3f: {  	_ =	shalt  }
0x40: {  	_ =	shalt  }
0x41: {  	_ =	shalt  }
0x42: {  	_ =	shalt  }
0x43: {  	_ =	shalt  }
0x44: {  	_ =	shalt  }
0x45: {  	_ =	shalt  }
0x46: {  	_ =	shalt  }
0x47: {  	_ =	shalt  }
0x48: {  	_ =	shalt  }
0x49: {  	_ =	shalt  }
0x4a: {  	_ =	shalt  }
0x4b: {  	_ =	shalt  }
0x4c: {  	_ =	shalt  }
0x4d: {  	_ =	shalt  }
0x4e: {  	_ =	shalt  }
0x4f: {  	_ =	shalt  }
0x50: {  	_ =	shalt  }
0x51: {  	_ =	shalt  }
0x52: {  	_ =	shalt  }
0x53: {  	_ =	shalt  }
0x54: {  	_ =	shalt  }
0x55: {  	_ =	shalt  }
0x56: {  	_ =	shalt  }
0x57: {  	_ =	shalt  }
0x58: {  	_ =	shalt  }
0x59: {  	_ =	shalt  }
0x5a: {  	_ =	shalt  }
0x5b: {  	_ =	shalt  }
0x5c: {  	_ =	shalt  }
0x5d: {  	_ =	shalt  }
0x5e: {  	_ =	shalt  }
0x5f: {  	_ =	shalt  }
0x60: {  	_ =	shalt  }
0x61: {  	_ =	shalt  }
0x62: {  	_ =	shalt  }
0x63: {  	_ =	shalt  }
0x64: {  	_ =	shalt  }
0x65: {  	_ =	shalt  }
0x66: {  	_ =	shalt  }
0x67: {  	_ =	shalt  }
0x68: {  	_ =	shalt  }
0x69: {  	_ =	shalt  }
0x6a: {  	_ =	shalt  }
0x6b: {  	_ =	shalt  }
0x6c: {  	_ =	shalt  }
0x6d: {  	_ =	shalt  }
0x6e: {  	_ =	shalt  }
0x6f: {  	_ =	shalt  }
0x70: {  	_ =	shalt  }
0x71: {  	_ =	shalt  }
0x72: {  	_ =	shalt  }
0x73: {  	_ =	shalt  }
0x74: {  	_ =	shalt  }
0x75: {  	_ =	shalt  }
0x76: {  	_ =	shalt  }
0x77: {  	_ =	shalt  }
0x78: {  	_ =	shalt  }
0x79: {  	_ =	shalt  }
0x7a: {  	_ =	shalt  }
0x7b: {  	_ =	shalt  }
0x7c: {  	_ =	shalt  }
0x7d: {  	_ =	shalt  }
0x7e: {  	_ =	shalt  }
0x7f: {  	_ =	shalt  }
0x80: {  	_ =	shalt  }
0x81: {  	_ =	shalt  }
0x82: {  	_ =	shalt  }
0x83: {  	_ =	shalt  }
0x84: {  	_ =	shalt  }
0x85: {  	_ =	shalt  }
0x86: {  	_ =	shalt  }
0x87: {  	_ =	shalt  }
.Lfunc_end0:
.L_simem_size_0:
called_computation_lowered:
.L_overlay_start_0:
0x88: {  	s2 =	sld [smem:$0x3FD9]  }
0x89: {  	s3 =	sld [smem:$0x3FFE];
	_ =	sdelay $0x1  }
0x8a: {  	s1 =	srdreg.scid  }
0x8b: {  	s0 =	sand.u32 $0x1, s1  }
0x8c: {  	s14 =	sshll.u32 s0, $0xA;
	s2 =	sadd.s32 s3, s2  }
0x8d: {  	s2 =	sadd.s32 s2, s14  }
0x8e: {  	[smem:$0x3FBA] =	sst s2  }
0x8f: {  	_ = 	snop  }
0x90: {  	s2 =	sld [smem:$0x3FD0];
	_ =	sdelay $0x2  }
0x91: {  	s4 =	simm.s32 $0xA;
	s5 =	simm.s32 $0x10;
	s15 =	sld [smem:$0x3FC6]  }
0x92: {  	[smem:s5], [sflag:s4] =	dma.local [hbm:s2], $0x1  }
0x93: {  	_ =	swait.eq [sflag:s4], $0x1  }
0x94: {  	[sflag:s4] =	ssyncset.done $0x0  }
0x95: {  	[sflag:s4] =	ssyncadd.s32 $0xFFFFFFFF  }
0x96: {  	s16 =	sld [smem:$0x10];
	(tm) =	ssettm $0x1  }
0x97: {  	s17 =	sld [smem:$0x3FFB];
	_ =	sdelay $0x3  }
0x98: {  	_ =	strace s17  }
0x99: {  	s4 =	sld [smem:$0x3FFC];
	_ =	sdelay $0x3  }
0x9a: {  	_ =	strace s4  }
0x9b: {  	s4 =	sld [smem:$0x3FFD];
	_ =	sdelay $0x3  }
0x9c: {  	_ =	strace s4  }
0x9d: {  	_ =	strace $0x8FFFFFFF  }
0x9e: {  	s18 =	sld [smem:$0x3FDB];
	_ =	sdelay $0x1  }
0x9f: {  	s19 =	simm.s32 $_scs_section_size  }
0xa0: {  	s6 =	simm.s32 $_size__tile_overlayer_lowered;
	s7 =	simm.s32 $_tile_overlayer_lowered  }
0xa1: {  	s22 =	simm.s32 $0x1BFF;
	s21 =	sshll.u32 s7, $0x1;
	s4 =	sadd.s32 s19, s18  }
0xa2: {  	s8 =	simm.s32 $0x0;
	s20 =	sshll.u32 s6, $0x1;
	s6 =	sadd.s32 s21, s4  }
0xa3: {  	[timem:s8], [sflag:s22] =	dma.local [hbm:s6], s20  }
0xa4: {  	_ =	swait.ge [sflag:s22], s20  }
0xa5: {  	s5 =	ssub.s32 $0x0, s20;
	[sflag:s22] =	ssyncset.done $0x0  }
0xa6: {  	[sflag:s22] =	ssyncadd.s32 s5;
	_ =	sdelay $0x1  }
0xa7: {  	s23 =	simm.s32 $0x1B8B  }
0xa8: {  	_ =	swait.ge [sflag:s23], $0x1  }
0xa9: {  	[sflag:s23] =	ssyncset.done $0x0  }
0xaa: {  	s25 =	simm.s32 $0x1B8E;
	s24 =	sld [smem:$0x3FFE];
	[sflag:s23] =	ssyncadd.s32 $0xFFFFFFFF  }
0xab: {  	s26 =	simm.s32 $execute0_lowered;
	[smem:$0x3FD2] =	sst s25  }
0xac: {  	s6 =	sshll.u32 s26, $0x1;
	_ =	strace $0x80000046;
	[dreg:$0x1] =	wrdreg $0xFFFFFFFF  }
0xad: {  	s28 =	simm.s32 $_size_execute0_lowered;
	s4 =	sadd.s32 s4, s6;
	[dreg:$0x0] =	wrdreg $0x0  }
0xae: {  	s6 =	sshll.u32 s28, $0x1;
	[dreg:$0x2] =	wrdreg s4  }
0xaf: {  	[dreg:$0x3] =	wrdreg s6  }
0xb0: {  	[dreg:$0x4] =	wrdreg $0xC0  }
0xb1: {  	_ =	task [dreg:s8], $0x5FFFF  }
0xb2: {  	[dreg:$0x1] =	wrdreg $0xFFFFFFFF  }
0xb3: {  	[dreg:$0x0] =	wrdreg $0x60  }
0xb4: {  	[dreg:$0x2] =	wrdreg s24  }
0xb5: {  	[dreg:$0x3] =	wrdreg s16  }
0xb6: {  	[dreg:$0x4] =	wrdreg s15  }
0xb7: {  	[dreg:$0x5] =	wrdreg $0x88800  }
0xb8: {  	[dreg:$0x6] =	wrdreg $0x9  }
0xb9: {  	_ =	task.clear_ibuf [dreg:s8], $0x7FFFF;
	_ =	strace $0x90000046  }
0xba: {  	s29 =	simm.s32 $0x9;
	_ =	strace $0x80000048  }
0xbb: {  	_ =	swait.ge [sflag:s29], $0x1  }
0xbc: {  	[sflag:s29] =	ssyncadd.s32 $0xFFFFFFFF  }
0xbd: {  	_ =	strace $0x90000048  }
0xbe: {  	_ =	sfence  }
0xbf: {  	s30 =	sld [smem:$0x0];
	_ =	sdelay $0x2  }
0xc0: {  	s31 =	sshll.u32 s1, $0xD;
	s1 =	sshrl.u32 s1, $0x2  }
0xc1: {  	s3 =	sand.u32 $0x4000, s31;
	s1 =	sadd.s32 s1, s30  }
0xc2: {  	s0 =	sor.u32 s3, s0;
	s1 =	sshll.u32 s1, $0x11  }
0xc3: {  	s0 =	sor.u32 s1, s0  }
0xc4: {  	s0 =	sadd.s32 $0x8F2B, s0  }
0xc5: {  	[sflag:s0] =	ssyncadd.remote.s32 $0x1  }
0xc6: {  	_ =	sfence.sel $0xFFFF  }
0xc7: {  	[dreg:$0x0] =	wrdreg $0xFFFFFFFF;
	(pc) =	sbr.abs _section_cstart, $3  }
0xc8: {  	[dreg:$0x1] =	wrdreg $0xFFFFFFFF  }
0xc9: {  	_ =	task.clear_ibuf [dreg:s8], $0x2FFFF;
	_ =	strace $0x9FFFFFFF  }
0xca: {  	(tm) =	ssettm $0x7FFFFFFF  }
0xcb: {  	_ =	shalt  }
tec
execute0_lowered:
.L_overlay_start_1:
0x0: {  	(tag) =	ssettag $0x1  }
0x1: {  	s1 =	rddreg [dreg:$0x0]  }
0x2: {  	s0 =	rddreg [dreg:$0x1]  }
0x3: {  	s2 =	rddreg [dreg:$0x3];
	s3 =	simm.s32 $0x0;
	s4 =	srdreg.scid  }
0x4: {  	s23 =	stileid.u32;
	s28 =	simm.s32 $0x80;
	s29 =	simm.s32 $0x1  }
0x5: {  	s30 =	simm.s32 $0x100;
	s31 =	simm.s32 $0x180;
	[smem:$0x7FF] =	sst s3  }
0x6: {  	s4 =	sand.u32 $0x1, s4;
	s5 =	sadd.s32 $0x3A00, s1;
	s7 =	sadd.s32 $0xF000, s1  }
0x7: {  	s9 =	smul.u32 $0x14000, s23;
	s10 =	sadd.s32 $0x37000, s1;
	s21 =	sshll.u32 s23, $0x1  }
0x8: {  	s11 =	smul.u32 $0x50000, s23;
	s15 =	sshll.u32 s23, $0x6;
	p0 =	sgt.u32 s23, $0x7  }
0x9: {  	_ =	strace $0x80000047;
	s6 =	ssub.s32 $0x2, s4;
	s15 =	sand.u32 $0x380, s15  }
0xa: {  	s8 =	sshrl.u32 s6, $0x1;
	s12 =	sadd.s32 $0x4000, s9;
	s13 =	sadd.s32 $0x8000, s9  }
0xb: {  	s14 =	sadd.s32 $0xC000, s9;
	s6 =	ssub.s32 s6, s8;
	s8 =	sor.u32 s4, s21  }
0xc: {  	s16 =	sadd.s32 $0x10000, s9;
	s15 =	sadd.s32 s5, s15;
	s17 =	sshllo.u32 s8, $0x1  }
0xd: {  	s18 =	sshll.u32 s8, $0x5;
	s19 =	sshll.u32 s8, $0xC;
	s25 =	sor.u32 $0x40, s8  }
0xe: {  	s8 =	sshll.u32 s8, $0x4;
	s20 =	sshll.u32 s17, $0x4;
	s18 =	sadd.s32 s5, s18  }
0xf: {  	s22 =	sadd.s32 s7, s19;
	s17 =	sshll.u32 s17, $0xB;
	[dreg:$0x6] =	wrdreg s18  }
0x10: {  	s26 =	sshll.u32 s25, $0x4;
	s8 =	sand.u32 $0x70, s8;
	[dreg:$0x7] =	wrdreg s22  }
0x11: {  	s24 =	sand.u32 $0x70, s20;
	s20 =	sand.u32 $0x480, s26;
	s5 =	sadd.s32 s5, s8  }
0x12: {  	s8 =	smul.u32 $0x140000, s4;
	s21 =	sadd.s32 s7, s17;
	s22 =	sshll.u32 s25, $0xB  }
0x13: {  	s4 =	smul.u32 $0x5000, s4;
	s15 =	sadd.s32 s24, s15;
	[dreg:$0x9] =	wrdreg s21  }
0x14: {  	s5 =	sadd.s32 s20, s5;
	s21 =	sadd.s32 $0xE000, s1;
	[dreg:$0x8] =	wrdreg s15  }
0x15: {  	s1 =	sadd.s32 $0xE800, s1;
	[dreg:$0xa] =	wrdreg s5;
	s9 =	sadd.s32 s9, s8  }
0x16: {  	s24 =	sadd.s32 s8, s12;
	s5 =	sadd.s32 s7, s22;
	s15 =	sadd.s32 s8, s13  }
0x17: {  	s17 =	sadd.s32 s8, s14;
	s8 =	sadd.s32 s8, s16;
	[dreg:$0x11] =	wrdreg s21  }
0x18: {  	[dreg:$0x12] =	wrdreg s1;
	s22 =	sshrl.u32 s11, $0x2;
	s0 =	sadd.s32 s4, s0  }
0x19: {  	s21 =	sadd.s32 s16, s2;
	s4 =	simm.s32 $0x280;
	s7 =	simm.s32 $0x400  }
0x1a: {  	s11 =	simm.s32 $0x600;
	s16 =	simm.s32 $0x2;
	[dreg:$0xb] =	wrdreg s5  }
0x1b: {  	s25 =	sshrl.u32 s9, $0x3;
	s26 =	sshrl.u32 s24, $0x3;
	s18 =	sshrl.u32 s17, $0x3  }
0x1c: {  	s19 =	sshrl.u32 s8, $0x3;
	s24 =	smul.u32 $0x500, s23;
	s8 =	simm.s32 $0x480  }
0x1d: {  	s17 =	simm.s32 $0x0;
	[dreg:$0x15] =	wrdreg s21;
	s5 =	sadd.s32 s10, s25  }
0x1e: {  	s9 =	sadd.s32 s10, s26;
	s20 =	sadd.s32 s10, s19;
	s19 =	sadd.s32 s12, s2  }
0x1f: {  	s25 =	sadd.s32 s14, s2;
	s26 =	smax.u32 s6, $0x1;
	[dreg:$0xc] =	wrdreg s5  }
0x20: {  	s6 =	simm.s32 $0x380;
	s12 =	simm.s32 $0x680;
	[dreg:$0xd] =	wrdreg s9  }
0x21: {  	s14 =	simm.s32 $0x780;
	s5 =	sshrl.u32 s15, $0x3;
	[dreg:$0x10] =	wrdreg s20  }
0x22: {  	s20 =	sadd.s32 s13, s2;
	[dreg:$0x16] =	wrdreg s26;
	s0 =	sadd.s32 s24, s0  }
0x23: {  	s23 =	smov.u32 s25;
	s24 =	simm.s32 $0x880;
	s25 =	simm.s32 $0x3  }
0x24: {  	s26 =	simm.s32 $0x4880;
	s9 =	simm.s32 $0x500;
	[dreg:$0x5] =	wrdreg s0  }
0x25: {  	s13 =	simm.s32 $0x700;
	s15 =	simm.s32 $0x800;
	[dreg:$0x13] =	wrdreg s20  }
0x26: {  	s5 =	sadd.s32 s10, s5;
	s0 =	simm.s32 $0x200;
	[dreg:$0x14] =	wrdreg s23  }
0x27: {  	[dreg:$0xe] =	wrdreg s5;
	s5 =	sadd.s32 s10, s18;
	s18 =	sadd.s32 s22, s2  }
0x28: {  	s10 =	simm.s32 $0x580;
	[dreg:$0xf] =	wrdreg s5;
	s5 =	simm.s32 $0x300  }
.LBB2_1:
0x29: {  	s1 =	rddreg [dreg:$0x11]  }
0x2a: {  	[tilespmem:s24], [sflag:$0x3] =	stream.linear.gather [hbm4b:s1+s3], $0x4000, $0x38;
	[tilespmem:$0x1C880] =	vst v63  }
0x2b: {  	_ =	swait.ge [sflag:s25], $0x4000  }
0x2c: {  	[sflag:s25] =	ssyncset.done $0x0  }
0x2d: {  	[sflag:s25] =	ssyncadd.s32 $0xFFFFC000  }
0x2e: {  	[spmem:s18] =	stream.linear.scatter [tilespmem:s24], [sflag:$0x3], $0x4000, $0x38;
	[tilespmem:$0x1C880] =	vst v63  }
0x2f: {  	_ =	swait.ge [sflag:s25], $0x4000  }
0x30: {  	[sflag:s25] =	ssyncset.done $0x0  }
0x31: {  	[sflag:s25] =	ssyncadd.s32 $0xFFFFC000  }
0x32: {  	[spmem:s19] =	stream.linear.scatter [tilespmem:s24], [sflag:$0x3], $0x4000, $0x38;
	[tilespmem:$0x1C880] =	vst v63  }
0x33: {  	_ =	swait.ge [sflag:s25], $0x4000  }
0x34: {  	[sflag:s25] =	ssyncset.done $0x0  }
0x35: {  	[sflag:s25] =	ssyncadd.s32 $0xFFFFC000  }
0x36: {  	[spmem:s20] =	stream.linear.scatter [tilespmem:s24], [sflag:$0x3], $0x4000, $0x38;
	[tilespmem:$0x1C880] =	vst v63  }
0x37: {  	_ =	swait.ge [sflag:s25], $0x4000  }
0x38: {  	[sflag:s25] =	ssyncset.done $0x0  }
0x39: {  	[sflag:s25] =	ssyncadd.s32 $0xFFFFC000  }
0x3a: {  	[spmem:s23] =	stream.linear.scatter [tilespmem:s24], [sflag:$0x3], $0x4000, $0x38;
	[tilespmem:$0x1C880] =	vst v63  }
0x3b: {  	_ =	swait.ge [sflag:s25], $0x4000  }
0x3c: {  	[sflag:s25] =	ssyncset.done $0x0  }
0x3d: {  	s1 =	smov.u32 s21;
	[sflag:s25] =	ssyncadd.s32 $0xFFFFC000  }
0x3e: {  	[spmem:s1] =	stream.linear.scatter [tilespmem:s24], [sflag:$0x3], $0x4000, $0x38;
	[tilespmem:$0x1C880] =	vst v63  }
0x3f: {  	_ =	swait.ge [sflag:s25], $0x4000  }
0x40: {  	[sflag:s25] =	ssyncset.done $0x0  }
0x41: {  	s23 =	rddreg [dreg:$0x12];
	[sflag:s25] =	ssyncadd.s32 $0xFFFFC000  }
0x42: {  	[tilespmem:s26], [sflag:$0x3] =	stream.linear.gather [hbm4b:s23+s3], $0x4000, $0x38;
	[tilespmem:$0x1C880] =	vst v63  }
0x43: {  	_ =	swait.ge [sflag:s25], $0x4000  }
0x44: {  	[sflag:s25] =	ssyncset.done $0x0  }
0x45: {  	s21 =	smov.u32 s18;
	s18 =	rddreg [dreg:$0x6];
	[sflag:s25] =	ssyncadd.s32 $0xFFFFC000  }
0x46: {  	[tilespmem:s3], [sflag:$0x3] =	stream.linear.gather [hbm4b:s18+s3], $0x80, $0x38;
	[tilespmem:$0x1C880] =	vst v63  }
0x47: {  	_ =	swait.ge [sflag:s25], $0x80  }
0x48: {  	[sflag:s25] =	ssyncset.done $0x0  }
0x49: {  	[sflag:s25] =	ssyncadd.s32 $0xFFFFFF80  }
0x4a: {  	s20 =	rddreg [dreg:$0x2]  }
0x4b: {  	[tilespmem:s24], [sflag:$0x1] =	stream.indirect.gather [hbm4b:s20+s28], $0x80, s3, s28, $0xb8;
	[tilespmem:$0x1C880] =	vst v63  }
0x4c: {  	_ =	swait.ge [sflag:s29], $0x4000  }
0x4d: {  	[sflag:s29] =	ssyncset.done $0x0  }
0x4e: {  	s22 =	smov.u32 s19;
	s19 =	rddreg [dreg:$0x7];
	[sflag:s29] =	ssyncadd.s32 $0xFFFFC000  }
0x4f: {  	[hbm4b:s19+s3] =	stream.linear.scatter [tilespmem:s24], [sflag:$0x3], $0x4000, $0x38;
	[tilespmem:$0x1C880] =	vst v63  }
0x50: {  	_ =	swait.ge [sflag:s25], $0x4000  }
0x51: {  	[sflag:s25] =	ssyncset.done $0x0  }
0x52: {  	s23 =	rddreg [dreg:$0x8];
	[sflag:s25] =	ssyncadd.s32 $0xFFFFC000  }
0x53: {  	[tilespmem:s3], [sflag:$0x3] =	stream.linear.gather [hbm4b:s23+s3], $0x80, $0x38;
	[tilespmem:$0x1C880] =	vst v63  }
0x54: {  	_ =	swait.ge [sflag:s25], $0x80  }
0x55: {  	[sflag:s25] =	ssyncset.done $0x0  }
0x56: {  	[sflag:s25] =	ssyncadd.s32 $0xFFFFFF80  }
0x57: {  	[tilespmem:s24], [sflag:$0x1] =	stream.indirect.gather [hbm4b:s20+s28], $0x80, s3, s28, $0xb8;
	[tilespmem:$0x1C880] =	vst v63  }
0x58: {  	_ =	swait.ge [sflag:s29], $0x4000  }
0x59: {  	[sflag:s29] =	ssyncset.done $0x0  }
0x5a: {  	s18 =	rddreg [dreg:$0x9];
	[sflag:s29] =	ssyncadd.s32 $0xFFFFC000  }
0x5b: {  	[hbm4b:s18+s3] =	stream.linear.scatter [tilespmem:s24], [sflag:$0x3], $0x4000, $0x38;
	[tilespmem:$0x1C880] =	vst v63  }
0x5c: {  	_ =	swait.ge [sflag:s25], $0x4000  }
0x5d: {  	[sflag:s25] =	ssyncset.done $0x0  }
0x5e: {  	s1 =	simm.s32 @!p0 $0x0;
	s18 =	rddreg [dreg:$0xa];
	[sflag:s25] =	ssyncadd.s32 $0xFFFFC000  }
0x5f: {  	[tilespmem:s1], [sflag:$0x3] =	stream.linear.gather @!p0 [hbm4b:s18+s1], $0x80, $0x38;
	[tilespmem:$0x1C880] =	vst v63  }
0x60: {  	s18 =	simm.s32 @!p0 $0x3  }
0x61: {  	_ =	swait.ge @!p0 [sflag:s18], $0x80  }
0x62: {  	[sflag:s18] =	ssyncset.done @!p0 $0x0  }
0x63: {  	s19 =	simm.s32 @!p0 $0x880;
	s23 =	simm.s32 @!p0 $0x80;
	[sflag:s18] =	ssyncadd.s32 @!p0 $0xFFFFFF80  }
0x64: {  	[tilespmem:s19], [sflag:$0x1] =	stream.indirect.gather @!p0 [hbm4b:s20+s23], $0x80, s1, s23, $0xb8;
	[tilespmem:$0x1C880] =	vst v63  }
0x65: {  	s23 =	simm.s32 @!p0 $0x1  }
0x66: {  	_ =	swait.ge @!p0 [sflag:s23], $0x4000  }
0x67: {  	[sflag:s23] =	ssyncset.done @!p0 $0x0  }
0x68: {  	s20 =	rddreg [dreg:$0xb];
	[sflag:s23] =	ssyncadd.s32 @!p0 $0xFFFFC000  }
0x69: {  	[hbm4b:s20+s1] =	stream.linear.scatter @!p0 [tilespmem:s19], [sflag:$0x3], $0x4000, $0x38;
	[tilespmem:$0x1C880] =	vst v63  }
0x6a: {  	_ =	swait.ge @!p0 [sflag:s18], $0x4000  }
0x6b: {  	[sflag:s18] =	ssyncset.done @!p0 $0x0  }
0x6c: {  	[sflag:s18] =	ssyncadd.s32 @!p0 $0xFFFFC000  }
0x6d: {  	[bflag:$0x0] =	sbarrier.arrive $0xFFFF  }
0x6e: {  	s19 =	rddreg [dreg:$0x5]  }
0x6f: {  	s1 =	sadd.s32 $0x0, s19  }
0x70: {  	[tilespmem:s28], [sflag:$0x3] =	stream.linear.gather [hbm4b:s1+s3], $0x80, $0x38;
	[tilespmem:$0x1C880] =	vst v63  }
0x71: {  	_ =	swait.ge [sflag:s25], $0x80  }
0x72: {  	[sflag:s25] =	ssyncset.done $0x0  }
0x73: {  	[sflag:s25] =	ssyncadd.s32 $0xFFFFFF80  }
0x74: {  	[spmem:s2] =	stream.indirect.scatter.add.f32 [tilespmem:s26], [sflag:$0x2], $0x80, s28, s28, $0xb8;
	[tilespmem:$0x1C880] =	vst v63  }
0x75: {  	s20 =	sadd.s32 $0x10, s1  }
0x76: {  	[tilespmem:s30], [sflag:$0x3] =	stream.linear.gather [hbm4b:s20+s3], $0x80, $0x38;
	[tilespmem:$0x1C880] =	vst v63  }
0x77: {  	_ =	swait.ge [sflag:s25], $0x80  }
0x78: {  	[sflag:s25] =	ssyncset.done $0x0  }
0x79: {  	[sflag:s25] =	ssyncadd.s32 $0xFFFFFF80  }
0x7a: {  	[spmem:s2] =	stream.indirect.scatter.add.f32 [tilespmem:s26], [sflag:$0x2], $0x80, s30, s28, $0xb8;
	[tilespmem:$0x1C880] =	vst v63  }
0x7b: {  	s23 =	sadd.s32 $0x20, s1  }
0x7c: {  	[tilespmem:s31], [sflag:$0x3] =	stream.linear.gather [hbm4b:s23+s3], $0x80, $0x38;
	[tilespmem:$0x1C880] =	vst v63  }
0x7d: {  	_ =	swait.ge [sflag:s25], $0x80  }
0x7e: {  	[sflag:s25] =	ssyncset.done $0x0  }
0x7f: {  	[sflag:s25] =	ssyncadd.s32 $0xFFFFFF80  }
0x80: {  	[spmem:s2] =	stream.indirect.scatter.add.f32 [tilespmem:s26], [sflag:$0x2], $0x80, s31, s28, $0xb8;
	[tilespmem:$0x1C880] =	vst v63  }
0x81: {  	s19 =	sadd.s32 $0x30, s1  }
0x82: {  	[tilespmem:s0], [sflag:$0x3] =	stream.linear.gather [hbm4b:s19+s3], $0x80, $0x38;
	[tilespmem:$0x1C880] =	vst v63  }
0x83: {  	_ =	swait.ge [sflag:s25], $0x80  }
0x84: {  	[sflag:s25] =	ssyncset.done $0x0  }
0x85: {  	[sflag:s25] =	ssyncadd.s32 $0xFFFFFF80  }
0x86: {  	[spmem:s2] =	stream.indirect.scatter.add.f32 [tilespmem:s26], [sflag:$0x2], $0x80, s0, s28, $0xb8;
	[tilespmem:$0x1C880] =	vst v63  }
0x87: {  	s20 =	sadd.s32 $0x40, s1  }
0x88: {  	[tilespmem:s4], [sflag:$0x3] =	stream.linear.gather [hbm4b:s20+s3], $0x80, $0x38;
	[tilespmem:$0x1C880] =	vst v63  }
0x89: {  	_ =	swait.ge [sflag:s25], $0x80  }
0x8a: {  	[sflag:s25] =	ssyncset.done $0x0  }
0x8b: {  	[sflag:s25] =	ssyncadd.s32 $0xFFFFFF80  }
0x8c: {  	[spmem:s2] =	stream.indirect.scatter.add.f32 [tilespmem:s26], [sflag:$0x2], $0x80, s4, s28, $0xb8;
	[tilespmem:$0x1C880] =	vst v63  }
0x8d: {  	s23 =	sadd.s32 $0x50, s1  }
0x8e: {  	[tilespmem:s5], [sflag:$0x3] =	stream.linear.gather [hbm4b:s23+s3], $0x80, $0x38;
	[tilespmem:$0x1C880] =	vst v63  }
0x8f: {  	_ =	swait.ge [sflag:s25], $0x80  }
0x90: {  	[sflag:s25] =	ssyncset.done $0x0  }
0x91: {  	[sflag:s25] =	ssyncadd.s32 $0xFFFFFF80  }
0x92: {  	[spmem:s2] =	stream.indirect.scatter.add.f32 [tilespmem:s26], [sflag:$0x2], $0x80, s5, s28, $0xb8;
	[tilespmem:$0x1C880] =	vst v63  }
0x93: {  	s19 =	sadd.s32 $0x60, s1  }
0x94: {  	[tilespmem:s6], [sflag:$0x3] =	stream.linear.gather [hbm4b:s19+s3], $0x80, $0x38;
	[tilespmem:$0x1C880] =	vst v63  }
0x95: {  	_ =	swait.ge [sflag:s25], $0x80  }
0x96: {  	[sflag:s25] =	ssyncset.done $0x0  }
0x97: {  	[sflag:s25] =	ssyncadd.s32 $0xFFFFFF80  }
0x98: {  	[spmem:s2] =	stream.indirect.scatter.add.f32 [tilespmem:s26], [sflag:$0x2], $0x80, s6, s28, $0xb8;
	[tilespmem:$0x1C880] =	vst v63  }
0x99: {  	s20 =	sadd.s32 $0x70, s1  }
0x9a: {  	[tilespmem:s7], [sflag:$0x3] =	stream.linear.gather [hbm4b:s20+s3], $0x80, $0x38;
	[tilespmem:$0x1C880] =	vst v63  }
0x9b: {  	_ =	swait.ge [sflag:s25], $0x80  }
0x9c: {  	[sflag:s25] =	ssyncset.done $0x0  }
0x9d: {  	[sflag:s25] =	ssyncadd.s32 $0xFFFFFF80  }
0x9e: {  	[spmem:s2] =	stream.indirect.scatter.add.f32 [tilespmem:s26], [sflag:$0x2], $0x80, s7, s28, $0xb8;
	[tilespmem:$0x1C880] =	vst v63  }
0x9f: {  	s23 =	sadd.s32 $0x80, s1  }
0xa0: {  	[tilespmem:s8], [sflag:$0x3] =	stream.linear.gather [hbm4b:s23+s3], $0x80, $0x38;
	[tilespmem:$0x1C880] =	vst v63  }
0xa1: {  	_ =	swait.ge [sflag:s25], $0x80  }
0xa2: {  	[sflag:s25] =	ssyncset.done $0x0  }
0xa3: {  	[sflag:s25] =	ssyncadd.s32 $0xFFFFFF80  }
0xa4: {  	[spmem:s2] =	stream.indirect.scatter.add.f32 [tilespmem:s26], [sflag:$0x2], $0x80, s8, s28, $0xb8;
	[tilespmem:$0x1C880] =	vst v63  }
0xa5: {  	s19 =	sadd.s32 $0x90, s1  }
0xa6: {  	[tilespmem:s9], [sflag:$0x3] =	stream.linear.gather [hbm4b:s19+s3], $0x80, $0x38;
	[tilespmem:$0x1C880] =	vst v63  }
0xa7: {  	_ =	swait.ge [sflag:s25], $0x80  }
0xa8: {  	[sflag:s25] =	ssyncset.done $0x0  }
0xa9: {  	[sflag:s25] =	ssyncadd.s32 $0xFFFFFF80  }
0xaa: {  	[spmem:s2] =	stream.indirect.scatter.add.f32 [tilespmem:s26], [sflag:$0x2], $0x80, s9, s28, $0xb8;
	[tilespmem:$0x1C880] =	vst v63  }
0xab: {  	s20 =	sadd.s32 $0xA0, s1  }
0xac: {  	[tilespmem:s10], [sflag:$0x3] =	stream.linear.gather [hbm4b:s20+s3], $0x80, $0x38;
	[tilespmem:$0x1C880] =	vst v63  }
0xad: {  	_ =	swait.ge [sflag:s25], $0x80  }
0xae: {  	[sflag:s25] =	ssyncset.done $0x0  }
0xaf: {  	[sflag:s25] =	ssyncadd.s32 $0xFFFFFF80  }
0xb0: {  	[spmem:s2] =	stream.indirect.scatter.add.f32 [tilespmem:s26], [sflag:$0x2], $0x80, s10, s28, $0xb8;
	[tilespmem:$0x1C880] =	vst v63  }
0xb1: {  	s23 =	sadd.s32 $0xB0, s1  }
0xb2: {  	[tilespmem:s11], [sflag:$0x3] =	stream.linear.gather [hbm4b:s23+s3], $0x80, $0x38;
	[tilespmem:$0x1C880] =	vst v63  }
0xb3: {  	_ =	swait.ge [sflag:s25], $0x80  }
0xb4: {  	[sflag:s25] =	ssyncset.done $0x0  }
0xb5: {  	[sflag:s25] =	ssyncadd.s32 $0xFFFFFF80  }
0xb6: {  	[spmem:s2] =	stream.indirect.scatter.add.f32 [tilespmem:s26], [sflag:$0x2], $0x80, s11, s28, $0xb8;
	[tilespmem:$0x1C880] =	vst v63  }
0xb7: {  	s19 =	sadd.s32 $0xC0, s1  }
0xb8: {  	[tilespmem:s12], [sflag:$0x3] =	stream.linear.gather [hbm4b:s19+s3], $0x80, $0x38;
	[tilespmem:$0x1C880] =	vst v63  }
0xb9: {  	_ =	swait.ge [sflag:s25], $0x80  }
0xba: {  	[sflag:s25] =	ssyncset.done $0x0  }
0xbb: {  	[sflag:s25] =	ssyncadd.s32 $0xFFFFFF80  }
0xbc: {  	[spmem:s2] =	stream.indirect.scatter.add.f32 [tilespmem:s26], [sflag:$0x2], $0x80, s12, s28, $0xb8;
	[tilespmem:$0x1C880] =	vst v63  }
0xbd: {  	s20 =	sadd.s32 $0xD0, s1  }
0xbe: {  	[tilespmem:s13], [sflag:$0x3] =	stream.linear.gather [hbm4b:s20+s3], $0x80, $0x38;
	[tilespmem:$0x1C880] =	vst v63  }
0xbf: {  	_ =	swait.ge [sflag:s25], $0x80  }
0xc0: {  	[sflag:s25] =	ssyncset.done $0x0  }
0xc1: {  	[sflag:s25] =	ssyncadd.s32 $0xFFFFFF80  }
0xc2: {  	[spmem:s2] =	stream.indirect.scatter.add.f32 [tilespmem:s26], [sflag:$0x2], $0x80, s13, s28, $0xb8;
	[tilespmem:$0x1C880] =	vst v63  }
0xc3: {  	s23 =	sadd.s32 $0xE0, s1  }
0xc4: {  	[tilespmem:s14], [sflag:$0x3] =	stream.linear.gather [hbm4b:s23+s3], $0x80, $0x38;
	[tilespmem:$0x1C880] =	vst v63  }
0xc5: {  	_ =	swait.ge [sflag:s25], $0x80  }
0xc6: {  	[sflag:s25] =	ssyncset.done $0x0  }
0xc7: {  	[sflag:s25] =	ssyncadd.s32 $0xFFFFFF80  }
0xc8: {  	[spmem:s2] =	stream.indirect.scatter.add.f32 [tilespmem:s26], [sflag:$0x2], $0x80, s14, s28, $0xb8;
	[tilespmem:$0x1C880] =	vst v63  }
0xc9: {  	s1 =	sadd.s32 $0xF0, s1  }
0xca: {  	[tilespmem:s15], [sflag:$0x3] =	stream.linear.gather [hbm4b:s1+s3], $0x80, $0x38;
	[tilespmem:$0x1C880] =	vst v63  }
0xcb: {  	_ =	swait.ge [sflag:s25], $0x80  }
0xcc: {  	[sflag:s25] =	ssyncset.done $0x0  }
0xcd: {  	[sflag:s25] =	ssyncadd.s32 $0xFFFFFF80  }
0xce: {  	[spmem:s2] =	stream.indirect.scatter.add.f32 [tilespmem:s26], [sflag:$0x2], $0x80, s15, s28, $0xb8;
	[tilespmem:$0x1C880] =	vst v63  }
0xcf: {  	_ =	swait.ge [sflag:s16], $0x4000  }
0xd0: {  	[sflag:s16] =	ssyncset.done $0x0  }
0xd1: {  	[sflag:s16] =	ssyncadd.s32 $0xFFFFC000  }
0xd2: {  	_ =	swait.ge [sflag:s16], $0x4000  }
0xd3: {  	[sflag:s16] =	ssyncset.done $0x0  }
0xd4: {  	[sflag:s16] =	ssyncadd.s32 $0xFFFFC000  }
0xd5: {  	_ =	swait.ge [sflag:s16], $0x4000  }
0xd6: {  	[sflag:s16] =	ssyncset.done $0x0  }
0xd7: {  	[sflag:s16] =	ssyncadd.s32 $0xFFFFC000  }
0xd8: {  	_ =	swait.ge [sflag:s16], $0x4000  }
0xd9: {  	[sflag:s16] =	ssyncset.done $0x0  }
0xda: {  	[sflag:s16] =	ssyncadd.s32 $0xFFFFC000  }
0xdb: {  	_ =	swait.ge [sflag:s16], $0x4000  }
0xdc: {  	[sflag:s16] =	ssyncset.done $0x0  }
0xdd: {  	[sflag:s16] =	ssyncadd.s32 $0xFFFFC000  }
0xde: {  	_ =	swait.ge [sflag:s16], $0x4000  }
0xdf: {  	[sflag:s16] =	ssyncset.done $0x0  }
0xe0: {  	[sflag:s16] =	ssyncadd.s32 $0xFFFFC000  }
0xe1: {  	_ =	swait.ge [sflag:s16], $0x4000  }
0xe2: {  	[sflag:s16] =	ssyncset.done $0x0  }
0xe3: {  	[sflag:s16] =	ssyncadd.s32 $0xFFFFC000  }
0xe4: {  	_ =	swait.ge [sflag:s16], $0x4000  }
0xe5: {  	[sflag:s16] =	ssyncset.done $0x0  }
0xe6: {  	[sflag:s16] =	ssyncadd.s32 $0xFFFFC000  }
0xe7: {  	_ =	swait.ge [sflag:s16], $0x4000  }
0xe8: {  	[sflag:s16] =	ssyncset.done $0x0  }
0xe9: {  	[sflag:s16] =	ssyncadd.s32 $0xFFFFC000  }
0xea: {  	_ =	swait.ge [sflag:s16], $0x4000  }
0xeb: {  	[sflag:s16] =	ssyncset.done $0x0  }
0xec: {  	[sflag:s16] =	ssyncadd.s32 $0xFFFFC000  }
0xed: {  	_ =	swait.ge [sflag:s16], $0x4000  }
0xee: {  	[sflag:s16] =	ssyncset.done $0x0  }
0xef: {  	[sflag:s16] =	ssyncadd.s32 $0xFFFFC000  }
0xf0: {  	_ =	swait.ge [sflag:s16], $0x4000  }
0xf1: {  	[sflag:s16] =	ssyncset.done $0x0  }
0xf2: {  	[sflag:s16] =	ssyncadd.s32 $0xFFFFC000  }
0xf3: {  	_ =	swait.ge [sflag:s16], $0x4000  }
0xf4: {  	[sflag:s16] =	ssyncset.done $0x0  }
0xf5: {  	[sflag:s16] =	ssyncadd.s32 $0xFFFFC000  }
0xf6: {  	_ =	swait.ge [sflag:s16], $0x4000  }
0xf7: {  	[sflag:s16] =	ssyncset.done $0x0  }
0xf8: {  	[sflag:s16] =	ssyncadd.s32 $0xFFFFC000  }
0xf9: {  	_ =	swait.ge [sflag:s16], $0x4000  }
0xfa: {  	[sflag:s16] =	ssyncset.done $0x0  }
0xfb: {  	[sflag:s16] =	ssyncadd.s32 $0xFFFFC000  }
0xfc: {  	s23 =	simm.s32 $0x100;
	_ =	swait.ge [sflag:s16], $0x4000  }
0xfd: {  	s1 =	simm.s32 $0x200;
	s18 =	rddreg [dreg:$0x5];
	[sflag:s16] =	ssyncset.done $0x0  }
.LBB2_2:
0xfe: {  	[sflag:s16] =	ssyncadd.s32 $0xFFFFC000;
	s18 =	sadd.s32 s23, s18  }
0xff: {  	[tilespmem:s28], [sflag:$0x3] =	stream.linear.gather [hbm4b:s18+s3], $0x80, $0x38;
	[tilespmem:$0x1C880] =	vst v63  }
0x100: {  	_ =	swait.ge [sflag:s25], $0x80  }
0x101: {  	[sflag:s25] =	ssyncset.done $0x0  }
0x102: {  	[sflag:s25] =	ssyncadd.s32 $0xFFFFFF80  }
0x103: {  	[spmem:s2] =	stream.indirect.scatter.add.f32 [tilespmem:s26], [sflag:$0x2], $0x80, s28, s28, $0xb8;
	[tilespmem:$0x1C880] =	vst v63  }
0x104: {  	s20 =	sadd.s32 $0x10, s18  }
0x105: {  	[tilespmem:s30], [sflag:$0x3] =	stream.linear.gather [hbm4b:s20+s3], $0x80, $0x38;
	[tilespmem:$0x1C880] =	vst v63  }
0x106: {  	_ =	swait.ge [sflag:s25], $0x80  }
0x107: {  	[sflag:s25] =	ssyncset.done $0x0  }
0x108: {  	[sflag:s25] =	ssyncadd.s32 $0xFFFFFF80  }
0x109: {  	[spmem:s2] =	stream.indirect.scatter.add.f32 [tilespmem:s26], [sflag:$0x2], $0x80, s30, s28, $0xb8;
	[tilespmem:$0x1C880] =	vst v63  }
0x10a: {  	s20 =	sadd.s32 $0x20, s18  }
0x10b: {  	[tilespmem:s31], [sflag:$0x3] =	stream.linear.gather [hbm4b:s20+s3], $0x80, $0x38;
	[tilespmem:$0x1C880] =	vst v63  }
0x10c: {  	_ =	swait.ge [sflag:s25], $0x80  }
0x10d: {  	[sflag:s25] =	ssyncset.done $0x0  }
0x10e: {  	[sflag:s25] =	ssyncadd.s32 $0xFFFFFF80  }
0x10f: {  	[spmem:s2] =	stream.indirect.scatter.add.f32 [tilespmem:s26], [sflag:$0x2], $0x80, s31, s28, $0xb8;
	[tilespmem:$0x1C880] =	vst v63  }
0x110: {  	s20 =	sadd.s32 $0x30, s18  }
0x111: {  	[tilespmem:s0], [sflag:$0x3] =	stream.linear.gather [hbm4b:s20+s3], $0x80, $0x38;
	[tilespmem:$0x1C880] =	vst v63  }
0x112: {  	_ =	swait.ge [sflag:s25], $0x80  }
0x113: {  	[sflag:s25] =	ssyncset.done $0x0  }
0x114: {  	[sflag:s25] =	ssyncadd.s32 $0xFFFFFF80  }
0x115: {  	[spmem:s2] =	stream.indirect.scatter.add.f32 [tilespmem:s26], [sflag:$0x2], $0x80, s0, s28, $0xb8;
	[tilespmem:$0x1C880] =	vst v63  }
0x116: {  	s20 =	sadd.s32 $0x40, s18  }
0x117: {  	[tilespmem:s4], [sflag:$0x3] =	stream.linear.gather [hbm4b:s20+s3], $0x80, $0x38;
	[tilespmem:$0x1C880] =	vst v63  }
0x118: {  	_ =	swait.ge [sflag:s25], $0x80  }
0x119: {  	[sflag:s25] =	ssyncset.done $0x0  }
0x11a: {  	[sflag:s25] =	ssyncadd.s32 $0xFFFFFF80  }
0x11b: {  	[spmem:s2] =	stream.indirect.scatter.add.f32 [tilespmem:s26], [sflag:$0x2], $0x80, s4, s28, $0xb8;
	[tilespmem:$0x1C880] =	vst v63  }
0x11c: {  	s20 =	sadd.s32 $0x50, s18  }
0x11d: {  	[tilespmem:s5], [sflag:$0x3] =	stream.linear.gather [hbm4b:s20+s3], $0x80, $0x38;
	[tilespmem:$0x1C880] =	vst v63  }
0x11e: {  	_ =	swait.ge [sflag:s25], $0x80  }
0x11f: {  	[sflag:s25] =	ssyncset.done $0x0  }
0x120: {  	[sflag:s25] =	ssyncadd.s32 $0xFFFFFF80  }
0x121: {  	[spmem:s2] =	stream.indirect.scatter.add.f32 [tilespmem:s26], [sflag:$0x2], $0x80, s5, s28, $0xb8;
	[tilespmem:$0x1C880] =	vst v63  }
0x122: {  	s20 =	sadd.s32 $0x60, s18  }
0x123: {  	[tilespmem:s6], [sflag:$0x3] =	stream.linear.gather [hbm4b:s20+s3], $0x80, $0x38;
	[tilespmem:$0x1C880] =	vst v63  }
0x124: {  	_ =	swait.ge [sflag:s25], $0x80  }
0x125: {  	[sflag:s25] =	ssyncset.done $0x0  }
0x126: {  	[sflag:s25] =	ssyncadd.s32 $0xFFFFFF80  }
0x127: {  	[spmem:s2] =	stream.indirect.scatter.add.f32 [tilespmem:s26], [sflag:$0x2], $0x80, s6, s28, $0xb8;
	[tilespmem:$0x1C880] =	vst v63  }
0x128: {  	s20 =	sadd.s32 $0x70, s18  }
0x129: {  	[tilespmem:s7], [sflag:$0x3] =	stream.linear.gather [hbm4b:s20+s3], $0x80, $0x38;
	[tilespmem:$0x1C880] =	vst v63  }
0x12a: {  	_ =	swait.ge [sflag:s25], $0x80  }
0x12b: {  	[sflag:s25] =	ssyncset.done $0x0  }
0x12c: {  	[sflag:s25] =	ssyncadd.s32 $0xFFFFFF80  }
0x12d: {  	[spmem:s2] =	stream.indirect.scatter.add.f32 [tilespmem:s26], [sflag:$0x2], $0x80, s7, s28, $0xb8;
	[tilespmem:$0x1C880] =	vst v63  }
0x12e: {  	s20 =	sadd.s32 $0x80, s18  }
0x12f: {  	[tilespmem:s8], [sflag:$0x3] =	stream.linear.gather [hbm4b:s20+s3], $0x80, $0x38;
	[tilespmem:$0x1C880] =	vst v63  }
0x130: {  	_ =	swait.ge [sflag:s25], $0x80  }
0x131: {  	[sflag:s25] =	ssyncset.done $0x0  }
0x132: {  	[sflag:s25] =	ssyncadd.s32 $0xFFFFFF80  }
0x133: {  	[spmem:s2] =	stream.indirect.scatter.add.f32 [tilespmem:s26], [sflag:$0x2], $0x80, s8, s28, $0xb8;
	[tilespmem:$0x1C880] =	vst v63  }
0x134: {  	s20 =	sadd.s32 $0x90, s18  }
0x135: {  	[tilespmem:s9], [sflag:$0x3] =	stream.linear.gather [hbm4b:s20+s3], $0x80, $0x38;
	[tilespmem:$0x1C880] =	vst v63  }
0x136: {  	_ =	swait.ge [sflag:s25], $0x80  }
0x137: {  	[sflag:s25] =	ssyncset.done $0x0  }
0x138: {  	[sflag:s25] =	ssyncadd.s32 $0xFFFFFF80  }
0x139: {  	[spmem:s2] =	stream.indirect.scatter.add.f32 [tilespmem:s26], [sflag:$0x2], $0x80, s9, s28, $0xb8;
	[tilespmem:$0x1C880] =	vst v63  }
0x13a: {  	s20 =	sadd.s32 $0xA0, s18  }
0x13b: {  	[tilespmem:s10], [sflag:$0x3] =	stream.linear.gather [hbm4b:s20+s3], $0x80, $0x38;
	[tilespmem:$0x1C880] =	vst v63  }
0x13c: {  	_ =	swait.ge [sflag:s25], $0x80  }
0x13d: {  	[sflag:s25] =	ssyncset.done $0x0  }
0x13e: {  	[sflag:s25] =	ssyncadd.s32 $0xFFFFFF80  }
0x13f: {  	[spmem:s2] =	stream.indirect.scatter.add.f32 [tilespmem:s26], [sflag:$0x2], $0x80, s10, s28, $0xb8;
	[tilespmem:$0x1C880] =	vst v63  }
0x140: {  	s20 =	sadd.s32 $0xB0, s18  }
0x141: {  	[tilespmem:s11], [sflag:$0x3] =	stream.linear.gather [hbm4b:s20+s3], $0x80, $0x38;
	[tilespmem:$0x1C880] =	vst v63  }
0x142: {  	_ =	swait.ge [sflag:s25], $0x80  }
0x143: {  	[sflag:s25] =	ssyncset.done $0x0  }
0x144: {  	[sflag:s25] =	ssyncadd.s32 $0xFFFFFF80  }
0x145: {  	[spmem:s2] =	stream.indirect.scatter.add.f32 [tilespmem:s26], [sflag:$0x2], $0x80, s11, s28, $0xb8;
	[tilespmem:$0x1C880] =	vst v63  }
0x146: {  	s20 =	sadd.s32 $0xC0, s18  }
0x147: {  	[tilespmem:s12], [sflag:$0x3] =	stream.linear.gather [hbm4b:s20+s3], $0x80, $0x38;
	[tilespmem:$0x1C880] =	vst v63  }
0x148: {  	_ =	swait.ge [sflag:s25], $0x80  }
0x149: {  	[sflag:s25] =	ssyncset.done $0x0  }
0x14a: {  	[sflag:s25] =	ssyncadd.s32 $0xFFFFFF80  }
0x14b: {  	[spmem:s2] =	stream.indirect.scatter.add.f32 [tilespmem:s26], [sflag:$0x2], $0x80, s12, s28, $0xb8;
	[tilespmem:$0x1C880] =	vst v63  }
0x14c: {  	s20 =	sadd.s32 $0xD0, s18  }
0x14d: {  	[tilespmem:s13], [sflag:$0x3] =	stream.linear.gather [hbm4b:s20+s3], $0x80, $0x38;
	[tilespmem:$0x1C880] =	vst v63  }
0x14e: {  	_ =	swait.ge [sflag:s25], $0x80  }
0x14f: {  	[sflag:s25] =	ssyncset.done $0x0  }
0x150: {  	[sflag:s25] =	ssyncadd.s32 $0xFFFFFF80  }
0x151: {  	[spmem:s2] =	stream.indirect.scatter.add.f32 [tilespmem:s26], [sflag:$0x2], $0x80, s13, s28, $0xb8;
	[tilespmem:$0x1C880] =	vst v63  }
0x152: {  	s20 =	sadd.s32 $0xE0, s18  }
0x153: {  	[tilespmem:s14], [sflag:$0x3] =	stream.linear.gather [hbm4b:s20+s3], $0x80, $0x38;
	[tilespmem:$0x1C880] =	vst v63  }
0x154: {  	_ =	swait.ge [sflag:s25], $0x80  }
0x155: {  	[sflag:s25] =	ssyncset.done $0x0  }
0x156: {  	[sflag:s25] =	ssyncadd.s32 $0xFFFFFF80  }
0x157: {  	[spmem:s2] =	stream.indirect.scatter.add.f32 [tilespmem:s26], [sflag:$0x2], $0x80, s14, s28, $0xb8;
	[tilespmem:$0x1C880] =	vst v63  }
0x158: {  	s18 =	sadd.s32 $0xF0, s18  }
0x159: {  	[tilespmem:s15], [sflag:$0x3] =	stream.linear.gather [hbm4b:s18+s3], $0x80, $0x38;
	[tilespmem:$0x1C880] =	vst v63  }
0x15a: {  	_ =	swait.ge [sflag:s25], $0x80  }
0x15b: {  	[sflag:s25] =	ssyncset.done $0x0  }
0x15c: {  	[sflag:s25] =	ssyncadd.s32 $0xFFFFFF80  }
0x15d: {  	[spmem:s2] =	stream.indirect.scatter.add.f32 [tilespmem:s26], [sflag:$0x2], $0x80, s15, s28, $0xb8;
	[tilespmem:$0x1C880] =	vst v63  }
0x15e: {  	_ =	swait.ge [sflag:s16], $0x4000  }
0x15f: {  	[sflag:s16] =	ssyncset.done $0x0  }
0x160: {  	[sflag:s16] =	ssyncadd.s32 $0xFFFFC000  }
0x161: {  	_ =	swait.ge [sflag:s16], $0x4000  }
0x162: {  	[sflag:s16] =	ssyncset.done $0x0  }
0x163: {  	[sflag:s16] =	ssyncadd.s32 $0xFFFFC000  }
0x164: {  	_ =	swait.ge [sflag:s16], $0x4000  }
0x165: {  	[sflag:s16] =	ssyncset.done $0x0  }
0x166: {  	[sflag:s16] =	ssyncadd.s32 $0xFFFFC000  }
0x167: {  	_ =	swait.ge [sflag:s16], $0x4000  }
0x168: {  	[sflag:s16] =	ssyncset.done $0x0  }
0x169: {  	[sflag:s16] =	ssyncadd.s32 $0xFFFFC000  }
0x16a: {  	_ =	swait.ge [sflag:s16], $0x4000  }
0x16b: {  	[sflag:s16] =	ssyncset.done $0x0  }
0x16c: {  	[sflag:s16] =	ssyncadd.s32 $0xFFFFC000  }
0x16d: {  	_ =	swait.ge [sflag:s16], $0x4000  }
0x16e: {  	[sflag:s16] =	ssyncset.done $0x0  }
0x16f: {  	[sflag:s16] =	ssyncadd.s32 $0xFFFFC000  }
0x170: {  	_ =	swait.ge [sflag:s16], $0x4000  }
0x171: {  	[sflag:s16] =	ssyncset.done $0x0  }
0x172: {  	[sflag:s16] =	ssyncadd.s32 $0xFFFFC000  }
0x173: {  	_ =	swait.ge [sflag:s16], $0x4000  }
0x174: {  	[sflag:s16] =	ssyncset.done $0x0  }
0x175: {  	[sflag:s16] =	ssyncadd.s32 $0xFFFFC000  }
0x176: {  	_ =	swait.ge [sflag:s16], $0x4000  }
0x177: {  	[sflag:s16] =	ssyncset.done $0x0  }
0x178: {  	[sflag:s16] =	ssyncadd.s32 $0xFFFFC000  }
0x179: {  	_ =	swait.ge [sflag:s16], $0x4000  }
0x17a: {  	[sflag:s16] =	ssyncset.done $0x0  }
0x17b: {  	[sflag:s16] =	ssyncadd.s32 $0xFFFFC000  }
0x17c: {  	_ =	swait.ge [sflag:s16], $0x4000  }
0x17d: {  	[sflag:s16] =	ssyncset.done $0x0  }
0x17e: {  	[sflag:s16] =	ssyncadd.s32 $0xFFFFC000  }
0x17f: {  	_ =	swait.ge [sflag:s16], $0x4000  }
0x180: {  	[sflag:s16] =	ssyncset.done $0x0  }
0x181: {  	[sflag:s16] =	ssyncadd.s32 $0xFFFFC000  }
0x182: {  	_ =	swait.ge [sflag:s16], $0x4000  }
0x183: {  	[sflag:s16] =	ssyncset.done $0x0  }
0x184: {  	[sflag:s16] =	ssyncadd.s32 $0xFFFFC000  }
0x185: {  	_ =	swait.ge [sflag:s16], $0x4000  }
0x186: {  	[sflag:s16] =	ssyncset.done $0x0  }
0x187: {  	p1 =	sne.s32 s1, $0x400;
	[sflag:s16] =	ssyncadd.s32 $0xFFFFC000  }
.Ltmp0:
0x188: {  	_ =	swait.ge [sflag:s16], $0x4000;
	(pc) =	sbr.rel @p1 .LBB2_2-.Ltmp0, $4  }
0x189: {  	[sflag:s16] =	ssyncset.done $0x0  }
0x18a: {  	[sflag:s16] =	ssyncadd.s32 $0xFFFFC000  }
0x18b: {  	s19 =	smov.u32 s1;
	s1 =	sadd.s32 $0x100, s1;
	_ =	swait.ge [sflag:s16], $0x4000  }
0x18c: {  	s23 =	smov.u32 s19;
	s18 =	rddreg [dreg:$0x5];
	[sflag:s16] =	ssyncset.done $0x0  }
0x18d: {  	[sflag:s16] =	ssyncadd.s32 $0xFFFFC000;
	s1 =	sadd.s32 s23, s18  }
0x18e: {  	[tilespmem:s28], [sflag:$0x3] =	stream.linear.gather [hbm4b:s1+s3], $0x80, $0x38;
	[tilespmem:$0x1C880] =	vst v63  }
0x18f: {  	_ =	swait.ge [sflag:s25], $0x80  }
0x190: {  	[sflag:s25] =	ssyncset.done $0x0  }
0x191: {  	[sflag:s25] =	ssyncadd.s32 $0xFFFFFF80  }
0x192: {  	[spmem:s2] =	stream.indirect.scatter.add.f32 [tilespmem:s26], [sflag:$0x2], $0x80, s28, s28, $0xb8;
	[tilespmem:$0x1C880] =	vst v63  }
0x193: {  	s18 =	sadd.s32 $0x10, s1  }
0x194: {  	[tilespmem:s30], [sflag:$0x3] =	stream.linear.gather [hbm4b:s18+s3], $0x80, $0x38;
	[tilespmem:$0x1C880] =	vst v63  }
0x195: {  	_ =	swait.ge [sflag:s25], $0x80  }
0x196: {  	[sflag:s25] =	ssyncset.done $0x0  }
0x197: {  	[sflag:s25] =	ssyncadd.s32 $0xFFFFFF80  }
0x198: {  	[spmem:s2] =	stream.indirect.scatter.add.f32 [tilespmem:s26], [sflag:$0x2], $0x80, s30, s28, $0xb8;
	[tilespmem:$0x1C880] =	vst v63  }
0x199: {  	s20 =	sadd.s32 $0x20, s1  }
0x19a: {  	[tilespmem:s31], [sflag:$0x3] =	stream.linear.gather [hbm4b:s20+s3], $0x80, $0x38;
	[tilespmem:$0x1C880] =	vst v63  }
0x19b: {  	_ =	swait.ge [sflag:s25], $0x80  }
0x19c: {  	[sflag:s25] =	ssyncset.done $0x0  }
0x19d: {  	[sflag:s25] =	ssyncadd.s32 $0xFFFFFF80  }
0x19e: {  	[spmem:s2] =	stream.indirect.scatter.add.f32 [tilespmem:s26], [sflag:$0x2], $0x80, s31, s28, $0xb8;
	[tilespmem:$0x1C880] =	vst v63  }
0x19f: {  	s23 =	sadd.s32 $0x30, s1  }
0x1a0: {  	[tilespmem:s0], [sflag:$0x3] =	stream.linear.gather [hbm4b:s23+s3], $0x80, $0x38;
	[tilespmem:$0x1C880] =	vst v63  }
0x1a1: {  	_ =	swait.ge [sflag:s25], $0x80  }
0x1a2: {  	[sflag:s25] =	ssyncset.done $0x0  }
0x1a3: {  	[sflag:s25] =	ssyncadd.s32 $0xFFFFFF80  }
0x1a4: {  	[spmem:s2] =	stream.indirect.scatter.add.f32 [tilespmem:s26], [sflag:$0x2], $0x80, s0, s28, $0xb8;
	[tilespmem:$0x1C880] =	vst v63  }
0x1a5: {  	s19 =	sadd.s32 $0x40, s1  }
0x1a6: {  	[tilespmem:s4], [sflag:$0x3] =	stream.linear.gather [hbm4b:s19+s3], $0x80, $0x38;
	[tilespmem:$0x1C880] =	vst v63  }
0x1a7: {  	_ =	swait.ge [sflag:s25], $0x80  }
0x1a8: {  	[sflag:s25] =	ssyncset.done $0x0  }
0x1a9: {  	[sflag:s25] =	ssyncadd.s32 $0xFFFFFF80  }
0x1aa: {  	[spmem:s2] =	stream.indirect.scatter.add.f32 [tilespmem:s26], [sflag:$0x2], $0x80, s4, s28, $0xb8;
	[tilespmem:$0x1C880] =	vst v63  }
0x1ab: {  	s20 =	sadd.s32 $0x50, s1  }
0x1ac: {  	[tilespmem:s5], [sflag:$0x3] =	stream.linear.gather [hbm4b:s20+s3], $0x80, $0x38;
	[tilespmem:$0x1C880] =	vst v63  }
0x1ad: {  	_ =	swait.ge [sflag:s25], $0x80  }
0x1ae: {  	[sflag:s25] =	ssyncset.done $0x0  }
0x1af: {  	[sflag:s25] =	ssyncadd.s32 $0xFFFFFF80  }
0x1b0: {  	[spmem:s2] =	stream.indirect.scatter.add.f32 [tilespmem:s26], [sflag:$0x2], $0x80, s5, s28, $0xb8;
	[tilespmem:$0x1C880] =	vst v63  }
0x1b1: {  	s23 =	sadd.s32 $0x60, s1  }
0x1b2: {  	[tilespmem:s6], [sflag:$0x3] =	stream.linear.gather [hbm4b:s23+s3], $0x80, $0x38;
	[tilespmem:$0x1C880] =	vst v63  }
0x1b3: {  	_ =	swait.ge [sflag:s25], $0x80  }
0x1b4: {  	[sflag:s25] =	ssyncset.done $0x0  }
0x1b5: {  	[sflag:s25] =	ssyncadd.s32 $0xFFFFFF80  }
0x1b6: {  	[spmem:s2] =	stream.indirect.scatter.add.f32 [tilespmem:s26], [sflag:$0x2], $0x80, s6, s28, $0xb8;
	[tilespmem:$0x1C880] =	vst v63  }
0x1b7: {  	s19 =	sadd.s32 $0x70, s1  }
0x1b8: {  	[tilespmem:s7], [sflag:$0x3] =	stream.linear.gather [hbm4b:s19+s3], $0x80, $0x38;
	[tilespmem:$0x1C880] =	vst v63  }
0x1b9: {  	_ =	swait.ge [sflag:s25], $0x80  }
0x1ba: {  	[sflag:s25] =	ssyncset.done $0x0  }
0x1bb: {  	[sflag:s25] =	ssyncadd.s32 $0xFFFFFF80  }
0x1bc: {  	[spmem:s2] =	stream.indirect.scatter.add.f32 [tilespmem:s26], [sflag:$0x2], $0x80, s7, s28, $0xb8;
	[tilespmem:$0x1C880] =	vst v63  }
0x1bd: {  	s20 =	sadd.s32 $0x80, s1  }
0x1be: {  	[tilespmem:s8], [sflag:$0x3] =	stream.linear.gather [hbm4b:s20+s3], $0x80, $0x38;
	[tilespmem:$0x1C880] =	vst v63  }
0x1bf: {  	_ =	swait.ge [sflag:s25], $0x80  }
0x1c0: {  	[sflag:s25] =	ssyncset.done $0x0  }
0x1c1: {  	[sflag:s25] =	ssyncadd.s32 $0xFFFFFF80  }
0x1c2: {  	[spmem:s2] =	stream.indirect.scatter.add.f32 [tilespmem:s26], [sflag:$0x2], $0x80, s8, s28, $0xb8;
	[tilespmem:$0x1C880] =	vst v63  }
0x1c3: {  	s23 =	sadd.s32 $0x90, s1  }
0x1c4: {  	[tilespmem:s9], [sflag:$0x3] =	stream.linear.gather [hbm4b:s23+s3], $0x80, $0x38;
	[tilespmem:$0x1C880] =	vst v63  }
0x1c5: {  	_ =	swait.ge [sflag:s25], $0x80  }
0x1c6: {  	[sflag:s25] =	ssyncset.done $0x0  }
0x1c7: {  	[sflag:s25] =	ssyncadd.s32 $0xFFFFFF80  }
0x1c8: {  	[spmem:s2] =	stream.indirect.scatter.add.f32 [tilespmem:s26], [sflag:$0x2], $0x80, s9, s28, $0xb8;
	[tilespmem:$0x1C880] =	vst v63  }
0x1c9: {  	s19 =	sadd.s32 $0xA0, s1  }
0x1ca: {  	[tilespmem:s10], [sflag:$0x3] =	stream.linear.gather [hbm4b:s19+s3], $0x80, $0x38;
	[tilespmem:$0x1C880] =	vst v63  }
0x1cb: {  	_ =	swait.ge [sflag:s25], $0x80  }
0x1cc: {  	[sflag:s25] =	ssyncset.done $0x0  }
0x1cd: {  	[sflag:s25] =	ssyncadd.s32 $0xFFFFFF80  }
0x1ce: {  	[spmem:s2] =	stream.indirect.scatter.add.f32 [tilespmem:s26], [sflag:$0x2], $0x80, s10, s28, $0xb8;
	[tilespmem:$0x1C880] =	vst v63  }
0x1cf: {  	s20 =	sadd.s32 $0xB0, s1  }
0x1d0: {  	[tilespmem:s11], [sflag:$0x3] =	stream.linear.gather [hbm4b:s20+s3], $0x80, $0x38;
	[tilespmem:$0x1C880] =	vst v63  }
0x1d1: {  	_ =	swait.ge [sflag:s25], $0x80  }
0x1d2: {  	[sflag:s25] =	ssyncset.done $0x0  }
0x1d3: {  	[sflag:s25] =	ssyncadd.s32 $0xFFFFFF80  }
0x1d4: {  	[spmem:s2] =	stream.indirect.scatter.add.f32 [tilespmem:s26], [sflag:$0x2], $0x80, s11, s28, $0xb8;
	[tilespmem:$0x1C880] =	vst v63  }
0x1d5: {  	s23 =	sadd.s32 $0xC0, s1  }
0x1d6: {  	[tilespmem:s12], [sflag:$0x3] =	stream.linear.gather [hbm4b:s23+s3], $0x80, $0x38;
	[tilespmem:$0x1C880] =	vst v63  }
0x1d7: {  	_ =	swait.ge [sflag:s25], $0x80  }
0x1d8: {  	[sflag:s25] =	ssyncset.done $0x0  }
0x1d9: {  	[sflag:s25] =	ssyncadd.s32 $0xFFFFFF80  }
0x1da: {  	[spmem:s2] =	stream.indirect.scatter.add.f32 [tilespmem:s26], [sflag:$0x2], $0x80, s12, s28, $0xb8;
	[tilespmem:$0x1C880] =	vst v63  }
0x1db: {  	s19 =	sadd.s32 $0xD0, s1  }
0x1dc: {  	[tilespmem:s13], [sflag:$0x3] =	stream.linear.gather [hbm4b:s19+s3], $0x80, $0x38;
	[tilespmem:$0x1C880] =	vst v63  }
0x1dd: {  	_ =	swait.ge [sflag:s25], $0x80  }
0x1de: {  	[sflag:s25] =	ssyncset.done $0x0  }
0x1df: {  	[sflag:s25] =	ssyncadd.s32 $0xFFFFFF80  }
0x1e0: {  	[spmem:s2] =	stream.indirect.scatter.add.f32 [tilespmem:s26], [sflag:$0x2], $0x80, s13, s28, $0xb8;
	[tilespmem:$0x1C880] =	vst v63  }
0x1e1: {  	s20 =	sadd.s32 $0xE0, s1  }
0x1e2: {  	[tilespmem:s14], [sflag:$0x3] =	stream.linear.gather [hbm4b:s20+s3], $0x80, $0x38;
	[tilespmem:$0x1C880] =	vst v63  }
0x1e3: {  	_ =	swait.ge [sflag:s25], $0x80  }
0x1e4: {  	[sflag:s25] =	ssyncset.done $0x0  }
0x1e5: {  	[sflag:s25] =	ssyncadd.s32 $0xFFFFFF80  }
0x1e6: {  	[spmem:s2] =	stream.indirect.scatter.add.f32 [tilespmem:s26], [sflag:$0x2], $0x80, s14, s28, $0xb8;
	[tilespmem:$0x1C880] =	vst v63  }
0x1e7: {  	s1 =	sadd.s32 $0xF0, s1  }
0x1e8: {  	[tilespmem:s15], [sflag:$0x3] =	stream.linear.gather [hbm4b:s1+s3], $0x80, $0x38;
	[tilespmem:$0x1C880] =	vst v63  }
0x1e9: {  	_ =	swait.ge [sflag:s25], $0x80  }
0x1ea: {  	[sflag:s25] =	ssyncset.done $0x0  }
0x1eb: {  	[sflag:s25] =	ssyncadd.s32 $0xFFFFFF80  }
0x1ec: {  	[spmem:s2] =	stream.indirect.scatter.add.f32 [tilespmem:s26], [sflag:$0x2], $0x80, s15, s28, $0xb8;
	[tilespmem:$0x1C880] =	vst v63  }
0x1ed: {  	_ =	swait.ge [sflag:s16], $0x4000  }
0x1ee: {  	[sflag:s16] =	ssyncset.done $0x0  }
0x1ef: {  	[sflag:s16] =	ssyncadd.s32 $0xFFFFC000  }
0x1f0: {  	_ =	swait.ge [sflag:s16], $0x4000  }
0x1f1: {  	[sflag:s16] =	ssyncset.done $0x0  }
0x1f2: {  	[sflag:s16] =	ssyncadd.s32 $0xFFFFC000  }
0x1f3: {  	_ =	swait.ge [sflag:s16], $0x4000  }
0x1f4: {  	[sflag:s16] =	ssyncset.done $0x0  }
0x1f5: {  	[sflag:s16] =	ssyncadd.s32 $0xFFFFC000  }
0x1f6: {  	_ =	swait.ge [sflag:s16], $0x4000  }
0x1f7: {  	[sflag:s16] =	ssyncset.done $0x0  }
0x1f8: {  	[sflag:s16] =	ssyncadd.s32 $0xFFFFC000  }
0x1f9: {  	_ =	swait.ge [sflag:s16], $0x4000  }
0x1fa: {  	[sflag:s16] =	ssyncset.done $0x0  }
0x1fb: {  	[sflag:s16] =	ssyncadd.s32 $0xFFFFC000  }
0x1fc: {  	_ =	swait.ge [sflag:s16], $0x4000  }
0x1fd: {  	[sflag:s16] =	ssyncset.done $0x0  }
0x1fe: {  	[sflag:s16] =	ssyncadd.s32 $0xFFFFC000  }
0x1ff: {  	_ =	swait.ge [sflag:s16], $0x4000  }
0x200: {  	[sflag:s16] =	ssyncset.done $0x0  }
0x201: {  	[sflag:s16] =	ssyncadd.s32 $0xFFFFC000  }
0x202: {  	_ =	swait.ge [sflag:s16], $0x4000  }
0x203: {  	[sflag:s16] =	ssyncset.done $0x0  }
0x204: {  	[sflag:s16] =	ssyncadd.s32 $0xFFFFC000  }
0x205: {  	_ =	swait.ge [sflag:s16], $0x4000  }
0x206: {  	[sflag:s16] =	ssyncset.done $0x0  }
0x207: {  	[sflag:s16] =	ssyncadd.s32 $0xFFFFC000  }
0x208: {  	_ =	swait.ge [sflag:s16], $0x4000  }
0x209: {  	[sflag:s16] =	ssyncset.done $0x0  }
0x20a: {  	[sflag:s16] =	ssyncadd.s32 $0xFFFFC000  }
0x20b: {  	_ =	swait.ge [sflag:s16], $0x4000  }
0x20c: {  	[sflag:s16] =	ssyncset.done $0x0  }
0x20d: {  	[sflag:s16] =	ssyncadd.s32 $0xFFFFC000  }
0x20e: {  	_ =	swait.ge [sflag:s16], $0x4000  }
0x20f: {  	[sflag:s16] =	ssyncset.done $0x0  }
0x210: {  	[sflag:s16] =	ssyncadd.s32 $0xFFFFC000  }
0x211: {  	_ =	swait.ge [sflag:s16], $0x4000  }
0x212: {  	[sflag:s16] =	ssyncset.done $0x0  }
0x213: {  	[sflag:s16] =	ssyncadd.s32 $0xFFFFC000  }
0x214: {  	_ =	swait.ge [sflag:s16], $0x4000  }
0x215: {  	[sflag:s16] =	ssyncset.done $0x0  }
0x216: {  	[sflag:s16] =	ssyncadd.s32 $0xFFFFC000  }
0x217: {  	_ =	swait.ge [sflag:s16], $0x4000  }
0x218: {  	[sflag:s16] =	ssyncset.done $0x0  }
0x219: {  	[sflag:s16] =	ssyncadd.s32 $0xFFFFC000  }
0x21a: {  	_ =	swait.ge [sflag:s16], $0x4000  }
0x21b: {  	[sflag:s16] =	ssyncset.done $0x0  }
0x21c: {  	[sflag:s16] =	ssyncadd.s32 $0xFFFFC000  }
0x21d: {  	[bflag:$0x0] =	sbarrier.arrive $0xFFFF  }
0x21e: {  	[tilespmem:s24], [sflag:$0x3] =	stream.linear.gather [spmem:s21], $0x4000, $0x38;
	[tilespmem:$0x1C880] =	vst v63  }
0x21f: {  	_ =	swait.ge [sflag:s25], $0x4000  }
0x220: {  	[sflag:s25] =	ssyncset.done $0x0  }
0x221: {  	s18 =	smov.u32 s21;
	s21 =	rddreg [dreg:$0xc];
	[sflag:s25] =	ssyncadd.s32 $0xFFFFC000  }
0x222: {  	[hbm4b:s21+s3] =	stream.linear.scatter [tilespmem:s24], [sflag:$0x3], $0x4000, $0x38;
	[tilespmem:$0x1C880] =	vst v63  }
0x223: {  	_ =	swait.ge [sflag:s25], $0x4000  }
0x224: {  	[sflag:s25] =	ssyncset.done $0x0  }
0x225: {  	[sflag:s25] =	ssyncadd.s32 $0xFFFFC000  }
0x226: {  	[tilespmem:s24], [sflag:$0x3] =	stream.linear.gather [spmem:s22], $0x4000, $0x38;
	[tilespmem:$0x1C880] =	vst v63  }
0x227: {  	_ =	swait.ge [sflag:s25], $0x4000  }
0x228: {  	[sflag:s25] =	ssyncset.done $0x0  }
0x229: {  	s19 =	smov.u32 s22;
	s22 =	rddreg [dreg:$0xd];
	[sflag:s25] =	ssyncadd.s32 $0xFFFFC000  }
0x22a: {  	[hbm4b:s22+s3] =	stream.linear.scatter [tilespmem:s24], [sflag:$0x3], $0x4000, $0x38;
	[tilespmem:$0x1C880] =	vst v63  }
0x22b: {  	_ =	swait.ge [sflag:s25], $0x4000  }
0x22c: {  	[sflag:s25] =	ssyncset.done $0x0  }
0x22d: {  	s20 =	rddreg [dreg:$0x13];
	[sflag:s25] =	ssyncadd.s32 $0xFFFFC000  }
0x22e: {  	[tilespmem:s24], [sflag:$0x3] =	stream.linear.gather [spmem:s20], $0x4000, $0x38;
	[tilespmem:$0x1C880] =	vst v63  }
0x22f: {  	_ =	swait.ge [sflag:s25], $0x4000  }
0x230: {  	[sflag:s25] =	ssyncset.done $0x0  }
0x231: {  	s23 =	rddreg [dreg:$0xe];
	[sflag:s25] =	ssyncadd.s32 $0xFFFFC000  }
0x232: {  	[hbm4b:s23+s3] =	stream.linear.scatter [tilespmem:s24], [sflag:$0x3], $0x4000, $0x38;
	[tilespmem:$0x1C880] =	vst v63  }
0x233: {  	_ =	swait.ge [sflag:s25], $0x4000  }
0x234: {  	[sflag:s25] =	ssyncset.done $0x0  }
0x235: {  	s23 =	rddreg [dreg:$0x14];
	[sflag:s25] =	ssyncadd.s32 $0xFFFFC000  }
0x236: {  	[tilespmem:s24], [sflag:$0x3] =	stream.linear.gather [spmem:s23], $0x4000, $0x38;
	[tilespmem:$0x1C880] =	vst v63  }
0x237: {  	_ =	swait.ge [sflag:s25], $0x4000  }
0x238: {  	[sflag:s25] =	ssyncset.done $0x0  }
0x239: {  	s21 =	rddreg [dreg:$0xf];
	[sflag:s25] =	ssyncadd.s32 $0xFFFFC000  }
0x23a: {  	[hbm4b:s21+s3] =	stream.linear.scatter [tilespmem:s24], [sflag:$0x3], $0x4000, $0x38;
	[tilespmem:$0x1C880] =	vst v63  }
0x23b: {  	_ =	swait.ge [sflag:s25], $0x4000  }
0x23c: {  	[sflag:s25] =	ssyncset.done $0x0  }
0x23d: {  	s21 =	rddreg [dreg:$0x15];
	[sflag:s25] =	ssyncadd.s32 $0xFFFFC000  }
0x23e: {  	[tilespmem:s24], [sflag:$0x3] =	stream.linear.gather [spmem:s21], $0x4000, $0x38;
	[tilespmem:$0x1C880] =	vst v63  }
0x23f: {  	_ =	swait.ge [sflag:s25], $0x4000  }
0x240: {  	[sflag:s25] =	ssyncset.done $0x0  }
0x241: {  	s22 =	rddreg [dreg:$0x10];
	[sflag:s25] =	ssyncadd.s32 $0xFFFFC000  }
0x242: {  	[hbm4b:s22+s3] =	stream.linear.scatter [tilespmem:s24], [sflag:$0x3], $0x4000, $0x38;
	[tilespmem:$0x1C880] =	vst v63  }
0x243: {  	_ =	swait.ge [sflag:s25], $0x4000  }
0x244: {  	s17 =	sadd.s32 $0x1, s17;
	s22 =	rddreg [dreg:$0x16]  }
0x245: {  	p1 =	sne.s32 s17, s22  }
.Ltmp1:
0x246: {  	_ = 	snop;
	(pc) =	sbr.rel @p1 .LBB2_1-.Ltmp1, $3  }
0x247: {  	_ =	sdelay $0x1  }
0x248: {  	[sflag:s25] =	ssyncset.done $0x0  }
0x249: {  	[sflag:s25] =	ssyncadd.s32 $0xFFFFC000  }
0x24a: {  	_ =	sfence.sel $0x180000  }
0x24b: {  	[bflag:$0x0] =	sbarrier.arrive $0xFFFF  }
0x24c: {  	_ =	strace $0x90000047  }
0x24d: {  	s0 =	stileid.u32;
	[bflag:$0x2] =	sbarrier.arrive $0xFFFF  }
0x24e: {  	p0 =	sne.s32 s0, $0x0;
	s0 =	rddreg [dreg:$0x4]  }
0x24f: {  	s0 =	sadd.s32 @!p0 $0x100000, s0  }
0x250: {  	[sflag:s0] =	ssyncadd.tile.s32 @!p0 $0x1;
	_ =	shalt  }
.Lfunc_end2:
_tile_overlayer_lowered:
.L_overlay_start_2:
0x251: {  	(tag) =	ssettag $0x2  }
0x252: {  	s0 =	rddreg [dreg:$0x0];
	s2 =	stileid.u32  }
0x253: {  	s1 =	rddreg [dreg:$0x1];
	p0 =	sne.s32 s2, $0x0  }
0x254: {  	s3 =	rddreg [dreg:$0x2];
	[bflag:$0x3] =	sbarrier.arrive $0xFFFF;
	s2 =	simm.s32 @!p0 $0x1C03  }
0x255: {  	[timem:s3], [sflag:s2] =	dma.local @!p0 [hbm:s0], s1  }
0x256: {  	s0 =	simm.s32 @!p0 $0x3  }
0x257: {  	_ =	swait.ge @!p0 [sflag:s0], s1  }
0x258: {  	s1 =	ssub.s32 @!p0 $0x0, s1;
	[sflag:s0] =	ssyncset.done @!p0 $0x0  }
0x259: {  	[sflag:s0] =	ssyncadd.s32 @!p0 s1  }
0x25a: {  	[bflag:$0x3] =	sbarrier.arrive $0xFFFF  }
0x25b: {  	_ =	shalt  }

</sc_bundles>
